<compile_context>
chip_gen: v7x
topology: tpu7x:2x2x1
jax: 0.10.2.dev20260603
libtpu: 0.0.44.dev20260713+nightly
codegen_flags: <defaults>
</compile_context>

<pallas_src>
import functools

import jax
import jax.numpy as jnp
from jax import lax
from jax.experimental import pallas as pl
from jax.experimental.pallas import tpu as pltpu
from jax.experimental.pallas import tpu_sc as plsc

_N = 10000
_E = 320000
_D = 128

_NC = 2
_NS = 16
_NW = _NC * _NS
_K = 128
_CPT = 80
_ND = 10112
_RPT = _ND // _NS
_NDH = 10240
_RPH = _NDH // _NS
_PR = _NW * _CPT
_K2 = 80
_CPT2 = 128

_mesh = plsc.VectorSubcoreMesh(core_axis_name="c", subcore_axis_name="s")



def _deg_body(srcs, dsts, out, pko, acc, zb, sblk, dblk, pkb, ones_v):
    c = lax.axis_index("c")
    s = lax.axis_index("s")
    wid = c * _NS + s
    zeros = jnp.zeros((16,), jnp.float32)
    ones = jnp.ones((16,), jnp.float32)

    def zloop(i, _):
        zb[pl.ds(i * 16, 16)] = zeros
        return 0
    lax.fori_loop(0, 40, zloop, 0)

    def oloop(i, _):
        ones_v[pl.ds(i * 16, 16)] = ones
        return 0
    lax.fori_loop(0, _K // 16, oloop, 0)

    pltpu.sync_copy(zb, acc.at[pl.ds(s * _RPH, _RPH)])

    pltpu.sync_copy(srcs.at[pl.ds(wid * _CPT, _CPT)], sblk)
    pltpu.sync_copy(dsts.at[pl.ds(wid * _CPT, _CPT)], dblk)

    def packblk(blk, _):
        for u in range(40):
            ts, js = (blk * 5) + (u // 8), (u % 8) * 16
            tp, jp = (blk * 8) + (u // 5), (u % 5) * 16
            sv = sblk[ts, pl.ds(js, 16)]
            dv = dblk[ts, pl.ds(js, 16)]
            pkb[tp, pl.ds(jp, 16)] = lax.bitwise_or(
                sv, lax.shift_left(dv, 16))
        return 0
    lax.fori_loop(0, 16, packblk, 0)
    pltpu.sync_copy(pkb, pko.at[pl.ds(wid * _CPT2, _CPT2)])

    plsc.subcore_barrier()

    def chunk(t, _):
        pltpu.sync_copy(ones_v, acc.at[dblk.at[t]], add=True)
        return 0
    lax.fori_loop(0, _CPT, chunk, 0)
    plsc.subcore_barrier()
    pltpu.sync_copy(acc.at[pl.ds(s * _RPH, _RPH)],
                    out.at[c, pl.ds(s * _RPH, _RPH)])


@functools.partial(
    pl.kernel,
    out_type=(
        jax.ShapeDtypeStruct((_NC, _NDH), jnp.float32),
        jax.ShapeDtypeStruct((_NW * _CPT2, _K2), jnp.int32),
    ),
    mesh=_mesh,
    scratch_types=[
        pltpu.VMEM_SHARED((_NDH,), jnp.float32),
        pltpu.VMEM((_RPH,), jnp.float32),
        pltpu.VMEM((_CPT, _K), jnp.int32),
        pltpu.VMEM((_CPT, _K), jnp.int32),
        pltpu.VMEM((_CPT2, _K2), jnp.int32),
        pltpu.VMEM((_K,), jnp.float32),
    ],
)
def _deg_sc(srcs, dsts, out, pko, acc, zb, sblk, dblk, pkb, ones_v):
    _deg_body(srcs, dsts, out, pko, acc, zb, sblk, dblk, pkb, ones_v)


def _scat_body(hw, pidx, out, acc, pk, idxb, zb, rows, g0, g1, g2, s0, s1):
    c = lax.axis_index("c")
    s = lax.axis_index("s")
    wid = c * _NS + s
    zeros = jnp.zeros((16,), jnp.float32)
    mask = jnp.full((16,), 0xFFFF, jnp.int32)

    def zrow(i, _):
        for j in range(8):
            zb[i, pl.ds(j * 16, 16)] = zeros
        return 0
    lax.fori_loop(0, 8, zrow, 0)

    def zcp(i, _):
        pltpu.sync_copy(zb, acc.at[pl.ds(s * _RPT + i * 8, 8)])
        return 0
    lax.fori_loop(0, _RPT // 8, zcp, 0)
    pltpu.sync_copy(pidx.at[pl.ds(wid * _CPT2, _CPT2)], pk)
    plsc.subcore_barrier()

    def unpack_src(t, slot):
        def u(j, _):
            x = pk[t, pl.ds(j * 16, 16)]
            idxb[slot, pl.ds(j * 16, 16)] = lax.bitwise_and(x, mask)
            return 0
        lax.fori_loop(0, _K2 // 16, u, 0)

    def unpack_dst(t, slot):
        def u(j, _):
            x = pk[t, pl.ds(j * 16, 16)]
            idxb[2 + slot, pl.ds(j * 16, 16)] = lax.shift_right_logical(x, 16)
            return 0
        lax.fori_loop(0, _K2 // 16, u, 0)

    gsem = [g0, g1, g2]
    ssem = [s0, s1]

    def start_gather(rb, islot):
        pltpu.async_copy(hw.at[idxb.at[islot]], rows.at[rb], gsem[rb])

    unpack_src(0, 0)
    start_gather(0, 0)
    unpack_src(1, 1)
    start_gather(1, 1)

    def step(t, rb, pa, do_prefetch):
        pltpu.make_async_copy(hw.at[idxb.at[pa]], rows.at[rb], gsem[rb]).wait()
        unpack_dst(t, pa)
        pltpu.async_copy(rows.at[rb], acc.at[idxb.at[2 + pa]], ssem[pa],
                         add=True)
        if do_prefetch:
            @pl.when(t + 2 < _CPT2)
            def _():
                @pl.when(t >= 1)
                def _():
                    pltpu.make_async_copy(
                        rows.at[0], acc.at[idxb.at[2 + (1 - pa)]],
                        ssem[1 - pa]).wait()
                unpack_src(t + 2, pa)
                start_gather((rb + 2) % 3, pa)

    def six(g, _):
        for b in range(6):
            t6 = g * 6 + b
            step(t6, b % 3, b % 2, True)
        return 0
    lax.fori_loop(0, _CPT2 // 6, six, 0)
    for b in range(_CPT2 % 6):
        t6 = (_CPT2 // 6) * 6 + b
        step(t6, b % 3, b % 2, False)
    for pa in (1, 0, 1):
        pltpu.make_async_copy(rows.at[0], acc.at[idxb.at[2 + pa]],
                              ssem[pa]).wait()
    plsc.subcore_barrier()
    pltpu.sync_copy(acc.at[pl.ds(s * _RPT, _RPT)],
                    out.at[c, pl.ds(s * _RPT, _RPT)])


@functools.partial(
    pl.kernel,
    out_type=jax.ShapeDtypeStruct((_NC, _ND, _D), jnp.float32),
    mesh=_mesh,
    scratch_types=[
        pltpu.VMEM_SHARED((_ND, _D), jnp.float32),
        pltpu.VMEM((_CPT2, _K2), jnp.int32),
        pltpu.VMEM((8, _K2), jnp.int32),
        pltpu.VMEM((8, _D), jnp.float32),
        pltpu.VMEM((3, _K2, _D), jnp.float32),
        pltpu.SemaphoreType.DMA,
        pltpu.SemaphoreType.DMA,
        pltpu.SemaphoreType.DMA,
        pltpu.SemaphoreType.DMA,
        pltpu.SemaphoreType.DMA,
    ],
)
def _scat_sc(hw, pidx, out, acc, pk, idxb, zb, rows, g0, g1, g2, s0, s1):
    _scat_body(hw, pidx, out, acc, pk, idxb, zb, rows, g0, g1, g2, s0, s1)



def _k1a_body(f_ref, s_ref, wg1_ref, bg1_ref, wf1_ref, bf1_ref,
              wf2_ref, bf2_ref, wm1_ref, bm1_ref, wm2_ref, bm2_ref,
              hw1_ref, zf2_ref, m_ref):
    f = f_ref[...]
    hw1_ref[...] = jnp.dot(f, wg1_ref[...],
                           preferred_element_type=jnp.float32) + bg1_ref[...]
    t = jnp.dot(f, wf1_ref[...], preferred_element_type=jnp.float32) + bf1_ref[...]
    t = jnp.where(t > 0, t, jnp.exp(jnp.minimum(t, 0.0)) - 1.0)
    zf2_ref[...] = jnp.dot(t, wf2_ref[...],
                           preferred_element_type=jnp.float32) + bf2_ref[...]
    m = jnp.maximum(
        jnp.dot(s_ref[...], wm1_ref[...], preferred_element_type=jnp.float32)
        + bm1_ref[...], 0.0)
    m_ref[...] = jnp.dot(m, wm2_ref[...],
                         preferred_element_type=jnp.float32) + bm2_ref[...]


def _k1b_body(degp_ref, hw1_ref, hw1p_ref, dinv_ref):
    deg = degp_ref[0] + degp_ref[1] + 1.0
    dinv = lax.rsqrt(deg)
    dinv_ref[...] = dinv
    hw1p_ref[...] = hw1_ref[...] * dinv


def _k1c_body(zf2_ref, m_ref, g_ref, b_ref, z2_ref):
    m = m_ref[...]
    mu = jnp.mean(m)
    var = jnp.mean((m - mu) ** 2)
    mh = (m - mu) * lax.rsqrt(var + 1e-5) * g_ref[0, 0] + b_ref[0, 0]
    z2_ref[...] = zf2_ref[...] * (1.0 / (1.0 + jnp.exp(-mh)))


def _k3_body(p_ref, hw1_ref, dinv_ref, wg2_ref, bg2_ref, hw2_ref):
    dinv = dinv_ref[...]
    h = jnp.maximum(
        (p_ref[0, :_N] + p_ref[1, :_N] + hw1_ref[...]) * dinv, 0.0)
    hw2_ref[...] = (jnp.dot(h, wg2_ref[...], preferred_element_type=jnp.float32)
                    + bg2_ref[...]) * dinv


def _k5_body(q_ref, hw2_ref, dinv_ref, z1_ref):
    z1_ref[...] = (q_ref[0, :_N] + q_ref[1, :_N]
                   + hw2_ref[...]) * dinv_ref[...]


def kernel(feature, edge_index, alpha, beta, Wg1, bg1, Wg2, bg2,
           Wf1, bf1, Wf2, bf2, Wm1, bm1, Wm2, bm2, bn_gamma, bn_beta):
    pad = _PR * _K - _E
    padi = jnp.arange(pad, dtype=jnp.int32)
    srcs = jnp.concatenate([edge_index[0], padi % _N]).reshape(_PR, _K)
    dsts = jnp.concatenate([edge_index[1], _N + padi % (_ND - _N)]).reshape(_PR, _K)
    s = jnp.stack([alpha, beta], axis=1)
    bg1r = bg1.reshape(1, -1)
    bg2r = bg2.reshape(1, -1)
    bf1r = bf1.reshape(1, -1)
    bf2r = bf2.reshape(1, -1)
    bm1r = bm1.reshape(1, -1)
    bm2r = bm2.reshape(1, -1)
    gr = bn_gamma.reshape(1, 1)
    br = bn_beta.reshape(1, 1)

    degp_raw, packed = _deg_sc(srcs, dsts)
    degp = degp_raw[:, :_N, None]

    hw1_raw, zf2, m_raw = pl.pallas_call(
        _k1a_body,
        out_shape=(
            jax.ShapeDtypeStruct((_N, _D), jnp.float32),
            jax.ShapeDtypeStruct((_N, _D), jnp.float32),
            jax.ShapeDtypeStruct((_N, 1), jnp.float32),
        ),
    )(feature, s, Wg1, bg1r, Wf1, bf1r, Wf2, bf2r, Wm1, bm1r, Wm2, bm2r)

    hw1p, dinv = pl.pallas_call(
        _k1b_body,
        out_shape=(
            jax.ShapeDtypeStruct((_N, _D), jnp.float32),
            jax.ShapeDtypeStruct((_N, 1), jnp.float32),
        ),
    )(degp, hw1_raw)

    z2 = pl.pallas_call(
        _k1c_body,
        out_shape=jax.ShapeDtypeStruct((_N, _D), jnp.float32),
    )(zf2, m_raw, gr, br)

    p = _scat_sc(hw1p, packed)

    hw2p = pl.pallas_call(
        _k3_body,
        out_shape=jax.ShapeDtypeStruct((_N, _D), jnp.float32),
    )(p, hw1p, dinv, Wg2, bg2r)

    q = _scat_sc(hw2p, packed)

    z1 = pl.pallas_call(
        _k5_body,
        out_shape=jax.ShapeDtypeStruct((_N, _D), jnp.float32),
    )(q, hw2p, dinv)

    return (z1, z2)

# --- scband reference (transcript-rebuilt; emitter-appended) ---
"""Pipeline reference for scband-mlpgcn-model-429496729748 (READ-ONLY COPY).

The authoritative reference and input builder live on the scoring server;
editing this copy changes nothing except your own understanding.
"""

import jax, jax.numpy as jnp
import numpy as np

N = 10000
E = 320000
D_FEAT = 128
RECON_DIM = 128
MLP_HIDDEN = 256
NUM_HIDDEN = 128


def _linear_params(key, fan_in, fan_out):
    bound = 1.0 / float(np.sqrt(fan_in))
    kw, kb = jax.random.split(key)
    W = jax.random.uniform(kw, (fan_in, fan_out), minval=-bound, maxval=bound, dtype=jnp.float32)
    b = jax.random.uniform(kb, (fan_out,), minval=-bound, maxval=bound, dtype=jnp.float32)
    return W, b


def setup_inputs(seed: int = 0) -> dict:
    key = jax.random.key(seed)
    ks = jax.random.split(key, 12)
    inp = {}
    inp["feature"] = jax.random.normal(ks[0], (N, D_FEAT), dtype=jnp.float32)
    inp["edge_index"] = jax.random.randint(ks[1], (2, E), 0, N, dtype=jnp.int32)
    inp["alpha"] = jax.random.normal(ks[2], (N,), dtype=jnp.float32)
    inp["beta"] = jax.random.normal(ks[3], (N,), dtype=jnp.float32)
    inp["Wg1"], inp["bg1"] = _linear_params(ks[4], D_FEAT, NUM_HIDDEN)
    inp["Wg2"], inp["bg2"] = _linear_params(ks[5], NUM_HIDDEN, NUM_HIDDEN)
    inp["Wf1"], inp["bf1"] = _linear_params(ks[6], RECON_DIM, MLP_HIDDEN)
    inp["Wf2"], inp["bf2"] = _linear_params(ks[7], MLP_HIDDEN, NUM_HIDDEN)
    inp["Wm1"], inp["bm1"] = _linear_params(ks[8], 2, MLP_HIDDEN)
    inp["Wm2"], inp["bm2"] = _linear_params(ks[9], MLP_HIDDEN, 1)
    inp["bn_gamma"] = jnp.ones((1,), dtype=jnp.float32)
    inp["bn_beta"] = jnp.zeros((1,), dtype=jnp.float32)
    return inp


def _gcn_conv(x, src, dst, W, b):
    # GCNConv with symmetric normalization; self-loops already appended to src/dst
    n = x.shape[0]
    deg = jnp.zeros((n,), x.dtype).at[dst].add(1.0)
    dinv = jax.lax.rsqrt(deg)  # deg >= 1 due to self-loops
    h = x @ W + b
    norm = (dinv[src] * dinv[dst])[:, None]
    msg = h[src] * norm
    out = jnp.zeros_like(h).at[dst].add(msg)
    return out


def reference(feature, edge_index, alpha, beta, Wg1, bg1, Wg2, bg2, Wf1, bf1, Wf2, bf2, Wm1, bm1, Wm2, bm2, bn_gamma, bn_beta):
    n = feature.shape[0]
    loop = jnp.arange(n, dtype=edge_index.dtype)
    src = jnp.concatenate([edge_index[0], loop])
    dst = jnp.concatenate([edge_index[1], loop])
    # encoder: 2-layer GCN
    h = jax.nn.relu(_gcn_conv(feature, src, dst, Wg1, bg1))
    z1 = _gcn_conv(h, src, dst, Wg2, bg2)
    # MLP branch: fc2(elu(fc1(feature)))
    z2 = jax.nn.elu(feature @ Wf1 + bf1) @ Wf2 + bf2
    # per-node gate from learned alpha/beta
    s = jnp.stack([alpha, beta], axis=1)  # [N, 2]
    m = jax.nn.relu(s @ Wm1 + bm1) @ Wm2 + bm2  # [N, 1]
    mu = jnp.mean(m, axis=0, keepdims=True)
    var = jnp.var(m, axis=0, keepdims=True)
    m = (m - mu) * jax.lax.rsqrt(var + 1e-5) * bn_gamma + bn_beta  # BatchNorm1d(1), training stats
    weights = jax.nn.sigmoid(m)
    z2 = z2 * weights
    return (z1, z2)

if __name__ == "__main__":
    import jax
    _d = setup_inputs()
    print(jax.jit(kernel)(*tuple(_d.values())))

</pallas_src>

<mosaic_0001>
#map = affine_map<(d0, d1) -> (0, 0)>
module attributes {stable_mosaic.version = 14 : i64} {
  func.func @_deg_sc(%arg0: i32, %arg1: i32, %arg2: memref<2560x128xi32, #tpu.memory_space<hbm>>, %arg3: memref<2560x128xi32, #tpu.memory_space<hbm>>, %arg4: memref<2x10240xf32, #tpu.memory_space<hbm>>, %arg5: memref<4096x80xi32, #tpu.memory_space<hbm>>, %arg6: memref<10240xf32, #tpu.memory_space<vmem_shared>>, %arg7: memref<640xf32, #tpu.memory_space<vmem>>, %arg8: memref<80x128xi32, #tpu.memory_space<vmem>>, %arg9: memref<80x128xi32, #tpu.memory_space<vmem>>, %arg10: memref<128x80xi32, #tpu.memory_space<vmem>>, %arg11: memref<128xf32, #tpu.memory_space<vmem>>) attributes {dimension_semantics = [#tpu.dimension_semantics<core_parallel>, #tpu.dimension_semantics<subcore_parallel>], iteration_bounds = array<i64: 2, 16>, scalar_prefetch = 0 : i64, scratch_operands = 6 : i64, tpu.core_type = #tpu.core_type<sc_vector_subcore>, window_params = [{transform_indices = #map}, {transform_indices = #map}, {transform_indices = #map}, {transform_indices = #map}]} {
    %mul3A = arith.constant 16 : i32
    %mul3A_0 = arith.muli %arg0, %mul3A : i32
    %add3A = arith.addi %mul3A_0, %arg1 : i32
    %broadcast_in_dim3A = arith.constant 0.000000e+00 : f32
    %broadcast_in_dim3A_1 = vector.broadcast %broadcast_in_dim3A : f32 to vector<16xf32>
    %broadcast_in_dim3A_2 = arith.constant 1.000000e+00 : f32
    %broadcast_in_dim3A_3 = vector.broadcast %broadcast_in_dim3A_2 : f32 to vector<16xf32>
    %scan3A = arith.constant 0 : i32
    %scan3A_4 = arith.constant 0 : i32
    %scan3A_5 = arith.constant 40 : i32
    %scan3A_6 = arith.addi %scan3A_4, %scan3A_5 : i32
    %scan3A_7 = arith.constant 1 : i32
    %scan3A_8 = scf.for %scan3A_44 = %scan3A_4 to %scan3A_6 step %scan3A_7 iter_args(%scan3A_45 = %scan3A) -> (i32)  : i32 {
      %mul3A_46 = arith.constant 16 : i32
      %mul3A_47 = arith.muli %scan3A_44, %mul3A_46 : i32
      %swap3A = arith.index_cast %mul3A_47 : i32 to index
      %swap3A_48 = tpu.vector_load %arg7[%swap3A] {strides = array<i32>} : memref<640xf32, #tpu.memory_space<vmem>>, vector<16xf32>,
      %swap3A_49 = vector.shape_cast %swap3A_48 : vector<16xf32> to vector<16xf32>
      %swap3A_50 = vector.shape_cast %broadcast_in_dim3A_1 : vector<16xf32> to vector<16xf32>
      tpu.vector_store %arg7[%swap3A], %swap3A_50 {strides = array<i32>} : memref<640xf32, #tpu.memory_space<vmem>>, vector<16xf32>,
      %scan3A_51 = arith.constant 0 : i32
      scf.yield %scan3A_51 : i32
    }
    %scan3A_9 = arith.constant 40 : i32
    %scan3A_10 = arith.constant 0 : i32
    %scan3A_11 = arith.constant 0 : i32
    %scan3A_12 = arith.constant 8 : i32
    %scan3A_13 = arith.addi %scan3A_11, %scan3A_12 : i32
    %scan3A_14 = arith.constant 1 : i32
    %scan3A_15 = scf.for %scan3A_44 = %scan3A_11 to %scan3A_13 step %scan3A_14 iter_args(%scan3A_45 = %scan3A_10) -> (i32)  : i32 {
      %mul3A_46 = arith.constant 16 : i32
      %mul3A_47 = arith.muli %scan3A_44, %mul3A_46 : i32
      %swap3A = arith.index_cast %mul3A_47 : i32 to index
      %swap3A_48 = tpu.vector_load %arg11[%swap3A] {strides = array<i32>} : memref<128xf32, #tpu.memory_space<vmem>>, vector<16xf32>,
      %swap3A_49 = vector.shape_cast %swap3A_48 : vector<16xf32> to vector<16xf32>
      %swap3A_50 = vector.shape_cast %broadcast_in_dim3A_3 : vector<16xf32> to vector<16xf32>
      tpu.vector_store %arg11[%swap3A], %swap3A_50 {strides = array<i32>} : memref<128xf32, #tpu.memory_space<vmem>>, vector<16xf32>,
      %scan3A_51 = arith.constant 0 : i32
      scf.yield %scan3A_51 : i32
    }
    %scan3A_16 = arith.constant 8 : i32
    %mul3A_17 = arith.constant 640 : i32
    %mul3A_18 = arith.muli %arg1, %mul3A_17 : i32
    "tpu.region"() ({
      %run_scoped3A = tpu.sem_alloc : memref<!tpu.dma_semaphore, #tpu.memory_space<semaphore_mem>>
      %dma_start3A = tpu.memref_slice %arg6[%mul3A_18] : memref<10240xf32, #tpu.memory_space<vmem_shared>> -> memref<640xf32, #tpu.memory_space<vmem_shared>>
      %dma_start3A_44 = tpu.memref_slice %arg6[%mul3A_18] : memref<10240xf32, #tpu.memory_space<vmem_shared>> -> memref<640xf32, #tpu.memory_space<vmem_shared>>
      tpu.enqueue_dma source(%arg7 : memref<640xf32, #tpu.memory_space<vmem>>) target(%dma_start3A_44 : memref<640xf32, #tpu.memory_space<vmem_shared>>) target_semaphore(%run_scoped3A : memref<!tpu.dma_semaphore, #tpu.memory_space<semaphore_mem>>)
      %dma_wait3A = tpu.memref_slice %arg6[%mul3A_18] : memref<10240xf32, #tpu.memory_space<vmem_shared>> -> memref<640xf32, #tpu.memory_space<vmem_shared>>
      %dma_wait3A_45 = tpu.memref_slice %arg6[%mul3A_18] : memref<10240xf32, #tpu.memory_space<vmem_shared>> -> memref<640xf32, #tpu.memory_space<vmem_shared>>
      tpu.wait_dma2 semaphore(%run_scoped3A : memref<!tpu.dma_semaphore, #tpu.memory_space<semaphore_mem>>) src(%arg7 : memref<640xf32, #tpu.memory_space<vmem>>) dst(%dma_wait3A_45 : memref<640xf32, #tpu.memory_space<vmem_shared>>)
      tpu.yield
    }) : () -> ()
    %mul3A_19 = arith.constant 80 : i32
    %mul3A_20 = arith.muli %add3A, %mul3A_19 : i32
    "tpu.region"() ({
      %run_scoped3A = tpu.sem_alloc : memref<!tpu.dma_semaphore, #tpu.memory_space<semaphore_mem>>
      %dma_start3A = arith.constant 0 : i32
      %dma_start3A_44 = tpu.memref_slice %arg2[%mul3A_20, %dma_start3A] : memref<2560x128xi32, #tpu.memory_space<hbm>> -> memref<80x128xi32, #tpu.memory_space<hbm>>
      %dma_start3A_45 = arith.constant 0 : i32
      %dma_start3A_46 = tpu.memref_slice %arg2[%mul3A_20, %dma_start3A_45] : memref<2560x128xi32, #tpu.memory_space<hbm>> -> memref<80x128xi32, #tpu.memory_space<hbm>>
      tpu.enqueue_dma source(%dma_start3A_46 : memref<80x128xi32, #tpu.memory_space<hbm>>) target(%arg8 : memref<80x128xi32, #tpu.memory_space<vmem>>) target_semaphore(%run_scoped3A : memref<!tpu.dma_semaphore, #tpu.memory_space<semaphore_mem>>)
      %dma_wait3A = arith.constant 0 : i32
      %dma_wait3A_47 = tpu.memref_slice %arg2[%mul3A_20, %dma_wait3A] : memref<2560x128xi32, #tpu.memory_space<hbm>> -> memref<80x128xi32, #tpu.memory_space<hbm>>
      %dma_wait3A_48 = arith.constant 0 : i32
      %dma_wait3A_49 = tpu.memref_slice %arg2[%mul3A_20, %dma_wait3A_48] : memref<2560x128xi32, #tpu.memory_space<hbm>> -> memref<80x128xi32, #tpu.memory_space<hbm>>
      tpu.wait_dma2 semaphore(%run_scoped3A : memref<!tpu.dma_semaphore, #tpu.memory_space<semaphore_mem>>) src(%dma_wait3A_49 : memref<80x128xi32, #tpu.memory_space<hbm>>) dst(%arg8 : memref<80x128xi32, #tpu.memory_space<vmem>>)
      tpu.yield
    }) : () -> ()
    %mul3A_21 = arith.constant 80 : i32
    %mul3A_22 = arith.muli %add3A, %mul3A_21 : i32
    "tpu.region"() ({
      %run_scoped3A = tpu.sem_alloc : memref<!tpu.dma_semaphore, #tpu.memory_space<semaphore_mem>>
      %dma_start3A = arith.constant 0 : i32
      %dma_start3A_44 = tpu.memref_slice %arg3[%mul3A_22, %dma_start3A] : memref<2560x128xi32, #tpu.memory_space<hbm>> -> memref<80x128xi32, #tpu.memory_space<hbm>>
      %dma_start3A_45 = arith.constant 0 : i32
      %dma_start3A_46 = tpu.memref_slice %arg3[%mul3A_22, %dma_start3A_45] : memref<2560x128xi32, #tpu.memory_space<hbm>> -> memref<80x128xi32, #tpu.memory_space<hbm>>
      tpu.enqueue_dma source(%dma_start3A_46 : memref<80x128xi32, #tpu.memory_space<hbm>>) target(%arg9 : memref<80x128xi32, #tpu.memory_space<vmem>>) target_semaphore(%run_scoped3A : memref<!tpu.dma_semaphore, #tpu.memory_space<semaphore_mem>>)
      %dma_wait3A = arith.constant 0 : i32
      %dma_wait3A_47 = tpu.memref_slice %arg3[%mul3A_22, %dma_wait3A] : memref<2560x128xi32, #tpu.memory_space<hbm>> -> memref<80x128xi32, #tpu.memory_space<hbm>>
      %dma_wait3A_48 = arith.constant 0 : i32
      %dma_wait3A_49 = tpu.memref_slice %arg3[%mul3A_22, %dma_wait3A_48] : memref<2560x128xi32, #tpu.memory_space<hbm>> -> memref<80x128xi32, #tpu.memory_space<hbm>>
      tpu.wait_dma2 semaphore(%run_scoped3A : memref<!tpu.dma_semaphore, #tpu.memory_space<semaphore_mem>>) src(%dma_wait3A_49 : memref<80x128xi32, #tpu.memory_space<hbm>>) dst(%arg9 : memref<80x128xi32, #tpu.memory_space<vmem>>)
      tpu.yield
    }) : () -> ()
    %scan3A_23 = arith.constant 0 : i32
    %scan3A_24 = arith.constant 0 : i32
    %scan3A_25 = arith.constant 16 : i32
    %scan3A_26 = arith.addi %scan3A_24, %scan3A_25 : i32
    %scan3A_27 = arith.constant 1 : i32
    %scan3A_28 = scf.for %scan3A_44 = %scan3A_24 to %scan3A_26 step %scan3A_27 iter_args(%scan3A_45 = %scan3A_23) -> (i32)  : i32 {
      %mul3A_46 = arith.constant 5 : i32
      %mul3A_47 = arith.muli %scan3A_44, %mul3A_46 : i32
      %add3A_48 = arith.constant 0 : i32
      %add3A_49 = arith.addi %mul3A_47, %add3A_48 : i32
      %mul3A_50 = arith.constant 8 : i32
      %mul3A_51 = arith.muli %scan3A_44, %mul3A_50 : i32
      %add3A_52 = arith.constant 0 : i32
      %add3A_53 = arith.addi %mul3A_51, %add3A_52 : i32
      %get3A = arith.index_cast %add3A_49 : i32 to index
      %get3A_54 = arith.constant 0 : index
      %get3A_55 = tpu.vector_load %arg8[%get3A, %get3A_54] {strides = array<i32>} : memref<80x128xi32, #tpu.memory_space<vmem>>, vector<1x16xi32>,
      %get3A_56 = vector.shape_cast %get3A_55 : vector<1x16xi32> to vector<16xi32>
      %get3A_57 = arith.index_cast %add3A_49 : i32 to index
      %get3A_58 = arith.constant 0 : index
      %get3A_59 = tpu.vector_load %arg9[%get3A_57, %get3A_58] {strides = array<i32>} : memref<80x128xi32, #tpu.memory_space<vmem>>, vector<1x16xi32>,
      %get3A_60 = vector.shape_cast %get3A_59 : vector<1x16xi32> to vector<16xi32>
      %shift_left3A = arith.constant 16 : i32
      %shift_left3A_61 = vector.broadcast %shift_left3A : i32 to vector<16xi32>
      %shift_left3A_62 = arith.shli %get3A_60, %shift_left3A_61 : vector<16xi32>
      %or3A = arith.ori %get3A_56, %shift_left3A_62 : vector<16xi32>
      %swap3A = arith.index_cast %add3A_53 : i32 to index
      %swap3A_63 = arith.constant 0 : index
      %swap3A_64 = tpu.vector_load %arg10[%swap3A, %swap3A_63] {strides = array<i32>} : memref<128x80xi32, #tpu.memory_space<vmem>>, vector<1x16xi32>,
      %swap3A_65 = vector.shape_cast %swap3A_64 : vector<1x16xi32> to vector<16xi32>
      %swap3A_66 = vector.shape_cast %or3A : vector<16xi32> to vector<1x16xi32>
      tpu.vector_store %arg10[%swap3A, %swap3A_63], %swap3A_66 {strides = array<i32>} : memref<128x80xi32, #tpu.memory_space<vmem>>, vector<1x16xi32>,
      %mul3A_67 = arith.constant 5 : i32
      %mul3A_68 = arith.muli %scan3A_44, %mul3A_67 : i32
      %add3A_69 = arith.constant 0 : i32
      %add3A_70 = arith.addi %mul3A_68, %add3A_69 : i32
      %mul3A_71 = arith.constant 8 : i32
      %mul3A_72 = arith.muli %scan3A_44, %mul3A_71 : i32
      %add3A_73 = arith.constant 0 : i32
      %add3A_74 = arith.addi %mul3A_72, %add3A_73 : i32
      %get3A_75 = arith.index_cast %add3A_70 : i32 to index
      %get3A_76 = arith.constant 16 : index
      %get3A_77 = tpu.vector_load %arg8[%get3A_75, %get3A_76] {strides = array<i32>} : memref<80x128xi32, #tpu.memory_space<vmem>>, vector<1x16xi32>,
      %get3A_78 = vector.shape_cast %get3A_77 : vector<1x16xi32> to vector<16xi32>
      %get3A_79 = arith.index_cast %add3A_70 : i32 to index
      %get3A_80 = arith.constant 16 : index
      %get3A_81 = tpu.vector_load %arg9[%get3A_79, %get3A_80] {strides = array<i32>} : memref<80x128xi32, #tpu.memory_space<vmem>>, vector<1x16xi32>,
      %get3A_82 = vector.shape_cast %get3A_81 : vector<1x16xi32> to vector<16xi32>
      %shift_left3A_83 = arith.constant 16 : i32
      %shift_left3A_84 = vector.broadcast %shift_left3A_83 : i32 to vector<16xi32>
      %shift_left3A_85 = arith.shli %get3A_82, %shift_left3A_84 : vector<16xi32>
      %or3A_86 = arith.ori %get3A_78, %shift_left3A_85 : vector<16xi32>
      %swap3A_87 = arith.index_cast %add3A_74 : i32 to index
      %swap3A_88 = arith.constant 16 : index
      %swap3A_89 = tpu.vector_load %arg10[%swap3A_87, %swap3A_88] {strides = array<i32>} : memref<128x80xi32, #tpu.memory_space<vmem>>, vector<1x16xi32>,
      %swap3A_90 = vector.shape_cast %swap3A_89 : vector<1x16xi32> to vector<16xi32>
      %swap3A_91 = vector.shape_cast %or3A_86 : vector<16xi32> to vector<1x16xi32>
      tpu.vector_store %arg10[%swap3A_87, %swap3A_88], %swap3A_91 {strides = array<i32>} : memref<128x80xi32, #tpu.memory_space<vmem>>, vector<1x16xi32>,
      %mul3A_92 = arith.constant 5 : i32
      %mul3A_93 = arith.muli %scan3A_44, %mul3A_92 : i32
      %add3A_94 = arith.constant 0 : i32
      %add3A_95 = arith.addi %mul3A_93, %add3A_94 : i32
      %mul3A_96 = arith.constant 8 : i32
      %mul3A_97 = arith.muli %scan3A_44, %mul3A_96 : i32
      %add3A_98 = arith.constant 0 : i32
      %add3A_99 = arith.addi %mul3A_97, %add3A_98 : i32
      %get3A_100 = arith.index_cast %add3A_95 : i32 to index
      %get3A_101 = arith.constant 32 : index
      %get3A_102 = tpu.vector_load %arg8[%get3A_100, %get3A_101] {strides = array<i32>} : memref<80x128xi32, #tpu.memory_space<vmem>>, vector<1x16xi32>,
      %get3A_103 = vector.shape_cast %get3A_102 : vector<1x16xi32> to vector<16xi32>
      %get3A_104 = arith.index_cast %add3A_95 : i32 to index
      %get3A_105 = arith.constant 32 : index
      %get3A_106 = tpu.vector_load %arg9[%get3A_104, %get3A_105] {strides = array<i32>} : memref<80x128xi32, #tpu.memory_space<vmem>>, vector<1x16xi32>,
      %get3A_107 = vector.shape_cast %get3A_106 : vector<1x16xi32> to vector<16xi32>
      %shift_left3A_108 = arith.constant 16 : i32
      %shift_left3A_109 = vector.broadcast %shift_left3A_108 : i32 to vector<16xi32>
      %shift_left3A_110 = arith.shli %get3A_107, %shift_left3A_109 : vector<16xi32>
      %or3A_111 = arith.ori %get3A_103, %shift_left3A_110 : vector<16xi32>
      %swap3A_112 = arith.index_cast %add3A_99 : i32 to index
      %swap3A_113 = arith.constant 32 : index
      %swap3A_114 = tpu.vector_load %arg10[%swap3A_112, %swap3A_113] {strides = array<i32>} : memref<128x80xi32, #tpu.memory_space<vmem>>, vector<1x16xi32>,
      %swap3A_115 = vector.shape_cast %swap3A_114 : vector<1x16xi32> to vector<16xi32>
      %swap3A_116 = vector.shape_cast %or3A_111 : vector<16xi32> to vector<1x16xi32>
      tpu.vector_store %arg10[%swap3A_112, %swap3A_113], %swap3A_116 {strides = array<i32>} : memref<128x80xi32, #tpu.memory_space<vmem>>, vector<1x16xi32>,
      %mul3A_117 = arith.constant 5 : i32
      %mul3A_118 = arith.muli %scan3A_44, %mul3A_117 : i32
      %add3A_119 = arith.constant 0 : i32
      %add3A_120 = arith.addi %mul3A_118, %add3A_119 : i32
      %mul3A_121 = arith.constant 8 : i32
      %mul3A_122 = arith.muli %scan3A_44, %mul3A_121 : i32
      %add3A_123 = arith.constant 0 : i32
      %add3A_124 = arith.addi %mul3A_122, %add3A_123 : i32
      %get3A_125 = arith.index_cast %add3A_120 : i32 to index
      %get3A_126 = arith.constant 48 : index
      %get3A_127 = tpu.vector_load %arg8[%get3A_125, %get3A_126] {strides = array<i32>} : memref<80x128xi32, #tpu.memory_space<vmem>>, vector<1x16xi32>,
      %get3A_128 = vector.shape_cast %get3A_127 : vector<1x16xi32> to vector<16xi32>
      %get3A_129 = arith.index_cast %add3A_120 : i32 to index
      %get3A_130 = arith.constant 48 : index
      %get3A_131 = tpu.vector_load %arg9[%get3A_129, %get3A_130] {strides = array<i32>} : memref<80x128xi32, #tpu.memory_space<vmem>>, vector<1x16xi32>,
      %get3A_132 = vector.shape_cast %get3A_131 : vector<1x16xi32> to vector<16xi32>
      %shift_left3A_133 = arith.constant 16 : i32
      %shift_left3A_134 = vector.broadcast %shift_left3A_133 : i32 to vector<16xi32>
      %shift_left3A_135 = arith.shli %get3A_132, %shift_left3A_134 : vector<16xi32>
      %or3A_136 = arith.ori %get3A_128, %shift_left3A_135 : vector<16xi32>
      %swap3A_137 = arith.index_cast %add3A_124 : i32 to index
      %swap3A_138 = arith.constant 48 : index
      %swap3A_139 = tpu.vector_load %arg10[%swap3A_137, %swap3A_138] {strides = array<i32>} : memref<128x80xi32, #tpu.memory_space<vmem>>, vector<1x16xi32>,
      %swap3A_140 = vector.shape_cast %swap3A_139 : vector<1x16xi32> to vector<16xi32>
      %swap3A_141 = vector.shape_cast %or3A_136 : vector<16xi32> to vector<1x16xi32>
      tpu.vector_store %arg10[%swap3A_137, %swap3A_138], %swap3A_141 {strides = array<i32>} : memref<128x80xi32, #tpu.memory_space<vmem>>, vector<1x16xi32>,
      %mul3A_142 = arith.constant 5 : i32
      %mul3A_143 = arith.muli %scan3A_44, %mul3A_142 : i32
      %add3A_144 = arith.constant 0 : i32
      %add3A_145 = arith.addi %mul3A_143, %add3A_144 : i32
      %mul3A_146 = arith.constant 8 : i32
      %mul3A_147 = arith.muli %scan3A_44, %mul3A_146 : i32
      %add3A_148 = arith.constant 0 : i32
      %add3A_149 = arith.addi %mul3A_147, %add3A_148 : i32
      %get3A_150 = arith.index_cast %add3A_145 : i32 to index
      %get3A_151 = arith.constant 64 : index
      %get3A_152 = tpu.vector_load %arg8[%get3A_150, %get3A_151] {strides = array<i32>} : memref<80x128xi32, #tpu.memory_space<vmem>>, vector<1x16xi32>,
      %get3A_153 = vector.shape_cast %get3A_152 : vector<1x16xi32> to vector<16xi32>
      %get3A_154 = arith.index_cast %add3A_145 : i32 to index
      %get3A_155 = arith.constant 64 : index
      %get3A_156 = tpu.vector_load %arg9[%get3A_154, %get3A_155] {strides = array<i32>} : memref<80x128xi32, #tpu.memory_space<vmem>>, vector<1x16xi32>,
      %get3A_157 = vector.shape_cast %get3A_156 : vector<1x16xi32> to vector<16xi32>
      %shift_left3A_158 = arith.constant 16 : i32
      %shift_left3A_159 = vector.broadcast %shift_left3A_158 : i32 to vector<16xi32>
      %shift_left3A_160 = arith.shli %get3A_157, %shift_left3A_159 : vector<16xi32>
      %or3A_161 = arith.ori %get3A_153, %shift_left3A_160 : vector<16xi32>
      %swap3A_162 = arith.index_cast %add3A_149 : i32 to index
      %swap3A_163 = arith.constant 64 : index
      %swap3A_164 = tpu.vector_load %arg10[%swap3A_162, %swap3A_163] {strides = array<i32>} : memref<128x80xi32, #tpu.memory_space<vmem>>, vector<1x16xi32>,
      %swap3A_165 = vector.shape_cast %swap3A_164 : vector<1x16xi32> to vector<16xi32>
      %swap3A_166 = vector.shape_cast %or3A_161 : vector<16xi32> to vector<1x16xi32>
      tpu.vector_store %arg10[%swap3A_162, %swap3A_163], %swap3A_166 {strides = array<i32>} : memref<128x80xi32, #tpu.memory_space<vmem>>, vector<1x16xi32>,
      %mul3A_167 = arith.constant 5 : i32
      %mul3A_168 = arith.muli %scan3A_44, %mul3A_167 : i32
      %add3A_169 = arith.constant 0 : i32
      %add3A_170 = arith.addi %mul3A_168, %add3A_169 : i32
      %mul3A_171 = arith.constant 8 : i32
      %mul3A_172 = arith.muli %scan3A_44, %mul3A_171 : i32
      %add3A_173 = arith.constant 1 : i32
      %add3A_174 = arith.addi %mul3A_172, %add3A_173 : i32
      %get3A_175 = arith.index_cast %add3A_170 : i32 to index
      %get3A_176 = arith.constant 80 : index
      %get3A_177 = tpu.vector_load %arg8[%get3A_175, %get3A_176] {strides = array<i32>} : memref<80x128xi32, #tpu.memory_space<vmem>>, vector<1x16xi32>,
      %get3A_178 = vector.shape_cast %get3A_177 : vector<1x16xi32> to vector<16xi32>
      %get3A_179 = arith.index_cast %add3A_170 : i32 to index
      %get3A_180 = arith.constant 80 : index
      %get3A_181 = tpu.vector_load %arg9[%get3A_179, %get3A_180] {strides = array<i32>} : memref<80x128xi32, #tpu.memory_space<vmem>>, vector<1x16xi32>,
      %get3A_182 = vector.shape_cast %get3A_181 : vector<1x16xi32> to vector<16xi32>
      %shift_left3A_183 = arith.constant 16 : i32
      %shift_left3A_184 = vector.broadcast %shift_left3A_183 : i32 to vector<16xi32>
      %shift_left3A_185 = arith.shli %get3A_182, %shift_left3A_184 : vector<16xi32>
      %or3A_186 = arith.ori %get3A_178, %shift_left3A_185 : vector<16xi32>
      %swap3A_187 = arith.index_cast %add3A_174 : i32 to index
      %swap3A_188 = arith.constant 0 : index
      %swap3A_189 = tpu.vector_load %arg10[%swap3A_187, %swap3A_188] {strides = array<i32>} : memref<128x80xi32, #tpu.memory_space<vmem>>, vector<1x16xi32>,
      %swap3A_190 = vector.shape_cast %swap3A_189 : vector<1x16xi32> to vector<16xi32>
      %swap3A_191 = vector.shape_cast %or3A_186 : vector<16xi32> to vector<1x16xi32>
      tpu.vector_store %arg10[%swap3A_187, %swap3A_188], %swap3A_191 {strides = array<i32>} : memref<128x80xi32, #tpu.memory_space<vmem>>, vector<1x16xi32>,
      %mul3A_192 = arith.constant 5 : i32
      %mul3A_193 = arith.muli %scan3A_44, %mul3A_192 : i32
      %add3A_194 = arith.constant 0 : i32
      %add3A_195 = arith.addi %mul3A_193, %add3A_194 : i32
      %mul3A_196 = arith.constant 8 : i32
      %mul3A_197 = arith.muli %scan3A_44, %mul3A_196 : i32
      %add3A_198 = arith.constant 1 : i32
      %add3A_199 = arith.addi %mul3A_197, %add3A_198 : i32
      %get3A_200 = arith.index_cast %add3A_195 : i32 to index
      %get3A_201 = arith.constant 96 : index
      %get3A_202 = tpu.vector_load %arg8[%get3A_200, %get3A_201] {strides = array<i32>} : memref<80x128xi32, #tpu.memory_space<vmem>>, vector<1x16xi32>,
      %get3A_203 = vector.shape_cast %get3A_202 : vector<1x16xi32> to vector<16xi32>
      %get3A_204 = arith.index_cast %add3A_195 : i32 to index
      %get3A_205 = arith.constant 96 : index
      %get3A_206 = tpu.vector_load %arg9[%get3A_204, %get3A_205] {strides = array<i32>} : memref<80x128xi32, #tpu.memory_space<vmem>>, vector<1x16xi32>,
      %get3A_207 = vector.shape_cast %get3A_206 : vector<1x16xi32> to vector<16xi32>
      %shift_left3A_208 = arith.constant 16 : i32
      %shift_left3A_209 = vector.broadcast %shift_left3A_208 : i32 to vector<16xi32>
      %shift_left3A_210 = arith.shli %get3A_207, %shift_left3A_209 : vector<16xi32>
      %or3A_211 = arith.ori %get3A_203, %shift_left3A_210 : vector<16xi32>
      %swap3A_212 = arith.index_cast %add3A_199 : i32 to index
      %swap3A_213 = arith.constant 16 : index
      %swap3A_214 = tpu.vector_load %arg10[%swap3A_212, %swap3A_213] {strides = array<i32>} : memref<128x80xi32, #tpu.memory_space<vmem>>, vector<1x16xi32>,
      %swap3A_215 = vector.shape_cast %swap3A_214 : vector<1x16xi32> to vector<16xi32>
      %swap3A_216 = vector.shape_cast %or3A_211 : vector<16xi32> to vector<1x16xi32>
      tpu.vector_store %arg10[%swap3A_212, %swap3A_213], %swap3A_216 {strides = array<i32>} : memref<128x80xi32, #tpu.memory_space<vmem>>, vector<1x16xi32>,
      %mul3A_217 = arith.constant 5 : i32
      %mul3A_218 = arith.muli %scan3A_44, %mul3A_217 : i32
      %add3A_219 = arith.constant 0 : i32
      %add3A_220 = arith.addi %mul3A_218, %add3A_219 : i32
      %mul3A_221 = arith.constant 8 : i32
      %mul3A_222 = arith.muli %scan3A_44, %mul3A_221 : i32
      %add3A_223 = arith.constant 1 : i32
      %add3A_224 = arith.addi %mul3A_222, %add3A_223 : i32
      %get3A_225 = arith.index_cast %add3A_220 : i32 to index
      %get3A_226 = arith.constant 112 : index
      %get3A_227 = tpu.vector_load %arg8[%get3A_225, %get3A_226] {strides = array<i32>} : memref<80x128xi32, #tpu.memory_space<vmem>>, vector<1x16xi32>,
      %get3A_228 = vector.shape_cast %get3A_227 : vector<1x16xi32> to vector<16xi32>
      %get3A_229 = arith.index_cast %add3A_220 : i32 to index
      %get3A_230 = arith.constant 112 : index
      %get3A_231 = tpu.vector_load %arg9[%get3A_229, %get3A_230] {strides = array<i32>} : memref<80x128xi32, #tpu.memory_space<vmem>>, vector<1x16xi32>,
      %get3A_232 = vector.shape_cast %get3A_231 : vector<1x16xi32> to vector<16xi32>
      %shift_left3A_233 = arith.constant 16 : i32
      %shift_left3A_234 = vector.broadcast %shift_left3A_233 : i32 to vector<16xi32>
      %shift_left3A_235 = arith.shli %get3A_232, %shift_left3A_234 : vector<16xi32>
      %or3A_236 = arith.ori %get3A_228, %shift_left3A_235 : vector<16xi32>
      %swap3A_237 = arith.index_cast %add3A_224 : i32 to index
      %swap3A_238 = arith.constant 32 : index
      %swap3A_239 = tpu.vector_load %arg10[%swap3A_237, %swap3A_238] {strides = array<i32>} : memref<128x80xi32, #tpu.memory_space<vmem>>, vector<1x16xi32>,
      %swap3A_240 = vector.shape_cast %swap3A_239 : vector<1x16xi32> to vector<16xi32>
      %swap3A_241 = vector.shape_cast %or3A_236 : vector<16xi32> to vector<1x16xi32>
      tpu.vector_store %arg10[%swap3A_237, %swap3A_238], %swap3A_241 {strides = array<i32>} : memref<128x80xi32, #tpu.memory_space<vmem>>, vector<1x16xi32>,
      %mul3A_242 = arith.constant 5 : i32
      %mul3A_243 = arith.muli %scan3A_44, %mul3A_242 : i32
      %add3A_244 = arith.constant 1 : i32
      %add3A_245 = arith.addi %mul3A_243, %add3A_244 : i32
      %mul3A_246 = arith.constant 8 : i32
      %mul3A_247 = arith.muli %scan3A_44, %mul3A_246 : i32
      %add3A_248 = arith.constant 1 : i32
      %add3A_249 = arith.addi %mul3A_247, %add3A_248 : i32
      %get3A_250 = arith.index_cast %add3A_245 : i32 to index
      %get3A_251 = arith.constant 0 : index
      %get3A_252 = tpu.vector_load %arg8[%get3A_250, %get3A_251] {strides = array<i32>} : memref<80x128xi32, #tpu.memory_space<vmem>>, vector<1x16xi32>,
      %get3A_253 = vector.shape_cast %get3A_252 : vector<1x16xi32> to vector<16xi32>
      %get3A_254 = arith.index_cast %add3A_245 : i32 to index
      %get3A_255 = arith.constant 0 : index
      %get3A_256 = tpu.vector_load %arg9[%get3A_254, %get3A_255] {strides = array<i32>} : memref<80x128xi32, #tpu.memory_space<vmem>>, vector<1x16xi32>,
      %get3A_257 = vector.shape_cast %get3A_256 : vector<1x16xi32> to vector<16xi32>
      %shift_left3A_258 = arith.constant 16 : i32
      %shift_left3A_259 = vector.broadcast %shift_left3A_258 : i32 to vector<16xi32>
      %shift_left3A_260 = arith.shli %get3A_257, %shift_left3A_259 : vector<16xi32>
      %or3A_261 = arith.ori %get3A_253, %shift_left3A_260 : vector<16xi32>
      %swap3A_262 = arith.index_cast %add3A_249 : i32 to index
      %swap3A_263 = arith.constant 48 : index
      %swap3A_264 = tpu.vector_load %arg10[%swap3A_262, %swap3A_263] {strides = array<i32>} : memref<128x80xi32, #tpu.memory_space<vmem>>, vector<1x16xi32>,
      %swap3A_265 = vector.shape_cast %swap3A_264 : vector<1x16xi32> to vector<16xi32>
      %swap3A_266 = vector.shape_cast %or3A_261 : vector<16xi32> to vector<1x16xi32>
      tpu.vector_store %arg10[%swap3A_262, %swap3A_263], %swap3A_266 {strides = array<i32>} : memref<128x80xi32, #tpu.memory_space<vmem>>, vector<1x16xi32>,
      %mul3A_267 = arith.constant 5 : i32
      %mul3A_268 = arith.muli %scan3A_44, %mul3A_267 : i32
      %add3A_269 = arith.constant 1 : i32
      %add3A_270 = arith.addi %mul3A_268, %add3A_269 : i32
      %mul3A_271 = arith.constant 8 : i32
      %mul3A_272 = arith.muli %scan3A_44, %mul3A_271 : i32
      %add3A_273 = arith.constant 1 : i32
      %add3A_274 = arith.addi %mul3A_272, %add3A_273 : i32
      %get3A_275 = arith.index_cast %add3A_270 : i32 to index
      %get3A_276 = arith.constant 16 : index
      %get3A_277 = tpu.vector_load %arg8[%get3A_275, %get3A_276] {strides = array<i32>} : memref<80x128xi32, #tpu.memory_space<vmem>>, vector<1x16xi32>,
      %get3A_278 = vector.shape_cast %get3A_277 : vector<1x16xi32> to vector<16xi32>
      %get3A_279 = arith.index_cast %add3A_270 : i32 to index
      %get3A_280 = arith.constant 16 : index
      %get3A_281 = tpu.vector_load %arg9[%get3A_279, %get3A_280] {strides = array<i32>} : memref<80x128xi32, #tpu.memory_space<vmem>>, vector<1x16xi32>,
      %get3A_282 = vector.shape_cast %get3A_281 : vector<1x16xi32> to vector<16xi32>
      %shift_left3A_283 = arith.constant 16 : i32
      %shift_left3A_284 = vector.broadcast %shift_left3A_283 : i32 to vector<16xi32>
      %shift_left3A_285 = arith.shli %get3A_282, %shift_left3A_284 : vector<16xi32>
      %or3A_286 = arith.ori %get3A_278, %shift_left3A_285 : vector<16xi32>
      %swap3A_287 = arith.index_cast %add3A_274 : i32 to index
      %swap3A_288 = arith.constant 64 : index
      %swap3A_289 = tpu.vector_load %arg10[%swap3A_287, %swap3A_288] {strides = array<i32>} : memref<128x80xi32, #tpu.memory_space<vmem>>, vector<1x16xi32>,
      %swap3A_290 = vector.shape_cast %swap3A_289 : vector<1x16xi32> to vector<16xi32>
      %swap3A_291 = vector.shape_cast %or3A_286 : vector<16xi32> to vector<1x16xi32>
      tpu.vector_store %arg10[%swap3A_287, %swap3A_288], %swap3A_291 {strides = array<i32>} : memref<128x80xi32, #tpu.memory_space<vmem>>, vector<1x16xi32>,
      %mul3A_292 = arith.constant 5 : i32
      %mul3A_293 = arith.muli %scan3A_44, %mul3A_292 : i32
      %add3A_294 = arith.constant 1 : i32
      %add3A_295 = arith.addi %mul3A_293, %add3A_294 : i32
      %mul3A_296 = arith.constant 8 : i32
      %mul3A_297 = arith.muli %scan3A_44, %mul3A_296 : i32
      %add3A_298 = arith.constant 2 : i32
      %add3A_299 = arith.addi %mul3A_297, %add3A_298 : i32
      %get3A_300 = arith.index_cast %add3A_295 : i32 to index
      %get3A_301 = arith.constant 32 : index
      %get3A_302 = tpu.vector_load %arg8[%get3A_300, %get3A_301] {strides = array<i32>} : memref<80x128xi32, #tpu.memory_space<vmem>>, vector<1x16xi32>,
      %get3A_303 = vector.shape_cast %get3A_302 : vector<1x16xi32> to vector<16xi32>
      %get3A_304 = arith.index_cast %add3A_295 : i32 to index
      %get3A_305 = arith.constant 32 : index
      %get3A_306 = tpu.vector_load %arg9[%get3A_304, %get3A_305] {strides = array<i32>} : memref<80x128xi32, #tpu.memory_space<vmem>>, vector<1x16xi32>,
      %get3A_307 = vector.shape_cast %get3A_306 : vector<1x16xi32> to vector<16xi32>
      %shift_left3A_308 = arith.constant 16 : i32
      %shift_left3A_309 = vector.broadcast %shift_left3A_308 : i32 to vector<16xi32>
      %shift_left3A_310 = arith.shli %get3A_307, %shift_left3A_309 : vector<16xi32>
      %or3A_311 = arith.ori %get3A_303, %shift_left3A_310 : vector<16xi32>
      %swap3A_312 = arith.index_cast %add3A_299 : i32 to index
      %swap3A_313 = arith.constant 0 : index
      %swap3A_314 = tpu.vector_load %arg10[%swap3A_312, %swap3A_313] {strides = array<i32>} : memref<128x80xi32, #tpu.memory_space<vmem>>, vector<1x16xi32>,
      %swap3A_315 = vector.shape_cast %swap3A_314 : vector<1x16xi32> to vector<16xi32>
      %swap3A_316 = vector.shape_cast %or3A_311 : vector<16xi32> to vector<1x16xi32>
      tpu.vector_store %arg10[%swap3A_312, %swap3A_313], %swap3A_316 {strides = array<i32>} : memref<128x80xi32, #tpu.memory_space<vmem>>, vector<1x16xi32>,
      %mul3A_317 = arith.constant 5 : i32
      %mul3A_318 = arith.muli %scan3A_44, %mul3A_317 : i32
      %add3A_319 = arith.constant 1 : i32
      %add3A_320 = arith.addi %mul3A_318, %add3A_319 : i32
      %mul3A_321 = arith.constant 8 : i32
      %mul3A_322 = arith.muli %scan3A_44, %mul3A_321 : i32
      %add3A_323 = arith.constant 2 : i32
      %add3A_324 = arith.addi %mul3A_322, %add3A_323 : i32
      %get3A_325 = arith.index_cast %add3A_320 : i32 to index
      %get3A_326 = arith.constant 48 : index
      %get3A_327 = tpu.vector_load %arg8[%get3A_325, %get3A_326] {strides = array<i32>} : memref<80x128xi32, #tpu.memory_space<vmem>>, vector<1x16xi32>,
      %get3A_328 = vector.shape_cast %get3A_327 : vector<1x16xi32> to vector<16xi32>
      %get3A_329 = arith.index_cast %add3A_320 : i32 to index
      %get3A_330 = arith.constant 48 : index
      %get3A_331 = tpu.vector_load %arg9[%get3A_329, %get3A_330] {strides = array<i32>} : memref<80x128xi32, #tpu.memory_space<vmem>>, vector<1x16xi32>,
      %get3A_332 = vector.shape_cast %get3A_331 : vector<1x16xi32> to vector<16xi32>
      %shift_left3A_333 = arith.constant 16 : i32
      %shift_left3A_334 = vector.broadcast %shift_left3A_333 : i32 to vector<16xi32>
      %shift_left3A_335 = arith.shli %get3A_332, %shift_left3A_334 : vector<16xi32>
      %or3A_336 = arith.ori %get3A_328, %shift_left3A_335 : vector<16xi32>
      %swap3A_337 = arith.index_cast %add3A_324 : i32 to index
      %swap3A_338 = arith.constant 16 : index
      %swap3A_339 = tpu.vector_load %arg10[%swap3A_337, %swap3A_338] {strides = array<i32>} : memref<128x80xi32, #tpu.memory_space<vmem>>, vector<1x16xi32>,
      %swap3A_340 = vector.shape_cast %swap3A_339 : vector<1x16xi32> to vector<16xi32>
      %swap3A_341 = vector.shape_cast %or3A_336 : vector<16xi32> to vector<1x16xi32>
      tpu.vector_store %arg10[%swap3A_337, %swap3A_338], %swap3A_341 {strides = array<i32>} : memref<128x80xi32, #tpu.memory_space<vmem>>, vector<1x16xi32>,
      %mul3A_342 = arith.constant 5 : i32
      %mul3A_343 = arith.muli %scan3A_44, %mul3A_342 : i32
      %add3A_344 = arith.constant 1 : i32
      %add3A_345 = arith.addi %mul3A_343, %add3A_344 : i32
      %mul3A_346 = arith.constant 8 : i32
      %mul3A_347 = arith.muli %scan3A_44, %mul3A_346 : i32
      %add3A_348 = arith.constant 2 : i32
      %add3A_349 = arith.addi %mul3A_347, %add3A_348 : i32
      %get3A_350 = arith.index_cast %add3A_345 : i32 to index
      %get3A_351 = arith.constant 64 : index
      %get3A_352 = tpu.vector_load %arg8[%get3A_350, %get3A_351] {strides = array<i32>} : memref<80x128xi32, #tpu.memory_space<vmem>>, vector<1x16xi32>,
      %get3A_353 = vector.shape_cast %get3A_352 : vector<1x16xi32> to vector<16xi32>
      %get3A_354 = arith.index_cast %add3A_345 : i32 to index
      %get3A_355 = arith.constant 64 : index
      %get3A_356 = tpu.vector_load %arg9[%get3A_354, %get3A_355] {strides = array<i32>} : memref<80x128xi32, #tpu.memory_space<vmem>>, vector<1x16xi32>,
      %get3A_357 = vector.shape_cast %get3A_356 : vector<1x16xi32> to vector<16xi32>
      %shift_left3A_358 = arith.constant 16 : i32
      %shift_left3A_359 = vector.broadcast %shift_left3A_358 : i32 to vector<16xi32>
      %shift_left3A_360 = arith.shli %get3A_357, %shift_left3A_359 : vector<16xi32>
      %or3A_361 = arith.ori %get3A_353, %shift_left3A_360 : vector<16xi32>
      %swap3A_362 = arith.index_cast %add3A_349 : i32 to index
      %swap3A_363 = arith.constant 32 : index
      %swap3A_364 = tpu.vector_load %arg10[%swap3A_362, %swap3A_363] {strides = array<i32>} : memref<128x80xi32, #tpu.memory_space<vmem>>, vector<1x16xi32>,
      %swap3A_365 = vector.shape_cast %swap3A_364 : vector<1x16xi32> to vector<16xi32>
      %swap3A_366 = vector.shape_cast %or3A_361 : vector<16xi32> to vector<1x16xi32>
      tpu.vector_store %arg10[%swap3A_362, %swap3A_363], %swap3A_366 {strides = array<i32>} : memref<128x80xi32, #tpu.memory_space<vmem>>, vector<1x16xi32>,
      %mul3A_367 = arith.constant 5 : i32
      %mul3A_368 = arith.muli %scan3A_44, %mul3A_367 : i32
      %add3A_369 = arith.constant 1 : i32
      %add3A_370 = arith.addi %mul3A_368, %add3A_369 : i32
      %mul3A_371 = arith.constant 8 : i32
      %mul3A_372 = arith.muli %scan3A_44, %mul3A_371 : i32
      %add3A_373 = arith.constant 2 : i32
      %add3A_374 = arith.addi %mul3A_372, %add3A_373 : i32
      %get3A_375 = arith.index_cast %add3A_370 : i32 to index
      %get3A_376 = arith.constant 80 : index
      %get3A_377 = tpu.vector_load %arg8[%get3A_375, %get3A_376] {strides = array<i32>} : memref<80x128xi32, #tpu.memory_space<vmem>>, vector<1x16xi32>,
      %get3A_378 = vector.shape_cast %get3A_377 : vector<1x16xi32> to vector<16xi32>
      %get3A_379 = arith.index_cast %add3A_370 : i32 to index
      %get3A_380 = arith.constant 80 : index
      %get3A_381 = tpu.vector_load %arg9[%get3A_379, %get3A_380] {strides = array<i32>} : memref<80x128xi32, #tpu.memory_space<vmem>>, vector<1x16xi32>,
      %get3A_382 = vector.shape_cast %get3A_381 : vector<1x16xi32> to vector<16xi32>
      %shift_left3A_383 = arith.constant 16 : i32
      %shift_left3A_384 = vector.broadcast %shift_left3A_383 : i32 to vector<16xi32>
      %shift_left3A_385 = arith.shli %get3A_382, %shift_left3A_384 : vector<16xi32>
      %or3A_386 = arith.ori %get3A_378, %shift_left3A_385 : vector<16xi32>
      %swap3A_387 = arith.index_cast %add3A_374 : i32 to index
      %swap3A_388 = arith.constant 48 : index
      %swap3A_389 = tpu.vector_load %arg10[%swap3A_387, %swap3A_388] {strides = array<i32>} : memref<128x80xi32, #tpu.memory_space<vmem>>, vector<1x16xi32>,
      %swap3A_390 = vector.shape_cast %swap3A_389 : vector<1x16xi32> to vector<16xi32>
      %swap3A_391 = vector.shape_cast %or3A_386 : vector<16xi32> to vector<1x16xi32>
      tpu.vector_store %arg10[%swap3A_387, %swap3A_388], %swap3A_391 {strides = array<i32>} : memref<128x80xi32, #tpu.memory_space<vmem>>, vector<1x16xi32>,
      %mul3A_392 = arith.constant 5 : i32
      %mul3A_393 = arith.muli %scan3A_44, %mul3A_392 : i32
      %add3A_394 = arith.constant 1 : i32
      %add3A_395 = arith.addi %mul3A_393, %add3A_394 : i32
      %mul3A_396 = arith.constant 8 : i32
      %mul3A_397 = arith.muli %scan3A_44, %mul3A_396 : i32
      %add3A_398 = arith.constant 2 : i32
      %add3A_399 = arith.addi %mul3A_397, %add3A_398 : i32
      %get3A_400 = arith.index_cast %add3A_395 : i32 to index
      %get3A_401 = arith.constant 96 : index
      %get3A_402 = tpu.vector_load %arg8[%get3A_400, %get3A_401] {strides = array<i32>} : memref<80x128xi32, #tpu.memory_space<vmem>>, vector<1x16xi32>,
      %get3A_403 = vector.shape_cast %get3A_402 : vector<1x16xi32> to vector<16xi32>
      %get3A_404 = arith.index_cast %add3A_395 : i32 to index
      %get3A_405 = arith.constant 96 : index
      %get3A_406 = tpu.vector_load %arg9[%get3A_404, %get3A_405] {strides = array<i32>} : memref<80x128xi32, #tpu.memory_space<vmem>>, vector<1x16xi32>,
      %get3A_407 = vector.shape_cast %get3A_406 : vector<1x16xi32> to vector<16xi32>
      %shift_left3A_408 = arith.constant 16 : i32
      %shift_left3A_409 = vector.broadcast %shift_left3A_408 : i32 to vector<16xi32>
      %shift_left3A_410 = arith.shli %get3A_407, %shift_left3A_409 : vector<16xi32>
      %or3A_411 = arith.ori %get3A_403, %shift_left3A_410 : vector<16xi32>
      %swap3A_412 = arith.index_cast %add3A_399 : i32 to index
      %swap3A_413 = arith.constant 64 : index
      %swap3A_414 = tpu.vector_load %arg10[%swap3A_412, %swap3A_413] {strides = array<i32>} : memref<128x80xi32, #tpu.memory_space<vmem>>, vector<1x16xi32>,
      %swap3A_415 = vector.shape_cast %swap3A_414 : vector<1x16xi32> to vector<16xi32>
      %swap3A_416 = vector.shape_cast %or3A_411 : vector<16xi32> to vector<1x16xi32>
      tpu.vector_store %arg10[%swap3A_412, %swap3A_413], %swap3A_416 {strides = array<i32>} : memref<128x80xi32, #tpu.memory_space<vmem>>, vector<1x16xi32>,
      %mul3A_417 = arith.constant 5 : i32
      %mul3A_418 = arith.muli %scan3A_44, %mul3A_417 : i32
      %add3A_419 = arith.constant 1 : i32
      %add3A_420 = arith.addi %mul3A_418, %add3A_419 : i32
      %mul3A_421 = arith.constant 8 : i32
      %mul3A_422 = arith.muli %scan3A_44, %mul3A_421 : i32
      %add3A_423 = arith.constant 3 : i32
      %add3A_424 = arith.addi %mul3A_422, %add3A_423 : i32
      %get3A_425 = arith.index_cast %add3A_420 : i32 to index
      %get3A_426 = arith.constant 112 : index
      %get3A_427 = tpu.vector_load %arg8[%get3A_425, %get3A_426] {strides = array<i32>} : memref<80x128xi32, #tpu.memory_space<vmem>>, vector<1x16xi32>,
      %get3A_428 = vector.shape_cast %get3A_427 : vector<1x16xi32> to vector<16xi32>
      %get3A_429 = arith.index_cast %add3A_420 : i32 to index
      %get3A_430 = arith.constant 112 : index
      %get3A_431 = tpu.vector_load %arg9[%get3A_429, %get3A_430] {strides = array<i32>} : memref<80x128xi32, #tpu.memory_space<vmem>>, vector<1x16xi32>,
      %get3A_432 = vector.shape_cast %get3A_431 : vector<1x16xi32> to vector<16xi32>
      %shift_left3A_433 = arith.constant 16 : i32
      %shift_left3A_434 = vector.broadcast %shift_left3A_433 : i32 to vector<16xi32>
      %shift_left3A_435 = arith.shli %get3A_432, %shift_left3A_434 : vector<16xi32>
      %or3A_436 = arith.ori %get3A_428, %shift_left3A_435 : vector<16xi32>
      %swap3A_437 = arith.index_cast %add3A_424 : i32 to index
      %swap3A_438 = arith.constant 0 : index
      %swap3A_439 = tpu.vector_load %arg10[%swap3A_437, %swap3A_438] {strides = array<i32>} : memref<128x80xi32, #tpu.memory_space<vmem>>, vector<1x16xi32>,
      %swap3A_440 = vector.shape_cast %swap3A_439 : vector<1x16xi32> to vector<16xi32>
      %swap3A_441 = vector.shape_cast %or3A_436 : vector<16xi32> to vector<1x16xi32>
      tpu.vector_store %arg10[%swap3A_437, %swap3A_438], %swap3A_441 {strides = array<i32>} : memref<128x80xi32, #tpu.memory_space<vmem>>, vector<1x16xi32>,
      %mul3A_442 = arith.constant 5 : i32
      %mul3A_443 = arith.muli %scan3A_44, %mul3A_442 : i32
      %add3A_444 = arith.constant 2 : i32
      %add3A_445 = arith.addi %mul3A_443, %add3A_444 : i32
      %mul3A_446 = arith.constant 8 : i32
      %mul3A_447 = arith.muli %scan3A_44, %mul3A_446 : i32
      %add3A_448 = arith.constant 3 : i32
      %add3A_449 = arith.addi %mul3A_447, %add3A_448 : i32
      %get3A_450 = arith.index_cast %add3A_445 : i32 to index
      %get3A_451 = arith.constant 0 : index
      %get3A_452 = tpu.vector_load %arg8[%get3A_450, %get3A_451] {strides = array<i32>} : memref<80x128xi32, #tpu.memory_space<vmem>>, vector<1x16xi32>,
      %get3A_453 = vector.shape_cast %get3A_452 : vector<1x16xi32> to vector<16xi32>
      %get3A_454 = arith.index_cast %add3A_445 : i32 to index
      %get3A_455 = arith.constant 0 : index
      %get3A_456 = tpu.vector_load %arg9[%get3A_454, %get3A_455] {strides = array<i32>} : memref<80x128xi32, #tpu.memory_space<vmem>>, vector<1x16xi32>,
      %get3A_457 = vector.shape_cast %get3A_456 : vector<1x16xi32> to vector<16xi32>
      %shift_left3A_458 = arith.constant 16 : i32
      %shift_left3A_459 = vector.broadcast %shift_left3A_458 : i32 to vector<16xi32>
      %shift_left3A_460 = arith.shli %get3A_457, %shift_left3A_459 : vector<16xi32>
      %or3A_461 = arith.ori %get3A_453, %shift_left3A_460 : vector<16xi32>
      %swap3A_462 = arith.index_cast %add3A_449 : i32 to index
      %swap3A_463 = arith.constant 16 : index
      %swap3A_464 = tpu.vector_load %arg10[%swap3A_462, %swap3A_463] {strides = array<i32>} : memref<128x80xi32, #tpu.memory_space<vmem>>, vector<1x16xi32>,
      %swap3A_465 = vector.shape_cast %swap3A_464 : vector<1x16xi32> to vector<16xi32>
      %swap3A_466 = vector.shape_cast %or3A_461 : vector<16xi32> to vector<1x16xi32>
      tpu.vector_store %arg10[%swap3A_462, %swap3A_463], %swap3A_466 {strides = array<i32>} : memref<128x80xi32, #tpu.memory_space<vmem>>, vector<1x16xi32>,
      %mul3A_467 = arith.constant 5 : i32
      %mul3A_468 = arith.muli %scan3A_44, %mul3A_467 : i32
      %add3A_469 = arith.constant 2 : i32
      %add3A_470 = arith.addi %mul3A_468, %add3A_469 : i32
      %mul3A_471 = arith.constant 8 : i32
      %mul3A_472 = arith.muli %scan3A_44, %mul3A_471 : i32
      %add3A_473 = arith.constant 3 : i32
      %add3A_474 = arith.addi %mul3A_472, %add3A_473 : i32
      %get3A_475 = arith.index_cast %add3A_470 : i32 to index
      %get3A_476 = arith.constant 16 : index
      %get3A_477 = tpu.vector_load %arg8[%get3A_475, %get3A_476] {strides = array<i32>} : memref<80x128xi32, #tpu.memory_space<vmem>>, vector<1x16xi32>,
      %get3A_478 = vector.shape_cast %get3A_477 : vector<1x16xi32> to vector<16xi32>
      %get3A_479 = arith.index_cast %add3A_470 : i32 to index
      %get3A_480 = arith.constant 16 : index
      %get3A_481 = tpu.vector_load %arg9[%get3A_479, %get3A_480] {strides = array<i32>} : memref<80x128xi32, #tpu.memory_space<vmem>>, vector<1x16xi32>,
      %get3A_482 = vector.shape_cast %get3A_481 : vector<1x16xi32> to vector<16xi32>
      %shift_left3A_483 = arith.constant 16 : i32
      %shift_left3A_484 = vector.broadcast %shift_left3A_483 : i32 to vector<16xi32>
      %shift_left3A_485 = arith.shli %get3A_482, %shift_left3A_484 : vector<16xi32>
      %or3A_486 = arith.ori %get3A_478, %shift_left3A_485 : vector<16xi32>
      %swap3A_487 = arith.index_cast %add3A_474 : i32 to index
      %swap3A_488 = arith.constant 32 : index
      %swap3A_489 = tpu.vector_load %arg10[%swap3A_487, %swap3A_488] {strides = array<i32>} : memref<128x80xi32, #tpu.memory_space<vmem>>, vector<1x16xi32>,
      %swap3A_490 = vector.shape_cast %swap3A_489 : vector<1x16xi32> to vector<16xi32>
      %swap3A_491 = vector.shape_cast %or3A_486 : vector<16xi32> to vector<1x16xi32>
      tpu.vector_store %arg10[%swap3A_487, %swap3A_488], %swap3A_491 {strides = array<i32>} : memref<128x80xi32, #tpu.memory_space<vmem>>, vector<1x16xi32>,
      %mul3A_492 = arith.constant 5 : i32
      %mul3A_493 = arith.muli %scan3A_44, %mul3A_492 : i32
      %add3A_494 = arith.constant 2 : i32
      %add3A_495 = arith.addi %mul3A_493, %add3A_494 : i32
      %mul3A_496 = arith.constant 8 : i32
      %mul3A_497 = arith.muli %scan3A_44, %mul3A_496 : i32
      %add3A_498 = arith.constant 3 : i32
      %add3A_499 = arith.addi %mul3A_497, %add3A_498 : i32
      %get3A_500 = arith.index_cast %add3A_495 : i32 to index
      %get3A_501 = arith.constant 32 : index
      %get3A_502 = tpu.vector_load %arg8[%get3A_500, %get3A_501] {strides = array<i32>} : memref<80x128xi32, #tpu.memory_space<vmem>>, vector<1x16xi32>,
      %get3A_503 = vector.shape_cast %get3A_502 : vector<1x16xi32> to vector<16xi32>
      %get3A_504 = arith.index_cast %add3A_495 : i32 to index
      %get3A_505 = arith.constant 32 : index
      %get3A_506 = tpu.vector_load %arg9[%get3A_504, %get3A_505] {strides = array<i32>} : memref<80x128xi32, #tpu.memory_space<vmem>>, vector<1x16xi32>,
      %get3A_507 = vector.shape_cast %get3A_506 : vector<1x16xi32> to vector<16xi32>
      %shift_left3A_508 = arith.constant 16 : i32
      %shift_left3A_509 = vector.broadcast %shift_left3A_508 : i32 to vector<16xi32>
      %shift_left3A_510 = arith.shli %get3A_507, %shift_left3A_509 : vector<16xi32>
      %or3A_511 = arith.ori %get3A_503, %shift_left3A_510 : vector<16xi32>
      %swap3A_512 = arith.index_cast %add3A_499 : i32 to index
      %swap3A_513 = arith.constant 48 : index
      %swap3A_514 = tpu.vector_load %arg10[%swap3A_512, %swap3A_513] {strides = array<i32>} : memref<128x80xi32, #tpu.memory_space<vmem>>, vector<1x16xi32>,
      %swap3A_515 = vector.shape_cast %swap3A_514 : vector<1x16xi32> to vector<16xi32>
      %swap3A_516 = vector.shape_cast %or3A_511 : vector<16xi32> to vector<1x16xi32>
      tpu.vector_store %arg10[%swap3A_512, %swap3A_513], %swap3A_516 {strides = array<i32>} : memref<128x80xi32, #tpu.memory_space<vmem>>, vector<1x16xi32>,
      %mul3A_517 = arith.constant 5 : i32
      %mul3A_518 = arith.muli %scan3A_44, %mul3A_517 : i32
      %add3A_519 = arith.constant 2 : i32
      %add3A_520 = arith.addi %mul3A_518, %add3A_519 : i32
      %mul3A_521 = arith.constant 8 : i32
      %mul3A_522 = arith.muli %scan3A_44, %mul3A_521 : i32
      %add3A_523 = arith.constant 3 : i32
      %add3A_524 = arith.addi %mul3A_522, %add3A_523 : i32
      %get3A_525 = arith.index_cast %add3A_520 : i32 to index
      %get3A_526 = arith.constant 48 : index
      %get3A_527 = tpu.vector_load %arg8[%get3A_525, %get3A_526] {strides = array<i32>} : memref<80x128xi32, #tpu.memory_space<vmem>>, vector<1x16xi32>,
      %get3A_528 = vector.shape_cast %get3A_527 : vector<1x16xi32> to vector<16xi32>
      %get3A_529 = arith.index_cast %add3A_520 : i32 to index
      %get3A_530 = arith.constant 48 : index
      %get3A_531 = tpu.vector_load %arg9[%get3A_529, %get3A_530] {strides = array<i32>} : memref<80x128xi32, #tpu.memory_space<vmem>>, vector<1x16xi32>,
      %get3A_532 = vector.shape_cast %get3A_531 : vector<1x16xi32> to vector<16xi32>
      %shift_left3A_533 = arith.constant 16 : i32
      %shift_left3A_534 = vector.broadcast %shift_left3A_533 : i32 to vector<16xi32>
      %shift_left3A_535 = arith.shli %get3A_532, %shift_left3A_534 : vector<16xi32>
      %or3A_536 = arith.ori %get3A_528, %shift_left3A_535 : vector<16xi32>
      %swap3A_537 = arith.index_cast %add3A_524 : i32 to index
      %swap3A_538 = arith.constant 64 : index
      %swap3A_539 = tpu.vector_load %arg10[%swap3A_537, %swap3A_538] {strides = array<i32>} : memref<128x80xi32, #tpu.memory_space<vmem>>, vector<1x16xi32>,
      %swap3A_540 = vector.shape_cast %swap3A_539 : vector<1x16xi32> to vector<16xi32>
      %swap3A_541 = vector.shape_cast %or3A_536 : vector<16xi32> to vector<1x16xi32>
      tpu.vector_store %arg10[%swap3A_537, %swap3A_538], %swap3A_541 {strides = array<i32>} : memref<128x80xi32, #tpu.memory_space<vmem>>, vector<1x16xi32>,
      %mul3A_542 = arith.constant 5 : i32
      %mul3A_543 = arith.muli %scan3A_44, %mul3A_542 : i32
      %add3A_544 = arith.constant 2 : i32
      %add3A_545 = arith.addi %mul3A_543, %add3A_544 : i32
      %mul3A_546 = arith.constant 8 : i32
      %mul3A_547 = arith.muli %scan3A_44, %mul3A_546 : i32
      %add3A_548 = arith.constant 4 : i32
      %add3A_549 = arith.addi %mul3A_547, %add3A_548 : i32
      %get3A_550 = arith.index_cast %add3A_545 : i32 to index
      %get3A_551 = arith.constant 64 : index
      %get3A_552 = tpu.vector_load %arg8[%get3A_550, %get3A_551] {strides = array<i32>} : memref<80x128xi32, #tpu.memory_space<vmem>>, vector<1x16xi32>,
      %get3A_553 = vector.shape_cast %get3A_552 : vector<1x16xi32> to vector<16xi32>
      %get3A_554 = arith.index_cast %add3A_545 : i32 to index
      %get3A_555 = arith.constant 64 : index
      %get3A_556 = tpu.vector_load %arg9[%get3A_554, %get3A_555] {strides = array<i32>} : memref<80x128xi32, #tpu.memory_space<vmem>>, vector<1x16xi32>,
      %get3A_557 = vector.shape_cast %get3A_556 : vector<1x16xi32> to vector<16xi32>
      %shift_left3A_558 = arith.constant 16 : i32
      %shift_left3A_559 = vector.broadcast %shift_left3A_558 : i32 to vector<16xi32>
      %shift_left3A_560 = arith.shli %get3A_557, %shift_left3A_559 : vector<16xi32>
      %or3A_561 = arith.ori %get3A_553, %shift_left3A_560 : vector<16xi32>
      %swap3A_562 = arith.index_cast %add3A_549 : i32 to index
      %swap3A_563 = arith.constant 0 : index
      %swap3A_564 = tpu.vector_load %arg10[%swap3A_562, %swap3A_563] {strides = array<i32>} : memref<128x80xi32, #tpu.memory_space<vmem>>, vector<1x16xi32>,
      %swap3A_565 = vector.shape_cast %swap3A_564 : vector<1x16xi32> to vector<16xi32>
      %swap3A_566 = vector.shape_cast %or3A_561 : vector<16xi32> to vector<1x16xi32>
      tpu.vector_store %arg10[%swap3A_562, %swap3A_563], %swap3A_566 {strides = array<i32>} : memref<128x80xi32, #tpu.memory_space<vmem>>, vector<1x16xi32>,
      %mul3A_567 = arith.constant 5 : i32
      %mul3A_568 = arith.muli %scan3A_44, %mul3A_567 : i32
      %add3A_569 = arith.constant 2 : i32
      %add3A_570 = arith.addi %mul3A_568, %add3A_569 : i32
      %mul3A_571 = arith.constant 8 : i32
      %mul3A_572 = arith.muli %scan3A_44, %mul3A_571 : i32
      %add3A_573 = arith.constant 4 : i32
      %add3A_574 = arith.addi %mul3A_572, %add3A_573 : i32
      %get3A_575 = arith.index_cast %add3A_570 : i32 to index
      %get3A_576 = arith.constant 80 : index
      %get3A_577 = tpu.vector_load %arg8[%get3A_575, %get3A_576] {strides = array<i32>} : memref<80x128xi32, #tpu.memory_space<vmem>>, vector<1x16xi32>,
      %get3A_578 = vector.shape_cast %get3A_577 : vector<1x16xi32> to vector<16xi32>
      %get3A_579 = arith.index_cast %add3A_570 : i32 to index
      %get3A_580 = arith.constant 80 : index
      %get3A_581 = tpu.vector_load %arg9[%get3A_579, %get3A_580] {strides = array<i32>} : memref<80x128xi32, #tpu.memory_space<vmem>>, vector<1x16xi32>,
      %get3A_582 = vector.shape_cast %get3A_581 : vector<1x16xi32> to vector<16xi32>
      %shift_left3A_583 = arith.constant 16 : i32
      %shift_left3A_584 = vector.broadcast %shift_left3A_583 : i32 to vector<16xi32>
      %shift_left3A_585 = arith.shli %get3A_582, %shift_left3A_584 : vector<16xi32>
      %or3A_586 = arith.ori %get3A_578, %shift_left3A_585 : vector<16xi32>
      %swap3A_587 = arith.index_cast %add3A_574 : i32 to index
      %swap3A_588 = arith.constant 16 : index
      %swap3A_589 = tpu.vector_load %arg10[%swap3A_587, %swap3A_588] {strides = array<i32>} : memref<128x80xi32, #tpu.memory_space<vmem>>, vector<1x16xi32>,
      %swap3A_590 = vector.shape_cast %swap3A_589 : vector<1x16xi32> to vector<16xi32>
      %swap3A_591 = vector.shape_cast %or3A_586 : vector<16xi32> to vector<1x16xi32>
      tpu.vector_store %arg10[%swap3A_587, %swap3A_588], %swap3A_591 {strides = array<i32>} : memref<128x80xi32, #tpu.memory_space<vmem>>, vector<1x16xi32>,
      %mul3A_592 = arith.constant 5 : i32
      %mul3A_593 = arith.muli %scan3A_44, %mul3A_592 : i32
      %add3A_594 = arith.constant 2 : i32
      %add3A_595 = arith.addi %mul3A_593, %add3A_594 : i32
      %mul3A_596 = arith.constant 8 : i32
      %mul3A_597 = arith.muli %scan3A_44, %mul3A_596 : i32
      %add3A_598 = arith.constant 4 : i32
      %add3A_599 = arith.addi %mul3A_597, %add3A_598 : i32
      %get3A_600 = arith.index_cast %add3A_595 : i32 to index
      %get3A_601 = arith.constant 96 : index
      %get3A_602 = tpu.vector_load %arg8[%get3A_600, %get3A_601] {strides = array<i32>} : memref<80x128xi32, #tpu.memory_space<vmem>>, vector<1x16xi32>,
      %get3A_603 = vector.shape_cast %get3A_602 : vector<1x16xi32> to vector<16xi32>
      %get3A_604 = arith.index_cast %add3A_595 : i32 to index
      %get3A_605 = arith.constant 96 : index
      %get3A_606 = tpu.vector_load %arg9[%get3A_604, %get3A_605] {strides = array<i32>} : memref<80x128xi32, #tpu.memory_space<vmem>>, vector<1x16xi32>,
      %get3A_607 = vector.shape_cast %get3A_606 : vector<1x16xi32> to vector<16xi32>
      %shift_left3A_608 = arith.constant 16 : i32
      %shift_left3A_609 = vector.broadcast %shift_left3A_608 : i32 to vector<16xi32>
      %shift_left3A_610 = arith.shli %get3A_607, %shift_left3A_609 : vector<16xi32>
      %or3A_611 = arith.ori %get3A_603, %shift_left3A_610 : vector<16xi32>
      %swap3A_612 = arith.index_cast %add3A_599 : i32 to index
      %swap3A_613 = arith.constant 32 : index
      %swap3A_614 = tpu.vector_load %arg10[%swap3A_612, %swap3A_613] {strides = array<i32>} : memref<128x80xi32, #tpu.memory_space<vmem>>, vector<1x16xi32>,
      %swap3A_615 = vector.shape_cast %swap3A_614 : vector<1x16xi32> to vector<16xi32>
      %swap3A_616 = vector.shape_cast %or3A_611 : vector<16xi32> to vector<1x16xi32>
      tpu.vector_store %arg10[%swap3A_612, %swap3A_613], %swap3A_616 {strides = array<i32>} : memref<128x80xi32, #tpu.memory_space<vmem>>, vector<1x16xi32>,
      %mul3A_617 = arith.constant 5 : i32
      %mul3A_618 = arith.muli %scan3A_44, %mul3A_617 : i32
      %add3A_619 = arith.constant 2 : i32
      %add3A_620 = arith.addi %mul3A_618, %add3A_619 : i32
      %mul3A_621 = arith.constant 8 : i32
      %mul3A_622 = arith.muli %scan3A_44, %mul3A_621 : i32
      %add3A_623 = arith.constant 4 : i32
      %add3A_624 = arith.addi %mul3A_622, %add3A_623 : i32
      %get3A_625 = arith.index_cast %add3A_620 : i32 to index
      %get3A_626 = arith.constant 112 : index
      %get3A_627 = tpu.vector_load %arg8[%get3A_625, %get3A_626] {strides = array<i32>} : memref<80x128xi32, #tpu.memory_space<vmem>>, vector<1x16xi32>,
      %get3A_628 = vector.shape_cast %get3A_627 : vector<1x16xi32> to vector<16xi32>
      %get3A_629 = arith.index_cast %add3A_620 : i32 to index
      %get3A_630 = arith.constant 112 : index
      %get3A_631 = tpu.vector_load %arg9[%get3A_629, %get3A_630] {strides = array<i32>} : memref<80x128xi32, #tpu.memory_space<vmem>>, vector<1x16xi32>,
      %get3A_632 = vector.shape_cast %get3A_631 : vector<1x16xi32> to vector<16xi32>
      %shift_left3A_633 = arith.constant 16 : i32
      %shift_left3A_634 = vector.broadcast %shift_left3A_633 : i32 to vector<16xi32>
      %shift_left3A_635 = arith.shli %get3A_632, %shift_left3A_634 : vector<16xi32>
      %or3A_636 = arith.ori %get3A_628, %shift_left3A_635 : vector<16xi32>
      %swap3A_637 = arith.index_cast %add3A_624 : i32 to index
      %swap3A_638 = arith.constant 48 : index
      %swap3A_639 = tpu.vector_load %arg10[%swap3A_637, %swap3A_638] {strides = array<i32>} : memref<128x80xi32, #tpu.memory_space<vmem>>, vector<1x16xi32>,
      %swap3A_640 = vector.shape_cast %swap3A_639 : vector<1x16xi32> to vector<16xi32>
      %swap3A_641 = vector.shape_cast %or3A_636 : vector<16xi32> to vector<1x16xi32>
      tpu.vector_store %arg10[%swap3A_637, %swap3A_638], %swap3A_641 {strides = array<i32>} : memref<128x80xi32, #tpu.memory_space<vmem>>, vector<1x16xi32>,
      %mul3A_642 = arith.constant 5 : i32
      %mul3A_643 = arith.muli %scan3A_44, %mul3A_642 : i32
      %add3A_644 = arith.constant 3 : i32
      %add3A_645 = arith.addi %mul3A_643, %add3A_644 : i32
      %mul3A_646 = arith.constant 8 : i32
      %mul3A_647 = arith.muli %scan3A_44, %mul3A_646 : i32
      %add3A_648 = arith.constant 4 : i32
      %add3A_649 = arith.addi %mul3A_647, %add3A_648 : i32
      %get3A_650 = arith.index_cast %add3A_645 : i32 to index
      %get3A_651 = arith.constant 0 : index
      %get3A_652 = tpu.vector_load %arg8[%get3A_650, %get3A_651] {strides = array<i32>} : memref<80x128xi32, #tpu.memory_space<vmem>>, vector<1x16xi32>,
      %get3A_653 = vector.shape_cast %get3A_652 : vector<1x16xi32> to vector<16xi32>
      %get3A_654 = arith.index_cast %add3A_645 : i32 to index
      %get3A_655 = arith.constant 0 : index
      %get3A_656 = tpu.vector_load %arg9[%get3A_654, %get3A_655] {strides = array<i32>} : memref<80x128xi32, #tpu.memory_space<vmem>>, vector<1x16xi32>,
      %get3A_657 = vector.shape_cast %get3A_656 : vector<1x16xi32> to vector<16xi32>
      %shift_left3A_658 = arith.constant 16 : i32
      %shift_left3A_659 = vector.broadcast %shift_left3A_658 : i32 to vector<16xi32>
      %shift_left3A_660 = arith.shli %get3A_657, %shift_left3A_659 : vector<16xi32>
      %or3A_661 = arith.ori %get3A_653, %shift_left3A_660 : vector<16xi32>
      %swap3A_662 = arith.index_cast %add3A_649 : i32 to index
      %swap3A_663 = arith.constant 64 : index
      %swap3A_664 = tpu.vector_load %arg10[%swap3A_662, %swap3A_663] {strides = array<i32>} : memref<128x80xi32, #tpu.memory_space<vmem>>, vector<1x16xi32>,
      %swap3A_665 = vector.shape_cast %swap3A_664 : vector<1x16xi32> to vector<16xi32>
      %swap3A_666 = vector.shape_cast %or3A_661 : vector<16xi32> to vector<1x16xi32>
      tpu.vector_store %arg10[%swap3A_662, %swap3A_663], %swap3A_666 {strides = array<i32>} : memref<128x80xi32, #tpu.memory_space<vmem>>, vector<1x16xi32>,
      %mul3A_667 = arith.constant 5 : i32
      %mul3A_668 = arith.muli %scan3A_44, %mul3A_667 : i32
      %add3A_669 = arith.constant 3 : i32
      %add3A_670 = arith.addi %mul3A_668, %add3A_669 : i32
      %mul3A_671 = arith.constant 8 : i32
      %mul3A_672 = arith.muli %scan3A_44, %mul3A_671 : i32
      %add3A_673 = arith.constant 5 : i32
      %add3A_674 = arith.addi %mul3A_672, %add3A_673 : i32
      %get3A_675 = arith.index_cast %add3A_670 : i32 to index
      %get3A_676 = arith.constant 16 : index
      %get3A_677 = tpu.vector_load %arg8[%get3A_675, %get3A_676] {strides = array<i32>} : memref<80x128xi32, #tpu.memory_space<vmem>>, vector<1x16xi32>,
      %get3A_678 = vector.shape_cast %get3A_677 : vector<1x16xi32> to vector<16xi32>
      %get3A_679 = arith.index_cast %add3A_670 : i32 to index
      %get3A_680 = arith.constant 16 : index
      %get3A_681 = tpu.vector_load %arg9[%get3A_679, %get3A_680] {strides = array<i32>} : memref<80x128xi32, #tpu.memory_space<vmem>>, vector<1x16xi32>,
      %get3A_682 = vector.shape_cast %get3A_681 : vector<1x16xi32> to vector<16xi32>
      %shift_left3A_683 = arith.constant 16 : i32
      %shift_left3A_684 = vector.broadcast %shift_left3A_683 : i32 to vector<16xi32>
      %shift_left3A_685 = arith.shli %get3A_682, %shift_left3A_684 : vector<16xi32>
      %or3A_686 = arith.ori %get3A_678, %shift_left3A_685 : vector<16xi32>
      %swap3A_687 = arith.index_cast %add3A_674 : i32 to index
      %swap3A_688 = arith.constant 0 : index
      %swap3A_689 = tpu.vector_load %arg10[%swap3A_687, %swap3A_688] {strides = array<i32>} : memref<128x80xi32, #tpu.memory_space<vmem>>, vector<1x16xi32>,
      %swap3A_690 = vector.shape_cast %swap3A_689 : vector<1x16xi32> to vector<16xi32>
      %swap3A_691 = vector.shape_cast %or3A_686 : vector<16xi32> to vector<1x16xi32>
      tpu.vector_store %arg10[%swap3A_687, %swap3A_688], %swap3A_691 {strides = array<i32>} : memref<128x80xi32, #tpu.memory_space<vmem>>, vector<1x16xi32>,
      %mul3A_692 = arith.constant 5 : i32
      %mul3A_693 = arith.muli %scan3A_44, %mul3A_692 : i32
      %add3A_694 = arith.constant 3 : i32
      %add3A_695 = arith.addi %mul3A_693, %add3A_694 : i32
      %mul3A_696 = arith.constant 8 : i32
      %mul3A_697 = arith.muli %scan3A_44, %mul3A_696 : i32
      %add3A_698 = arith.constant 5 : i32
      %add3A_699 = arith.addi %mul3A_697, %add3A_698 : i32
      %get3A_700 = arith.index_cast %add3A_695 : i32 to index
      %get3A_701 = arith.constant 32 : index
      %get3A_702 = tpu.vector_load %arg8[%get3A_700, %get3A_701] {strides = array<i32>} : memref<80x128xi32, #tpu.memory_space<vmem>>, vector<1x16xi32>,
      %get3A_703 = vector.shape_cast %get3A_702 : vector<1x16xi32> to vector<16xi32>
      %get3A_704 = arith.index_cast %add3A_695 : i32 to index
      %get3A_705 = arith.constant 32 : index
      %get3A_706 = tpu.vector_load %arg9[%get3A_704, %get3A_705] {strides = array<i32>} : memref<80x128xi32, #tpu.memory_space<vmem>>, vector<1x16xi32>,
      %get3A_707 = vector.shape_cast %get3A_706 : vector<1x16xi32> to vector<16xi32>
      %shift_left3A_708 = arith.constant 16 : i32
      %shift_left3A_709 = vector.broadcast %shift_left3A_708 : i32 to vector<16xi32>
      %shift_left3A_710 = arith.shli %get3A_707, %shift_left3A_709 : vector<16xi32>
      %or3A_711 = arith.ori %get3A_703, %shift_left3A_710 : vector<16xi32>
      %swap3A_712 = arith.index_cast %add3A_699 : i32 to index
      %swap3A_713 = arith.constant 16 : index
      %swap3A_714 = tpu.vector_load %arg10[%swap3A_712, %swap3A_713] {strides = array<i32>} : memref<128x80xi32, #tpu.memory_space<vmem>>, vector<1x16xi32>,
      %swap3A_715 = vector.shape_cast %swap3A_714 : vector<1x16xi32> to vector<16xi32>
      %swap3A_716 = vector.shape_cast %or3A_711 : vector<16xi32> to vector<1x16xi32>
      tpu.vector_store %arg10[%swap3A_712, %swap3A_713], %swap3A_716 {strides = array<i32>} : memref<128x80xi32, #tpu.memory_space<vmem>>, vector<1x16xi32>,
      %mul3A_717 = arith.constant 5 : i32
      %mul3A_718 = arith.muli %scan3A_44, %mul3A_717 : i32
      %add3A_719 = arith.constant 3 : i32
      %add3A_720 = arith.addi %mul3A_718, %add3A_719 : i32
      %mul3A_721 = arith.constant 8 : i32
      %mul3A_722 = arith.muli %scan3A_44, %mul3A_721 : i32
      %add3A_723 = arith.constant 5 : i32
      %add3A_724 = arith.addi %mul3A_722, %add3A_723 : i32
      %get3A_725 = arith.index_cast %add3A_720 : i32 to index
      %get3A_726 = arith.constant 48 : index
      %get3A_727 = tpu.vector_load %arg8[%get3A_725, %get3A_726] {strides = array<i32>} : memref<80x128xi32, #tpu.memory_space<vmem>>, vector<1x16xi32>,
      %get3A_728 = vector.shape_cast %get3A_727 : vector<1x16xi32> to vector<16xi32>
      %get3A_729 = arith.index_cast %add3A_720 : i32 to index
      %get3A_730 = arith.constant 48 : index
      %get3A_731 = tpu.vector_load %arg9[%get3A_729, %get3A_730] {strides = array<i32>} : memref<80x128xi32, #tpu.memory_space<vmem>>, vector<1x16xi32>,
      %get3A_732 = vector.shape_cast %get3A_731 : vector<1x16xi32> to vector<16xi32>
      %shift_left3A_733 = arith.constant 16 : i32
      %shift_left3A_734 = vector.broadcast %shift_left3A_733 : i32 to vector<16xi32>
      %shift_left3A_735 = arith.shli %get3A_732, %shift_left3A_734 : vector<16xi32>
      %or3A_736 = arith.ori %get3A_728, %shift_left3A_735 : vector<16xi32>
      %swap3A_737 = arith.index_cast %add3A_724 : i32 to index
      %swap3A_738 = arith.constant 32 : index
      %swap3A_739 = tpu.vector_load %arg10[%swap3A_737, %swap3A_738] {strides = array<i32>} : memref<128x80xi32, #tpu.memory_space<vmem>>, vector<1x16xi32>,
      %swap3A_740 = vector.shape_cast %swap3A_739 : vector<1x16xi32> to vector<16xi32>
      %swap3A_741 = vector.shape_cast %or3A_736 : vector<16xi32> to vector<1x16xi32>
      tpu.vector_store %arg10[%swap3A_737, %swap3A_738], %swap3A_741 {strides = array<i32>} : memref<128x80xi32, #tpu.memory_space<vmem>>, vector<1x16xi32>,
      %mul3A_742 = arith.constant 5 : i32
      %mul3A_743 = arith.muli %scan3A_44, %mul3A_742 : i32
      %add3A_744 = arith.constant 3 : i32
      %add3A_745 = arith.addi %mul3A_743, %add3A_744 : i32
      %mul3A_746 = arith.constant 8 : i32
      %mul3A_747 = arith.muli %scan3A_44, %mul3A_746 : i32
      %add3A_748 = arith.constant 5 : i32
      %add3A_749 = arith.addi %mul3A_747, %add3A_748 : i32
      %get3A_750 = arith.index_cast %add3A_745 : i32 to index
      %get3A_751 = arith.constant 64 : index
      %get3A_752 = tpu.vector_load %arg8[%get3A_750, %get3A_751] {strides = array<i32>} : memref<80x128xi32, #tpu.memory_space<vmem>>, vector<1x16xi32>,
      %get3A_753 = vector.shape_cast %get3A_752 : vector<1x16xi32> to vector<16xi32>
      %get3A_754 = arith.index_cast %add3A_745 : i32 to index
      %get3A_755 = arith.constant 64 : index
      %get3A_756 = tpu.vector_load %arg9[%get3A_754, %get3A_755] {strides = array<i32>} : memref<80x128xi32, #tpu.memory_space<vmem>>, vector<1x16xi32>,
      %get3A_757 = vector.shape_cast %get3A_756 : vector<1x16xi32> to vector<16xi32>
      %shift_left3A_758 = arith.constant 16 : i32
      %shift_left3A_759 = vector.broadcast %shift_left3A_758 : i32 to vector<16xi32>
      %shift_left3A_760 = arith.shli %get3A_757, %shift_left3A_759 : vector<16xi32>
      %or3A_761 = arith.ori %get3A_753, %shift_left3A_760 : vector<16xi32>
      %swap3A_762 = arith.index_cast %add3A_749 : i32 to index
      %swap3A_763 = arith.constant 48 : index
      %swap3A_764 = tpu.vector_load %arg10[%swap3A_762, %swap3A_763] {strides = array<i32>} : memref<128x80xi32, #tpu.memory_space<vmem>>, vector<1x16xi32>,
      %swap3A_765 = vector.shape_cast %swap3A_764 : vector<1x16xi32> to vector<16xi32>
      %swap3A_766 = vector.shape_cast %or3A_761 : vector<16xi32> to vector<1x16xi32>
      tpu.vector_store %arg10[%swap3A_762, %swap3A_763], %swap3A_766 {strides = array<i32>} : memref<128x80xi32, #tpu.memory_space<vmem>>, vector<1x16xi32>,
      %mul3A_767 = arith.constant 5 : i32
      %mul3A_768 = arith.muli %scan3A_44, %mul3A_767 : i32
      %add3A_769 = arith.constant 3 : i32
      %add3A_770 = arith.addi %mul3A_768, %add3A_769 : i32
      %mul3A_771 = arith.constant 8 : i32
      %mul3A_772 = arith.muli %scan3A_44, %mul3A_771 : i32
      %add3A_773 = arith.constant 5 : i32
      %add3A_774 = arith.addi %mul3A_772, %add3A_773 : i32
      %get3A_775 = arith.index_cast %add3A_770 : i32 to index
      %get3A_776 = arith.constant 80 : index
      %get3A_777 = tpu.vector_load %arg8[%get3A_775, %get3A_776] {strides = array<i32>} : memref<80x128xi32, #tpu.memory_space<vmem>>, vector<1x16xi32>,
      %get3A_778 = vector.shape_cast %get3A_777 : vector<1x16xi32> to vector<16xi32>
      %get3A_779 = arith.index_cast %add3A_770 : i32 to index
      %get3A_780 = arith.constant 80 : index
      %get3A_781 = tpu.vector_load %arg9[%get3A_779, %get3A_780] {strides = array<i32>} : memref<80x128xi32, #tpu.memory_space<vmem>>, vector<1x16xi32>,
      %get3A_782 = vector.shape_cast %get3A_781 : vector<1x16xi32> to vector<16xi32>
      %shift_left3A_783 = arith.constant 16 : i32
      %shift_left3A_784 = vector.broadcast %shift_left3A_783 : i32 to vector<16xi32>
      %shift_left3A_785 = arith.shli %get3A_782, %shift_left3A_784 : vector<16xi32>
      %or3A_786 = arith.ori %get3A_778, %shift_left3A_785 : vector<16xi32>
      %swap3A_787 = arith.index_cast %add3A_774 : i32 to index
      %swap3A_788 = arith.constant 64 : index
      %swap3A_789 = tpu.vector_load %arg10[%swap3A_787, %swap3A_788] {strides = array<i32>} : memref<128x80xi32, #tpu.memory_space<vmem>>, vector<1x16xi32>,
      %swap3A_790 = vector.shape_cast %swap3A_789 : vector<1x16xi32> to vector<16xi32>
      %swap3A_791 = vector.shape_cast %or3A_786 : vector<16xi32> to vector<1x16xi32>
      tpu.vector_store %arg10[%swap3A_787, %swap3A_788], %swap3A_791 {strides = array<i32>} : memref<128x80xi32, #tpu.memory_space<vmem>>, vector<1x16xi32>,
      %mul3A_792 = arith.constant 5 : i32
      %mul3A_793 = arith.muli %scan3A_44, %mul3A_792 : i32
      %add3A_794 = arith.constant 3 : i32
      %add3A_795 = arith.addi %mul3A_793, %add3A_794 : i32
      %mul3A_796 = arith.constant 8 : i32
      %mul3A_797 = arith.muli %scan3A_44, %mul3A_796 : i32
      %add3A_798 = arith.constant 6 : i32
      %add3A_799 = arith.addi %mul3A_797, %add3A_798 : i32
      %get3A_800 = arith.index_cast %add3A_795 : i32 to index
      %get3A_801 = arith.constant 96 : index
      %get3A_802 = tpu.vector_load %arg8[%get3A_800, %get3A_801] {strides = array<i32>} : memref<80x128xi32, #tpu.memory_space<vmem>>, vector<1x16xi32>,
      %get3A_803 = vector.shape_cast %get3A_802 : vector<1x16xi32> to vector<16xi32>
      %get3A_804 = arith.index_cast %add3A_795 : i32 to index
      %get3A_805 = arith.constant 96 : index
      %get3A_806 = tpu.vector_load %arg9[%get3A_804, %get3A_805] {strides = array<i32>} : memref<80x128xi32, #tpu.memory_space<vmem>>, vector<1x16xi32>,
      %get3A_807 = vector.shape_cast %get3A_806 : vector<1x16xi32> to vector<16xi32>
      %shift_left3A_808 = arith.constant 16 : i32
      %shift_left3A_809 = vector.broadcast %shift_left3A_808 : i32 to vector<16xi32>
      %shift_left3A_810 = arith.shli %get3A_807, %shift_left3A_809 : vector<16xi32>
      %or3A_811 = arith.ori %get3A_803, %shift_left3A_810 : vector<16xi32>
      %swap3A_812 = arith.index_cast %add3A_799 : i32 to index
      %swap3A_813 = arith.constant 0 : index
      %swap3A_814 = tpu.vector_load %arg10[%swap3A_812, %swap3A_813] {strides = array<i32>} : memref<128x80xi32, #tpu.memory_space<vmem>>, vector<1x16xi32>,
      %swap3A_815 = vector.shape_cast %swap3A_814 : vector<1x16xi32> to vector<16xi32>
      %swap3A_816 = vector.shape_cast %or3A_811 : vector<16xi32> to vector<1x16xi32>
      tpu.vector_store %arg10[%swap3A_812, %swap3A_813], %swap3A_816 {strides = array<i32>} : memref<128x80xi32, #tpu.memory_space<vmem>>, vector<1x16xi32>,
      %mul3A_817 = arith.constant 5 : i32
      %mul3A_818 = arith.muli %scan3A_44, %mul3A_817 : i32
      %add3A_819 = arith.constant 3 : i32
      %add3A_820 = arith.addi %mul3A_818, %add3A_819 : i32
      %mul3A_821 = arith.constant 8 : i32
      %mul3A_822 = arith.muli %scan3A_44, %mul3A_821 : i32
      %add3A_823 = arith.constant 6 : i32
      %add3A_824 = arith.addi %mul3A_822, %add3A_823 : i32
      %get3A_825 = arith.index_cast %add3A_820 : i32 to index
      %get3A_826 = arith.constant 112 : index
      %get3A_827 = tpu.vector_load %arg8[%get3A_825, %get3A_826] {strides = array<i32>} : memref<80x128xi32, #tpu.memory_space<vmem>>, vector<1x16xi32>,
      %get3A_828 = vector.shape_cast %get3A_827 : vector<1x16xi32> to vector<16xi32>
      %get3A_829 = arith.index_cast %add3A_820 : i32 to index
      %get3A_830 = arith.constant 112 : index
      %get3A_831 = tpu.vector_load %arg9[%get3A_829, %get3A_830] {strides = array<i32>} : memref<80x128xi32, #tpu.memory_space<vmem>>, vector<1x16xi32>,
      %get3A_832 = vector.shape_cast %get3A_831 : vector<1x16xi32> to vector<16xi32>
      %shift_left3A_833 = arith.constant 16 : i32
      %shift_left3A_834 = vector.broadcast %shift_left3A_833 : i32 to vector<16xi32>
      %shift_left3A_835 = arith.shli %get3A_832, %shift_left3A_834 : vector<16xi32>
      %or3A_836 = arith.ori %get3A_828, %shift_left3A_835 : vector<16xi32>
      %swap3A_837 = arith.index_cast %add3A_824 : i32 to index
      %swap3A_838 = arith.constant 16 : index
      %swap3A_839 = tpu.vector_load %arg10[%swap3A_837, %swap3A_838] {strides = array<i32>} : memref<128x80xi32, #tpu.memory_space<vmem>>, vector<1x16xi32>,
      %swap3A_840 = vector.shape_cast %swap3A_839 : vector<1x16xi32> to vector<16xi32>
      %swap3A_841 = vector.shape_cast %or3A_836 : vector<16xi32> to vector<1x16xi32>
      tpu.vector_store %arg10[%swap3A_837, %swap3A_838], %swap3A_841 {strides = array<i32>} : memref<128x80xi32, #tpu.memory_space<vmem>>, vector<1x16xi32>,
      %mul3A_842 = arith.constant 5 : i32
      %mul3A_843 = arith.muli %scan3A_44, %mul3A_842 : i32
      %add3A_844 = arith.constant 4 : i32
      %add3A_845 = arith.addi %mul3A_843, %add3A_844 : i32
      %mul3A_846 = arith.constant 8 : i32
      %mul3A_847 = arith.muli %scan3A_44, %mul3A_846 : i32
      %add3A_848 = arith.constant 6 : i32
      %add3A_849 = arith.addi %mul3A_847, %add3A_848 : i32
      %get3A_850 = arith.index_cast %add3A_845 : i32 to index
      %get3A_851 = arith.constant 0 : index
      %get3A_852 = tpu.vector_load %arg8[%get3A_850, %get3A_851] {strides = array<i32>} : memref<80x128xi32, #tpu.memory_space<vmem>>, vector<1x16xi32>,
      %get3A_853 = vector.shape_cast %get3A_852 : vector<1x16xi32> to vector<16xi32>
      %get3A_854 = arith.index_cast %add3A_845 : i32 to index
      %get3A_855 = arith.constant 0 : index
      %get3A_856 = tpu.vector_load %arg9[%get3A_854, %get3A_855] {strides = array<i32>} : memref<80x128xi32, #tpu.memory_space<vmem>>, vector<1x16xi32>,
      %get3A_857 = vector.shape_cast %get3A_856 : vector<1x16xi32> to vector<16xi32>
      %shift_left3A_858 = arith.constant 16 : i32
      %shift_left3A_859 = vector.broadcast %shift_left3A_858 : i32 to vector<16xi32>
      %shift_left3A_860 = arith.shli %get3A_857, %shift_left3A_859 : vector<16xi32>
      %or3A_861 = arith.ori %get3A_853, %shift_left3A_860 : vector<16xi32>
      %swap3A_862 = arith.index_cast %add3A_849 : i32 to index
      %swap3A_863 = arith.constant 32 : index
      %swap3A_864 = tpu.vector_load %arg10[%swap3A_862, %swap3A_863] {strides = array<i32>} : memref<128x80xi32, #tpu.memory_space<vmem>>, vector<1x16xi32>,
      %swap3A_865 = vector.shape_cast %swap3A_864 : vector<1x16xi32> to vector<16xi32>
      %swap3A_866 = vector.shape_cast %or3A_861 : vector<16xi32> to vector<1x16xi32>
      tpu.vector_store %arg10[%swap3A_862, %swap3A_863], %swap3A_866 {strides = array<i32>} : memref<128x80xi32, #tpu.memory_space<vmem>>, vector<1x16xi32>,
      %mul3A_867 = arith.constant 5 : i32
      %mul3A_868 = arith.muli %scan3A_44, %mul3A_867 : i32
      %add3A_869 = arith.constant 4 : i32
      %add3A_870 = arith.addi %mul3A_868, %add3A_869 : i32
      %mul3A_871 = arith.constant 8 : i32
      %mul3A_872 = arith.muli %scan3A_44, %mul3A_871 : i32
      %add3A_873 = arith.constant 6 : i32
      %add3A_874 = arith.addi %mul3A_872, %add3A_873 : i32
      %get3A_875 = arith.index_cast %add3A_870 : i32 to index
      %get3A_876 = arith.constant 16 : index
      %get3A_877 = tpu.vector_load %arg8[%get3A_875, %get3A_876] {strides = array<i32>} : memref<80x128xi32, #tpu.memory_space<vmem>>, vector<1x16xi32>,
      %get3A_878 = vector.shape_cast %get3A_877 : vector<1x16xi32> to vector<16xi32>
      %get3A_879 = arith.index_cast %add3A_870 : i32 to index
      %get3A_880 = arith.constant 16 : index
      %get3A_881 = tpu.vector_load %arg9[%get3A_879, %get3A_880] {strides = array<i32>} : memref<80x128xi32, #tpu.memory_space<vmem>>, vector<1x16xi32>,
      %get3A_882 = vector.shape_cast %get3A_881 : vector<1x16xi32> to vector<16xi32>
      %shift_left3A_883 = arith.constant 16 : i32
      %shift_left3A_884 = vector.broadcast %shift_left3A_883 : i32 to vector<16xi32>
      %shift_left3A_885 = arith.shli %get3A_882, %shift_left3A_884 : vector<16xi32>
      %or3A_886 = arith.ori %get3A_878, %shift_left3A_885 : vector<16xi32>
      %swap3A_887 = arith.index_cast %add3A_874 : i32 to index
      %swap3A_888 = arith.constant 48 : index
      %swap3A_889 = tpu.vector_load %arg10[%swap3A_887, %swap3A_888] {strides = array<i32>} : memref<128x80xi32, #tpu.memory_space<vmem>>, vector<1x16xi32>,
      %swap3A_890 = vector.shape_cast %swap3A_889 : vector<1x16xi32> to vector<16xi32>
      %swap3A_891 = vector.shape_cast %or3A_886 : vector<16xi32> to vector<1x16xi32>
      tpu.vector_store %arg10[%swap3A_887, %swap3A_888], %swap3A_891 {strides = array<i32>} : memref<128x80xi32, #tpu.memory_space<vmem>>, vector<1x16xi32>,
      %mul3A_892 = arith.constant 5 : i32
      %mul3A_893 = arith.muli %scan3A_44, %mul3A_892 : i32
      %add3A_894 = arith.constant 4 : i32
      %add3A_895 = arith.addi %mul3A_893, %add3A_894 : i32
      %mul3A_896 = arith.constant 8 : i32
      %mul3A_897 = arith.muli %scan3A_44, %mul3A_896 : i32
      %add3A_898 = arith.constant 6 : i32
      %add3A_899 = arith.addi %mul3A_897, %add3A_898 : i32
      %get3A_900 = arith.index_cast %add3A_895 : i32 to index
      %get3A_901 = arith.constant 32 : index
      %get3A_902 = tpu.vector_load %arg8[%get3A_900, %get3A_901] {strides = array<i32>} : memref<80x128xi32, #tpu.memory_space<vmem>>, vector<1x16xi32>,
      %get3A_903 = vector.shape_cast %get3A_902 : vector<1x16xi32> to vector<16xi32>
      %get3A_904 = arith.index_cast %add3A_895 : i32 to index
      %get3A_905 = arith.constant 32 : index
      %get3A_906 = tpu.vector_load %arg9[%get3A_904, %get3A_905] {strides = array<i32>} : memref<80x128xi32, #tpu.memory_space<vmem>>, vector<1x16xi32>,
      %get3A_907 = vector.shape_cast %get3A_906 : vector<1x16xi32> to vector<16xi32>
      %shift_left3A_908 = arith.constant 16 : i32
      %shift_left3A_909 = vector.broadcast %shift_left3A_908 : i32 to vector<16xi32>
      %shift_left3A_910 = arith.shli %get3A_907, %shift_left3A_909 : vector<16xi32>
      %or3A_911 = arith.ori %get3A_903, %shift_left3A_910 : vector<16xi32>
      %swap3A_912 = arith.index_cast %add3A_899 : i32 to index
      %swap3A_913 = arith.constant 64 : index
      %swap3A_914 = tpu.vector_load %arg10[%swap3A_912, %swap3A_913] {strides = array<i32>} : memref<128x80xi32, #tpu.memory_space<vmem>>, vector<1x16xi32>,
      %swap3A_915 = vector.shape_cast %swap3A_914 : vector<1x16xi32> to vector<16xi32>
      %swap3A_916 = vector.shape_cast %or3A_911 : vector<16xi32> to vector<1x16xi32>
      tpu.vector_store %arg10[%swap3A_912, %swap3A_913], %swap3A_916 {strides = array<i32>} : memref<128x80xi32, #tpu.memory_space<vmem>>, vector<1x16xi32>,
      %mul3A_917 = arith.constant 5 : i32
      %mul3A_918 = arith.muli %scan3A_44, %mul3A_917 : i32
      %add3A_919 = arith.constant 4 : i32
      %add3A_920 = arith.addi %mul3A_918, %add3A_919 : i32
      %mul3A_921 = arith.constant 8 : i32
      %mul3A_922 = arith.muli %scan3A_44, %mul3A_921 : i32
      %add3A_923 = arith.constant 7 : i32
      %add3A_924 = arith.addi %mul3A_922, %add3A_923 : i32
      %get3A_925 = arith.index_cast %add3A_920 : i32 to index
      %get3A_926 = arith.constant 48 : index
      %get3A_927 = tpu.vector_load %arg8[%get3A_925, %get3A_926] {strides = array<i32>} : memref<80x128xi32, #tpu.memory_space<vmem>>, vector<1x16xi32>,
      %get3A_928 = vector.shape_cast %get3A_927 : vector<1x16xi32> to vector<16xi32>
      %get3A_929 = arith.index_cast %add3A_920 : i32 to index
      %get3A_930 = arith.constant 48 : index
      %get3A_931 = tpu.vector_load %arg9[%get3A_929, %get3A_930] {strides = array<i32>} : memref<80x128xi32, #tpu.memory_space<vmem>>, vector<1x16xi32>,
      %get3A_932 = vector.shape_cast %get3A_931 : vector<1x16xi32> to vector<16xi32>
      %shift_left3A_933 = arith.constant 16 : i32
      %shift_left3A_934 = vector.broadcast %shift_left3A_933 : i32 to vector<16xi32>
      %shift_left3A_935 = arith.shli %get3A_932, %shift_left3A_934 : vector<16xi32>
      %or3A_936 = arith.ori %get3A_928, %shift_left3A_935 : vector<16xi32>
      %swap3A_937 = arith.index_cast %add3A_924 : i32 to index
      %swap3A_938 = arith.constant 0 : index
      %swap3A_939 = tpu.vector_load %arg10[%swap3A_937, %swap3A_938] {strides = array<i32>} : memref<128x80xi32, #tpu.memory_space<vmem>>, vector<1x16xi32>,
      %swap3A_940 = vector.shape_cast %swap3A_939 : vector<1x16xi32> to vector<16xi32>
      %swap3A_941 = vector.shape_cast %or3A_936 : vector<16xi32> to vector<1x16xi32>
      tpu.vector_store %arg10[%swap3A_937, %swap3A_938], %swap3A_941 {strides = array<i32>} : memref<128x80xi32, #tpu.memory_space<vmem>>, vector<1x16xi32>,
      %mul3A_942 = arith.constant 5 : i32
      %mul3A_943 = arith.muli %scan3A_44, %mul3A_942 : i32
      %add3A_944 = arith.constant 4 : i32
      %add3A_945 = arith.addi %mul3A_943, %add3A_944 : i32
      %mul3A_946 = arith.constant 8 : i32
      %mul3A_947 = arith.muli %scan3A_44, %mul3A_946 : i32
      %add3A_948 = arith.constant 7 : i32
      %add3A_949 = arith.addi %mul3A_947, %add3A_948 : i32
      %get3A_950 = arith.index_cast %add3A_945 : i32 to index
      %get3A_951 = arith.constant 64 : index
      %get3A_952 = tpu.vector_load %arg8[%get3A_950, %get3A_951] {strides = array<i32>} : memref<80x128xi32, #tpu.memory_space<vmem>>, vector<1x16xi32>,
      %get3A_953 = vector.shape_cast %get3A_952 : vector<1x16xi32> to vector<16xi32>
      %get3A_954 = arith.index_cast %add3A_945 : i32 to index
      %get3A_955 = arith.constant 64 : index
      %get3A_956 = tpu.vector_load %arg9[%get3A_954, %get3A_955] {strides = array<i32>} : memref<80x128xi32, #tpu.memory_space<vmem>>, vector<1x16xi32>,
      %get3A_957 = vector.shape_cast %get3A_956 : vector<1x16xi32> to vector<16xi32>
      %shift_left3A_958 = arith.constant 16 : i32
      %shift_left3A_959 = vector.broadcast %shift_left3A_958 : i32 to vector<16xi32>
      %shift_left3A_960 = arith.shli %get3A_957, %shift_left3A_959 : vector<16xi32>
      %or3A_961 = arith.ori %get3A_953, %shift_left3A_960 : vector<16xi32>
      %swap3A_962 = arith.index_cast %add3A_949 : i32 to index
      %swap3A_963 = arith.constant 16 : index
      %swap3A_964 = tpu.vector_load %arg10[%swap3A_962, %swap3A_963] {strides = array<i32>} : memref<128x80xi32, #tpu.memory_space<vmem>>, vector<1x16xi32>,
      %swap3A_965 = vector.shape_cast %swap3A_964 : vector<1x16xi32> to vector<16xi32>
      %swap3A_966 = vector.shape_cast %or3A_961 : vector<16xi32> to vector<1x16xi32>
      tpu.vector_store %arg10[%swap3A_962, %swap3A_963], %swap3A_966 {strides = array<i32>} : memref<128x80xi32, #tpu.memory_space<vmem>>, vector<1x16xi32>,
      %mul3A_967 = arith.constant 5 : i32
      %mul3A_968 = arith.muli %scan3A_44, %mul3A_967 : i32
      %add3A_969 = arith.constant 4 : i32
      %add3A_970 = arith.addi %mul3A_968, %add3A_969 : i32
      %mul3A_971 = arith.constant 8 : i32
      %mul3A_972 = arith.muli %scan3A_44, %mul3A_971 : i32
      %add3A_973 = arith.constant 7 : i32
      %add3A_974 = arith.addi %mul3A_972, %add3A_973 : i32
      %get3A_975 = arith.index_cast %add3A_970 : i32 to index
      %get3A_976 = arith.constant 80 : index
      %get3A_977 = tpu.vector_load %arg8[%get3A_975, %get3A_976] {strides = array<i32>} : memref<80x128xi32, #tpu.memory_space<vmem>>, vector<1x16xi32>,
      %get3A_978 = vector.shape_cast %get3A_977 : vector<1x16xi32> to vector<16xi32>
      %get3A_979 = arith.index_cast %add3A_970 : i32 to index
      %get3A_980 = arith.constant 80 : index
      %get3A_981 = tpu.vector_load %arg9[%get3A_979, %get3A_980] {strides = array<i32>} : memref<80x128xi32, #tpu.memory_space<vmem>>, vector<1x16xi32>,
      %get3A_982 = vector.shape_cast %get3A_981 : vector<1x16xi32> to vector<16xi32>
      %shift_left3A_983 = arith.constant 16 : i32
      %shift_left3A_984 = vector.broadcast %shift_left3A_983 : i32 to vector<16xi32>
      %shift_left3A_985 = arith.shli %get3A_982, %shift_left3A_984 : vector<16xi32>
      %or3A_986 = arith.ori %get3A_978, %shift_left3A_985 : vector<16xi32>
      %swap3A_987 = arith.index_cast %add3A_974 : i32 to index
      %swap3A_988 = arith.constant 32 : index
      %swap3A_989 = tpu.vector_load %arg10[%swap3A_987, %swap3A_988] {strides = array<i32>} : memref<128x80xi32, #tpu.memory_space<vmem>>, vector<1x16xi32>,
      %swap3A_990 = vector.shape_cast %swap3A_989 : vector<1x16xi32> to vector<16xi32>
      %swap3A_991 = vector.shape_cast %or3A_986 : vector<16xi32> to vector<1x16xi32>
      tpu.vector_store %arg10[%swap3A_987, %swap3A_988], %swap3A_991 {strides = array<i32>} : memref<128x80xi32, #tpu.memory_space<vmem>>, vector<1x16xi32>,
      %mul3A_992 = arith.constant 5 : i32
      %mul3A_993 = arith.muli %scan3A_44, %mul3A_992 : i32
      %add3A_994 = arith.constant 4 : i32
      %add3A_995 = arith.addi %mul3A_993, %add3A_994 : i32
      %mul3A_996 = arith.constant 8 : i32
      %mul3A_997 = arith.muli %scan3A_44, %mul3A_996 : i32
      %add3A_998 = arith.constant 7 : i32
      %add3A_999 = arith.addi %mul3A_997, %add3A_998 : i32
      %get3A_1000 = arith.index_cast %add3A_995 : i32 to index
      %get3A_1001 = arith.constant 96 : index
      %get3A_1002 = tpu.vector_load %arg8[%get3A_1000, %get3A_1001] {strides = array<i32>} : memref<80x128xi32, #tpu.memory_space<vmem>>, vector<1x16xi32>,
      %get3A_1003 = vector.shape_cast %get3A_1002 : vector<1x16xi32> to vector<16xi32>
      %get3A_1004 = arith.index_cast %add3A_995 : i32 to index
      %get3A_1005 = arith.constant 96 : index
      %get3A_1006 = tpu.vector_load %arg9[%get3A_1004, %get3A_1005] {strides = array<i32>} : memref<80x128xi32, #tpu.memory_space<vmem>>, vector<1x16xi32>,
      %get3A_1007 = vector.shape_cast %get3A_1006 : vector<1x16xi32> to vector<16xi32>
      %shift_left3A_1008 = arith.constant 16 : i32
      %shift_left3A_1009 = vector.broadcast %shift_left3A_1008 : i32 to vector<16xi32>
      %shift_left3A_1010 = arith.shli %get3A_1007, %shift_left3A_1009 : vector<16xi32>
      %or3A_1011 = arith.ori %get3A_1003, %shift_left3A_1010 : vector<16xi32>
      %swap3A_1012 = arith.index_cast %add3A_999 : i32 to index
      %swap3A_1013 = arith.constant 48 : index
      %swap3A_1014 = tpu.vector_load %arg10[%swap3A_1012, %swap3A_1013] {strides = array<i32>} : memref<128x80xi32, #tpu.memory_space<vmem>>, vector<1x16xi32>,
      %swap3A_1015 = vector.shape_cast %swap3A_1014 : vector<1x16xi32> to vector<16xi32>
      %swap3A_1016 = vector.shape_cast %or3A_1011 : vector<16xi32> to vector<1x16xi32>
      tpu.vector_store %arg10[%swap3A_1012, %swap3A_1013], %swap3A_1016 {strides = array<i32>} : memref<128x80xi32, #tpu.memory_space<vmem>>, vector<1x16xi32>,
      %mul3A_1017 = arith.constant 5 : i32
      %mul3A_1018 = arith.muli %scan3A_44, %mul3A_1017 : i32
      %add3A_1019 = arith.constant 4 : i32
      %add3A_1020 = arith.addi %mul3A_1018, %add3A_1019 : i32
      %mul3A_1021 = arith.constant 8 : i32
      %mul3A_1022 = arith.muli %scan3A_44, %mul3A_1021 : i32
      %add3A_1023 = arith.constant 7 : i32
      %add3A_1024 = arith.addi %mul3A_1022, %add3A_1023 : i32
      %get3A_1025 = arith.index_cast %add3A_1020 : i32 to index
      %get3A_1026 = arith.constant 112 : index
      %get3A_1027 = tpu.vector_load %arg8[%get3A_1025, %get3A_1026] {strides = array<i32>} : memref<80x128xi32, #tpu.memory_space<vmem>>, vector<1x16xi32>,
      %get3A_1028 = vector.shape_cast %get3A_1027 : vector<1x16xi32> to vector<16xi32>
      %get3A_1029 = arith.index_cast %add3A_1020 : i32 to index
      %get3A_1030 = arith.constant 112 : index
      %get3A_1031 = tpu.vector_load %arg9[%get3A_1029, %get3A_1030] {strides = array<i32>} : memref<80x128xi32, #tpu.memory_space<vmem>>, vector<1x16xi32>,
      %get3A_1032 = vector.shape_cast %get3A_1031 : vector<1x16xi32> to vector<16xi32>
      %shift_left3A_1033 = arith.constant 16 : i32
      %shift_left3A_1034 = vector.broadcast %shift_left3A_1033 : i32 to vector<16xi32>
      %shift_left3A_1035 = arith.shli %get3A_1032, %shift_left3A_1034 : vector<16xi32>
      %or3A_1036 = arith.ori %get3A_1028, %shift_left3A_1035 : vector<16xi32>
      %swap3A_1037 = arith.index_cast %add3A_1024 : i32 to index
      %swap3A_1038 = arith.constant 64 : index
      %swap3A_1039 = tpu.vector_load %arg10[%swap3A_1037, %swap3A_1038] {strides = array<i32>} : memref<128x80xi32, #tpu.memory_space<vmem>>, vector<1x16xi32>,
      %swap3A_1040 = vector.shape_cast %swap3A_1039 : vector<1x16xi32> to vector<16xi32>
      %swap3A_1041 = vector.shape_cast %or3A_1036 : vector<16xi32> to vector<1x16xi32>
      tpu.vector_store %arg10[%swap3A_1037, %swap3A_1038], %swap3A_1041 {strides = array<i32>} : memref<128x80xi32, #tpu.memory_space<vmem>>, vector<1x16xi32>,
      %scan3A_1042 = arith.constant 0 : i32
      scf.yield %scan3A_1042 : i32
    }
    %scan3A_29 = arith.constant 16 : i32
    %mul3A_30 = arith.constant 128 : i32
    %mul3A_31 = arith.muli %add3A, %mul3A_30 : i32
    "tpu.region"() ({
      %run_scoped3A = tpu.sem_alloc : memref<!tpu.dma_semaphore, #tpu.memory_space<semaphore_mem>>
      %dma_start3A = arith.constant 0 : i32
      %dma_start3A_44 = tpu.memref_slice %arg5[%mul3A_31, %dma_start3A] : memref<4096x80xi32, #tpu.memory_space<hbm>> -> memref<128x80xi32, #tpu.memory_space<hbm>>
      %dma_start3A_45 = arith.constant 0 : i32
      %dma_start3A_46 = tpu.memref_slice %arg5[%mul3A_31, %dma_start3A_45] : memref<4096x80xi32, #tpu.memory_space<hbm>> -> memref<128x80xi32, #tpu.memory_space<hbm>>
      tpu.enqueue_dma source(%arg10 : memref<128x80xi32, #tpu.memory_space<vmem>>) target(%dma_start3A_46 : memref<128x80xi32, #tpu.memory_space<hbm>>) target_semaphore(%run_scoped3A : memref<!tpu.dma_semaphore, #tpu.memory_space<semaphore_mem>>)
      %dma_wait3A = arith.constant 0 : i32
      %dma_wait3A_47 = tpu.memref_slice %arg5[%mul3A_31, %dma_wait3A] : memref<4096x80xi32, #tpu.memory_space<hbm>> -> memref<128x80xi32, #tpu.memory_space<hbm>>
      %dma_wait3A_48 = arith.constant 0 : i32
      %dma_wait3A_49 = tpu.memref_slice %arg5[%mul3A_31, %dma_wait3A_48] : memref<4096x80xi32, #tpu.memory_space<hbm>> -> memref<128x80xi32, #tpu.memory_space<hbm>>
      tpu.wait_dma2 semaphore(%run_scoped3A : memref<!tpu.dma_semaphore, #tpu.memory_space<semaphore_mem>>) src(%arg10 : memref<128x80xi32, #tpu.memory_space<vmem>>) dst(%dma_wait3A_49 : memref<128x80xi32, #tpu.memory_space<hbm>>)
      tpu.yield
    }) : () -> ()
    %barrier3A = arith.constant 0 : index
    tpu.barrier barrier_id(%barrier3A)
    %scan3A_32 = arith.constant 0 : i32
    %scan3A_33 = arith.constant 0 : i32
    %scan3A_34 = arith.constant 80 : i32
    %scan3A_35 = arith.addi %scan3A_33, %scan3A_34 : i32
    %scan3A_36 = arith.constant 1 : i32
    %scan3A_37 = scf.for %scan3A_44 = %scan3A_33 to %scan3A_35 step %scan3A_36 iter_args(%scan3A_45 = %scan3A_32) -> (i32)  : i32 {
      "tpu.region"() ({
        %run_scoped3A = tpu.sem_alloc : memref<!tpu.dma_semaphore, #tpu.memory_space<semaphore_mem>>
        %dma_start3A = arith.constant 0 : i32
        %dma_start3A_47 = tpu.memref_slice %arg9[%scan3A_44, %dma_start3A] : memref<80x128xi32, #tpu.memory_space<vmem>> -> memref<1x128xi32, #tpu.memory_space<vmem>>
        %dma_start3A_48 = tpu.memref_squeeze %dma_start3A_47 : memref<1x128xi32, #tpu.memory_space<vmem>> -> memref<128xi32, #tpu.memory_space<vmem>>
        %dma_start3A_49 = arith.constant 0 : i32
        %dma_start3A_50 = tpu.memref_slice %arg6[%dma_start3A_49] : memref<10240xf32, #tpu.memory_space<vmem_shared>> -> memref<10240xf32, #tpu.memory_space<vmem_shared>>
        tpu.enqueue_indirect_dma source(%arg11 : memref<128xf32, #tpu.memory_space<vmem>>) target(%dma_start3A_50 : memref<10240xf32, #tpu.memory_space<vmem_shared>>) offsets(%dma_start3A_48 : memref<128xi32, #tpu.memory_space<vmem>>) semaphore(%run_scoped3A : memref<!tpu.dma_semaphore, #tpu.memory_space<semaphore_mem>>) {add = true}
        %dma_wait3A = arith.constant 0 : i32
        %dma_wait3A_51 = tpu.memref_slice %arg9[%scan3A_44, %dma_wait3A] : memref<80x128xi32, #tpu.memory_space<vmem>> -> memref<1x128xi32, #tpu.memory_space<vmem>>
        %dma_wait3A_52 = tpu.memref_squeeze %dma_wait3A_51 : memref<1x128xi32, #tpu.memory_space<vmem>> -> memref<128xi32, #tpu.memory_space<vmem>>
        %dma_wait3A_53 = arith.constant 0 : i32
        %dma_wait3A_54 = tpu.memref_slice %arg6[%dma_wait3A_53] : memref<10240xf32, #tpu.memory_space<vmem_shared>> -> memref<10240xf32, #tpu.memory_space<vmem_shared>>
        tpu.wait_indirect_dma semaphore(%run_scoped3A : memref<!tpu.dma_semaphore, #tpu.memory_space<semaphore_mem>>) src(%arg11 : memref<128xf32, #tpu.memory_space<vmem>>) dst(%dma_wait3A_54 : memref<10240xf32, #tpu.memory_space<vmem_shared>>)
        tpu.yield
      }) : () -> ()
      %scan3A_46 = arith.constant 0 : i32
      scf.yield %scan3A_46 : i32
    }
    %scan3A_38 = arith.constant 80 : i32
    %barrier3A_39 = arith.constant 0 : index
    tpu.barrier barrier_id(%barrier3A_39)
    %mul3A_40 = arith.constant 640 : i32
    %mul3A_41 = arith.muli %arg1, %mul3A_40 : i32
    %mul3A_42 = arith.constant 640 : i32
    %mul3A_43 = arith.muli %arg1, %mul3A_42 : i32
    "tpu.region"() ({
      %run_scoped3A = tpu.sem_alloc : memref<!tpu.dma_semaphore, #tpu.memory_space<semaphore_mem>>
      %dma_start3A = tpu.memref_slice %arg4[%arg0, %mul3A_43] : memref<2x10240xf32, #tpu.memory_space<hbm>> -> memref<1x640xf32, #tpu.memory_space<hbm>>
      %dma_start3A_44 = tpu.memref_squeeze %dma_start3A : memref<1x640xf32, #tpu.memory_space<hbm>> -> memref<640xf32, #tpu.memory_space<hbm>>
      %dma_start3A_45 = tpu.memref_slice %arg6[%mul3A_41] : memref<10240xf32, #tpu.memory_space<vmem_shared>> -> memref<640xf32, #tpu.memory_space<vmem_shared>>
      tpu.enqueue_dma source(%dma_start3A_45 : memref<640xf32, #tpu.memory_space<vmem_shared>>) target(%dma_start3A_44 : memref<640xf32, #tpu.memory_space<hbm>>) target_semaphore(%run_scoped3A : memref<!tpu.dma_semaphore, #tpu.memory_space<semaphore_mem>>)
      %dma_wait3A = tpu.memref_slice %arg4[%arg0, %mul3A_43] : memref<2x10240xf32, #tpu.memory_space<hbm>> -> memref<1x640xf32, #tpu.memory_space<hbm>>
      %dma_wait3A_46 = tpu.memref_squeeze %dma_wait3A : memref<1x640xf32, #tpu.memory_space<hbm>> -> memref<640xf32, #tpu.memory_space<hbm>>
      %dma_wait3A_47 = tpu.memref_slice %arg6[%mul3A_41] : memref<10240xf32, #tpu.memory_space<vmem_shared>> -> memref<640xf32, #tpu.memory_space<vmem_shared>>
      tpu.wait_dma2 semaphore(%run_scoped3A : memref<!tpu.dma_semaphore, #tpu.memory_space<semaphore_mem>>) src(%dma_wait3A_47 : memref<640xf32, #tpu.memory_space<vmem_shared>>) dst(%dma_wait3A_46 : memref<640xf32, #tpu.memory_space<hbm>>)
      tpu.yield
    }) : () -> ()
    return
  }
}

#map = affine_map<(d0, d1) -> (0, 0)>
#map1 = affine_map<(d0, d1) -> (0, 0, 0)>
module attributes {stable_mosaic.version = 14 : i64} {
  func.func @_scat_sc(%arg0: i32, %arg1: i32, %arg2: memref<10000x128xf32, #tpu.memory_space<hbm>>, %arg3: memref<4096x80xi32, #tpu.memory_space<hbm>>, %arg4: memref<2x10112x128xf32, #tpu.memory_space<hbm>>, %arg5: memref<10112x128xf32, #tpu.memory_space<vmem_shared>>, %arg6: memref<128x80xi32, #tpu.memory_space<vmem>>, %arg7: memref<8x80xi32, #tpu.memory_space<vmem>>, %arg8: memref<8x128xf32, #tpu.memory_space<vmem>>, %arg9: memref<3x80x128xf32, #tpu.memory_space<vmem>>, %arg10: memref<!tpu.dma_semaphore, #tpu.memory_space<semaphore_mem>>, %arg11: memref<!tpu.dma_semaphore, #tpu.memory_space<semaphore_mem>>, %arg12: memref<!tpu.dma_semaphore, #tpu.memory_space<semaphore_mem>>, %arg13: memref<!tpu.dma_semaphore, #tpu.memory_space<semaphore_mem>>, %arg14: memref<!tpu.dma_semaphore, #tpu.memory_space<semaphore_mem>>) attributes {dimension_semantics = [#tpu.dimension_semantics<core_parallel>, #tpu.dimension_semantics<subcore_parallel>], iteration_bounds = array<i64: 2, 16>, scalar_prefetch = 0 : i64, scratch_operands = 10 : i64, tpu.core_type = #tpu.core_type<sc_vector_subcore>, window_params = [{transform_indices = #map}, {transform_indices = #map}, {transform_indices = #map1}]} {
    %mul3A = arith.constant 16 : i32
    %mul3A_0 = arith.muli %arg0, %mul3A : i32
    %add3A = arith.addi %mul3A_0, %arg1 : i32
    %broadcast_in_dim3A = arith.constant 0.000000e+00 : f32
    %broadcast_in_dim3A_1 = vector.broadcast %broadcast_in_dim3A : f32 to vector<16xf32>
    %broadcast_in_dim3A_2 = arith.constant 65535 : i32
    %broadcast_in_dim3A_3 = vector.broadcast %broadcast_in_dim3A_2 : i32 to vector<16xi32>
    %scan3A = arith.constant 0 : i32
    %scan3A_4 = arith.constant 0 : i32
    %scan3A_5 = arith.constant 8 : i32
    %scan3A_6 = arith.addi %scan3A_4, %scan3A_5 : i32
    %scan3A_7 = arith.constant 1 : i32
    %scan3A_8 = scf.for %scan3A_165 = %scan3A_4 to %scan3A_6 step %scan3A_7 iter_args(%scan3A_166 = %scan3A) -> (i32)  : i32 {
      %swap3A = arith.index_cast %scan3A_165 : i32 to index
      %swap3A_167 = arith.constant 0 : index
      %swap3A_168 = tpu.vector_load %arg8[%swap3A, %swap3A_167] {strides = array<i32>} : memref<8x128xf32, #tpu.memory_space<vmem>>, vector<1x16xf32>,
      %swap3A_169 = vector.shape_cast %swap3A_168 : vector<1x16xf32> to vector<16xf32>
      %swap3A_170 = vector.shape_cast %broadcast_in_dim3A_1 : vector<16xf32> to vector<1x16xf32>
      tpu.vector_store %arg8[%swap3A, %swap3A_167], %swap3A_170 {strides = array<i32>} : memref<8x128xf32, #tpu.memory_space<vmem>>, vector<1x16xf32>,
      %swap3A_171 = arith.index_cast %scan3A_165 : i32 to index
      %swap3A_172 = arith.constant 16 : index
      %swap3A_173 = tpu.vector_load %arg8[%swap3A_171, %swap3A_172] {strides = array<i32>} : memref<8x128xf32, #tpu.memory_space<vmem>>, vector<1x16xf32>,
      %swap3A_174 = vector.shape_cast %swap3A_173 : vector<1x16xf32> to vector<16xf32>
      %swap3A_175 = vector.shape_cast %broadcast_in_dim3A_1 : vector<16xf32> to vector<1x16xf32>
      tpu.vector_store %arg8[%swap3A_171, %swap3A_172], %swap3A_175 {strides = array<i32>} : memref<8x128xf32, #tpu.memory_space<vmem>>, vector<1x16xf32>,
      %swap3A_176 = arith.index_cast %scan3A_165 : i32 to index
      %swap3A_177 = arith.constant 32 : index
      %swap3A_178 = tpu.vector_load %arg8[%swap3A_176, %swap3A_177] {strides = array<i32>} : memref<8x128xf32, #tpu.memory_space<vmem>>, vector<1x16xf32>,
      %swap3A_179 = vector.shape_cast %swap3A_178 : vector<1x16xf32> to vector<16xf32>
      %swap3A_180 = vector.shape_cast %broadcast_in_dim3A_1 : vector<16xf32> to vector<1x16xf32>
      tpu.vector_store %arg8[%swap3A_176, %swap3A_177], %swap3A_180 {strides = array<i32>} : memref<8x128xf32, #tpu.memory_space<vmem>>, vector<1x16xf32>,
      %swap3A_181 = arith.index_cast %scan3A_165 : i32 to index
      %swap3A_182 = arith.constant 48 : index
      %swap3A_183 = tpu.vector_load %arg8[%swap3A_181, %swap3A_182] {strides = array<i32>} : memref<8x128xf32, #tpu.memory_space<vmem>>, vector<1x16xf32>,
      %swap3A_184 = vector.shape_cast %swap3A_183 : vector<1x16xf32> to vector<16xf32>
      %swap3A_185 = vector.shape_cast %broadcast_in_dim3A_1 : vector<16xf32> to vector<1x16xf32>
      tpu.vector_store %arg8[%swap3A_181, %swap3A_182], %swap3A_185 {strides = array<i32>} : memref<8x128xf32, #tpu.memory_space<vmem>>, vector<1x16xf32>,
      %swap3A_186 = arith.index_cast %scan3A_165 : i32 to index
      %swap3A_187 = arith.constant 64 : index
      %swap3A_188 = tpu.vector_load %arg8[%swap3A_186, %swap3A_187] {strides = array<i32>} : memref<8x128xf32, #tpu.memory_space<vmem>>, vector<1x16xf32>,
      %swap3A_189 = vector.shape_cast %swap3A_188 : vector<1x16xf32> to vector<16xf32>
      %swap3A_190 = vector.shape_cast %broadcast_in_dim3A_1 : vector<16xf32> to vector<1x16xf32>
      tpu.vector_store %arg8[%swap3A_186, %swap3A_187], %swap3A_190 {strides = array<i32>} : memref<8x128xf32, #tpu.memory_space<vmem>>, vector<1x16xf32>,
      %swap3A_191 = arith.index_cast %scan3A_165 : i32 to index
      %swap3A_192 = arith.constant 80 : index
      %swap3A_193 = tpu.vector_load %arg8[%swap3A_191, %swap3A_192] {strides = array<i32>} : memref<8x128xf32, #tpu.memory_space<vmem>>, vector<1x16xf32>,
      %swap3A_194 = vector.shape_cast %swap3A_193 : vector<1x16xf32> to vector<16xf32>
      %swap3A_195 = vector.shape_cast %broadcast_in_dim3A_1 : vector<16xf32> to vector<1x16xf32>
      tpu.vector_store %arg8[%swap3A_191, %swap3A_192], %swap3A_195 {strides = array<i32>} : memref<8x128xf32, #tpu.memory_space<vmem>>, vector<1x16xf32>,
      %swap3A_196 = arith.index_cast %scan3A_165 : i32 to index
      %swap3A_197 = arith.constant 96 : index
      %swap3A_198 = tpu.vector_load %arg8[%swap3A_196, %swap3A_197] {strides = array<i32>} : memref<8x128xf32, #tpu.memory_space<vmem>>, vector<1x16xf32>,
      %swap3A_199 = vector.shape_cast %swap3A_198 : vector<1x16xf32> to vector<16xf32>
      %swap3A_200 = vector.shape_cast %broadcast_in_dim3A_1 : vector<16xf32> to vector<1x16xf32>
      tpu.vector_store %arg8[%swap3A_196, %swap3A_197], %swap3A_200 {strides = array<i32>} : memref<8x128xf32, #tpu.memory_space<vmem>>, vector<1x16xf32>,
      %swap3A_201 = arith.index_cast %scan3A_165 : i32 to index
      %swap3A_202 = arith.constant 112 : index
      %swap3A_203 = tpu.vector_load %arg8[%swap3A_201, %swap3A_202] {strides = array<i32>} : memref<8x128xf32, #tpu.memory_space<vmem>>, vector<1x16xf32>,
      %swap3A_204 = vector.shape_cast %swap3A_203 : vector<1x16xf32> to vector<16xf32>
      %swap3A_205 = vector.shape_cast %broadcast_in_dim3A_1 : vector<16xf32> to vector<1x16xf32>
      tpu.vector_store %arg8[%swap3A_201, %swap3A_202], %swap3A_205 {strides = array<i32>} : memref<8x128xf32, #tpu.memory_space<vmem>>, vector<1x16xf32>,
      %scan3A_206 = arith.constant 0 : i32
      scf.yield %scan3A_206 : i32
    }
    %scan3A_9 = arith.constant 8 : i32
    %scan3A_10 = arith.constant 0 : i32
    %scan3A_11 = arith.constant 0 : i32
    %scan3A_12 = arith.constant 79 : i32
    %scan3A_13 = arith.addi %scan3A_11, %scan3A_12 : i32
    %scan3A_14 = arith.constant 1 : i32
    %scan3A_15 = scf.for %scan3A_165 = %scan3A_11 to %scan3A_13 step %scan3A_14 iter_args(%scan3A_166 = %scan3A_10) -> (i32)  : i32 {
      %mul3A_167 = arith.constant 632 : i32
      %mul3A_168 = arith.muli %arg1, %mul3A_167 : i32
      %mul3A_169 = arith.constant 8 : i32
      %mul3A_170 = arith.muli %scan3A_165, %mul3A_169 : i32
      %add3A_171 = arith.addi %mul3A_168, %mul3A_170 : i32
      "tpu.region"() ({
        %run_scoped3A = tpu.sem_alloc : memref<!tpu.dma_semaphore, #tpu.memory_space<semaphore_mem>>
        %dma_start3A_173 = arith.constant 0 : i32
        %dma_start3A_174 = tpu.memref_slice %arg5[%add3A_171, %dma_start3A_173] : memref<10112x128xf32, #tpu.memory_space<vmem_shared>> -> memref<8x128xf32, #tpu.memory_space<vmem_shared>>
        %dma_start3A_175 = arith.constant 0 : i32
        %dma_start3A_176 = tpu.memref_slice %arg5[%add3A_171, %dma_start3A_175] : memref<10112x128xf32, #tpu.memory_space<vmem_shared>> -> memref<8x128xf32, #tpu.memory_space<vmem_shared>>
        tpu.enqueue_dma source(%arg8 : memref<8x128xf32, #tpu.memory_space<vmem>>) target(%dma_start3A_176 : memref<8x128xf32, #tpu.memory_space<vmem_shared>>) target_semaphore(%run_scoped3A : memref<!tpu.dma_semaphore, #tpu.memory_space<semaphore_mem>>)
        %dma_wait3A_177 = arith.constant 0 : i32
        %dma_wait3A_178 = tpu.memref_slice %arg5[%add3A_171, %dma_wait3A_177] : memref<10112x128xf32, #tpu.memory_space<vmem_shared>> -> memref<8x128xf32, #tpu.memory_space<vmem_shared>>
        %dma_wait3A_179 = arith.constant 0 : i32
        %dma_wait3A_180 = tpu.memref_slice %arg5[%add3A_171, %dma_wait3A_179] : memref<10112x128xf32, #tpu.memory_space<vmem_shared>> -> memref<8x128xf32, #tpu.memory_space<vmem_shared>>
        tpu.wait_dma2 semaphore(%run_scoped3A : memref<!tpu.dma_semaphore, #tpu.memory_space<semaphore_mem>>) src(%arg8 : memref<8x128xf32, #tpu.memory_space<vmem>>) dst(%dma_wait3A_180 : memref<8x128xf32, #tpu.memory_space<vmem_shared>>)
        tpu.yield
      }) : () -> ()
      %scan3A_172 = arith.constant 0 : i32
      scf.yield %scan3A_172 : i32
    }
    %scan3A_16 = arith.constant 79 : i32
    %mul3A_17 = arith.constant 128 : i32
    %mul3A_18 = arith.muli %add3A, %mul3A_17 : i32
    "tpu.region"() ({
      %run_scoped3A = tpu.sem_alloc : memref<!tpu.dma_semaphore, #tpu.memory_space<semaphore_mem>>
      %dma_start3A_165 = arith.constant 0 : i32
      %dma_start3A_166 = tpu.memref_slice %arg3[%mul3A_18, %dma_start3A_165] : memref<4096x80xi32, #tpu.memory_space<hbm>> -> memref<128x80xi32, #tpu.memory_space<hbm>>
      %dma_start3A_167 = arith.constant 0 : i32
      %dma_start3A_168 = tpu.memref_slice %arg3[%mul3A_18, %dma_start3A_167] : memref<4096x80xi32, #tpu.memory_space<hbm>> -> memref<128x80xi32, #tpu.memory_space<hbm>>
      tpu.enqueue_dma source(%dma_start3A_168 : memref<128x80xi32, #tpu.memory_space<hbm>>) target(%arg6 : memref<128x80xi32, #tpu.memory_space<vmem>>) target_semaphore(%run_scoped3A : memref<!tpu.dma_semaphore, #tpu.memory_space<semaphore_mem>>)
      %dma_wait3A_169 = arith.constant 0 : i32
      %dma_wait3A_170 = tpu.memref_slice %arg3[%mul3A_18, %dma_wait3A_169] : memref<4096x80xi32, #tpu.memory_space<hbm>> -> memref<128x80xi32, #tpu.memory_space<hbm>>
      %dma_wait3A_171 = arith.constant 0 : i32
      %dma_wait3A_172 = tpu.memref_slice %arg3[%mul3A_18, %dma_wait3A_171] : memref<4096x80xi32, #tpu.memory_space<hbm>> -> memref<128x80xi32, #tpu.memory_space<hbm>>
      tpu.wait_dma2 semaphore(%run_scoped3A : memref<!tpu.dma_semaphore, #tpu.memory_space<semaphore_mem>>) src(%dma_wait3A_172 : memref<128x80xi32, #tpu.memory_space<hbm>>) dst(%arg6 : memref<128x80xi32, #tpu.memory_space<vmem>>)
      tpu.yield
    }) : () -> ()
    %barrier3A = arith.constant 0 : index
    tpu.barrier barrier_id(%barrier3A)
    %scan3A_19 = arith.constant 0 : i32
    %scan3A_20 = arith.constant 0 : i32
    %scan3A_21 = arith.constant 5 : i32
    %scan3A_22 = arith.addi %scan3A_20, %scan3A_21 : i32
    %scan3A_23 = arith.constant 1 : i32
    %scan3A_24 = scf.for %scan3A_165 = %scan3A_20 to %scan3A_22 step %scan3A_23 iter_args(%scan3A_166 = %scan3A_19) -> (i32)  : i32 {
      %mul3A_167 = arith.constant 16 : i32
      %mul3A_168 = arith.muli %scan3A_165, %mul3A_167 : i32
      %get3A = arith.constant 0 : i32
      %get3A_169 = arith.index_cast %get3A : i32 to index
      %get3A_170 = arith.index_cast %mul3A_168 : i32 to index
      %get3A_171 = tpu.vector_load %arg6[%get3A_169, %get3A_170] {strides = array<i32>} : memref<128x80xi32, #tpu.memory_space<vmem>>, vector<1x16xi32>,
      %get3A_172 = vector.shape_cast %get3A_171 : vector<1x16xi32> to vector<16xi32>
      %and3A = arith.andi %get3A_172, %broadcast_in_dim3A_3 : vector<16xi32>
      %mul3A_173 = arith.constant 16 : i32
      %mul3A_174 = arith.muli %scan3A_165, %mul3A_173 : i32
      %swap3A = arith.constant 0 : i32
      %swap3A_175 = arith.index_cast %swap3A : i32 to index
      %swap3A_176 = arith.index_cast %mul3A_174 : i32 to index
      %swap3A_177 = tpu.vector_load %arg7[%swap3A_175, %swap3A_176] {strides = array<i32>} : memref<8x80xi32, #tpu.memory_space<vmem>>, vector<1x16xi32>,
      %swap3A_178 = vector.shape_cast %swap3A_177 : vector<1x16xi32> to vector<16xi32>
      %swap3A_179 = vector.shape_cast %and3A : vector<16xi32> to vector<1x16xi32>
      tpu.vector_store %arg7[%swap3A_175, %swap3A_176], %swap3A_179 {strides = array<i32>} : memref<8x80xi32, #tpu.memory_space<vmem>>, vector<1x16xi32>,
      %scan3A_180 = arith.constant 0 : i32
      scf.yield %scan3A_180 : i32
    }
    %scan3A_25 = arith.constant 5 : i32
    %dma_start3A = arith.constant 0 : i32
    %dma_start3A_26 = arith.constant 0 : i32
    %dma_start3A_27 = arith.constant 0 : i32
    %dma_start3A_28 = arith.constant 0 : i32
    %dma_start3A_29 = tpu.memref_slice %arg9[%dma_start3A_26, %dma_start3A_27, %dma_start3A_28] : memref<3x80x128xf32, #tpu.memory_space<vmem>> -> memref<1x80x128xf32, #tpu.memory_space<vmem>>
    %dma_start3A_30 = tpu.memref_squeeze %dma_start3A_29 : memref<1x80x128xf32, #tpu.memory_space<vmem>> -> memref<80x128xf32, #tpu.memory_space<vmem>>
    %dma_start3A_31 = arith.constant 0 : i32
    %dma_start3A_32 = tpu.memref_slice %arg7[%dma_start3A, %dma_start3A_31] : memref<8x80xi32, #tpu.memory_space<vmem>> -> memref<1x80xi32, #tpu.memory_space<vmem>>
    %dma_start3A_33 = tpu.memref_squeeze %dma_start3A_32 : memref<1x80xi32, #tpu.memory_space<vmem>> -> memref<80xi32, #tpu.memory_space<vmem>>
    %dma_start3A_34 = arith.constant 0 : i32
    %dma_start3A_35 = arith.constant 0 : i32
    %dma_start3A_36 = tpu.memref_slice %arg2[%dma_start3A_34, %dma_start3A_35] : memref<10000x128xf32, #tpu.memory_space<hbm>> -> memref<10000x128xf32, #tpu.memory_space<hbm>>
    tpu.enqueue_indirect_dma source(%dma_start3A_36 : memref<10000x128xf32, #tpu.memory_space<hbm>>) target(%dma_start3A_30 : memref<80x128xf32, #tpu.memory_space<vmem>>) offsets(%dma_start3A_33 : memref<80xi32, #tpu.memory_space<vmem>>) semaphore(%arg10 : memref<!tpu.dma_semaphore, #tpu.memory_space<semaphore_mem>>)
    %scan3A_37 = arith.constant 0 : i32
    %scan3A_38 = arith.constant 0 : i32
    %scan3A_39 = arith.constant 5 : i32
    %scan3A_40 = arith.addi %scan3A_38, %scan3A_39 : i32
    %scan3A_41 = arith.constant 1 : i32
    %scan3A_42 = scf.for %scan3A_165 = %scan3A_38 to %scan3A_40 step %scan3A_41 iter_args(%scan3A_166 = %scan3A_37) -> (i32)  : i32 {
      %mul3A_167 = arith.constant 16 : i32
      %mul3A_168 = arith.muli %scan3A_165, %mul3A_167 : i32
      %get3A = arith.constant 1 : i32
      %get3A_169 = arith.index_cast %get3A : i32 to index
      %get3A_170 = arith.index_cast %mul3A_168 : i32 to index
      %get3A_171 = tpu.vector_load %arg6[%get3A_169, %get3A_170] {strides = array<i32>} : memref<128x80xi32, #tpu.memory_space<vmem>>, vector<1x16xi32>,
      %get3A_172 = vector.shape_cast %get3A_171 : vector<1x16xi32> to vector<16xi32>
      %and3A = arith.andi %get3A_172, %broadcast_in_dim3A_3 : vector<16xi32>
      %mul3A_173 = arith.constant 16 : i32
      %mul3A_174 = arith.muli %scan3A_165, %mul3A_173 : i32
      %swap3A = arith.constant 1 : i32
      %swap3A_175 = arith.index_cast %swap3A : i32 to index
      %swap3A_176 = arith.index_cast %mul3A_174 : i32 to index
      %swap3A_177 = tpu.vector_load %arg7[%swap3A_175, %swap3A_176] {strides = array<i32>} : memref<8x80xi32, #tpu.memory_space<vmem>>, vector<1x16xi32>,
      %swap3A_178 = vector.shape_cast %swap3A_177 : vector<1x16xi32> to vector<16xi32>
      %swap3A_179 = vector.shape_cast %and3A : vector<16xi32> to vector<1x16xi32>
      tpu.vector_store %arg7[%swap3A_175, %swap3A_176], %swap3A_179 {strides = array<i32>} : memref<8x80xi32, #tpu.memory_space<vmem>>, vector<1x16xi32>,
      %scan3A_180 = arith.constant 0 : i32
      scf.yield %scan3A_180 : i32
    }
    %scan3A_43 = arith.constant 5 : i32
    %dma_start3A_44 = arith.constant 1 : i32
    %dma_start3A_45 = arith.constant 1 : i32
    %dma_start3A_46 = arith.constant 0 : i32
    %dma_start3A_47 = arith.constant 0 : i32
    %dma_start3A_48 = tpu.memref_slice %arg9[%dma_start3A_45, %dma_start3A_46, %dma_start3A_47] : memref<3x80x128xf32, #tpu.memory_space<vmem>> -> memref<1x80x128xf32, #tpu.memory_space<vmem>>
    %dma_start3A_49 = tpu.memref_squeeze %dma_start3A_48 : memref<1x80x128xf32, #tpu.memory_space<vmem>> -> memref<80x128xf32, #tpu.memory_space<vmem>>
    %dma_start3A_50 = arith.constant 0 : i32
    %dma_start3A_51 = tpu.memref_slice %arg7[%dma_start3A_44, %dma_start3A_50] : memref<8x80xi32, #tpu.memory_space<vmem>> -> memref<1x80xi32, #tpu.memory_space<vmem>>
    %dma_start3A_52 = tpu.memref_squeeze %dma_start3A_51 : memref<1x80xi32, #tpu.memory_space<vmem>> -> memref<80xi32, #tpu.memory_space<vmem>>
    %dma_start3A_53 = arith.constant 0 : i32
    %dma_start3A_54 = arith.constant 0 : i32
    %dma_start3A_55 = tpu.memref_slice %arg2[%dma_start3A_53, %dma_start3A_54] : memref<10000x128xf32, #tpu.memory_space<hbm>> -> memref<10000x128xf32, #tpu.memory_space<hbm>>
    tpu.enqueue_indirect_dma source(%dma_start3A_55 : memref<10000x128xf32, #tpu.memory_space<hbm>>) target(%dma_start3A_49 : memref<80x128xf32, #tpu.memory_space<vmem>>) offsets(%dma_start3A_52 : memref<80xi32, #tpu.memory_space<vmem>>) semaphore(%arg11 : memref<!tpu.dma_semaphore, #tpu.memory_space<semaphore_mem>>)
    %scan3A_56 = arith.constant 0 : i32
    %scan3A_57 = arith.constant 0 : i32
    %scan3A_58 = arith.constant 21 : i32
    %scan3A_59 = arith.addi %scan3A_57, %scan3A_58 : i32
    %scan3A_60 = arith.constant 1 : i32
    %scan3A_61 = scf.for %scan3A_165 = %scan3A_57 to %scan3A_59 step %scan3A_60 iter_args(%scan3A_166 = %scan3A_56) -> (i32)  : i32 {
      %mul3A_167 = arith.constant 6 : i32
      %mul3A_168 = arith.muli %scan3A_165, %mul3A_167 : i32
      %add3A_169 = arith.constant 0 : i32
      %add3A_170 = arith.addi %mul3A_168, %add3A_169 : i32
      %dma_wait3A_171 = arith.constant 0 : i32
      %dma_wait3A_172 = arith.constant 0 : i32
      %dma_wait3A_173 = arith.constant 0 : i32
      %dma_wait3A_174 = arith.constant 0 : i32
      %dma_wait3A_175 = tpu.memref_slice %arg9[%dma_wait3A_172, %dma_wait3A_173, %dma_wait3A_174] : memref<3x80x128xf32, #tpu.memory_space<vmem>> -> memref<1x80x128xf32, #tpu.memory_space<vmem>>
      %dma_wait3A_176 = tpu.memref_squeeze %dma_wait3A_175 : memref<1x80x128xf32, #tpu.memory_space<vmem>> -> memref<80x128xf32, #tpu.memory_space<vmem>>
      %dma_wait3A_177 = arith.constant 0 : i32
      %dma_wait3A_178 = tpu.memref_slice %arg7[%dma_wait3A_171, %dma_wait3A_177] : memref<8x80xi32, #tpu.memory_space<vmem>> -> memref<1x80xi32, #tpu.memory_space<vmem>>
      %dma_wait3A_179 = tpu.memref_squeeze %dma_wait3A_178 : memref<1x80xi32, #tpu.memory_space<vmem>> -> memref<80xi32, #tpu.memory_space<vmem>>
      %dma_wait3A_180 = arith.constant 0 : i32
      %dma_wait3A_181 = arith.constant 0 : i32
      %dma_wait3A_182 = tpu.memref_slice %arg2[%dma_wait3A_180, %dma_wait3A_181] : memref<10000x128xf32, #tpu.memory_space<hbm>> -> memref<10000x128xf32, #tpu.memory_space<hbm>>
      tpu.wait_indirect_dma semaphore(%arg10 : memref<!tpu.dma_semaphore, #tpu.memory_space<semaphore_mem>>) src(%dma_wait3A_182 : memref<10000x128xf32, #tpu.memory_space<hbm>>) dst(%dma_wait3A_176 : memref<80x128xf32, #tpu.memory_space<vmem>>)
      %scan3A_183 = arith.constant 0 : i32
      %scan3A_184 = arith.constant 0 : i32
      %scan3A_185 = arith.constant 5 : i32
      %scan3A_186 = arith.addi %scan3A_184, %scan3A_185 : i32
      %scan3A_187 = arith.constant 1 : i32
      %scan3A_188 = scf.for %scan3A_417 = %scan3A_184 to %scan3A_186 step %scan3A_187 iter_args(%scan3A_418 = %scan3A_183) -> (i32)  : i32 {
        %mul3A_419 = arith.constant 16 : i32
        %mul3A_420 = arith.muli %scan3A_417, %mul3A_419 : i32
        %get3A = arith.index_cast %add3A_170 : i32 to index
        %get3A_421 = arith.index_cast %mul3A_420 : i32 to index
        %get3A_422 = tpu.vector_load %arg6[%get3A, %get3A_421] {strides = array<i32>} : memref<128x80xi32, #tpu.memory_space<vmem>>, vector<1x16xi32>,
        %get3A_423 = vector.shape_cast %get3A_422 : vector<1x16xi32> to vector<16xi32>
        %shift_right_logical3A = arith.constant 16 : i32
        %shift_right_logical3A_424 = vector.broadcast %shift_right_logical3A : i32 to vector<16xi32>
        %shift_right_logical3A_425 = arith.shrui %get3A_423, %shift_right_logical3A_424 : vector<16xi32>
        %mul3A_426 = arith.constant 16 : i32
        %mul3A_427 = arith.muli %scan3A_417, %mul3A_426 : i32
        %swap3A = arith.constant 2 : i32
        %swap3A_428 = arith.index_cast %swap3A : i32 to index
        %swap3A_429 = arith.index_cast %mul3A_427 : i32 to index
        %swap3A_430 = tpu.vector_load %arg7[%swap3A_428, %swap3A_429] {strides = array<i32>} : memref<8x80xi32, #tpu.memory_space<vmem>>, vector<1x16xi32>,
        %swap3A_431 = vector.shape_cast %swap3A_430 : vector<1x16xi32> to vector<16xi32>
        %swap3A_432 = vector.shape_cast %shift_right_logical3A_425 : vector<16xi32> to vector<1x16xi32>
        tpu.vector_store %arg7[%swap3A_428, %swap3A_429], %swap3A_432 {strides = array<i32>} : memref<8x80xi32, #tpu.memory_space<vmem>>, vector<1x16xi32>,
        %scan3A_433 = arith.constant 0 : i32
        scf.yield %scan3A_433 : i32
      }
      %scan3A_189 = arith.constant 5 : i32
      %dma_start3A_190 = arith.constant 0 : i32
      %dma_start3A_191 = arith.constant 2 : i32
      %dma_start3A_192 = arith.constant 0 : i32
      %dma_start3A_193 = arith.constant 0 : i32
      %dma_start3A_194 = tpu.memref_slice %arg9[%dma_start3A_190, %dma_start3A_192, %dma_start3A_193] : memref<3x80x128xf32, #tpu.memory_space<vmem>> -> memref<1x80x128xf32, #tpu.memory_space<vmem>>
      %dma_start3A_195 = tpu.memref_squeeze %dma_start3A_194 : memref<1x80x128xf32, #tpu.memory_space<vmem>> -> memref<80x128xf32, #tpu.memory_space<vmem>>
      %dma_start3A_196 = arith.constant 0 : i32
      %dma_start3A_197 = tpu.memref_slice %arg7[%dma_start3A_191, %dma_start3A_196] : memref<8x80xi32, #tpu.memory_space<vmem>> -> memref<1x80xi32, #tpu.memory_space<vmem>>
      %dma_start3A_198 = tpu.memref_squeeze %dma_start3A_197 : memref<1x80xi32, #tpu.memory_space<vmem>> -> memref<80xi32, #tpu.memory_space<vmem>>
      %dma_start3A_199 = arith.constant 0 : i32
      %dma_start3A_200 = arith.constant 0 : i32
      %dma_start3A_201 = tpu.memref_slice %arg5[%dma_start3A_199, %dma_start3A_200] : memref<10112x128xf32, #tpu.memory_space<vmem_shared>> -> memref<10112x128xf32, #tpu.memory_space<vmem_shared>>
      tpu.enqueue_indirect_dma source(%dma_start3A_195 : memref<80x128xf32, #tpu.memory_space<vmem>>) target(%dma_start3A_201 : memref<10112x128xf32, #tpu.memory_space<vmem_shared>>) offsets(%dma_start3A_198 : memref<80xi32, #tpu.memory_space<vmem>>) semaphore(%arg13 : memref<!tpu.dma_semaphore, #tpu.memory_space<semaphore_mem>>) {add = true}
      %add3A_202 = arith.constant 2 : i32
      %add3A_203 = arith.addi %add3A_170, %add3A_202 : i32
      %lt3A = arith.constant 128 : i32
      %lt3A_204 = arith.cmpi slt, %add3A_203, %lt3A : i32
      %convert_element_type3A = arith.extui %lt3A_204 : i1 to i32
      %cond3A = arith.constant 0 : i32
      %cond3A_205 = arith.cmpi ne, %convert_element_type3A, %cond3A : i32
      scf.if %cond3A_205 {
        %ge3A = arith.constant 1 : i32
        %ge3A_417 = arith.cmpi sge, %add3A_170, %ge3A : i32
        %convert_element_type3A_418 = arith.extui %ge3A_417 : i1 to i32
        %cond3A_419 = arith.constant 0 : i32
        %cond3A_420 = arith.cmpi ne, %convert_element_type3A_418, %cond3A_419 : i32
        scf.if %cond3A_420 {
          %dma_wait3A_442 = arith.constant 0 : i32
          %dma_wait3A_443 = arith.constant 3 : i32
          %dma_wait3A_444 = arith.constant 0 : i32
          %dma_wait3A_445 = arith.constant 0 : i32
          %dma_wait3A_446 = tpu.memref_slice %arg9[%dma_wait3A_442, %dma_wait3A_444, %dma_wait3A_445] : memref<3x80x128xf32, #tpu.memory_space<vmem>> -> memref<1x80x128xf32, #tpu.memory_space<vmem>>
          %dma_wait3A_447 = tpu.memref_squeeze %dma_wait3A_446 : memref<1x80x128xf32, #tpu.memory_space<vmem>> -> memref<80x128xf32, #tpu.memory_space<vmem>>
          %dma_wait3A_448 = arith.constant 0 : i32
          %dma_wait3A_449 = tpu.memref_slice %arg7[%dma_wait3A_443, %dma_wait3A_448] : memref<8x80xi32, #tpu.memory_space<vmem>> -> memref<1x80xi32, #tpu.memory_space<vmem>>
          %dma_wait3A_450 = tpu.memref_squeeze %dma_wait3A_449 : memref<1x80xi32, #tpu.memory_space<vmem>> -> memref<80xi32, #tpu.memory_space<vmem>>
          %dma_wait3A_451 = arith.constant 0 : i32
          %dma_wait3A_452 = arith.constant 0 : i32
          %dma_wait3A_453 = tpu.memref_slice %arg5[%dma_wait3A_451, %dma_wait3A_452] : memref<10112x128xf32, #tpu.memory_space<vmem_shared>> -> memref<10112x128xf32, #tpu.memory_space<vmem_shared>>
          tpu.wait_indirect_dma semaphore(%arg14 : memref<!tpu.dma_semaphore, #tpu.memory_space<semaphore_mem>>) src(%dma_wait3A_447 : memref<80x128xf32, #tpu.memory_space<vmem>>) dst(%dma_wait3A_453 : memref<10112x128xf32, #tpu.memory_space<vmem_shared>>)
        } else {
        }
        %add3A_421 = arith.constant 2 : i32
        %add3A_422 = arith.addi %add3A_170, %add3A_421 : i32
        %scan3A_423 = arith.constant 0 : i32
        %scan3A_424 = arith.constant 0 : i32
        %scan3A_425 = arith.constant 5 : i32
        %scan3A_426 = arith.addi %scan3A_424, %scan3A_425 : i32
        %scan3A_427 = arith.constant 1 : i32
        %scan3A_428 = scf.for %scan3A_442 = %scan3A_424 to %scan3A_426 step %scan3A_427 iter_args(%scan3A_443 = %scan3A_423) -> (i32)  : i32 {
          %mul3A_444 = arith.constant 16 : i32
          %mul3A_445 = arith.muli %scan3A_442, %mul3A_444 : i32
          %get3A = arith.index_cast %add3A_422 : i32 to index
          %get3A_446 = arith.index_cast %mul3A_445 : i32 to index
          %get3A_447 = tpu.vector_load %arg6[%get3A, %get3A_446] {strides = array<i32>} : memref<128x80xi32, #tpu.memory_space<vmem>>, vector<1x16xi32>,
          %get3A_448 = vector.shape_cast %get3A_447 : vector<1x16xi32> to vector<16xi32>
          %and3A = arith.andi %get3A_448, %broadcast_in_dim3A_3 : vector<16xi32>
          %mul3A_449 = arith.constant 16 : i32
          %mul3A_450 = arith.muli %scan3A_442, %mul3A_449 : i32
          %swap3A = arith.constant 0 : i32
          %swap3A_451 = arith.index_cast %swap3A : i32 to index
          %swap3A_452 = arith.index_cast %mul3A_450 : i32 to index
          %swap3A_453 = tpu.vector_load %arg7[%swap3A_451, %swap3A_452] {strides = array<i32>} : memref<8x80xi32, #tpu.memory_space<vmem>>, vector<1x16xi32>,
          %swap3A_454 = vector.shape_cast %swap3A_453 : vector<1x16xi32> to vector<16xi32>
          %swap3A_455 = vector.shape_cast %and3A : vector<16xi32> to vector<1x16xi32>
          tpu.vector_store %arg7[%swap3A_451, %swap3A_452], %swap3A_455 {strides = array<i32>} : memref<8x80xi32, #tpu.memory_space<vmem>>, vector<1x16xi32>,
          %scan3A_456 = arith.constant 0 : i32
          scf.yield %scan3A_456 : i32
        }
        %scan3A_429 = arith.constant 5 : i32
        %dma_start3A_430 = arith.constant 0 : i32
        %dma_start3A_431 = arith.constant 2 : i32
        %dma_start3A_432 = arith.constant 0 : i32
        %dma_start3A_433 = arith.constant 0 : i32
        %dma_start3A_434 = tpu.memref_slice %arg9[%dma_start3A_431, %dma_start3A_432, %dma_start3A_433] : memref<3x80x128xf32, #tpu.memory_space<vmem>> -> memref<1x80x128xf32, #tpu.memory_space<vmem>>
        %dma_start3A_435 = tpu.memref_squeeze %dma_start3A_434 : memref<1x80x128xf32, #tpu.memory_space<vmem>> -> memref<80x128xf32, #tpu.memory_space<vmem>>
        %dma_start3A_436 = arith.constant 0 : i32
        %dma_start3A_437 = tpu.memref_slice %arg7[%dma_start3A_430, %dma_start3A_436] : memref<8x80xi32, #tpu.memory_space<vmem>> -> memref<1x80xi32, #tpu.memory_space<vmem>>
        %dma_start3A_438 = tpu.memref_squeeze %dma_start3A_437 : memref<1x80xi32, #tpu.memory_space<vmem>> -> memref<80xi32, #tpu.memory_space<vmem>>
        %dma_start3A_439 = arith.constant 0 : i32
        %dma_start3A_440 = arith.constant 0 : i32
        %dma_start3A_441 = tpu.memref_slice %arg2[%dma_start3A_439, %dma_start3A_440] : memref<10000x128xf32, #tpu.memory_space<hbm>> -> memref<10000x128xf32, #tpu.memory_space<hbm>>
        tpu.enqueue_indirect_dma source(%dma_start3A_441 : memref<10000x128xf32, #tpu.memory_space<hbm>>) target(%dma_start3A_435 : memref<80x128xf32, #tpu.memory_space<vmem>>) offsets(%dma_start3A_438 : memref<80xi32, #tpu.memory_space<vmem>>) semaphore(%arg12 : memref<!tpu.dma_semaphore, #tpu.memory_space<semaphore_mem>>)
      } else {
      }
      %mul3A_206 = arith.constant 6 : i32
      %mul3A_207 = arith.muli %scan3A_165, %mul3A_206 : i32
      %add3A_208 = arith.constant 1 : i32
      %add3A_209 = arith.addi %mul3A_207, %add3A_208 : i32
      %dma_wait3A_210 = arith.constant 1 : i32
      %dma_wait3A_211 = arith.constant 1 : i32
      %dma_wait3A_212 = arith.constant 0 : i32
      %dma_wait3A_213 = arith.constant 0 : i32
      %dma_wait3A_214 = tpu.memref_slice %arg9[%dma_wait3A_211, %dma_wait3A_212, %dma_wait3A_213] : memref<3x80x128xf32, #tpu.memory_space<vmem>> -> memref<1x80x128xf32, #tpu.memory_space<vmem>>
      %dma_wait3A_215 = tpu.memref_squeeze %dma_wait3A_214 : memref<1x80x128xf32, #tpu.memory_space<vmem>> -> memref<80x128xf32, #tpu.memory_space<vmem>>
      %dma_wait3A_216 = arith.constant 0 : i32
      %dma_wait3A_217 = tpu.memref_slice %arg7[%dma_wait3A_210, %dma_wait3A_216] : memref<8x80xi32, #tpu.memory_space<vmem>> -> memref<1x80xi32, #tpu.memory_space<vmem>>
      %dma_wait3A_218 = tpu.memref_squeeze %dma_wait3A_217 : memref<1x80xi32, #tpu.memory_space<vmem>> -> memref<80xi32, #tpu.memory_space<vmem>>
      %dma_wait3A_219 = arith.constant 0 : i32
      %dma_wait3A_220 = arith.constant 0 : i32
      %dma_wait3A_221 = tpu.memref_slice %arg2[%dma_wait3A_219, %dma_wait3A_220] : memref<10000x128xf32, #tpu.memory_space<hbm>> -> memref<10000x128xf32, #tpu.memory_space<hbm>>
      tpu.wait_indirect_dma semaphore(%arg11 : memref<!tpu.dma_semaphore, #tpu.memory_space<semaphore_mem>>) src(%dma_wait3A_221 : memref<10000x128xf32, #tpu.memory_space<hbm>>) dst(%dma_wait3A_215 : memref<80x128xf32, #tpu.memory_space<vmem>>)
      %scan3A_222 = arith.constant 0 : i32
      %scan3A_223 = arith.constant 0 : i32
      %scan3A_224 = arith.constant 5 : i32
      %scan3A_225 = arith.addi %scan3A_223, %scan3A_224 : i32
      %scan3A_226 = arith.constant 1 : i32
      %scan3A_227 = scf.for %scan3A_417 = %scan3A_223 to %scan3A_225 step %scan3A_226 iter_args(%scan3A_418 = %scan3A_222) -> (i32)  : i32 {
        %mul3A_419 = arith.constant 16 : i32
        %mul3A_420 = arith.muli %scan3A_417, %mul3A_419 : i32
        %get3A = arith.index_cast %add3A_209 : i32 to index
        %get3A_421 = arith.index_cast %mul3A_420 : i32 to index
        %get3A_422 = tpu.vector_load %arg6[%get3A, %get3A_421] {strides = array<i32>} : memref<128x80xi32, #tpu.memory_space<vmem>>, vector<1x16xi32>,
        %get3A_423 = vector.shape_cast %get3A_422 : vector<1x16xi32> to vector<16xi32>
        %shift_right_logical3A = arith.constant 16 : i32
        %shift_right_logical3A_424 = vector.broadcast %shift_right_logical3A : i32 to vector<16xi32>
        %shift_right_logical3A_425 = arith.shrui %get3A_423, %shift_right_logical3A_424 : vector<16xi32>
        %mul3A_426 = arith.constant 16 : i32
        %mul3A_427 = arith.muli %scan3A_417, %mul3A_426 : i32
        %swap3A = arith.constant 3 : i32
        %swap3A_428 = arith.index_cast %swap3A : i32 to index
        %swap3A_429 = arith.index_cast %mul3A_427 : i32 to index
        %swap3A_430 = tpu.vector_load %arg7[%swap3A_428, %swap3A_429] {strides = array<i32>} : memref<8x80xi32, #tpu.memory_space<vmem>>, vector<1x16xi32>,
        %swap3A_431 = vector.shape_cast %swap3A_430 : vector<1x16xi32> to vector<16xi32>
        %swap3A_432 = vector.shape_cast %shift_right_logical3A_425 : vector<16xi32> to vector<1x16xi32>
        tpu.vector_store %arg7[%swap3A_428, %swap3A_429], %swap3A_432 {strides = array<i32>} : memref<8x80xi32, #tpu.memory_space<vmem>>, vector<1x16xi32>,
        %scan3A_433 = arith.constant 0 : i32
        scf.yield %scan3A_433 : i32
      }
      %scan3A_228 = arith.constant 5 : i32
      %dma_start3A_229 = arith.constant 1 : i32
      %dma_start3A_230 = arith.constant 3 : i32
      %dma_start3A_231 = arith.constant 0 : i32
      %dma_start3A_232 = arith.constant 0 : i32
      %dma_start3A_233 = tpu.memref_slice %arg9[%dma_start3A_229, %dma_start3A_231, %dma_start3A_232] : memref<3x80x128xf32, #tpu.memory_space<vmem>> -> memref<1x80x128xf32, #tpu.memory_space<vmem>>
      %dma_start3A_234 = tpu.memref_squeeze %dma_start3A_233 : memref<1x80x128xf32, #tpu.memory_space<vmem>> -> memref<80x128xf32, #tpu.memory_space<vmem>>
      %dma_start3A_235 = arith.constant 0 : i32
      %dma_start3A_236 = tpu.memref_slice %arg7[%dma_start3A_230, %dma_start3A_235] : memref<8x80xi32, #tpu.memory_space<vmem>> -> memref<1x80xi32, #tpu.memory_space<vmem>>
      %dma_start3A_237 = tpu.memref_squeeze %dma_start3A_236 : memref<1x80xi32, #tpu.memory_space<vmem>> -> memref<80xi32, #tpu.memory_space<vmem>>
      %dma_start3A_238 = arith.constant 0 : i32
      %dma_start3A_239 = arith.constant 0 : i32
      %dma_start3A_240 = tpu.memref_slice %arg5[%dma_start3A_238, %dma_start3A_239] : memref<10112x128xf32, #tpu.memory_space<vmem_shared>> -> memref<10112x128xf32, #tpu.memory_space<vmem_shared>>
      tpu.enqueue_indirect_dma source(%dma_start3A_234 : memref<80x128xf32, #tpu.memory_space<vmem>>) target(%dma_start3A_240 : memref<10112x128xf32, #tpu.memory_space<vmem_shared>>) offsets(%dma_start3A_237 : memref<80xi32, #tpu.memory_space<vmem>>) semaphore(%arg14 : memref<!tpu.dma_semaphore, #tpu.memory_space<semaphore_mem>>) {add = true}
      %add3A_241 = arith.constant 2 : i32
      %add3A_242 = arith.addi %add3A_209, %add3A_241 : i32
      %lt3A_243 = arith.constant 128 : i32
      %lt3A_244 = arith.cmpi slt, %add3A_242, %lt3A_243 : i32
      %convert_element_type3A_245 = arith.extui %lt3A_244 : i1 to i32
      %cond3A_246 = arith.constant 0 : i32
      %cond3A_247 = arith.cmpi ne, %convert_element_type3A_245, %cond3A_246 : i32
      scf.if %cond3A_247 {
        %ge3A = arith.constant 1 : i32
        %ge3A_417 = arith.cmpi sge, %add3A_209, %ge3A : i32
        %convert_element_type3A_418 = arith.extui %ge3A_417 : i1 to i32
        %cond3A_419 = arith.constant 0 : i32
        %cond3A_420 = arith.cmpi ne, %convert_element_type3A_418, %cond3A_419 : i32
        scf.if %cond3A_420 {
          %dma_wait3A_442 = arith.constant 0 : i32
          %dma_wait3A_443 = arith.constant 2 : i32
          %dma_wait3A_444 = arith.constant 0 : i32
          %dma_wait3A_445 = arith.constant 0 : i32
          %dma_wait3A_446 = tpu.memref_slice %arg9[%dma_wait3A_442, %dma_wait3A_444, %dma_wait3A_445] : memref<3x80x128xf32, #tpu.memory_space<vmem>> -> memref<1x80x128xf32, #tpu.memory_space<vmem>>
          %dma_wait3A_447 = tpu.memref_squeeze %dma_wait3A_446 : memref<1x80x128xf32, #tpu.memory_space<vmem>> -> memref<80x128xf32, #tpu.memory_space<vmem>>
          %dma_wait3A_448 = arith.constant 0 : i32
          %dma_wait3A_449 = tpu.memref_slice %arg7[%dma_wait3A_443, %dma_wait3A_448] : memref<8x80xi32, #tpu.memory_space<vmem>> -> memref<1x80xi32, #tpu.memory_space<vmem>>
          %dma_wait3A_450 = tpu.memref_squeeze %dma_wait3A_449 : memref<1x80xi32, #tpu.memory_space<vmem>> -> memref<80xi32, #tpu.memory_space<vmem>>
          %dma_wait3A_451 = arith.constant 0 : i32
          %dma_wait3A_452 = arith.constant 0 : i32
          %dma_wait3A_453 = tpu.memref_slice %arg5[%dma_wait3A_451, %dma_wait3A_452] : memref<10112x128xf32, #tpu.memory_space<vmem_shared>> -> memref<10112x128xf32, #tpu.memory_space<vmem_shared>>
          tpu.wait_indirect_dma semaphore(%arg13 : memref<!tpu.dma_semaphore, #tpu.memory_space<semaphore_mem>>) src(%dma_wait3A_447 : memref<80x128xf32, #tpu.memory_space<vmem>>) dst(%dma_wait3A_453 : memref<10112x128xf32, #tpu.memory_space<vmem_shared>>)
        } else {
        }
        %add3A_421 = arith.constant 2 : i32
        %add3A_422 = arith.addi %add3A_209, %add3A_421 : i32
        %scan3A_423 = arith.constant 0 : i32
        %scan3A_424 = arith.constant 0 : i32
        %scan3A_425 = arith.constant 5 : i32
        %scan3A_426 = arith.addi %scan3A_424, %scan3A_425 : i32
        %scan3A_427 = arith.constant 1 : i32
        %scan3A_428 = scf.for %scan3A_442 = %scan3A_424 to %scan3A_426 step %scan3A_427 iter_args(%scan3A_443 = %scan3A_423) -> (i32)  : i32 {
          %mul3A_444 = arith.constant 16 : i32
          %mul3A_445 = arith.muli %scan3A_442, %mul3A_444 : i32
          %get3A = arith.index_cast %add3A_422 : i32 to index
          %get3A_446 = arith.index_cast %mul3A_445 : i32 to index
          %get3A_447 = tpu.vector_load %arg6[%get3A, %get3A_446] {strides = array<i32>} : memref<128x80xi32, #tpu.memory_space<vmem>>, vector<1x16xi32>,
          %get3A_448 = vector.shape_cast %get3A_447 : vector<1x16xi32> to vector<16xi32>
          %and3A = arith.andi %get3A_448, %broadcast_in_dim3A_3 : vector<16xi32>
          %mul3A_449 = arith.constant 16 : i32
          %mul3A_450 = arith.muli %scan3A_442, %mul3A_449 : i32
          %swap3A = arith.constant 1 : i32
          %swap3A_451 = arith.index_cast %swap3A : i32 to index
          %swap3A_452 = arith.index_cast %mul3A_450 : i32 to index
          %swap3A_453 = tpu.vector_load %arg7[%swap3A_451, %swap3A_452] {strides = array<i32>} : memref<8x80xi32, #tpu.memory_space<vmem>>, vector<1x16xi32>,
          %swap3A_454 = vector.shape_cast %swap3A_453 : vector<1x16xi32> to vector<16xi32>
          %swap3A_455 = vector.shape_cast %and3A : vector<16xi32> to vector<1x16xi32>
          tpu.vector_store %arg7[%swap3A_451, %swap3A_452], %swap3A_455 {strides = array<i32>} : memref<8x80xi32, #tpu.memory_space<vmem>>, vector<1x16xi32>,
          %scan3A_456 = arith.constant 0 : i32
          scf.yield %scan3A_456 : i32
        }
        %scan3A_429 = arith.constant 5 : i32
        %dma_start3A_430 = arith.constant 1 : i32
        %dma_start3A_431 = arith.constant 0 : i32
        %dma_start3A_432 = arith.constant 0 : i32
        %dma_start3A_433 = arith.constant 0 : i32
        %dma_start3A_434 = tpu.memref_slice %arg9[%dma_start3A_431, %dma_start3A_432, %dma_start3A_433] : memref<3x80x128xf32, #tpu.memory_space<vmem>> -> memref<1x80x128xf32, #tpu.memory_space<vmem>>
        %dma_start3A_435 = tpu.memref_squeeze %dma_start3A_434 : memref<1x80x128xf32, #tpu.memory_space<vmem>> -> memref<80x128xf32, #tpu.memory_space<vmem>>
        %dma_start3A_436 = arith.constant 0 : i32
        %dma_start3A_437 = tpu.memref_slice %arg7[%dma_start3A_430, %dma_start3A_436] : memref<8x80xi32, #tpu.memory_space<vmem>> -> memref<1x80xi32, #tpu.memory_space<vmem>>
        %dma_start3A_438 = tpu.memref_squeeze %dma_start3A_437 : memref<1x80xi32, #tpu.memory_space<vmem>> -> memref<80xi32, #tpu.memory_space<vmem>>
        %dma_start3A_439 = arith.constant 0 : i32
        %dma_start3A_440 = arith.constant 0 : i32
        %dma_start3A_441 = tpu.memref_slice %arg2[%dma_start3A_439, %dma_start3A_440] : memref<10000x128xf32, #tpu.memory_space<hbm>> -> memref<10000x128xf32, #tpu.memory_space<hbm>>
        tpu.enqueue_indirect_dma source(%dma_start3A_441 : memref<10000x128xf32, #tpu.memory_space<hbm>>) target(%dma_start3A_435 : memref<80x128xf32, #tpu.memory_space<vmem>>) offsets(%dma_start3A_438 : memref<80xi32, #tpu.memory_space<vmem>>) semaphore(%arg10 : memref<!tpu.dma_semaphore, #tpu.memory_space<semaphore_mem>>)
      } else {
      }
      %mul3A_248 = arith.constant 6 : i32
      %mul3A_249 = arith.muli %scan3A_165, %mul3A_248 : i32
      %add3A_250 = arith.constant 2 : i32
      %add3A_251 = arith.addi %mul3A_249, %add3A_250 : i32
      %dma_wait3A_252 = arith.constant 0 : i32
      %dma_wait3A_253 = arith.constant 2 : i32
      %dma_wait3A_254 = arith.constant 0 : i32
      %dma_wait3A_255 = arith.constant 0 : i32
      %dma_wait3A_256 = tpu.memref_slice %arg9[%dma_wait3A_253, %dma_wait3A_254, %dma_wait3A_255] : memref<3x80x128xf32, #tpu.memory_space<vmem>> -> memref<1x80x128xf32, #tpu.memory_space<vmem>>
      %dma_wait3A_257 = tpu.memref_squeeze %dma_wait3A_256 : memref<1x80x128xf32, #tpu.memory_space<vmem>> -> memref<80x128xf32, #tpu.memory_space<vmem>>
      %dma_wait3A_258 = arith.constant 0 : i32
      %dma_wait3A_259 = tpu.memref_slice %arg7[%dma_wait3A_252, %dma_wait3A_258] : memref<8x80xi32, #tpu.memory_space<vmem>> -> memref<1x80xi32, #tpu.memory_space<vmem>>
      %dma_wait3A_260 = tpu.memref_squeeze %dma_wait3A_259 : memref<1x80xi32, #tpu.memory_space<vmem>> -> memref<80xi32, #tpu.memory_space<vmem>>
      %dma_wait3A_261 = arith.constant 0 : i32
      %dma_wait3A_262 = arith.constant 0 : i32
      %dma_wait3A_263 = tpu.memref_slice %arg2[%dma_wait3A_261, %dma_wait3A_262] : memref<10000x128xf32, #tpu.memory_space<hbm>> -> memref<10000x128xf32, #tpu.memory_space<hbm>>
      tpu.wait_indirect_dma semaphore(%arg12 : memref<!tpu.dma_semaphore, #tpu.memory_space<semaphore_mem>>) src(%dma_wait3A_263 : memref<10000x128xf32, #tpu.memory_space<hbm>>) dst(%dma_wait3A_257 : memref<80x128xf32, #tpu.memory_space<vmem>>)
      %scan3A_264 = arith.constant 0 : i32
      %scan3A_265 = arith.constant 0 : i32
      %scan3A_266 = arith.constant 5 : i32
      %scan3A_267 = arith.addi %scan3A_265, %scan3A_266 : i32
      %scan3A_268 = arith.constant 1 : i32
      %scan3A_269 = scf.for %scan3A_417 = %scan3A_265 to %scan3A_267 step %scan3A_268 iter_args(%scan3A_418 = %scan3A_264) -> (i32)  : i32 {
        %mul3A_419 = arith.constant 16 : i32
        %mul3A_420 = arith.muli %scan3A_417, %mul3A_419 : i32
        %get3A = arith.index_cast %add3A_251 : i32 to index
        %get3A_421 = arith.index_cast %mul3A_420 : i32 to index
        %get3A_422 = tpu.vector_load %arg6[%get3A, %get3A_421] {strides = array<i32>} : memref<128x80xi32, #tpu.memory_space<vmem>>, vector<1x16xi32>,
        %get3A_423 = vector.shape_cast %get3A_422 : vector<1x16xi32> to vector<16xi32>
        %shift_right_logical3A = arith.constant 16 : i32
        %shift_right_logical3A_424 = vector.broadcast %shift_right_logical3A : i32 to vector<16xi32>
        %shift_right_logical3A_425 = arith.shrui %get3A_423, %shift_right_logical3A_424 : vector<16xi32>
        %mul3A_426 = arith.constant 16 : i32
        %mul3A_427 = arith.muli %scan3A_417, %mul3A_426 : i32
        %swap3A = arith.constant 2 : i32
        %swap3A_428 = arith.index_cast %swap3A : i32 to index
        %swap3A_429 = arith.index_cast %mul3A_427 : i32 to index
        %swap3A_430 = tpu.vector_load %arg7[%swap3A_428, %swap3A_429] {strides = array<i32>} : memref<8x80xi32, #tpu.memory_space<vmem>>, vector<1x16xi32>,
        %swap3A_431 = vector.shape_cast %swap3A_430 : vector<1x16xi32> to vector<16xi32>
        %swap3A_432 = vector.shape_cast %shift_right_logical3A_425 : vector<16xi32> to vector<1x16xi32>
        tpu.vector_store %arg7[%swap3A_428, %swap3A_429], %swap3A_432 {strides = array<i32>} : memref<8x80xi32, #tpu.memory_space<vmem>>, vector<1x16xi32>,
        %scan3A_433 = arith.constant 0 : i32
        scf.yield %scan3A_433 : i32
      }
      %scan3A_270 = arith.constant 5 : i32
      %dma_start3A_271 = arith.constant 2 : i32
      %dma_start3A_272 = arith.constant 2 : i32
      %dma_start3A_273 = arith.constant 0 : i32
      %dma_start3A_274 = arith.constant 0 : i32
      %dma_start3A_275 = tpu.memref_slice %arg9[%dma_start3A_271, %dma_start3A_273, %dma_start3A_274] : memref<3x80x128xf32, #tpu.memory_space<vmem>> -> memref<1x80x128xf32, #tpu.memory_space<vmem>>
      %dma_start3A_276 = tpu.memref_squeeze %dma_start3A_275 : memref<1x80x128xf32, #tpu.memory_space<vmem>> -> memref<80x128xf32, #tpu.memory_space<vmem>>
      %dma_start3A_277 = arith.constant 0 : i32
      %dma_start3A_278 = tpu.memref_slice %arg7[%dma_start3A_272, %dma_start3A_277] : memref<8x80xi32, #tpu.memory_space<vmem>> -> memref<1x80xi32, #tpu.memory_space<vmem>>
      %dma_start3A_279 = tpu.memref_squeeze %dma_start3A_278 : memref<1x80xi32, #tpu.memory_space<vmem>> -> memref<80xi32, #tpu.memory_space<vmem>>
      %dma_start3A_280 = arith.constant 0 : i32
      %dma_start3A_281 = arith.constant 0 : i32
      %dma_start3A_282 = tpu.memref_slice %arg5[%dma_start3A_280, %dma_start3A_281] : memref<10112x128xf32, #tpu.memory_space<vmem_shared>> -> memref<10112x128xf32, #tpu.memory_space<vmem_shared>>
      tpu.enqueue_indirect_dma source(%dma_start3A_276 : memref<80x128xf32, #tpu.memory_space<vmem>>) target(%dma_start3A_282 : memref<10112x128xf32, #tpu.memory_space<vmem_shared>>) offsets(%dma_start3A_279 : memref<80xi32, #tpu.memory_space<vmem>>) semaphore(%arg13 : memref<!tpu.dma_semaphore, #tpu.memory_space<semaphore_mem>>) {add = true}
      %add3A_283 = arith.constant 2 : i32
      %add3A_284 = arith.addi %add3A_251, %add3A_283 : i32
      %lt3A_285 = arith.constant 128 : i32
      %lt3A_286 = arith.cmpi slt, %add3A_284, %lt3A_285 : i32
      %convert_element_type3A_287 = arith.extui %lt3A_286 : i1 to i32
      %cond3A_288 = arith.constant 0 : i32
      %cond3A_289 = arith.cmpi ne, %convert_element_type3A_287, %cond3A_288 : i32
      scf.if %cond3A_289 {
        %ge3A = arith.constant 1 : i32
        %ge3A_417 = arith.cmpi sge, %add3A_251, %ge3A : i32
        %convert_element_type3A_418 = arith.extui %ge3A_417 : i1 to i32
        %cond3A_419 = arith.constant 0 : i32
        %cond3A_420 = arith.cmpi ne, %convert_element_type3A_418, %cond3A_419 : i32
        scf.if %cond3A_420 {
          %dma_wait3A_442 = arith.constant 0 : i32
          %dma_wait3A_443 = arith.constant 3 : i32
          %dma_wait3A_444 = arith.constant 0 : i32
          %dma_wait3A_445 = arith.constant 0 : i32
          %dma_wait3A_446 = tpu.memref_slice %arg9[%dma_wait3A_442, %dma_wait3A_444, %dma_wait3A_445] : memref<3x80x128xf32, #tpu.memory_space<vmem>> -> memref<1x80x128xf32, #tpu.memory_space<vmem>>
          %dma_wait3A_447 = tpu.memref_squeeze %dma_wait3A_446 : memref<1x80x128xf32, #tpu.memory_space<vmem>> -> memref<80x128xf32, #tpu.memory_space<vmem>>
          %dma_wait3A_448 = arith.constant 0 : i32
          %dma_wait3A_449 = tpu.memref_slice %arg7[%dma_wait3A_443, %dma_wait3A_448] : memref<8x80xi32, #tpu.memory_space<vmem>> -> memref<1x80xi32, #tpu.memory_space<vmem>>
          %dma_wait3A_450 = tpu.memref_squeeze %dma_wait3A_449 : memref<1x80xi32, #tpu.memory_space<vmem>> -> memref<80xi32, #tpu.memory_space<vmem>>
          %dma_wait3A_451 = arith.constant 0 : i32
          %dma_wait3A_452 = arith.constant 0 : i32
          %dma_wait3A_453 = tpu.memref_slice %arg5[%dma_wait3A_451, %dma_wait3A_452] : memref<10112x128xf32, #tpu.memory_space<vmem_shared>> -> memref<10112x128xf32, #tpu.memory_space<vmem_shared>>
          tpu.wait_indirect_dma semaphore(%arg14 : memref<!tpu.dma_semaphore, #tpu.memory_space<semaphore_mem>>) src(%dma_wait3A_447 : memref<80x128xf32, #tpu.memory_space<vmem>>) dst(%dma_wait3A_453 : memref<10112x128xf32, #tpu.memory_space<vmem_shared>>)
        } else {
        }
        %add3A_421 = arith.constant 2 : i32
        %add3A_422 = arith.addi %add3A_251, %add3A_421 : i32
        %scan3A_423 = arith.constant 0 : i32
        %scan3A_424 = arith.constant 0 : i32
        %scan3A_425 = arith.constant 5 : i32
        %scan3A_426 = arith.addi %scan3A_424, %scan3A_425 : i32
        %scan3A_427 = arith.constant 1 : i32
        %scan3A_428 = scf.for %scan3A_442 = %scan3A_424 to %scan3A_426 step %scan3A_427 iter_args(%scan3A_443 = %scan3A_423) -> (i32)  : i32 {
          %mul3A_444 = arith.constant 16 : i32
          %mul3A_445 = arith.muli %scan3A_442, %mul3A_444 : i32
          %get3A = arith.index_cast %add3A_422 : i32 to index
          %get3A_446 = arith.index_cast %mul3A_445 : i32 to index
          %get3A_447 = tpu.vector_load %arg6[%get3A, %get3A_446] {strides = array<i32>} : memref<128x80xi32, #tpu.memory_space<vmem>>, vector<1x16xi32>,
          %get3A_448 = vector.shape_cast %get3A_447 : vector<1x16xi32> to vector<16xi32>
          %and3A = arith.andi %get3A_448, %broadcast_in_dim3A_3 : vector<16xi32>
          %mul3A_449 = arith.constant 16 : i32
          %mul3A_450 = arith.muli %scan3A_442, %mul3A_449 : i32
          %swap3A = arith.constant 0 : i32
          %swap3A_451 = arith.index_cast %swap3A : i32 to index
          %swap3A_452 = arith.index_cast %mul3A_450 : i32 to index
          %swap3A_453 = tpu.vector_load %arg7[%swap3A_451, %swap3A_452] {strides = array<i32>} : memref<8x80xi32, #tpu.memory_space<vmem>>, vector<1x16xi32>,
          %swap3A_454 = vector.shape_cast %swap3A_453 : vector<1x16xi32> to vector<16xi32>
          %swap3A_455 = vector.shape_cast %and3A : vector<16xi32> to vector<1x16xi32>
          tpu.vector_store %arg7[%swap3A_451, %swap3A_452], %swap3A_455 {strides = array<i32>} : memref<8x80xi32, #tpu.memory_space<vmem>>, vector<1x16xi32>,
          %scan3A_456 = arith.constant 0 : i32
          scf.yield %scan3A_456 : i32
        }
        %scan3A_429 = arith.constant 5 : i32
        %dma_start3A_430 = arith.constant 0 : i32
        %dma_start3A_431 = arith.constant 1 : i32
        %dma_start3A_432 = arith.constant 0 : i32
        %dma_start3A_433 = arith.constant 0 : i32
        %dma_start3A_434 = tpu.memref_slice %arg9[%dma_start3A_431, %dma_start3A_432, %dma_start3A_433] : memref<3x80x128xf32, #tpu.memory_space<vmem>> -> memref<1x80x128xf32, #tpu.memory_space<vmem>>
        %dma_start3A_435 = tpu.memref_squeeze %dma_start3A_434 : memref<1x80x128xf32, #tpu.memory_space<vmem>> -> memref<80x128xf32, #tpu.memory_space<vmem>>
        %dma_start3A_436 = arith.constant 0 : i32
        %dma_start3A_437 = tpu.memref_slice %arg7[%dma_start3A_430, %dma_start3A_436] : memref<8x80xi32, #tpu.memory_space<vmem>> -> memref<1x80xi32, #tpu.memory_space<vmem>>
        %dma_start3A_438 = tpu.memref_squeeze %dma_start3A_437 : memref<1x80xi32, #tpu.memory_space<vmem>> -> memref<80xi32, #tpu.memory_space<vmem>>
        %dma_start3A_439 = arith.constant 0 : i32
        %dma_start3A_440 = arith.constant 0 : i32
        %dma_start3A_441 = tpu.memref_slice %arg2[%dma_start3A_439, %dma_start3A_440] : memref<10000x128xf32, #tpu.memory_space<hbm>> -> memref<10000x128xf32, #tpu.memory_space<hbm>>
        tpu.enqueue_indirect_dma source(%dma_start3A_441 : memref<10000x128xf32, #tpu.memory_space<hbm>>) target(%dma_start3A_435 : memref<80x128xf32, #tpu.memory_space<vmem>>) offsets(%dma_start3A_438 : memref<80xi32, #tpu.memory_space<vmem>>) semaphore(%arg11 : memref<!tpu.dma_semaphore, #tpu.memory_space<semaphore_mem>>)
      } else {
      }
      %mul3A_290 = arith.constant 6 : i32
      %mul3A_291 = arith.muli %scan3A_165, %mul3A_290 : i32
      %add3A_292 = arith.constant 3 : i32
      %add3A_293 = arith.addi %mul3A_291, %add3A_292 : i32
      %dma_wait3A_294 = arith.constant 1 : i32
      %dma_wait3A_295 = arith.constant 0 : i32
      %dma_wait3A_296 = arith.constant 0 : i32
      %dma_wait3A_297 = arith.constant 0 : i32
      %dma_wait3A_298 = tpu.memref_slice %arg9[%dma_wait3A_295, %dma_wait3A_296, %dma_wait3A_297] : memref<3x80x128xf32, #tpu.memory_space<vmem>> -> memref<1x80x128xf32, #tpu.memory_space<vmem>>
      %dma_wait3A_299 = tpu.memref_squeeze %dma_wait3A_298 : memref<1x80x128xf32, #tpu.memory_space<vmem>> -> memref<80x128xf32, #tpu.memory_space<vmem>>
      %dma_wait3A_300 = arith.constant 0 : i32
      %dma_wait3A_301 = tpu.memref_slice %arg7[%dma_wait3A_294, %dma_wait3A_300] : memref<8x80xi32, #tpu.memory_space<vmem>> -> memref<1x80xi32, #tpu.memory_space<vmem>>
      %dma_wait3A_302 = tpu.memref_squeeze %dma_wait3A_301 : memref<1x80xi32, #tpu.memory_space<vmem>> -> memref<80xi32, #tpu.memory_space<vmem>>
      %dma_wait3A_303 = arith.constant 0 : i32
      %dma_wait3A_304 = arith.constant 0 : i32
      %dma_wait3A_305 = tpu.memref_slice %arg2[%dma_wait3A_303, %dma_wait3A_304] : memref<10000x128xf32, #tpu.memory_space<hbm>> -> memref<10000x128xf32, #tpu.memory_space<hbm>>
      tpu.wait_indirect_dma semaphore(%arg10 : memref<!tpu.dma_semaphore, #tpu.memory_space<semaphore_mem>>) src(%dma_wait3A_305 : memref<10000x128xf32, #tpu.memory_space<hbm>>) dst(%dma_wait3A_299 : memref<80x128xf32, #tpu.memory_space<vmem>>)
      %scan3A_306 = arith.constant 0 : i32
      %scan3A_307 = arith.constant 0 : i32
      %scan3A_308 = arith.constant 5 : i32
      %scan3A_309 = arith.addi %scan3A_307, %scan3A_308 : i32
      %scan3A_310 = arith.constant 1 : i32
      %scan3A_311 = scf.for %scan3A_417 = %scan3A_307 to %scan3A_309 step %scan3A_310 iter_args(%scan3A_418 = %scan3A_306) -> (i32)  : i32 {
        %mul3A_419 = arith.constant 16 : i32
        %mul3A_420 = arith.muli %scan3A_417, %mul3A_419 : i32
        %get3A = arith.index_cast %add3A_293 : i32 to index
        %get3A_421 = arith.index_cast %mul3A_420 : i32 to index
        %get3A_422 = tpu.vector_load %arg6[%get3A, %get3A_421] {strides = array<i32>} : memref<128x80xi32, #tpu.memory_space<vmem>>, vector<1x16xi32>,
        %get3A_423 = vector.shape_cast %get3A_422 : vector<1x16xi32> to vector<16xi32>
        %shift_right_logical3A = arith.constant 16 : i32
        %shift_right_logical3A_424 = vector.broadcast %shift_right_logical3A : i32 to vector<16xi32>
        %shift_right_logical3A_425 = arith.shrui %get3A_423, %shift_right_logical3A_424 : vector<16xi32>
        %mul3A_426 = arith.constant 16 : i32
        %mul3A_427 = arith.muli %scan3A_417, %mul3A_426 : i32
        %swap3A = arith.constant 3 : i32
        %swap3A_428 = arith.index_cast %swap3A : i32 to index
        %swap3A_429 = arith.index_cast %mul3A_427 : i32 to index
        %swap3A_430 = tpu.vector_load %arg7[%swap3A_428, %swap3A_429] {strides = array<i32>} : memref<8x80xi32, #tpu.memory_space<vmem>>, vector<1x16xi32>,
        %swap3A_431 = vector.shape_cast %swap3A_430 : vector<1x16xi32> to vector<16xi32>
        %swap3A_432 = vector.shape_cast %shift_right_logical3A_425 : vector<16xi32> to vector<1x16xi32>
        tpu.vector_store %arg7[%swap3A_428, %swap3A_429], %swap3A_432 {strides = array<i32>} : memref<8x80xi32, #tpu.memory_space<vmem>>, vector<1x16xi32>,
        %scan3A_433 = arith.constant 0 : i32
        scf.yield %scan3A_433 : i32
      }
      %scan3A_312 = arith.constant 5 : i32
      %dma_start3A_313 = arith.constant 0 : i32
      %dma_start3A_314 = arith.constant 3 : i32
      %dma_start3A_315 = arith.constant 0 : i32
      %dma_start3A_316 = arith.constant 0 : i32
      %dma_start3A_317 = tpu.memref_slice %arg9[%dma_start3A_313, %dma_start3A_315, %dma_start3A_316] : memref<3x80x128xf32, #tpu.memory_space<vmem>> -> memref<1x80x128xf32, #tpu.memory_space<vmem>>
      %dma_start3A_318 = tpu.memref_squeeze %dma_start3A_317 : memref<1x80x128xf32, #tpu.memory_space<vmem>> -> memref<80x128xf32, #tpu.memory_space<vmem>>
      %dma_start3A_319 = arith.constant 0 : i32
      %dma_start3A_320 = tpu.memref_slice %arg7[%dma_start3A_314, %dma_start3A_319] : memref<8x80xi32, #tpu.memory_space<vmem>> -> memref<1x80xi32, #tpu.memory_space<vmem>>
      %dma_start3A_321 = tpu.memref_squeeze %dma_start3A_320 : memref<1x80xi32, #tpu.memory_space<vmem>> -> memref<80xi32, #tpu.memory_space<vmem>>
      %dma_start3A_322 = arith.constant 0 : i32
      %dma_start3A_323 = arith.constant 0 : i32
      %dma_start3A_324 = tpu.memref_slice %arg5[%dma_start3A_322, %dma_start3A_323] : memref<10112x128xf32, #tpu.memory_space<vmem_shared>> -> memref<10112x128xf32, #tpu.memory_space<vmem_shared>>
      tpu.enqueue_indirect_dma source(%dma_start3A_318 : memref<80x128xf32, #tpu.memory_space<vmem>>) target(%dma_start3A_324 : memref<10112x128xf32, #tpu.memory_space<vmem_shared>>) offsets(%dma_start3A_321 : memref<80xi32, #tpu.memory_space<vmem>>) semaphore(%arg14 : memref<!tpu.dma_semaphore, #tpu.memory_space<semaphore_mem>>) {add = true}
      %add3A_325 = arith.constant 2 : i32
      %add3A_326 = arith.addi %add3A_293, %add3A_325 : i32
      %lt3A_327 = arith.constant 128 : i32
      %lt3A_328 = arith.cmpi slt, %add3A_326, %lt3A_327 : i32
      %convert_element_type3A_329 = arith.extui %lt3A_328 : i1 to i32
      %cond3A_330 = arith.constant 0 : i32
      %cond3A_331 = arith.cmpi ne, %convert_element_type3A_329, %cond3A_330 : i32
      scf.if %cond3A_331 {
        %ge3A = arith.constant 1 : i32
        %ge3A_417 = arith.cmpi sge, %add3A_293, %ge3A : i32
        %convert_element_type3A_418 = arith.extui %ge3A_417 : i1 to i32
        %cond3A_419 = arith.constant 0 : i32
        %cond3A_420 = arith.cmpi ne, %convert_element_type3A_418, %cond3A_419 : i32
        scf.if %cond3A_420 {
          %dma_wait3A_442 = arith.constant 0 : i32
          %dma_wait3A_443 = arith.constant 2 : i32
          %dma_wait3A_444 = arith.constant 0 : i32
          %dma_wait3A_445 = arith.constant 0 : i32
          %dma_wait3A_446 = tpu.memref_slice %arg9[%dma_wait3A_442, %dma_wait3A_444, %dma_wait3A_445] : memref<3x80x128xf32, #tpu.memory_space<vmem>> -> memref<1x80x128xf32, #tpu.memory_space<vmem>>
          %dma_wait3A_447 = tpu.memref_squeeze %dma_wait3A_446 : memref<1x80x128xf32, #tpu.memory_space<vmem>> -> memref<80x128xf32, #tpu.memory_space<vmem>>
          %dma_wait3A_448 = arith.constant 0 : i32
          %dma_wait3A_449 = tpu.memref_slice %arg7[%dma_wait3A_443, %dma_wait3A_448] : memref<8x80xi32, #tpu.memory_space<vmem>> -> memref<1x80xi32, #tpu.memory_space<vmem>>
          %dma_wait3A_450 = tpu.memref_squeeze %dma_wait3A_449 : memref<1x80xi32, #tpu.memory_space<vmem>> -> memref<80xi32, #tpu.memory_space<vmem>>
          %dma_wait3A_451 = arith.constant 0 : i32
          %dma_wait3A_452 = arith.constant 0 : i32
          %dma_wait3A_453 = tpu.memref_slice %arg5[%dma_wait3A_451, %dma_wait3A_452] : memref<10112x128xf32, #tpu.memory_space<vmem_shared>> -> memref<10112x128xf32, #tpu.memory_space<vmem_shared>>
          tpu.wait_indirect_dma semaphore(%arg13 : memref<!tpu.dma_semaphore, #tpu.memory_space<semaphore_mem>>) src(%dma_wait3A_447 : memref<80x128xf32, #tpu.memory_space<vmem>>) dst(%dma_wait3A_453 : memref<10112x128xf32, #tpu.memory_space<vmem_shared>>)
        } else {
        }
        %add3A_421 = arith.constant 2 : i32
        %add3A_422 = arith.addi %add3A_293, %add3A_421 : i32
        %scan3A_423 = arith.constant 0 : i32
        %scan3A_424 = arith.constant 0 : i32
        %scan3A_425 = arith.constant 5 : i32
        %scan3A_426 = arith.addi %scan3A_424, %scan3A_425 : i32
        %scan3A_427 = arith.constant 1 : i32
        %scan3A_428 = scf.for %scan3A_442 = %scan3A_424 to %scan3A_426 step %scan3A_427 iter_args(%scan3A_443 = %scan3A_423) -> (i32)  : i32 {
          %mul3A_444 = arith.constant 16 : i32
          %mul3A_445 = arith.muli %scan3A_442, %mul3A_444 : i32
          %get3A = arith.index_cast %add3A_422 : i32 to index
          %get3A_446 = arith.index_cast %mul3A_445 : i32 to index
          %get3A_447 = tpu.vector_load %arg6[%get3A, %get3A_446] {strides = array<i32>} : memref<128x80xi32, #tpu.memory_space<vmem>>, vector<1x16xi32>,
          %get3A_448 = vector.shape_cast %get3A_447 : vector<1x16xi32> to vector<16xi32>
          %and3A = arith.andi %get3A_448, %broadcast_in_dim3A_3 : vector<16xi32>
          %mul3A_449 = arith.constant 16 : i32
          %mul3A_450 = arith.muli %scan3A_442, %mul3A_449 : i32
          %swap3A = arith.constant 1 : i32
          %swap3A_451 = arith.index_cast %swap3A : i32 to index
          %swap3A_452 = arith.index_cast %mul3A_450 : i32 to index
          %swap3A_453 = tpu.vector_load %arg7[%swap3A_451, %swap3A_452] {strides = array<i32>} : memref<8x80xi32, #tpu.memory_space<vmem>>, vector<1x16xi32>,
          %swap3A_454 = vector.shape_cast %swap3A_453 : vector<1x16xi32> to vector<16xi32>
          %swap3A_455 = vector.shape_cast %and3A : vector<16xi32> to vector<1x16xi32>
          tpu.vector_store %arg7[%swap3A_451, %swap3A_452], %swap3A_455 {strides = array<i32>} : memref<8x80xi32, #tpu.memory_space<vmem>>, vector<1x16xi32>,
          %scan3A_456 = arith.constant 0 : i32
          scf.yield %scan3A_456 : i32
        }
        %scan3A_429 = arith.constant 5 : i32
        %dma_start3A_430 = arith.constant 1 : i32
        %dma_start3A_431 = arith.constant 2 : i32
        %dma_start3A_432 = arith.constant 0 : i32
        %dma_start3A_433 = arith.constant 0 : i32
        %dma_start3A_434 = tpu.memref_slice %arg9[%dma_start3A_431, %dma_start3A_432, %dma_start3A_433] : memref<3x80x128xf32, #tpu.memory_space<vmem>> -> memref<1x80x128xf32, #tpu.memory_space<vmem>>
        %dma_start3A_435 = tpu.memref_squeeze %dma_start3A_434 : memref<1x80x128xf32, #tpu.memory_space<vmem>> -> memref<80x128xf32, #tpu.memory_space<vmem>>
        %dma_start3A_436 = arith.constant 0 : i32
        %dma_start3A_437 = tpu.memref_slice %arg7[%dma_start3A_430, %dma_start3A_436] : memref<8x80xi32, #tpu.memory_space<vmem>> -> memref<1x80xi32, #tpu.memory_space<vmem>>
        %dma_start3A_438 = tpu.memref_squeeze %dma_start3A_437 : memref<1x80xi32, #tpu.memory_space<vmem>> -> memref<80xi32, #tpu.memory_space<vmem>>
        %dma_start3A_439 = arith.constant 0 : i32
        %dma_start3A_440 = arith.constant 0 : i32
        %dma_start3A_441 = tpu.memref_slice %arg2[%dma_start3A_439, %dma_start3A_440] : memref<10000x128xf32, #tpu.memory_space<hbm>> -> memref<10000x128xf32, #tpu.memory_space<hbm>>
        tpu.enqueue_indirect_dma source(%dma_start3A_441 : memref<10000x128xf32, #tpu.memory_space<hbm>>) target(%dma_start3A_435 : memref<80x128xf32, #tpu.memory_space<vmem>>) offsets(%dma_start3A_438 : memref<80xi32, #tpu.memory_space<vmem>>) semaphore(%arg12 : memref<!tpu.dma_semaphore, #tpu.memory_space<semaphore_mem>>)
      } else {
      }
      %mul3A_332 = arith.constant 6 : i32
      %mul3A_333 = arith.muli %scan3A_165, %mul3A_332 : i32
      %add3A_334 = arith.constant 4 : i32
      %add3A_335 = arith.addi %mul3A_333, %add3A_334 : i32
      %dma_wait3A_336 = arith.constant 0 : i32
      %dma_wait3A_337 = arith.constant 1 : i32
      %dma_wait3A_338 = arith.constant 0 : i32
      %dma_wait3A_339 = arith.constant 0 : i32
      %dma_wait3A_340 = tpu.memref_slice %arg9[%dma_wait3A_337, %dma_wait3A_338, %dma_wait3A_339] : memref<3x80x128xf32, #tpu.memory_space<vmem>> -> memref<1x80x128xf32, #tpu.memory_space<vmem>>
      %dma_wait3A_341 = tpu.memref_squeeze %dma_wait3A_340 : memref<1x80x128xf32, #tpu.memory_space<vmem>> -> memref<80x128xf32, #tpu.memory_space<vmem>>
      %dma_wait3A_342 = arith.constant 0 : i32
      %dma_wait3A_343 = tpu.memref_slice %arg7[%dma_wait3A_336, %dma_wait3A_342] : memref<8x80xi32, #tpu.memory_space<vmem>> -> memref<1x80xi32, #tpu.memory_space<vmem>>
      %dma_wait3A_344 = tpu.memref_squeeze %dma_wait3A_343 : memref<1x80xi32, #tpu.memory_space<vmem>> -> memref<80xi32, #tpu.memory_space<vmem>>
      %dma_wait3A_345 = arith.constant 0 : i32
      %dma_wait3A_346 = arith.constant 0 : i32
      %dma_wait3A_347 = tpu.memref_slice %arg2[%dma_wait3A_345, %dma_wait3A_346] : memref<10000x128xf32, #tpu.memory_space<hbm>> -> memref<10000x128xf32, #tpu.memory_space<hbm>>
      tpu.wait_indirect_dma semaphore(%arg11 : memref<!tpu.dma_semaphore, #tpu.memory_space<semaphore_mem>>) src(%dma_wait3A_347 : memref<10000x128xf32, #tpu.memory_space<hbm>>) dst(%dma_wait3A_341 : memref<80x128xf32, #tpu.memory_space<vmem>>)
      %scan3A_348 = arith.constant 0 : i32
      %scan3A_349 = arith.constant 0 : i32
      %scan3A_350 = arith.constant 5 : i32
      %scan3A_351 = arith.addi %scan3A_349, %scan3A_350 : i32
      %scan3A_352 = arith.constant 1 : i32
      %scan3A_353 = scf.for %scan3A_417 = %scan3A_349 to %scan3A_351 step %scan3A_352 iter_args(%scan3A_418 = %scan3A_348) -> (i32)  : i32 {
        %mul3A_419 = arith.constant 16 : i32
        %mul3A_420 = arith.muli %scan3A_417, %mul3A_419 : i32
        %get3A = arith.index_cast %add3A_335 : i32 to index
        %get3A_421 = arith.index_cast %mul3A_420 : i32 to index
        %get3A_422 = tpu.vector_load %arg6[%get3A, %get3A_421] {strides = array<i32>} : memref<128x80xi32, #tpu.memory_space<vmem>>, vector<1x16xi32>,
        %get3A_423 = vector.shape_cast %get3A_422 : vector<1x16xi32> to vector<16xi32>
        %shift_right_logical3A = arith.constant 16 : i32
        %shift_right_logical3A_424 = vector.broadcast %shift_right_logical3A : i32 to vector<16xi32>
        %shift_right_logical3A_425 = arith.shrui %get3A_423, %shift_right_logical3A_424 : vector<16xi32>
        %mul3A_426 = arith.constant 16 : i32
        %mul3A_427 = arith.muli %scan3A_417, %mul3A_426 : i32
        %swap3A = arith.constant 2 : i32
        %swap3A_428 = arith.index_cast %swap3A : i32 to index
        %swap3A_429 = arith.index_cast %mul3A_427 : i32 to index
        %swap3A_430 = tpu.vector_load %arg7[%swap3A_428, %swap3A_429] {strides = array<i32>} : memref<8x80xi32, #tpu.memory_space<vmem>>, vector<1x16xi32>,
        %swap3A_431 = vector.shape_cast %swap3A_430 : vector<1x16xi32> to vector<16xi32>
        %swap3A_432 = vector.shape_cast %shift_right_logical3A_425 : vector<16xi32> to vector<1x16xi32>
        tpu.vector_store %arg7[%swap3A_428, %swap3A_429], %swap3A_432 {strides = array<i32>} : memref<8x80xi32, #tpu.memory_space<vmem>>, vector<1x16xi32>,
        %scan3A_433 = arith.constant 0 : i32
        scf.yield %scan3A_433 : i32
      }
      %scan3A_354 = arith.constant 5 : i32
      %dma_start3A_355 = arith.constant 1 : i32
      %dma_start3A_356 = arith.constant 2 : i32
      %dma_start3A_357 = arith.constant 0 : i32
      %dma_start3A_358 = arith.constant 0 : i32
      %dma_start3A_359 = tpu.memref_slice %arg9[%dma_start3A_355, %dma_start3A_357, %dma_start3A_358] : memref<3x80x128xf32, #tpu.memory_space<vmem>> -> memref<1x80x128xf32, #tpu.memory_space<vmem>>
      %dma_start3A_360 = tpu.memref_squeeze %dma_start3A_359 : memref<1x80x128xf32, #tpu.memory_space<vmem>> -> memref<80x128xf32, #tpu.memory_space<vmem>>
      %dma_start3A_361 = arith.constant 0 : i32
      %dma_start3A_362 = tpu.memref_slice %arg7[%dma_start3A_356, %dma_start3A_361] : memref<8x80xi32, #tpu.memory_space<vmem>> -> memref<1x80xi32, #tpu.memory_space<vmem>>
      %dma_start3A_363 = tpu.memref_squeeze %dma_start3A_362 : memref<1x80xi32, #tpu.memory_space<vmem>> -> memref<80xi32, #tpu.memory_space<vmem>>
      %dma_start3A_364 = arith.constant 0 : i32
      %dma_start3A_365 = arith.constant 0 : i32
      %dma_start3A_366 = tpu.memref_slice %arg5[%dma_start3A_364, %dma_start3A_365] : memref<10112x128xf32, #tpu.memory_space<vmem_shared>> -> memref<10112x128xf32, #tpu.memory_space<vmem_shared>>
      tpu.enqueue_indirect_dma source(%dma_start3A_360 : memref<80x128xf32, #tpu.memory_space<vmem>>) target(%dma_start3A_366 : memref<10112x128xf32, #tpu.memory_space<vmem_shared>>) offsets(%dma_start3A_363 : memref<80xi32, #tpu.memory_space<vmem>>) semaphore(%arg13 : memref<!tpu.dma_semaphore, #tpu.memory_space<semaphore_mem>>) {add = true}
      %add3A_367 = arith.constant 2 : i32
      %add3A_368 = arith.addi %add3A_335, %add3A_367 : i32
      %lt3A_369 = arith.constant 128 : i32
      %lt3A_370 = arith.cmpi slt, %add3A_368, %lt3A_369 : i32
      %convert_element_type3A_371 = arith.extui %lt3A_370 : i1 to i32
      %cond3A_372 = arith.constant 0 : i32
      %cond3A_373 = arith.cmpi ne, %convert_element_type3A_371, %cond3A_372 : i32
      scf.if %cond3A_373 {
        %ge3A = arith.constant 1 : i32
        %ge3A_417 = arith.cmpi sge, %add3A_335, %ge3A : i32
        %convert_element_type3A_418 = arith.extui %ge3A_417 : i1 to i32
        %cond3A_419 = arith.constant 0 : i32
        %cond3A_420 = arith.cmpi ne, %convert_element_type3A_418, %cond3A_419 : i32
        scf.if %cond3A_420 {
          %dma_wait3A_442 = arith.constant 0 : i32
          %dma_wait3A_443 = arith.constant 3 : i32
          %dma_wait3A_444 = arith.constant 0 : i32
          %dma_wait3A_445 = arith.constant 0 : i32
          %dma_wait3A_446 = tpu.memref_slice %arg9[%dma_wait3A_442, %dma_wait3A_444, %dma_wait3A_445] : memref<3x80x128xf32, #tpu.memory_space<vmem>> -> memref<1x80x128xf32, #tpu.memory_space<vmem>>
          %dma_wait3A_447 = tpu.memref_squeeze %dma_wait3A_446 : memref<1x80x128xf32, #tpu.memory_space<vmem>> -> memref<80x128xf32, #tpu.memory_space<vmem>>
          %dma_wait3A_448 = arith.constant 0 : i32
          %dma_wait3A_449 = tpu.memref_slice %arg7[%dma_wait3A_443, %dma_wait3A_448] : memref<8x80xi32, #tpu.memory_space<vmem>> -> memref<1x80xi32, #tpu.memory_space<vmem>>
          %dma_wait3A_450 = tpu.memref_squeeze %dma_wait3A_449 : memref<1x80xi32, #tpu.memory_space<vmem>> -> memref<80xi32, #tpu.memory_space<vmem>>
          %dma_wait3A_451 = arith.constant 0 : i32
          %dma_wait3A_452 = arith.constant 0 : i32
          %dma_wait3A_453 = tpu.memref_slice %arg5[%dma_wait3A_451, %dma_wait3A_452] : memref<10112x128xf32, #tpu.memory_space<vmem_shared>> -> memref<10112x128xf32, #tpu.memory_space<vmem_shared>>
          tpu.wait_indirect_dma semaphore(%arg14 : memref<!tpu.dma_semaphore, #tpu.memory_space<semaphore_mem>>) src(%dma_wait3A_447 : memref<80x128xf32, #tpu.memory_space<vmem>>) dst(%dma_wait3A_453 : memref<10112x128xf32, #tpu.memory_space<vmem_shared>>)
        } else {
        }
        %add3A_421 = arith.constant 2 : i32
        %add3A_422 = arith.addi %add3A_335, %add3A_421 : i32
        %scan3A_423 = arith.constant 0 : i32
        %scan3A_424 = arith.constant 0 : i32
        %scan3A_425 = arith.constant 5 : i32
        %scan3A_426 = arith.addi %scan3A_424, %scan3A_425 : i32
        %scan3A_427 = arith.constant 1 : i32
        %scan3A_428 = scf.for %scan3A_442 = %scan3A_424 to %scan3A_426 step %scan3A_427 iter_args(%scan3A_443 = %scan3A_423) -> (i32)  : i32 {
          %mul3A_444 = arith.constant 16 : i32
          %mul3A_445 = arith.muli %scan3A_442, %mul3A_444 : i32
          %get3A = arith.index_cast %add3A_422 : i32 to index
          %get3A_446 = arith.index_cast %mul3A_445 : i32 to index
          %get3A_447 = tpu.vector_load %arg6[%get3A, %get3A_446] {strides = array<i32>} : memref<128x80xi32, #tpu.memory_space<vmem>>, vector<1x16xi32>,
          %get3A_448 = vector.shape_cast %get3A_447 : vector<1x16xi32> to vector<16xi32>
          %and3A = arith.andi %get3A_448, %broadcast_in_dim3A_3 : vector<16xi32>
          %mul3A_449 = arith.constant 16 : i32
          %mul3A_450 = arith.muli %scan3A_442, %mul3A_449 : i32
          %swap3A = arith.constant 0 : i32
          %swap3A_451 = arith.index_cast %swap3A : i32 to index
          %swap3A_452 = arith.index_cast %mul3A_450 : i32 to index
          %swap3A_453 = tpu.vector_load %arg7[%swap3A_451, %swap3A_452] {strides = array<i32>} : memref<8x80xi32, #tpu.memory_space<vmem>>, vector<1x16xi32>,
          %swap3A_454 = vector.shape_cast %swap3A_453 : vector<1x16xi32> to vector<16xi32>
          %swap3A_455 = vector.shape_cast %and3A : vector<16xi32> to vector<1x16xi32>
          tpu.vector_store %arg7[%swap3A_451, %swap3A_452], %swap3A_455 {strides = array<i32>} : memref<8x80xi32, #tpu.memory_space<vmem>>, vector<1x16xi32>,
          %scan3A_456 = arith.constant 0 : i32
          scf.yield %scan3A_456 : i32
        }
        %scan3A_429 = arith.constant 5 : i32
        %dma_start3A_430 = arith.constant 0 : i32
        %dma_start3A_431 = arith.constant 0 : i32
        %dma_start3A_432 = arith.constant 0 : i32
        %dma_start3A_433 = arith.constant 0 : i32
        %dma_start3A_434 = tpu.memref_slice %arg9[%dma_start3A_431, %dma_start3A_432, %dma_start3A_433] : memref<3x80x128xf32, #tpu.memory_space<vmem>> -> memref<1x80x128xf32, #tpu.memory_space<vmem>>
        %dma_start3A_435 = tpu.memref_squeeze %dma_start3A_434 : memref<1x80x128xf32, #tpu.memory_space<vmem>> -> memref<80x128xf32, #tpu.memory_space<vmem>>
        %dma_start3A_436 = arith.constant 0 : i32
        %dma_start3A_437 = tpu.memref_slice %arg7[%dma_start3A_430, %dma_start3A_436] : memref<8x80xi32, #tpu.memory_space<vmem>> -> memref<1x80xi32, #tpu.memory_space<vmem>>
        %dma_start3A_438 = tpu.memref_squeeze %dma_start3A_437 : memref<1x80xi32, #tpu.memory_space<vmem>> -> memref<80xi32, #tpu.memory_space<vmem>>
        %dma_start3A_439 = arith.constant 0 : i32
        %dma_start3A_440 = arith.constant 0 : i32
        %dma_start3A_441 = tpu.memref_slice %arg2[%dma_start3A_439, %dma_start3A_440] : memref<10000x128xf32, #tpu.memory_space<hbm>> -> memref<10000x128xf32, #tpu.memory_space<hbm>>
        tpu.enqueue_indirect_dma source(%dma_start3A_441 : memref<10000x128xf32, #tpu.memory_space<hbm>>) target(%dma_start3A_435 : memref<80x128xf32, #tpu.memory_space<vmem>>) offsets(%dma_start3A_438 : memref<80xi32, #tpu.memory_space<vmem>>) semaphore(%arg10 : memref<!tpu.dma_semaphore, #tpu.memory_space<semaphore_mem>>)
      } else {
      }
      %mul3A_374 = arith.constant 6 : i32
      %mul3A_375 = arith.muli %scan3A_165, %mul3A_374 : i32
      %add3A_376 = arith.constant 5 : i32
      %add3A_377 = arith.addi %mul3A_375, %add3A_376 : i32
      %dma_wait3A_378 = arith.constant 1 : i32
      %dma_wait3A_379 = arith.constant 2 : i32
      %dma_wait3A_380 = arith.constant 0 : i32
      %dma_wait3A_381 = arith.constant 0 : i32
      %dma_wait3A_382 = tpu.memref_slice %arg9[%dma_wait3A_379, %dma_wait3A_380, %dma_wait3A_381] : memref<3x80x128xf32, #tpu.memory_space<vmem>> -> memref<1x80x128xf32, #tpu.memory_space<vmem>>
      %dma_wait3A_383 = tpu.memref_squeeze %dma_wait3A_382 : memref<1x80x128xf32, #tpu.memory_space<vmem>> -> memref<80x128xf32, #tpu.memory_space<vmem>>
      %dma_wait3A_384 = arith.constant 0 : i32
      %dma_wait3A_385 = tpu.memref_slice %arg7[%dma_wait3A_378, %dma_wait3A_384] : memref<8x80xi32, #tpu.memory_space<vmem>> -> memref<1x80xi32, #tpu.memory_space<vmem>>
      %dma_wait3A_386 = tpu.memref_squeeze %dma_wait3A_385 : memref<1x80xi32, #tpu.memory_space<vmem>> -> memref<80xi32, #tpu.memory_space<vmem>>
      %dma_wait3A_387 = arith.constant 0 : i32
      %dma_wait3A_388 = arith.constant 0 : i32
      %dma_wait3A_389 = tpu.memref_slice %arg2[%dma_wait3A_387, %dma_wait3A_388] : memref<10000x128xf32, #tpu.memory_space<hbm>> -> memref<10000x128xf32, #tpu.memory_space<hbm>>
      tpu.wait_indirect_dma semaphore(%arg12 : memref<!tpu.dma_semaphore, #tpu.memory_space<semaphore_mem>>) src(%dma_wait3A_389 : memref<10000x128xf32, #tpu.memory_space<hbm>>) dst(%dma_wait3A_383 : memref<80x128xf32, #tpu.memory_space<vmem>>)
      %scan3A_390 = arith.constant 0 : i32
      %scan3A_391 = arith.constant 0 : i32
      %scan3A_392 = arith.constant 5 : i32
      %scan3A_393 = arith.addi %scan3A_391, %scan3A_392 : i32
      %scan3A_394 = arith.constant 1 : i32
      %scan3A_395 = scf.for %scan3A_417 = %scan3A_391 to %scan3A_393 step %scan3A_394 iter_args(%scan3A_418 = %scan3A_390) -> (i32)  : i32 {
        %mul3A_419 = arith.constant 16 : i32
        %mul3A_420 = arith.muli %scan3A_417, %mul3A_419 : i32
        %get3A = arith.index_cast %add3A_377 : i32 to index
        %get3A_421 = arith.index_cast %mul3A_420 : i32 to index
        %get3A_422 = tpu.vector_load %arg6[%get3A, %get3A_421] {strides = array<i32>} : memref<128x80xi32, #tpu.memory_space<vmem>>, vector<1x16xi32>,
        %get3A_423 = vector.shape_cast %get3A_422 : vector<1x16xi32> to vector<16xi32>
        %shift_right_logical3A = arith.constant 16 : i32
        %shift_right_logical3A_424 = vector.broadcast %shift_right_logical3A : i32 to vector<16xi32>
        %shift_right_logical3A_425 = arith.shrui %get3A_423, %shift_right_logical3A_424 : vector<16xi32>
        %mul3A_426 = arith.constant 16 : i32
        %mul3A_427 = arith.muli %scan3A_417, %mul3A_426 : i32
        %swap3A = arith.constant 3 : i32
        %swap3A_428 = arith.index_cast %swap3A : i32 to index
        %swap3A_429 = arith.index_cast %mul3A_427 : i32 to index
        %swap3A_430 = tpu.vector_load %arg7[%swap3A_428, %swap3A_429] {strides = array<i32>} : memref<8x80xi32, #tpu.memory_space<vmem>>, vector<1x16xi32>,
        %swap3A_431 = vector.shape_cast %swap3A_430 : vector<1x16xi32> to vector<16xi32>
        %swap3A_432 = vector.shape_cast %shift_right_logical3A_425 : vector<16xi32> to vector<1x16xi32>
        tpu.vector_store %arg7[%swap3A_428, %swap3A_429], %swap3A_432 {strides = array<i32>} : memref<8x80xi32, #tpu.memory_space<vmem>>, vector<1x16xi32>,
        %scan3A_433 = arith.constant 0 : i32
        scf.yield %scan3A_433 : i32
      }
      %scan3A_396 = arith.constant 5 : i32
      %dma_start3A_397 = arith.constant 2 : i32
      %dma_start3A_398 = arith.constant 3 : i32
      %dma_start3A_399 = arith.constant 0 : i32
      %dma_start3A_400 = arith.constant 0 : i32
      %dma_start3A_401 = tpu.memref_slice %arg9[%dma_start3A_397, %dma_start3A_399, %dma_start3A_400] : memref<3x80x128xf32, #tpu.memory_space<vmem>> -> memref<1x80x128xf32, #tpu.memory_space<vmem>>
      %dma_start3A_402 = tpu.memref_squeeze %dma_start3A_401 : memref<1x80x128xf32, #tpu.memory_space<vmem>> -> memref<80x128xf32, #tpu.memory_space<vmem>>
      %dma_start3A_403 = arith.constant 0 : i32
      %dma_start3A_404 = tpu.memref_slice %arg7[%dma_start3A_398, %dma_start3A_403] : memref<8x80xi32, #tpu.memory_space<vmem>> -> memref<1x80xi32, #tpu.memory_space<vmem>>
      %dma_start3A_405 = tpu.memref_squeeze %dma_start3A_404 : memref<1x80xi32, #tpu.memory_space<vmem>> -> memref<80xi32, #tpu.memory_space<vmem>>
      %dma_start3A_406 = arith.constant 0 : i32
      %dma_start3A_407 = arith.constant 0 : i32
      %dma_start3A_408 = tpu.memref_slice %arg5[%dma_start3A_406, %dma_start3A_407] : memref<10112x128xf32, #tpu.memory_space<vmem_shared>> -> memref<10112x128xf32, #tpu.memory_space<vmem_shared>>
      tpu.enqueue_indirect_dma source(%dma_start3A_402 : memref<80x128xf32, #tpu.memory_space<vmem>>) target(%dma_start3A_408 : memref<10112x128xf32, #tpu.memory_space<vmem_shared>>) offsets(%dma_start3A_405 : memref<80xi32, #tpu.memory_space<vmem>>) semaphore(%arg14 : memref<!tpu.dma_semaphore, #tpu.memory_space<semaphore_mem>>) {add = true}
      %add3A_409 = arith.constant 2 : i32
      %add3A_410 = arith.addi %add3A_377, %add3A_409 : i32
      %lt3A_411 = arith.constant 128 : i32
      %lt3A_412 = arith.cmpi slt, %add3A_410, %lt3A_411 : i32
      %convert_element_type3A_413 = arith.extui %lt3A_412 : i1 to i32
      %cond3A_414 = arith.constant 0 : i32
      %cond3A_415 = arith.cmpi ne, %convert_element_type3A_413, %cond3A_414 : i32
      scf.if %cond3A_415 {
        %ge3A = arith.constant 1 : i32
        %ge3A_417 = arith.cmpi sge, %add3A_377, %ge3A : i32
        %convert_element_type3A_418 = arith.extui %ge3A_417 : i1 to i32
        %cond3A_419 = arith.constant 0 : i32
        %cond3A_420 = arith.cmpi ne, %convert_element_type3A_418, %cond3A_419 : i32
        scf.if %cond3A_420 {
          %dma_wait3A_442 = arith.constant 0 : i32
          %dma_wait3A_443 = arith.constant 2 : i32
          %dma_wait3A_444 = arith.constant 0 : i32
          %dma_wait3A_445 = arith.constant 0 : i32
          %dma_wait3A_446 = tpu.memref_slice %arg9[%dma_wait3A_442, %dma_wait3A_444, %dma_wait3A_445] : memref<3x80x128xf32, #tpu.memory_space<vmem>> -> memref<1x80x128xf32, #tpu.memory_space<vmem>>
          %dma_wait3A_447 = tpu.memref_squeeze %dma_wait3A_446 : memref<1x80x128xf32, #tpu.memory_space<vmem>> -> memref<80x128xf32, #tpu.memory_space<vmem>>
          %dma_wait3A_448 = arith.constant 0 : i32
          %dma_wait3A_449 = tpu.memref_slice %arg7[%dma_wait3A_443, %dma_wait3A_448] : memref<8x80xi32, #tpu.memory_space<vmem>> -> memref<1x80xi32, #tpu.memory_space<vmem>>
          %dma_wait3A_450 = tpu.memref_squeeze %dma_wait3A_449 : memref<1x80xi32, #tpu.memory_space<vmem>> -> memref<80xi32, #tpu.memory_space<vmem>>
          %dma_wait3A_451 = arith.constant 0 : i32
          %dma_wait3A_452 = arith.constant 0 : i32
          %dma_wait3A_453 = tpu.memref_slice %arg5[%dma_wait3A_451, %dma_wait3A_452] : memref<10112x128xf32, #tpu.memory_space<vmem_shared>> -> memref<10112x128xf32, #tpu.memory_space<vmem_shared>>
          tpu.wait_indirect_dma semaphore(%arg13 : memref<!tpu.dma_semaphore, #tpu.memory_space<semaphore_mem>>) src(%dma_wait3A_447 : memref<80x128xf32, #tpu.memory_space<vmem>>) dst(%dma_wait3A_453 : memref<10112x128xf32, #tpu.memory_space<vmem_shared>>)
        } else {
        }
        %add3A_421 = arith.constant 2 : i32
        %add3A_422 = arith.addi %add3A_377, %add3A_421 : i32
        %scan3A_423 = arith.constant 0 : i32
        %scan3A_424 = arith.constant 0 : i32
        %scan3A_425 = arith.constant 5 : i32
        %scan3A_426 = arith.addi %scan3A_424, %scan3A_425 : i32
        %scan3A_427 = arith.constant 1 : i32
        %scan3A_428 = scf.for %scan3A_442 = %scan3A_424 to %scan3A_426 step %scan3A_427 iter_args(%scan3A_443 = %scan3A_423) -> (i32)  : i32 {
          %mul3A_444 = arith.constant 16 : i32
          %mul3A_445 = arith.muli %scan3A_442, %mul3A_444 : i32
          %get3A = arith.index_cast %add3A_422 : i32 to index
          %get3A_446 = arith.index_cast %mul3A_445 : i32 to index
          %get3A_447 = tpu.vector_load %arg6[%get3A, %get3A_446] {strides = array<i32>} : memref<128x80xi32, #tpu.memory_space<vmem>>, vector<1x16xi32>,
          %get3A_448 = vector.shape_cast %get3A_447 : vector<1x16xi32> to vector<16xi32>
          %and3A = arith.andi %get3A_448, %broadcast_in_dim3A_3 : vector<16xi32>
          %mul3A_449 = arith.constant 16 : i32
          %mul3A_450 = arith.muli %scan3A_442, %mul3A_449 : i32
          %swap3A = arith.constant 1 : i32
          %swap3A_451 = arith.index_cast %swap3A : i32 to index
          %swap3A_452 = arith.index_cast %mul3A_450 : i32 to index
          %swap3A_453 = tpu.vector_load %arg7[%swap3A_451, %swap3A_452] {strides = array<i32>} : memref<8x80xi32, #tpu.memory_space<vmem>>, vector<1x16xi32>,
          %swap3A_454 = vector.shape_cast %swap3A_453 : vector<1x16xi32> to vector<16xi32>
          %swap3A_455 = vector.shape_cast %and3A : vector<16xi32> to vector<1x16xi32>
          tpu.vector_store %arg7[%swap3A_451, %swap3A_452], %swap3A_455 {strides = array<i32>} : memref<8x80xi32, #tpu.memory_space<vmem>>, vector<1x16xi32>,
          %scan3A_456 = arith.constant 0 : i32
          scf.yield %scan3A_456 : i32
        }
        %scan3A_429 = arith.constant 5 : i32
        %dma_start3A_430 = arith.constant 1 : i32
        %dma_start3A_431 = arith.constant 1 : i32
        %dma_start3A_432 = arith.constant 0 : i32
        %dma_start3A_433 = arith.constant 0 : i32
        %dma_start3A_434 = tpu.memref_slice %arg9[%dma_start3A_431, %dma_start3A_432, %dma_start3A_433] : memref<3x80x128xf32, #tpu.memory_space<vmem>> -> memref<1x80x128xf32, #tpu.memory_space<vmem>>
        %dma_start3A_435 = tpu.memref_squeeze %dma_start3A_434 : memref<1x80x128xf32, #tpu.memory_space<vmem>> -> memref<80x128xf32, #tpu.memory_space<vmem>>
        %dma_start3A_436 = arith.constant 0 : i32
        %dma_start3A_437 = tpu.memref_slice %arg7[%dma_start3A_430, %dma_start3A_436] : memref<8x80xi32, #tpu.memory_space<vmem>> -> memref<1x80xi32, #tpu.memory_space<vmem>>
        %dma_start3A_438 = tpu.memref_squeeze %dma_start3A_437 : memref<1x80xi32, #tpu.memory_space<vmem>> -> memref<80xi32, #tpu.memory_space<vmem>>
        %dma_start3A_439 = arith.constant 0 : i32
        %dma_start3A_440 = arith.constant 0 : i32
        %dma_start3A_441 = tpu.memref_slice %arg2[%dma_start3A_439, %dma_start3A_440] : memref<10000x128xf32, #tpu.memory_space<hbm>> -> memref<10000x128xf32, #tpu.memory_space<hbm>>
        tpu.enqueue_indirect_dma source(%dma_start3A_441 : memref<10000x128xf32, #tpu.memory_space<hbm>>) target(%dma_start3A_435 : memref<80x128xf32, #tpu.memory_space<vmem>>) offsets(%dma_start3A_438 : memref<80xi32, #tpu.memory_space<vmem>>) semaphore(%arg11 : memref<!tpu.dma_semaphore, #tpu.memory_space<semaphore_mem>>)
      } else {
      }
      %scan3A_416 = arith.constant 0 : i32
      scf.yield %scan3A_416 : i32
    }
    %scan3A_62 = arith.constant 21 : i32
    %dma_wait3A = arith.constant 0 : i32
    %dma_wait3A_63 = arith.constant 0 : i32
    %dma_wait3A_64 = arith.constant 0 : i32
    %dma_wait3A_65 = arith.constant 0 : i32
    %dma_wait3A_66 = tpu.memref_slice %arg9[%dma_wait3A_63, %dma_wait3A_64, %dma_wait3A_65] : memref<3x80x128xf32, #tpu.memory_space<vmem>> -> memref<1x80x128xf32, #tpu.memory_space<vmem>>
    %dma_wait3A_67 = tpu.memref_squeeze %dma_wait3A_66 : memref<1x80x128xf32, #tpu.memory_space<vmem>> -> memref<80x128xf32, #tpu.memory_space<vmem>>
    %dma_wait3A_68 = arith.constant 0 : i32
    %dma_wait3A_69 = tpu.memref_slice %arg7[%dma_wait3A, %dma_wait3A_68] : memref<8x80xi32, #tpu.memory_space<vmem>> -> memref<1x80xi32, #tpu.memory_space<vmem>>
    %dma_wait3A_70 = tpu.memref_squeeze %dma_wait3A_69 : memref<1x80xi32, #tpu.memory_space<vmem>> -> memref<80xi32, #tpu.memory_space<vmem>>
    %dma_wait3A_71 = arith.constant 0 : i32
    %dma_wait3A_72 = arith.constant 0 : i32
    %dma_wait3A_73 = tpu.memref_slice %arg2[%dma_wait3A_71, %dma_wait3A_72] : memref<10000x128xf32, #tpu.memory_space<hbm>> -> memref<10000x128xf32, #tpu.memory_space<hbm>>
    tpu.wait_indirect_dma semaphore(%arg10 : memref<!tpu.dma_semaphore, #tpu.memory_space<semaphore_mem>>) src(%dma_wait3A_73 : memref<10000x128xf32, #tpu.memory_space<hbm>>) dst(%dma_wait3A_67 : memref<80x128xf32, #tpu.memory_space<vmem>>)
    %scan3A_74 = arith.constant 0 : i32
    %scan3A_75 = arith.constant 0 : i32
    %scan3A_76 = arith.constant 5 : i32
    %scan3A_77 = arith.addi %scan3A_75, %scan3A_76 : i32
    %scan3A_78 = arith.constant 1 : i32
    %scan3A_79 = scf.for %scan3A_165 = %scan3A_75 to %scan3A_77 step %scan3A_78 iter_args(%scan3A_166 = %scan3A_74) -> (i32)  : i32 {
      %mul3A_167 = arith.constant 16 : i32
      %mul3A_168 = arith.muli %scan3A_165, %mul3A_167 : i32
      %get3A = arith.constant 126 : i32
      %get3A_169 = arith.index_cast %get3A : i32 to index
      %get3A_170 = arith.index_cast %mul3A_168 : i32 to index
      %get3A_171 = tpu.vector_load %arg6[%get3A_169, %get3A_170] {strides = array<i32>} : memref<128x80xi32, #tpu.memory_space<vmem>>, vector<1x16xi32>,
      %get3A_172 = vector.shape_cast %get3A_171 : vector<1x16xi32> to vector<16xi32>
      %shift_right_logical3A = arith.constant 16 : i32
      %shift_right_logical3A_173 = vector.broadcast %shift_right_logical3A : i32 to vector<16xi32>
      %shift_right_logical3A_174 = arith.shrui %get3A_172, %shift_right_logical3A_173 : vector<16xi32>
      %mul3A_175 = arith.constant 16 : i32
      %mul3A_176 = arith.muli %scan3A_165, %mul3A_175 : i32
      %swap3A = arith.constant 2 : i32
      %swap3A_177 = arith.index_cast %swap3A : i32 to index
      %swap3A_178 = arith.index_cast %mul3A_176 : i32 to index
      %swap3A_179 = tpu.vector_load %arg7[%swap3A_177, %swap3A_178] {strides = array<i32>} : memref<8x80xi32, #tpu.memory_space<vmem>>, vector<1x16xi32>,
      %swap3A_180 = vector.shape_cast %swap3A_179 : vector<1x16xi32> to vector<16xi32>
      %swap3A_181 = vector.shape_cast %shift_right_logical3A_174 : vector<16xi32> to vector<1x16xi32>
      tpu.vector_store %arg7[%swap3A_177, %swap3A_178], %swap3A_181 {strides = array<i32>} : memref<8x80xi32, #tpu.memory_space<vmem>>, vector<1x16xi32>,
      %scan3A_182 = arith.constant 0 : i32
      scf.yield %scan3A_182 : i32
    }
    %scan3A_80 = arith.constant 5 : i32
    %dma_start3A_81 = arith.constant 0 : i32
    %dma_start3A_82 = arith.constant 2 : i32
    %dma_start3A_83 = arith.constant 0 : i32
    %dma_start3A_84 = arith.constant 0 : i32
    %dma_start3A_85 = tpu.memref_slice %arg9[%dma_start3A_81, %dma_start3A_83, %dma_start3A_84] : memref<3x80x128xf32, #tpu.memory_space<vmem>> -> memref<1x80x128xf32, #tpu.memory_space<vmem>>
    %dma_start3A_86 = tpu.memref_squeeze %dma_start3A_85 : memref<1x80x128xf32, #tpu.memory_space<vmem>> -> memref<80x128xf32, #tpu.memory_space<vmem>>
    %dma_start3A_87 = arith.constant 0 : i32
    %dma_start3A_88 = tpu.memref_slice %arg7[%dma_start3A_82, %dma_start3A_87] : memref<8x80xi32, #tpu.memory_space<vmem>> -> memref<1x80xi32, #tpu.memory_space<vmem>>
    %dma_start3A_89 = tpu.memref_squeeze %dma_start3A_88 : memref<1x80xi32, #tpu.memory_space<vmem>> -> memref<80xi32, #tpu.memory_space<vmem>>
    %dma_start3A_90 = arith.constant 0 : i32
    %dma_start3A_91 = arith.constant 0 : i32
    %dma_start3A_92 = tpu.memref_slice %arg5[%dma_start3A_90, %dma_start3A_91] : memref<10112x128xf32, #tpu.memory_space<vmem_shared>> -> memref<10112x128xf32, #tpu.memory_space<vmem_shared>>
    tpu.enqueue_indirect_dma source(%dma_start3A_86 : memref<80x128xf32, #tpu.memory_space<vmem>>) target(%dma_start3A_92 : memref<10112x128xf32, #tpu.memory_space<vmem_shared>>) offsets(%dma_start3A_89 : memref<80xi32, #tpu.memory_space<vmem>>) semaphore(%arg13 : memref<!tpu.dma_semaphore, #tpu.memory_space<semaphore_mem>>) {add = true}
    %dma_wait3A_93 = arith.constant 1 : i32
    %dma_wait3A_94 = arith.constant 1 : i32
    %dma_wait3A_95 = arith.constant 0 : i32
    %dma_wait3A_96 = arith.constant 0 : i32
    %dma_wait3A_97 = tpu.memref_slice %arg9[%dma_wait3A_94, %dma_wait3A_95, %dma_wait3A_96] : memref<3x80x128xf32, #tpu.memory_space<vmem>> -> memref<1x80x128xf32, #tpu.memory_space<vmem>>
    %dma_wait3A_98 = tpu.memref_squeeze %dma_wait3A_97 : memref<1x80x128xf32, #tpu.memory_space<vmem>> -> memref<80x128xf32, #tpu.memory_space<vmem>>
    %dma_wait3A_99 = arith.constant 0 : i32
    %dma_wait3A_100 = tpu.memref_slice %arg7[%dma_wait3A_93, %dma_wait3A_99] : memref<8x80xi32, #tpu.memory_space<vmem>> -> memref<1x80xi32, #tpu.memory_space<vmem>>
    %dma_wait3A_101 = tpu.memref_squeeze %dma_wait3A_100 : memref<1x80xi32, #tpu.memory_space<vmem>> -> memref<80xi32, #tpu.memory_space<vmem>>
    %dma_wait3A_102 = arith.constant 0 : i32
    %dma_wait3A_103 = arith.constant 0 : i32
    %dma_wait3A_104 = tpu.memref_slice %arg2[%dma_wait3A_102, %dma_wait3A_103] : memref<10000x128xf32, #tpu.memory_space<hbm>> -> memref<10000x128xf32, #tpu.memory_space<hbm>>
    tpu.wait_indirect_dma semaphore(%arg11 : memref<!tpu.dma_semaphore, #tpu.memory_space<semaphore_mem>>) src(%dma_wait3A_104 : memref<10000x128xf32, #tpu.memory_space<hbm>>) dst(%dma_wait3A_98 : memref<80x128xf32, #tpu.memory_space<vmem>>)
    %scan3A_105 = arith.constant 0 : i32
    %scan3A_106 = arith.constant 0 : i32
    %scan3A_107 = arith.constant 5 : i32
    %scan3A_108 = arith.addi %scan3A_106, %scan3A_107 : i32
    %scan3A_109 = arith.constant 1 : i32
    %scan3A_110 = scf.for %scan3A_165 = %scan3A_106 to %scan3A_108 step %scan3A_109 iter_args(%scan3A_166 = %scan3A_105) -> (i32)  : i32 {
      %mul3A_167 = arith.constant 16 : i32
      %mul3A_168 = arith.muli %scan3A_165, %mul3A_167 : i32
      %get3A = arith.constant 127 : i32
      %get3A_169 = arith.index_cast %get3A : i32 to index
      %get3A_170 = arith.index_cast %mul3A_168 : i32 to index
      %get3A_171 = tpu.vector_load %arg6[%get3A_169, %get3A_170] {strides = array<i32>} : memref<128x80xi32, #tpu.memory_space<vmem>>, vector<1x16xi32>,
      %get3A_172 = vector.shape_cast %get3A_171 : vector<1x16xi32> to vector<16xi32>
      %shift_right_logical3A = arith.constant 16 : i32
      %shift_right_logical3A_173 = vector.broadcast %shift_right_logical3A : i32 to vector<16xi32>
      %shift_right_logical3A_174 = arith.shrui %get3A_172, %shift_right_logical3A_173 : vector<16xi32>
      %mul3A_175 = arith.constant 16 : i32
      %mul3A_176 = arith.muli %scan3A_165, %mul3A_175 : i32
      %swap3A = arith.constant 3 : i32
      %swap3A_177 = arith.index_cast %swap3A : i32 to index
      %swap3A_178 = arith.index_cast %mul3A_176 : i32 to index
      %swap3A_179 = tpu.vector_load %arg7[%swap3A_177, %swap3A_178] {strides = array<i32>} : memref<8x80xi32, #tpu.memory_space<vmem>>, vector<1x16xi32>,
      %swap3A_180 = vector.shape_cast %swap3A_179 : vector<1x16xi32> to vector<16xi32>
      %swap3A_181 = vector.shape_cast %shift_right_logical3A_174 : vector<16xi32> to vector<1x16xi32>
      tpu.vector_store %arg7[%swap3A_177, %swap3A_178], %swap3A_181 {strides = array<i32>} : memref<8x80xi32, #tpu.memory_space<vmem>>, vector<1x16xi32>,
      %scan3A_182 = arith.constant 0 : i32
      scf.yield %scan3A_182 : i32
    }
    %scan3A_111 = arith.constant 5 : i32
    %dma_start3A_112 = arith.constant 1 : i32
    %dma_start3A_113 = arith.constant 3 : i32
    %dma_start3A_114 = arith.constant 0 : i32
    %dma_start3A_115 = arith.constant 0 : i32
    %dma_start3A_116 = tpu.memref_slice %arg9[%dma_start3A_112, %dma_start3A_114, %dma_start3A_115] : memref<3x80x128xf32, #tpu.memory_space<vmem>> -> memref<1x80x128xf32, #tpu.memory_space<vmem>>
    %dma_start3A_117 = tpu.memref_squeeze %dma_start3A_116 : memref<1x80x128xf32, #tpu.memory_space<vmem>> -> memref<80x128xf32, #tpu.memory_space<vmem>>
    %dma_start3A_118 = arith.constant 0 : i32
    %dma_start3A_119 = tpu.memref_slice %arg7[%dma_start3A_113, %dma_start3A_118] : memref<8x80xi32, #tpu.memory_space<vmem>> -> memref<1x80xi32, #tpu.memory_space<vmem>>
    %dma_start3A_120 = tpu.memref_squeeze %dma_start3A_119 : memref<1x80xi32, #tpu.memory_space<vmem>> -> memref<80xi32, #tpu.memory_space<vmem>>
    %dma_start3A_121 = arith.constant 0 : i32
    %dma_start3A_122 = arith.constant 0 : i32
    %dma_start3A_123 = tpu.memref_slice %arg5[%dma_start3A_121, %dma_start3A_122] : memref<10112x128xf32, #tpu.memory_space<vmem_shared>> -> memref<10112x128xf32, #tpu.memory_space<vmem_shared>>
    tpu.enqueue_indirect_dma source(%dma_start3A_117 : memref<80x128xf32, #tpu.memory_space<vmem>>) target(%dma_start3A_123 : memref<10112x128xf32, #tpu.memory_space<vmem_shared>>) offsets(%dma_start3A_120 : memref<80xi32, #tpu.memory_space<vmem>>) semaphore(%arg14 : memref<!tpu.dma_semaphore, #tpu.memory_space<semaphore_mem>>) {add = true}
    %dma_wait3A_124 = arith.constant 0 : i32
    %dma_wait3A_125 = arith.constant 3 : i32
    %dma_wait3A_126 = arith.constant 0 : i32
    %dma_wait3A_127 = arith.constant 0 : i32
    %dma_wait3A_128 = tpu.memref_slice %arg9[%dma_wait3A_124, %dma_wait3A_126, %dma_wait3A_127] : memref<3x80x128xf32, #tpu.memory_space<vmem>> -> memref<1x80x128xf32, #tpu.memory_space<vmem>>
    %dma_wait3A_129 = tpu.memref_squeeze %dma_wait3A_128 : memref<1x80x128xf32, #tpu.memory_space<vmem>> -> memref<80x128xf32, #tpu.memory_space<vmem>>
    %dma_wait3A_130 = arith.constant 0 : i32
    %dma_wait3A_131 = tpu.memref_slice %arg7[%dma_wait3A_125, %dma_wait3A_130] : memref<8x80xi32, #tpu.memory_space<vmem>> -> memref<1x80xi32, #tpu.memory_space<vmem>>
    %dma_wait3A_132 = tpu.memref_squeeze %dma_wait3A_131 : memref<1x80xi32, #tpu.memory_space<vmem>> -> memref<80xi32, #tpu.memory_space<vmem>>
    %dma_wait3A_133 = arith.constant 0 : i32
    %dma_wait3A_134 = arith.constant 0 : i32
    %dma_wait3A_135 = tpu.memref_slice %arg5[%dma_wait3A_133, %dma_wait3A_134] : memref<10112x128xf32, #tpu.memory_space<vmem_shared>> -> memref<10112x128xf32, #tpu.memory_space<vmem_shared>>
    tpu.wait_indirect_dma semaphore(%arg14 : memref<!tpu.dma_semaphore, #tpu.memory_space<semaphore_mem>>) src(%dma_wait3A_129 : memref<80x128xf32, #tpu.memory_space<vmem>>) dst(%dma_wait3A_135 : memref<10112x128xf32, #tpu.memory_space<vmem_shared>>)
    %dma_wait3A_136 = arith.constant 0 : i32
    %dma_wait3A_137 = arith.constant 2 : i32
    %dma_wait3A_138 = arith.constant 0 : i32
    %dma_wait3A_139 = arith.constant 0 : i32
    %dma_wait3A_140 = tpu.memref_slice %arg9[%dma_wait3A_136, %dma_wait3A_138, %dma_wait3A_139] : memref<3x80x128xf32, #tpu.memory_space<vmem>> -> memref<1x80x128xf32, #tpu.memory_space<vmem>>
    %dma_wait3A_141 = tpu.memref_squeeze %dma_wait3A_140 : memref<1x80x128xf32, #tpu.memory_space<vmem>> -> memref<80x128xf32, #tpu.memory_space<vmem>>
    %dma_wait3A_142 = arith.constant 0 : i32
    %dma_wait3A_143 = tpu.memref_slice %arg7[%dma_wait3A_137, %dma_wait3A_142] : memref<8x80xi32, #tpu.memory_space<vmem>> -> memref<1x80xi32, #tpu.memory_space<vmem>>
    %dma_wait3A_144 = tpu.memref_squeeze %dma_wait3A_143 : memref<1x80xi32, #tpu.memory_space<vmem>> -> memref<80xi32, #tpu.memory_space<vmem>>
    %dma_wait3A_145 = arith.constant 0 : i32
    %dma_wait3A_146 = arith.constant 0 : i32
    %dma_wait3A_147 = tpu.memref_slice %arg5[%dma_wait3A_145, %dma_wait3A_146] : memref<10112x128xf32, #tpu.memory_space<vmem_shared>> -> memref<10112x128xf32, #tpu.memory_space<vmem_shared>>
    tpu.wait_indirect_dma semaphore(%arg13 : memref<!tpu.dma_semaphore, #tpu.memory_space<semaphore_mem>>) src(%dma_wait3A_141 : memref<80x128xf32, #tpu.memory_space<vmem>>) dst(%dma_wait3A_147 : memref<10112x128xf32, #tpu.memory_space<vmem_shared>>)
    %dma_wait3A_148 = arith.constant 0 : i32
    %dma_wait3A_149 = arith.constant 3 : i32
    %dma_wait3A_150 = arith.constant 0 : i32
    %dma_wait3A_151 = arith.constant 0 : i32
    %dma_wait3A_152 = tpu.memref_slice %arg9[%dma_wait3A_148, %dma_wait3A_150, %dma_wait3A_151] : memref<3x80x128xf32, #tpu.memory_space<vmem>> -> memref<1x80x128xf32, #tpu.memory_space<vmem>>
    %dma_wait3A_153 = tpu.memref_squeeze %dma_wait3A_152 : memref<1x80x128xf32, #tpu.memory_space<vmem>> -> memref<80x128xf32, #tpu.memory_space<vmem>>
    %dma_wait3A_154 = arith.constant 0 : i32
    %dma_wait3A_155 = tpu.memref_slice %arg7[%dma_wait3A_149, %dma_wait3A_154] : memref<8x80xi32, #tpu.memory_space<vmem>> -> memref<1x80xi32, #tpu.memory_space<vmem>>
    %dma_wait3A_156 = tpu.memref_squeeze %dma_wait3A_155 : memref<1x80xi32, #tpu.memory_space<vmem>> -> memref<80xi32, #tpu.memory_space<vmem>>
    %dma_wait3A_157 = arith.constant 0 : i32
    %dma_wait3A_158 = arith.constant 0 : i32
    %dma_wait3A_159 = tpu.memref_slice %arg5[%dma_wait3A_157, %dma_wait3A_158] : memref<10112x128xf32, #tpu.memory_space<vmem_shared>> -> memref<10112x128xf32, #tpu.memory_space<vmem_shared>>
    tpu.wait_indirect_dma semaphore(%arg14 : memref<!tpu.dma_semaphore, #tpu.memory_space<semaphore_mem>>) src(%dma_wait3A_153 : memref<80x128xf32, #tpu.memory_space<vmem>>) dst(%dma_wait3A_159 : memref<10112x128xf32, #tpu.memory_space<vmem_shared>>)
    %barrier3A_160 = arith.constant 0 : index
    tpu.barrier barrier_id(%barrier3A_160)
    %mul3A_161 = arith.constant 632 : i32
    %mul3A_162 = arith.muli %arg1, %mul3A_161 : i32
    %mul3A_163 = arith.constant 632 : i32
    %mul3A_164 = arith.muli %arg1, %mul3A_163 : i32
    "tpu.region"() ({
      %run_scoped3A = tpu.sem_alloc : memref<!tpu.dma_semaphore, #tpu.memory_space<semaphore_mem>>
      %dma_start3A_165 = arith.constant 0 : i32
      %dma_start3A_166 = tpu.memref_slice %arg4[%arg0, %mul3A_164, %dma_start3A_165] : memref<2x10112x128xf32, #tpu.memory_space<hbm>> -> memref<1x632x128xf32, #tpu.memory_space<hbm>>
      %dma_start3A_167 = tpu.memref_squeeze %dma_start3A_166 : memref<1x632x128xf32, #tpu.memory_space<hbm>> -> memref<632x128xf32, #tpu.memory_space<hbm>>
      %dma_start3A_168 = arith.constant 0 : i32
      %dma_start3A_169 = tpu.memref_slice %arg5[%mul3A_162, %dma_start3A_168] : memref<10112x128xf32, #tpu.memory_space<vmem_shared>> -> memref<632x128xf32, #tpu.memory_space<vmem_shared>>
      tpu.enqueue_dma source(%dma_start3A_169 : memref<632x128xf32, #tpu.memory_space<vmem_shared>>) target(%dma_start3A_167 : memref<632x128xf32, #tpu.memory_space<hbm>>) target_semaphore(%run_scoped3A : memref<!tpu.dma_semaphore, #tpu.memory_space<semaphore_mem>>)
      %dma_wait3A_170 = arith.constant 0 : i32
      %dma_wait3A_171 = tpu.memref_slice %arg4[%arg0, %mul3A_164, %dma_wait3A_170] : memref<2x10112x128xf32, #tpu.memory_space<hbm>> -> memref<1x632x128xf32, #tpu.memory_space<hbm>>
      %dma_wait3A_172 = tpu.memref_squeeze %dma_wait3A_171 : memref<1x632x128xf32, #tpu.memory_space<hbm>> -> memref<632x128xf32, #tpu.memory_space<hbm>>
      %dma_wait3A_173 = arith.constant 0 : i32
      %dma_wait3A_174 = tpu.memref_slice %arg5[%mul3A_162, %dma_wait3A_173] : memref<10112x128xf32, #tpu.memory_space<vmem_shared>> -> memref<632x128xf32, #tpu.memory_space<vmem_shared>>
      tpu.wait_dma2 semaphore(%run_scoped3A : memref<!tpu.dma_semaphore, #tpu.memory_space<semaphore_mem>>) src(%dma_wait3A_174 : memref<632x128xf32, #tpu.memory_space<vmem_shared>>) dst(%dma_wait3A_172 : memref<632x128xf32, #tpu.memory_space<hbm>>)
      tpu.yield
    }) : () -> ()
    return
  }
}

#map = affine_map<(d0, d1) -> (0, 0)>
#map1 = affine_map<(d0, d1) -> (0, 0, 0)>
module attributes {stable_mosaic.version = 14 : i64} {
  func.func @_scat_sc(%arg0: i32, %arg1: i32, %arg2: memref<10000x128xf32, #tpu.memory_space<hbm>>, %arg3: memref<4096x80xi32, #tpu.memory_space<hbm>>, %arg4: memref<2x10112x128xf32, #tpu.memory_space<hbm>>, %arg5: memref<10112x128xf32, #tpu.memory_space<vmem_shared>>, %arg6: memref<128x80xi32, #tpu.memory_space<vmem>>, %arg7: memref<8x80xi32, #tpu.memory_space<vmem>>, %arg8: memref<8x128xf32, #tpu.memory_space<vmem>>, %arg9: memref<3x80x128xf32, #tpu.memory_space<vmem>>, %arg10: memref<!tpu.dma_semaphore, #tpu.memory_space<semaphore_mem>>, %arg11: memref<!tpu.dma_semaphore, #tpu.memory_space<semaphore_mem>>, %arg12: memref<!tpu.dma_semaphore, #tpu.memory_space<semaphore_mem>>, %arg13: memref<!tpu.dma_semaphore, #tpu.memory_space<semaphore_mem>>, %arg14: memref<!tpu.dma_semaphore, #tpu.memory_space<semaphore_mem>>) attributes {dimension_semantics = [#tpu.dimension_semantics<core_parallel>, #tpu.dimension_semantics<subcore_parallel>], iteration_bounds = array<i64: 2, 16>, scalar_prefetch = 0 : i64, scratch_operands = 10 : i64, tpu.core_type = #tpu.core_type<sc_vector_subcore>, window_params = [{transform_indices = #map}, {transform_indices = #map}, {transform_indices = #map1}]} {
    %mul3A = arith.constant 16 : i32
    %mul3A_0 = arith.muli %arg0, %mul3A : i32
    %add3A = arith.addi %mul3A_0, %arg1 : i32
    %broadcast_in_dim3A = arith.constant 0.000000e+00 : f32
    %broadcast_in_dim3A_1 = vector.broadcast %broadcast_in_dim3A : f32 to vector<16xf32>
    %broadcast_in_dim3A_2 = arith.constant 65535 : i32
    %broadcast_in_dim3A_3 = vector.broadcast %broadcast_in_dim3A_2 : i32 to vector<16xi32>
    %scan3A = arith.constant 0 : i32
    %scan3A_4 = arith.constant 0 : i32
    %scan3A_5 = arith.constant 8 : i32
    %scan3A_6 = arith.addi %scan3A_4, %scan3A_5 : i32
    %scan3A_7 = arith.constant 1 : i32
    %scan3A_8 = scf.for %scan3A_165 = %scan3A_4 to %scan3A_6 step %scan3A_7 iter_args(%scan3A_166 = %scan3A) -> (i32)  : i32 {
      %swap3A = arith.index_cast %scan3A_165 : i32 to index
      %swap3A_167 = arith.constant 0 : index
      %swap3A_168 = tpu.vector_load %arg8[%swap3A, %swap3A_167] {strides = array<i32>} : memref<8x128xf32, #tpu.memory_space<vmem>>, vector<1x16xf32>,
      %swap3A_169 = vector.shape_cast %swap3A_168 : vector<1x16xf32> to vector<16xf32>
      %swap3A_170 = vector.shape_cast %broadcast_in_dim3A_1 : vector<16xf32> to vector<1x16xf32>
      tpu.vector_store %arg8[%swap3A, %swap3A_167], %swap3A_170 {strides = array<i32>} : memref<8x128xf32, #tpu.memory_space<vmem>>, vector<1x16xf32>,
      %swap3A_171 = arith.index_cast %scan3A_165 : i32 to index
      %swap3A_172 = arith.constant 16 : index
      %swap3A_173 = tpu.vector_load %arg8[%swap3A_171, %swap3A_172] {strides = array<i32>} : memref<8x128xf32, #tpu.memory_space<vmem>>, vector<1x16xf32>,
      %swap3A_174 = vector.shape_cast %swap3A_173 : vector<1x16xf32> to vector<16xf32>
      %swap3A_175 = vector.shape_cast %broadcast_in_dim3A_1 : vector<16xf32> to vector<1x16xf32>
      tpu.vector_store %arg8[%swap3A_171, %swap3A_172], %swap3A_175 {strides = array<i32>} : memref<8x128xf32, #tpu.memory_space<vmem>>, vector<1x16xf32>,
      %swap3A_176 = arith.index_cast %scan3A_165 : i32 to index
      %swap3A_177 = arith.constant 32 : index
      %swap3A_178 = tpu.vector_load %arg8[%swap3A_176, %swap3A_177] {strides = array<i32>} : memref<8x128xf32, #tpu.memory_space<vmem>>, vector<1x16xf32>,
      %swap3A_179 = vector.shape_cast %swap3A_178 : vector<1x16xf32> to vector<16xf32>
      %swap3A_180 = vector.shape_cast %broadcast_in_dim3A_1 : vector<16xf32> to vector<1x16xf32>
      tpu.vector_store %arg8[%swap3A_176, %swap3A_177], %swap3A_180 {strides = array<i32>} : memref<8x128xf32, #tpu.memory_space<vmem>>, vector<1x16xf32>,
      %swap3A_181 = arith.index_cast %scan3A_165 : i32 to index
      %swap3A_182 = arith.constant 48 : index
      %swap3A_183 = tpu.vector_load %arg8[%swap3A_181, %swap3A_182] {strides = array<i32>} : memref<8x128xf32, #tpu.memory_space<vmem>>, vector<1x16xf32>,
      %swap3A_184 = vector.shape_cast %swap3A_183 : vector<1x16xf32> to vector<16xf32>
      %swap3A_185 = vector.shape_cast %broadcast_in_dim3A_1 : vector<16xf32> to vector<1x16xf32>
      tpu.vector_store %arg8[%swap3A_181, %swap3A_182], %swap3A_185 {strides = array<i32>} : memref<8x128xf32, #tpu.memory_space<vmem>>, vector<1x16xf32>,
      %swap3A_186 = arith.index_cast %scan3A_165 : i32 to index
      %swap3A_187 = arith.constant 64 : index
      %swap3A_188 = tpu.vector_load %arg8[%swap3A_186, %swap3A_187] {strides = array<i32>} : memref<8x128xf32, #tpu.memory_space<vmem>>, vector<1x16xf32>,
      %swap3A_189 = vector.shape_cast %swap3A_188 : vector<1x16xf32> to vector<16xf32>
      %swap3A_190 = vector.shape_cast %broadcast_in_dim3A_1 : vector<16xf32> to vector<1x16xf32>
      tpu.vector_store %arg8[%swap3A_186, %swap3A_187], %swap3A_190 {strides = array<i32>} : memref<8x128xf32, #tpu.memory_space<vmem>>, vector<1x16xf32>,
      %swap3A_191 = arith.index_cast %scan3A_165 : i32 to index
      %swap3A_192 = arith.constant 80 : index
      %swap3A_193 = tpu.vector_load %arg8[%swap3A_191, %swap3A_192] {strides = array<i32>} : memref<8x128xf32, #tpu.memory_space<vmem>>, vector<1x16xf32>,
      %swap3A_194 = vector.shape_cast %swap3A_193 : vector<1x16xf32> to vector<16xf32>
      %swap3A_195 = vector.shape_cast %broadcast_in_dim3A_1 : vector<16xf32> to vector<1x16xf32>
      tpu.vector_store %arg8[%swap3A_191, %swap3A_192], %swap3A_195 {strides = array<i32>} : memref<8x128xf32, #tpu.memory_space<vmem>>, vector<1x16xf32>,
      %swap3A_196 = arith.index_cast %scan3A_165 : i32 to index
      %swap3A_197 = arith.constant 96 : index
      %swap3A_198 = tpu.vector_load %arg8[%swap3A_196, %swap3A_197] {strides = array<i32>} : memref<8x128xf32, #tpu.memory_space<vmem>>, vector<1x16xf32>,
      %swap3A_199 = vector.shape_cast %swap3A_198 : vector<1x16xf32> to vector<16xf32>
      %swap3A_200 = vector.shape_cast %broadcast_in_dim3A_1 : vector<16xf32> to vector<1x16xf32>
      tpu.vector_store %arg8[%swap3A_196, %swap3A_197], %swap3A_200 {strides = array<i32>} : memref<8x128xf32, #tpu.memory_space<vmem>>, vector<1x16xf32>,
      %swap3A_201 = arith.index_cast %scan3A_165 : i32 to index
      %swap3A_202 = arith.constant 112 : index
      %swap3A_203 = tpu.vector_load %arg8[%swap3A_201, %swap3A_202] {strides = array<i32>} : memref<8x128xf32, #tpu.memory_space<vmem>>, vector<1x16xf32>,
      %swap3A_204 = vector.shape_cast %swap3A_203 : vector<1x16xf32> to vector<16xf32>
      %swap3A_205 = vector.shape_cast %broadcast_in_dim3A_1 : vector<16xf32> to vector<1x16xf32>
      tpu.vector_store %arg8[%swap3A_201, %swap3A_202], %swap3A_205 {strides = array<i32>} : memref<8x128xf32, #tpu.memory_space<vmem>>, vector<1x16xf32>,
      %scan3A_206 = arith.constant 0 : i32
      scf.yield %scan3A_206 : i32
    }
    %scan3A_9 = arith.constant 8 : i32
    %scan3A_10 = arith.constant 0 : i32
    %scan3A_11 = arith.constant 0 : i32
    %scan3A_12 = arith.constant 79 : i32
    %scan3A_13 = arith.addi %scan3A_11, %scan3A_12 : i32
    %scan3A_14 = arith.constant 1 : i32
    %scan3A_15 = scf.for %scan3A_165 = %scan3A_11 to %scan3A_13 step %scan3A_14 iter_args(%scan3A_166 = %scan3A_10) -> (i32)  : i32 {
      %mul3A_167 = arith.constant 632 : i32
      %mul3A_168 = arith.muli %arg1, %mul3A_167 : i32
      %mul3A_169 = arith.constant 8 : i32
      %mul3A_170 = arith.muli %scan3A_165, %mul3A_169 : i32
      %add3A_171 = arith.addi %mul3A_168, %mul3A_170 : i32
      "tpu.region"() ({
        %run_scoped3A = tpu.sem_alloc : memref<!tpu.dma_semaphore, #tpu.memory_space<semaphore_mem>>
        %dma_start3A_173 = arith.constant 0 : i32
        %dma_start3A_174 = tpu.memref_slice %arg5[%add3A_171, %dma_start3A_173] : memref<10112x128xf32, #tpu.memory_space<vmem_shared>> -> memref<8x128xf32, #tpu.memory_space<vmem_shared>>
        %dma_start3A_175 = arith.constant 0 : i32
        %dma_start3A_176 = tpu.memref_slice %arg5[%add3A_171, %dma_start3A_175] : memref<10112x128xf32, #tpu.memory_space<vmem_shared>> -> memref<8x128xf32, #tpu.memory_space<vmem_shared>>
        tpu.enqueue_dma source(%arg8 : memref<8x128xf32, #tpu.memory_space<vmem>>) target(%dma_start3A_176 : memref<8x128xf32, #tpu.memory_space<vmem_shared>>) target_semaphore(%run_scoped3A : memref<!tpu.dma_semaphore, #tpu.memory_space<semaphore_mem>>)
        %dma_wait3A_177 = arith.constant 0 : i32
        %dma_wait3A_178 = tpu.memref_slice %arg5[%add3A_171, %dma_wait3A_177] : memref<10112x128xf32, #tpu.memory_space<vmem_shared>> -> memref<8x128xf32, #tpu.memory_space<vmem_shared>>
        %dma_wait3A_179 = arith.constant 0 : i32
        %dma_wait3A_180 = tpu.memref_slice %arg5[%add3A_171, %dma_wait3A_179] : memref<10112x128xf32, #tpu.memory_space<vmem_shared>> -> memref<8x128xf32, #tpu.memory_space<vmem_shared>>
        tpu.wait_dma2 semaphore(%run_scoped3A : memref<!tpu.dma_semaphore, #tpu.memory_space<semaphore_mem>>) src(%arg8 : memref<8x128xf32, #tpu.memory_space<vmem>>) dst(%dma_wait3A_180 : memref<8x128xf32, #tpu.memory_space<vmem_shared>>)
        tpu.yield
      }) : () -> ()
      %scan3A_172 = arith.constant 0 : i32
      scf.yield %scan3A_172 : i32
    }
    %scan3A_16 = arith.constant 79 : i32
    %mul3A_17 = arith.constant 128 : i32
    %mul3A_18 = arith.muli %add3A, %mul3A_17 : i32
    "tpu.region"() ({
      %run_scoped3A = tpu.sem_alloc : memref<!tpu.dma_semaphore, #tpu.memory_space<semaphore_mem>>
      %dma_start3A_165 = arith.constant 0 : i32
      %dma_start3A_166 = tpu.memref_slice %arg3[%mul3A_18, %dma_start3A_165] : memref<4096x80xi32, #tpu.memory_space<hbm>> -> memref<128x80xi32, #tpu.memory_space<hbm>>
      %dma_start3A_167 = arith.constant 0 : i32
      %dma_start3A_168 = tpu.memref_slice %arg3[%mul3A_18, %dma_start3A_167] : memref<4096x80xi32, #tpu.memory_space<hbm>> -> memref<128x80xi32, #tpu.memory_space<hbm>>
      tpu.enqueue_dma source(%dma_start3A_168 : memref<128x80xi32, #tpu.memory_space<hbm>>) target(%arg6 : memref<128x80xi32, #tpu.memory_space<vmem>>) target_semaphore(%run_scoped3A : memref<!tpu.dma_semaphore, #tpu.memory_space<semaphore_mem>>)
      %dma_wait3A_169 = arith.constant 0 : i32
      %dma_wait3A_170 = tpu.memref_slice %arg3[%mul3A_18, %dma_wait3A_169] : memref<4096x80xi32, #tpu.memory_space<hbm>> -> memref<128x80xi32, #tpu.memory_space<hbm>>
      %dma_wait3A_171 = arith.constant 0 : i32
      %dma_wait3A_172 = tpu.memref_slice %arg3[%mul3A_18, %dma_wait3A_171] : memref<4096x80xi32, #tpu.memory_space<hbm>> -> memref<128x80xi32, #tpu.memory_space<hbm>>
      tpu.wait_dma2 semaphore(%run_scoped3A : memref<!tpu.dma_semaphore, #tpu.memory_space<semaphore_mem>>) src(%dma_wait3A_172 : memref<128x80xi32, #tpu.memory_space<hbm>>) dst(%arg6 : memref<128x80xi32, #tpu.memory_space<vmem>>)
      tpu.yield
    }) : () -> ()
    %barrier3A = arith.constant 0 : index
    tpu.barrier barrier_id(%barrier3A)
    %scan3A_19 = arith.constant 0 : i32
    %scan3A_20 = arith.constant 0 : i32
    %scan3A_21 = arith.constant 5 : i32
    %scan3A_22 = arith.addi %scan3A_20, %scan3A_21 : i32
    %scan3A_23 = arith.constant 1 : i32
    %scan3A_24 = scf.for %scan3A_165 = %scan3A_20 to %scan3A_22 step %scan3A_23 iter_args(%scan3A_166 = %scan3A_19) -> (i32)  : i32 {
      %mul3A_167 = arith.constant 16 : i32
      %mul3A_168 = arith.muli %scan3A_165, %mul3A_167 : i32
      %get3A = arith.constant 0 : i32
      %get3A_169 = arith.index_cast %get3A : i32 to index
      %get3A_170 = arith.index_cast %mul3A_168 : i32 to index
      %get3A_171 = tpu.vector_load %arg6[%get3A_169, %get3A_170] {strides = array<i32>} : memref<128x80xi32, #tpu.memory_space<vmem>>, vector<1x16xi32>,
      %get3A_172 = vector.shape_cast %get3A_171 : vector<1x16xi32> to vector<16xi32>
      %and3A = arith.andi %get3A_172, %broadcast_in_dim3A_3 : vector<16xi32>
      %mul3A_173 = arith.constant 16 : i32
      %mul3A_174 = arith.muli %scan3A_165, %mul3A_173 : i32
      %swap3A = arith.constant 0 : i32
      %swap3A_175 = arith.index_cast %swap3A : i32 to index
      %swap3A_176 = arith.index_cast %mul3A_174 : i32 to index
      %swap3A_177 = tpu.vector_load %arg7[%swap3A_175, %swap3A_176] {strides = array<i32>} : memref<8x80xi32, #tpu.memory_space<vmem>>, vector<1x16xi32>,
      %swap3A_178 = vector.shape_cast %swap3A_177 : vector<1x16xi32> to vector<16xi32>
      %swap3A_179 = vector.shape_cast %and3A : vector<16xi32> to vector<1x16xi32>
      tpu.vector_store %arg7[%swap3A_175, %swap3A_176], %swap3A_179 {strides = array<i32>} : memref<8x80xi32, #tpu.memory_space<vmem>>, vector<1x16xi32>,
      %scan3A_180 = arith.constant 0 : i32
      scf.yield %scan3A_180 : i32
    }
    %scan3A_25 = arith.constant 5 : i32
    %dma_start3A = arith.constant 0 : i32
    %dma_start3A_26 = arith.constant 0 : i32
    %dma_start3A_27 = arith.constant 0 : i32
    %dma_start3A_28 = arith.constant 0 : i32
    %dma_start3A_29 = tpu.memref_slice %arg9[%dma_start3A_26, %dma_start3A_27, %dma_start3A_28] : memref<3x80x128xf32, #tpu.memory_space<vmem>> -> memref<1x80x128xf32, #tpu.memory_space<vmem>>
    %dma_start3A_30 = tpu.memref_squeeze %dma_start3A_29 : memref<1x80x128xf32, #tpu.memory_space<vmem>> -> memref<80x128xf32, #tpu.memory_space<vmem>>
    %dma_start3A_31 = arith.constant 0 : i32
    %dma_start3A_32 = tpu.memref_slice %arg7[%dma_start3A, %dma_start3A_31] : memref<8x80xi32, #tpu.memory_space<vmem>> -> memref<1x80xi32, #tpu.memory_space<vmem>>
    %dma_start3A_33 = tpu.memref_squeeze %dma_start3A_32 : memref<1x80xi32, #tpu.memory_space<vmem>> -> memref<80xi32, #tpu.memory_space<vmem>>
    %dma_start3A_34 = arith.constant 0 : i32
    %dma_start3A_35 = arith.constant 0 : i32
    %dma_start3A_36 = tpu.memref_slice %arg2[%dma_start3A_34, %dma_start3A_35] : memref<10000x128xf32, #tpu.memory_space<hbm>> -> memref<10000x128xf32, #tpu.memory_space<hbm>>
    tpu.enqueue_indirect_dma source(%dma_start3A_36 : memref<10000x128xf32, #tpu.memory_space<hbm>>) target(%dma_start3A_30 : memref<80x128xf32, #tpu.memory_space<vmem>>) offsets(%dma_start3A_33 : memref<80xi32, #tpu.memory_space<vmem>>) semaphore(%arg10 : memref<!tpu.dma_semaphore, #tpu.memory_space<semaphore_mem>>)
    %scan3A_37 = arith.constant 0 : i32
    %scan3A_38 = arith.constant 0 : i32
    %scan3A_39 = arith.constant 5 : i32
    %scan3A_40 = arith.addi %scan3A_38, %scan3A_39 : i32
    %scan3A_41 = arith.constant 1 : i32
    %scan3A_42 = scf.for %scan3A_165 = %scan3A_38 to %scan3A_40 step %scan3A_41 iter_args(%scan3A_166 = %scan3A_37) -> (i32)  : i32 {
      %mul3A_167 = arith.constant 16 : i32
      %mul3A_168 = arith.muli %scan3A_165, %mul3A_167 : i32
      %get3A = arith.constant 1 : i32
      %get3A_169 = arith.index_cast %get3A : i32 to index
      %get3A_170 = arith.index_cast %mul3A_168 : i32 to index
      %get3A_171 = tpu.vector_load %arg6[%get3A_169, %get3A_170] {strides = array<i32>} : memref<128x80xi32, #tpu.memory_space<vmem>>, vector<1x16xi32>,
      %get3A_172 = vector.shape_cast %get3A_171 : vector<1x16xi32> to vector<16xi32>
      %and3A = arith.andi %get3A_172, %broadcast_in_dim3A_3 : vector<16xi32>
      %mul3A_173 = arith.constant 16 : i32
      %mul3A_174 = arith.muli %scan3A_165, %mul3A_173 : i32
      %swap3A = arith.constant 1 : i32
      %swap3A_175 = arith.index_cast %swap3A : i32 to index
      %swap3A_176 = arith.index_cast %mul3A_174 : i32 to index
      %swap3A_177 = tpu.vector_load %arg7[%swap3A_175, %swap3A_176] {strides = array<i32>} : memref<8x80xi32, #tpu.memory_space<vmem>>, vector<1x16xi32>,
      %swap3A_178 = vector.shape_cast %swap3A_177 : vector<1x16xi32> to vector<16xi32>
      %swap3A_179 = vector.shape_cast %and3A : vector<16xi32> to vector<1x16xi32>
      tpu.vector_store %arg7[%swap3A_175, %swap3A_176], %swap3A_179 {strides = array<i32>} : memref<8x80xi32, #tpu.memory_space<vmem>>, vector<1x16xi32>,
      %scan3A_180 = arith.constant 0 : i32
      scf.yield %scan3A_180 : i32
    }
    %scan3A_43 = arith.constant 5 : i32
    %dma_start3A_44 = arith.constant 1 : i32
    %dma_start3A_45 = arith.constant 1 : i32
    %dma_start3A_46 = arith.constant 0 : i32
    %dma_start3A_47 = arith.constant 0 : i32
    %dma_start3A_48 = tpu.memref_slice %arg9[%dma_start3A_45, %dma_start3A_46, %dma_start3A_47] : memref<3x80x128xf32, #tpu.memory_space<vmem>> -> memref<1x80x128xf32, #tpu.memory_space<vmem>>
    %dma_start3A_49 = tpu.memref_squeeze %dma_start3A_48 : memref<1x80x128xf32, #tpu.memory_space<vmem>> -> memref<80x128xf32, #tpu.memory_space<vmem>>
    %dma_start3A_50 = arith.constant 0 : i32
    %dma_start3A_51 = tpu.memref_slice %arg7[%dma_start3A_44, %dma_start3A_50] : memref<8x80xi32, #tpu.memory_space<vmem>> -> memref<1x80xi32, #tpu.memory_space<vmem>>
    %dma_start3A_52 = tpu.memref_squeeze %dma_start3A_51 : memref<1x80xi32, #tpu.memory_space<vmem>> -> memref<80xi32, #tpu.memory_space<vmem>>
    %dma_start3A_53 = arith.constant 0 : i32
    %dma_start3A_54 = arith.constant 0 : i32
    %dma_start3A_55 = tpu.memref_slice %arg2[%dma_start3A_53, %dma_start3A_54] : memref<10000x128xf32, #tpu.memory_space<hbm>> -> memref<10000x128xf32, #tpu.memory_space<hbm>>
    tpu.enqueue_indirect_dma source(%dma_start3A_55 : memref<10000x128xf32, #tpu.memory_space<hbm>>) target(%dma_start3A_49 : memref<80x128xf32, #tpu.memory_space<vmem>>) offsets(%dma_start3A_52 : memref<80xi32, #tpu.memory_space<vmem>>) semaphore(%arg11 : memref<!tpu.dma_semaphore, #tpu.memory_space<semaphore_mem>>)
    %scan3A_56 = arith.constant 0 : i32
    %scan3A_57 = arith.constant 0 : i32
    %scan3A_58 = arith.constant 21 : i32
    %scan3A_59 = arith.addi %scan3A_57, %scan3A_58 : i32
    %scan3A_60 = arith.constant 1 : i32
    %scan3A_61 = scf.for %scan3A_165 = %scan3A_57 to %scan3A_59 step %scan3A_60 iter_args(%scan3A_166 = %scan3A_56) -> (i32)  : i32 {
      %mul3A_167 = arith.constant 6 : i32
      %mul3A_168 = arith.muli %scan3A_165, %mul3A_167 : i32
      %add3A_169 = arith.constant 0 : i32
      %add3A_170 = arith.addi %mul3A_168, %add3A_169 : i32
      %dma_wait3A_171 = arith.constant 0 : i32
      %dma_wait3A_172 = arith.constant 0 : i32
      %dma_wait3A_173 = arith.constant 0 : i32
      %dma_wait3A_174 = arith.constant 0 : i32
      %dma_wait3A_175 = tpu.memref_slice %arg9[%dma_wait3A_172, %dma_wait3A_173, %dma_wait3A_174] : memref<3x80x128xf32, #tpu.memory_space<vmem>> -> memref<1x80x128xf32, #tpu.memory_space<vmem>>
      %dma_wait3A_176 = tpu.memref_squeeze %dma_wait3A_175 : memref<1x80x128xf32, #tpu.memory_space<vmem>> -> memref<80x128xf32, #tpu.memory_space<vmem>>
      %dma_wait3A_177 = arith.constant 0 : i32
      %dma_wait3A_178 = tpu.memref_slice %arg7[%dma_wait3A_171, %dma_wait3A_177] : memref<8x80xi32, #tpu.memory_space<vmem>> -> memref<1x80xi32, #tpu.memory_space<vmem>>
      %dma_wait3A_179 = tpu.memref_squeeze %dma_wait3A_178 : memref<1x80xi32, #tpu.memory_space<vmem>> -> memref<80xi32, #tpu.memory_space<vmem>>
      %dma_wait3A_180 = arith.constant 0 : i32
      %dma_wait3A_181 = arith.constant 0 : i32
      %dma_wait3A_182 = tpu.memref_slice %arg2[%dma_wait3A_180, %dma_wait3A_181] : memref<10000x128xf32, #tpu.memory_space<hbm>> -> memref<10000x128xf32, #tpu.memory_space<hbm>>
      tpu.wait_indirect_dma semaphore(%arg10 : memref<!tpu.dma_semaphore, #tpu.memory_space<semaphore_mem>>) src(%dma_wait3A_182 : memref<10000x128xf32, #tpu.memory_space<hbm>>) dst(%dma_wait3A_176 : memref<80x128xf32, #tpu.memory_space<vmem>>)
      %scan3A_183 = arith.constant 0 : i32
      %scan3A_184 = arith.constant 0 : i32
      %scan3A_185 = arith.constant 5 : i32
      %scan3A_186 = arith.addi %scan3A_184, %scan3A_185 : i32
      %scan3A_187 = arith.constant 1 : i32
      %scan3A_188 = scf.for %scan3A_417 = %scan3A_184 to %scan3A_186 step %scan3A_187 iter_args(%scan3A_418 = %scan3A_183) -> (i32)  : i32 {
        %mul3A_419 = arith.constant 16 : i32
        %mul3A_420 = arith.muli %scan3A_417, %mul3A_419 : i32
        %get3A = arith.index_cast %add3A_170 : i32 to index
        %get3A_421 = arith.index_cast %mul3A_420 : i32 to index
        %get3A_422 = tpu.vector_load %arg6[%get3A, %get3A_421] {strides = array<i32>} : memref<128x80xi32, #tpu.memory_space<vmem>>, vector<1x16xi32>,
        %get3A_423 = vector.shape_cast %get3A_422 : vector<1x16xi32> to vector<16xi32>
        %shift_right_logical3A = arith.constant 16 : i32
        %shift_right_logical3A_424 = vector.broadcast %shift_right_logical3A : i32 to vector<16xi32>
        %shift_right_logical3A_425 = arith.shrui %get3A_423, %shift_right_logical3A_424 : vector<16xi32>
        %mul3A_426 = arith.constant 16 : i32
        %mul3A_427 = arith.muli %scan3A_417, %mul3A_426 : i32
        %swap3A = arith.constant 2 : i32
        %swap3A_428 = arith.index_cast %swap3A : i32 to index
        %swap3A_429 = arith.index_cast %mul3A_427 : i32 to index
        %swap3A_430 = tpu.vector_load %arg7[%swap3A_428, %swap3A_429] {strides = array<i32>} : memref<8x80xi32, #tpu.memory_space<vmem>>, vector<1x16xi32>,
        %swap3A_431 = vector.shape_cast %swap3A_430 : vector<1x16xi32> to vector<16xi32>
        %swap3A_432 = vector.shape_cast %shift_right_logical3A_425 : vector<16xi32> to vector<1x16xi32>
        tpu.vector_store %arg7[%swap3A_428, %swap3A_429], %swap3A_432 {strides = array<i32>} : memref<8x80xi32, #tpu.memory_space<vmem>>, vector<1x16xi32>,
        %scan3A_433 = arith.constant 0 : i32
        scf.yield %scan3A_433 : i32
      }
      %scan3A_189 = arith.constant 5 : i32
      %dma_start3A_190 = arith.constant 0 : i32
      %dma_start3A_191 = arith.constant 2 : i32
      %dma_start3A_192 = arith.constant 0 : i32
      %dma_start3A_193 = arith.constant 0 : i32
      %dma_start3A_194 = tpu.memref_slice %arg9[%dma_start3A_190, %dma_start3A_192, %dma_start3A_193] : memref<3x80x128xf32, #tpu.memory_space<vmem>> -> memref<1x80x128xf32, #tpu.memory_space<vmem>>
      %dma_start3A_195 = tpu.memref_squeeze %dma_start3A_194 : memref<1x80x128xf32, #tpu.memory_space<vmem>> -> memref<80x128xf32, #tpu.memory_space<vmem>>
      %dma_start3A_196 = arith.constant 0 : i32
      %dma_start3A_197 = tpu.memref_slice %arg7[%dma_start3A_191, %dma_start3A_196] : memref<8x80xi32, #tpu.memory_space<vmem>> -> memref<1x80xi32, #tpu.memory_space<vmem>>
      %dma_start3A_198 = tpu.memref_squeeze %dma_start3A_197 : memref<1x80xi32, #tpu.memory_space<vmem>> -> memref<80xi32, #tpu.memory_space<vmem>>
      %dma_start3A_199 = arith.constant 0 : i32
      %dma_start3A_200 = arith.constant 0 : i32
      %dma_start3A_201 = tpu.memref_slice %arg5[%dma_start3A_199, %dma_start3A_200] : memref<10112x128xf32, #tpu.memory_space<vmem_shared>> -> memref<10112x128xf32, #tpu.memory_space<vmem_shared>>
      tpu.enqueue_indirect_dma source(%dma_start3A_195 : memref<80x128xf32, #tpu.memory_space<vmem>>) target(%dma_start3A_201 : memref<10112x128xf32, #tpu.memory_space<vmem_shared>>) offsets(%dma_start3A_198 : memref<80xi32, #tpu.memory_space<vmem>>) semaphore(%arg13 : memref<!tpu.dma_semaphore, #tpu.memory_space<semaphore_mem>>) {add = true}
      %add3A_202 = arith.constant 2 : i32
      %add3A_203 = arith.addi %add3A_170, %add3A_202 : i32
      %lt3A = arith.constant 128 : i32
      %lt3A_204 = arith.cmpi slt, %add3A_203, %lt3A : i32
      %convert_element_type3A = arith.extui %lt3A_204 : i1 to i32
      %cond3A = arith.constant 0 : i32
      %cond3A_205 = arith.cmpi ne, %convert_element_type3A, %cond3A : i32
      scf.if %cond3A_205 {
        %ge3A = arith.constant 1 : i32
        %ge3A_417 = arith.cmpi sge, %add3A_170, %ge3A : i32
        %convert_element_type3A_418 = arith.extui %ge3A_417 : i1 to i32
        %cond3A_419 = arith.constant 0 : i32
        %cond3A_420 = arith.cmpi ne, %convert_element_type3A_418, %cond3A_419 : i32
        scf.if %cond3A_420 {
          %dma_wait3A_442 = arith.constant 0 : i32
          %dma_wait3A_443 = arith.constant 3 : i32
          %dma_wait3A_444 = arith.constant 0 : i32
          %dma_wait3A_445 = arith.constant 0 : i32
          %dma_wait3A_446 = tpu.memref_slice %arg9[%dma_wait3A_442, %dma_wait3A_444, %dma_wait3A_445] : memref<3x80x128xf32, #tpu.memory_space<vmem>> -> memref<1x80x128xf32, #tpu.memory_space<vmem>>
          %dma_wait3A_447 = tpu.memref_squeeze %dma_wait3A_446 : memref<1x80x128xf32, #tpu.memory_space<vmem>> -> memref<80x128xf32, #tpu.memory_space<vmem>>
          %dma_wait3A_448 = arith.constant 0 : i32
          %dma_wait3A_449 = tpu.memref_slice %arg7[%dma_wait3A_443, %dma_wait3A_448] : memref<8x80xi32, #tpu.memory_space<vmem>> -> memref<1x80xi32, #tpu.memory_space<vmem>>
          %dma_wait3A_450 = tpu.memref_squeeze %dma_wait3A_449 : memref<1x80xi32, #tpu.memory_space<vmem>> -> memref<80xi32, #tpu.memory_space<vmem>>
          %dma_wait3A_451 = arith.constant 0 : i32
          %dma_wait3A_452 = arith.constant 0 : i32
          %dma_wait3A_453 = tpu.memref_slice %arg5[%dma_wait3A_451, %dma_wait3A_452] : memref<10112x128xf32, #tpu.memory_space<vmem_shared>> -> memref<10112x128xf32, #tpu.memory_space<vmem_shared>>
          tpu.wait_indirect_dma semaphore(%arg14 : memref<!tpu.dma_semaphore, #tpu.memory_space<semaphore_mem>>) src(%dma_wait3A_447 : memref<80x128xf32, #tpu.memory_space<vmem>>) dst(%dma_wait3A_453 : memref<10112x128xf32, #tpu.memory_space<vmem_shared>>)
        } else {
        }
        %add3A_421 = arith.constant 2 : i32
        %add3A_422 = arith.addi %add3A_170, %add3A_421 : i32
        %scan3A_423 = arith.constant 0 : i32
        %scan3A_424 = arith.constant 0 : i32
        %scan3A_425 = arith.constant 5 : i32
        %scan3A_426 = arith.addi %scan3A_424, %scan3A_425 : i32
        %scan3A_427 = arith.constant 1 : i32
        %scan3A_428 = scf.for %scan3A_442 = %scan3A_424 to %scan3A_426 step %scan3A_427 iter_args(%scan3A_443 = %scan3A_423) -> (i32)  : i32 {
          %mul3A_444 = arith.constant 16 : i32
          %mul3A_445 = arith.muli %scan3A_442, %mul3A_444 : i32
          %get3A = arith.index_cast %add3A_422 : i32 to index
          %get3A_446 = arith.index_cast %mul3A_445 : i32 to index
          %get3A_447 = tpu.vector_load %arg6[%get3A, %get3A_446] {strides = array<i32>} : memref<128x80xi32, #tpu.memory_space<vmem>>, vector<1x16xi32>,
          %get3A_448 = vector.shape_cast %get3A_447 : vector<1x16xi32> to vector<16xi32>
          %and3A = arith.andi %get3A_448, %broadcast_in_dim3A_3 : vector<16xi32>
          %mul3A_449 = arith.constant 16 : i32
          %mul3A_450 = arith.muli %scan3A_442, %mul3A_449 : i32
          %swap3A = arith.constant 0 : i32
          %swap3A_451 = arith.index_cast %swap3A : i32 to index
          %swap3A_452 = arith.index_cast %mul3A_450 : i32 to index
          %swap3A_453 = tpu.vector_load %arg7[%swap3A_451, %swap3A_452] {strides = array<i32>} : memref<8x80xi32, #tpu.memory_space<vmem>>, vector<1x16xi32>,
          %swap3A_454 = vector.shape_cast %swap3A_453 : vector<1x16xi32> to vector<16xi32>
          %swap3A_455 = vector.shape_cast %and3A : vector<16xi32> to vector<1x16xi32>
          tpu.vector_store %arg7[%swap3A_451, %swap3A_452], %swap3A_455 {strides = array<i32>} : memref<8x80xi32, #tpu.memory_space<vmem>>, vector<1x16xi32>,
          %scan3A_456 = arith.constant 0 : i32
          scf.yield %scan3A_456 : i32
        }
        %scan3A_429 = arith.constant 5 : i32
        %dma_start3A_430 = arith.constant 0 : i32
        %dma_start3A_431 = arith.constant 2 : i32
        %dma_start3A_432 = arith.constant 0 : i32
        %dma_start3A_433 = arith.constant 0 : i32
        %dma_start3A_434 = tpu.memref_slice %arg9[%dma_start3A_431, %dma_start3A_432, %dma_start3A_433] : memref<3x80x128xf32, #tpu.memory_space<vmem>> -> memref<1x80x128xf32, #tpu.memory_space<vmem>>
        %dma_start3A_435 = tpu.memref_squeeze %dma_start3A_434 : memref<1x80x128xf32, #tpu.memory_space<vmem>> -> memref<80x128xf32, #tpu.memory_space<vmem>>
        %dma_start3A_436 = arith.constant 0 : i32
        %dma_start3A_437 = tpu.memref_slice %arg7[%dma_start3A_430, %dma_start3A_436] : memref<8x80xi32, #tpu.memory_space<vmem>> -> memref<1x80xi32, #tpu.memory_space<vmem>>
        %dma_start3A_438 = tpu.memref_squeeze %dma_start3A_437 : memref<1x80xi32, #tpu.memory_space<vmem>> -> memref<80xi32, #tpu.memory_space<vmem>>
        %dma_start3A_439 = arith.constant 0 : i32
        %dma_start3A_440 = arith.constant 0 : i32
        %dma_start3A_441 = tpu.memref_slice %arg2[%dma_start3A_439, %dma_start3A_440] : memref<10000x128xf32, #tpu.memory_space<hbm>> -> memref<10000x128xf32, #tpu.memory_space<hbm>>
        tpu.enqueue_indirect_dma source(%dma_start3A_441 : memref<10000x128xf32, #tpu.memory_space<hbm>>) target(%dma_start3A_435 : memref<80x128xf32, #tpu.memory_space<vmem>>) offsets(%dma_start3A_438 : memref<80xi32, #tpu.memory_space<vmem>>) semaphore(%arg12 : memref<!tpu.dma_semaphore, #tpu.memory_space<semaphore_mem>>)
      } else {
      }
      %mul3A_206 = arith.constant 6 : i32
      %mul3A_207 = arith.muli %scan3A_165, %mul3A_206 : i32
      %add3A_208 = arith.constant 1 : i32
      %add3A_209 = arith.addi %mul3A_207, %add3A_208 : i32
      %dma_wait3A_210 = arith.constant 1 : i32
      %dma_wait3A_211 = arith.constant 1 : i32
      %dma_wait3A_212 = arith.constant 0 : i32
      %dma_wait3A_213 = arith.constant 0 : i32
      %dma_wait3A_214 = tpu.memref_slice %arg9[%dma_wait3A_211, %dma_wait3A_212, %dma_wait3A_213] : memref<3x80x128xf32, #tpu.memory_space<vmem>> -> memref<1x80x128xf32, #tpu.memory_space<vmem>>
      %dma_wait3A_215 = tpu.memref_squeeze %dma_wait3A_214 : memref<1x80x128xf32, #tpu.memory_space<vmem>> -> memref<80x128xf32, #tpu.memory_space<vmem>>
      %dma_wait3A_216 = arith.constant 0 : i32
      %dma_wait3A_217 = tpu.memref_slice %arg7[%dma_wait3A_210, %dma_wait3A_216] : memref<8x80xi32, #tpu.memory_space<vmem>> -> memref<1x80xi32, #tpu.memory_space<vmem>>
      %dma_wait3A_218 = tpu.memref_squeeze %dma_wait3A_217 : memref<1x80xi32, #tpu.memory_space<vmem>> -> memref<80xi32, #tpu.memory_space<vmem>>
      %dma_wait3A_219 = arith.constant 0 : i32
      %dma_wait3A_220 = arith.constant 0 : i32
      %dma_wait3A_221 = tpu.memref_slice %arg2[%dma_wait3A_219, %dma_wait3A_220] : memref<10000x128xf32, #tpu.memory_space<hbm>> -> memref<10000x128xf32, #tpu.memory_space<hbm>>
      tpu.wait_indirect_dma semaphore(%arg11 : memref<!tpu.dma_semaphore, #tpu.memory_space<semaphore_mem>>) src(%dma_wait3A_221 : memref<10000x128xf32, #tpu.memory_space<hbm>>) dst(%dma_wait3A_215 : memref<80x128xf32, #tpu.memory_space<vmem>>)
      %scan3A_222 = arith.constant 0 : i32
      %scan3A_223 = arith.constant 0 : i32
      %scan3A_224 = arith.constant 5 : i32
      %scan3A_225 = arith.addi %scan3A_223, %scan3A_224 : i32
      %scan3A_226 = arith.constant 1 : i32
      %scan3A_227 = scf.for %scan3A_417 = %scan3A_223 to %scan3A_225 step %scan3A_226 iter_args(%scan3A_418 = %scan3A_222) -> (i32)  : i32 {
        %mul3A_419 = arith.constant 16 : i32
        %mul3A_420 = arith.muli %scan3A_417, %mul3A_419 : i32
        %get3A = arith.index_cast %add3A_209 : i32 to index
        %get3A_421 = arith.index_cast %mul3A_420 : i32 to index
        %get3A_422 = tpu.vector_load %arg6[%get3A, %get3A_421] {strides = array<i32>} : memref<128x80xi32, #tpu.memory_space<vmem>>, vector<1x16xi32>,
        %get3A_423 = vector.shape_cast %get3A_422 : vector<1x16xi32> to vector<16xi32>
        %shift_right_logical3A = arith.constant 16 : i32
        %shift_right_logical3A_424 = vector.broadcast %shift_right_logical3A : i32 to vector<16xi32>
        %shift_right_logical3A_425 = arith.shrui %get3A_423, %shift_right_logical3A_424 : vector<16xi32>
        %mul3A_426 = arith.constant 16 : i32
        %mul3A_427 = arith.muli %scan3A_417, %mul3A_426 : i32
        %swap3A = arith.constant 3 : i32
        %swap3A_428 = arith.index_cast %swap3A : i32 to index
        %swap3A_429 = arith.index_cast %mul3A_427 : i32 to index
        %swap3A_430 = tpu.vector_load %arg7[%swap3A_428, %swap3A_429] {strides = array<i32>} : memref<8x80xi32, #tpu.memory_space<vmem>>, vector<1x16xi32>,
        %swap3A_431 = vector.shape_cast %swap3A_430 : vector<1x16xi32> to vector<16xi32>
        %swap3A_432 = vector.shape_cast %shift_right_logical3A_425 : vector<16xi32> to vector<1x16xi32>
        tpu.vector_store %arg7[%swap3A_428, %swap3A_429], %swap3A_432 {strides = array<i32>} : memref<8x80xi32, #tpu.memory_space<vmem>>, vector<1x16xi32>,
        %scan3A_433 = arith.constant 0 : i32
        scf.yield %scan3A_433 : i32
      }
      %scan3A_228 = arith.constant 5 : i32
      %dma_start3A_229 = arith.constant 1 : i32
      %dma_start3A_230 = arith.constant 3 : i32
      %dma_start3A_231 = arith.constant 0 : i32
      %dma_start3A_232 = arith.constant 0 : i32
      %dma_start3A_233 = tpu.memref_slice %arg9[%dma_start3A_229, %dma_start3A_231, %dma_start3A_232] : memref<3x80x128xf32, #tpu.memory_space<vmem>> -> memref<1x80x128xf32, #tpu.memory_space<vmem>>
      %dma_start3A_234 = tpu.memref_squeeze %dma_start3A_233 : memref<1x80x128xf32, #tpu.memory_space<vmem>> -> memref<80x128xf32, #tpu.memory_space<vmem>>
      %dma_start3A_235 = arith.constant 0 : i32
      %dma_start3A_236 = tpu.memref_slice %arg7[%dma_start3A_230, %dma_start3A_235] : memref<8x80xi32, #tpu.memory_space<vmem>> -> memref<1x80xi32, #tpu.memory_space<vmem>>
      %dma_start3A_237 = tpu.memref_squeeze %dma_start3A_236 : memref<1x80xi32, #tpu.memory_space<vmem>> -> memref<80xi32, #tpu.memory_space<vmem>>
      %dma_start3A_238 = arith.constant 0 : i32
      %dma_start3A_239 = arith.constant 0 : i32
      %dma_start3A_240 = tpu.memref_slice %arg5[%dma_start3A_238, %dma_start3A_239] : memref<10112x128xf32, #tpu.memory_space<vmem_shared>> -> memref<10112x128xf32, #tpu.memory_space<vmem_shared>>
      tpu.enqueue_indirect_dma source(%dma_start3A_234 : memref<80x128xf32, #tpu.memory_space<vmem>>) target(%dma_start3A_240 : memref<10112x128xf32, #tpu.memory_space<vmem_shared>>) offsets(%dma_start3A_237 : memref<80xi32, #tpu.memory_space<vmem>>) semaphore(%arg14 : memref<!tpu.dma_semaphore, #tpu.memory_space<semaphore_mem>>) {add = true}
      %add3A_241 = arith.constant 2 : i32
      %add3A_242 = arith.addi %add3A_209, %add3A_241 : i32
      %lt3A_243 = arith.constant 128 : i32
      %lt3A_244 = arith.cmpi slt, %add3A_242, %lt3A_243 : i32
      %convert_element_type3A_245 = arith.extui %lt3A_244 : i1 to i32
      %cond3A_246 = arith.constant 0 : i32
      %cond3A_247 = arith.cmpi ne, %convert_element_type3A_245, %cond3A_246 : i32
      scf.if %cond3A_247 {
        %ge3A = arith.constant 1 : i32
        %ge3A_417 = arith.cmpi sge, %add3A_209, %ge3A : i32
        %convert_element_type3A_418 = arith.extui %ge3A_417 : i1 to i32
        %cond3A_419 = arith.constant 0 : i32
        %cond3A_420 = arith.cmpi ne, %convert_element_type3A_418, %cond3A_419 : i32
        scf.if %cond3A_420 {
          %dma_wait3A_442 = arith.constant 0 : i32
          %dma_wait3A_443 = arith.constant 2 : i32
          %dma_wait3A_444 = arith.constant 0 : i32
          %dma_wait3A_445 = arith.constant 0 : i32
          %dma_wait3A_446 = tpu.memref_slice %arg9[%dma_wait3A_442, %dma_wait3A_444, %dma_wait3A_445] : memref<3x80x128xf32, #tpu.memory_space<vmem>> -> memref<1x80x128xf32, #tpu.memory_space<vmem>>
          %dma_wait3A_447 = tpu.memref_squeeze %dma_wait3A_446 : memref<1x80x128xf32, #tpu.memory_space<vmem>> -> memref<80x128xf32, #tpu.memory_space<vmem>>
          %dma_wait3A_448 = arith.constant 0 : i32
          %dma_wait3A_449 = tpu.memref_slice %arg7[%dma_wait3A_443, %dma_wait3A_448] : memref<8x80xi32, #tpu.memory_space<vmem>> -> memref<1x80xi32, #tpu.memory_space<vmem>>
          %dma_wait3A_450 = tpu.memref_squeeze %dma_wait3A_449 : memref<1x80xi32, #tpu.memory_space<vmem>> -> memref<80xi32, #tpu.memory_space<vmem>>
          %dma_wait3A_451 = arith.constant 0 : i32
          %dma_wait3A_452 = arith.constant 0 : i32
          %dma_wait3A_453 = tpu.memref_slice %arg5[%dma_wait3A_451, %dma_wait3A_452] : memref<10112x128xf32, #tpu.memory_space<vmem_shared>> -> memref<10112x128xf32, #tpu.memory_space<vmem_shared>>
          tpu.wait_indirect_dma semaphore(%arg13 : memref<!tpu.dma_semaphore, #tpu.memory_space<semaphore_mem>>) src(%dma_wait3A_447 : memref<80x128xf32, #tpu.memory_space<vmem>>) dst(%dma_wait3A_453 : memref<10112x128xf32, #tpu.memory_space<vmem_shared>>)
        } else {
        }
        %add3A_421 = arith.constant 2 : i32
        %add3A_422 = arith.addi %add3A_209, %add3A_421 : i32
        %scan3A_423 = arith.constant 0 : i32
        %scan3A_424 = arith.constant 0 : i32
        %scan3A_425 = arith.constant 5 : i32
        %scan3A_426 = arith.addi %scan3A_424, %scan3A_425 : i32
        %scan3A_427 = arith.constant 1 : i32
        %scan3A_428 = scf.for %scan3A_442 = %scan3A_424 to %scan3A_426 step %scan3A_427 iter_args(%scan3A_443 = %scan3A_423) -> (i32)  : i32 {
          %mul3A_444 = arith.constant 16 : i32
          %mul3A_445 = arith.muli %scan3A_442, %mul3A_444 : i32
          %get3A = arith.index_cast %add3A_422 : i32 to index
          %get3A_446 = arith.index_cast %mul3A_445 : i32 to index
          %get3A_447 = tpu.vector_load %arg6[%get3A, %get3A_446] {strides = array<i32>} : memref<128x80xi32, #tpu.memory_space<vmem>>, vector<1x16xi32>,
          %get3A_448 = vector.shape_cast %get3A_447 : vector<1x16xi32> to vector<16xi32>
          %and3A = arith.andi %get3A_448, %broadcast_in_dim3A_3 : vector<16xi32>
          %mul3A_449 = arith.constant 16 : i32
          %mul3A_450 = arith.muli %scan3A_442, %mul3A_449 : i32
          %swap3A = arith.constant 1 : i32
          %swap3A_451 = arith.index_cast %swap3A : i32 to index
          %swap3A_452 = arith.index_cast %mul3A_450 : i32 to index
          %swap3A_453 = tpu.vector_load %arg7[%swap3A_451, %swap3A_452] {strides = array<i32>} : memref<8x80xi32, #tpu.memory_space<vmem>>, vector<1x16xi32>,
          %swap3A_454 = vector.shape_cast %swap3A_453 : vector<1x16xi32> to vector<16xi32>
          %swap3A_455 = vector.shape_cast %and3A : vector<16xi32> to vector<1x16xi32>
          tpu.vector_store %arg7[%swap3A_451, %swap3A_452], %swap3A_455 {strides = array<i32>} : memref<8x80xi32, #tpu.memory_space<vmem>>, vector<1x16xi32>,
          %scan3A_456 = arith.constant 0 : i32
          scf.yield %scan3A_456 : i32
        }
        %scan3A_429 = arith.constant 5 : i32
        %dma_start3A_430 = arith.constant 1 : i32
        %dma_start3A_431 = arith.constant 0 : i32
        %dma_start3A_432 = arith.constant 0 : i32
        %dma_start3A_433 = arith.constant 0 : i32
        %dma_start3A_434 = tpu.memref_slice %arg9[%dma_start3A_431, %dma_start3A_432, %dma_start3A_433] : memref<3x80x128xf32, #tpu.memory_space<vmem>> -> memref<1x80x128xf32, #tpu.memory_space<vmem>>
        %dma_start3A_435 = tpu.memref_squeeze %dma_start3A_434 : memref<1x80x128xf32, #tpu.memory_space<vmem>> -> memref<80x128xf32, #tpu.memory_space<vmem>>
        %dma_start3A_436 = arith.constant 0 : i32
        %dma_start3A_437 = tpu.memref_slice %arg7[%dma_start3A_430, %dma_start3A_436] : memref<8x80xi32, #tpu.memory_space<vmem>> -> memref<1x80xi32, #tpu.memory_space<vmem>>
        %dma_start3A_438 = tpu.memref_squeeze %dma_start3A_437 : memref<1x80xi32, #tpu.memory_space<vmem>> -> memref<80xi32, #tpu.memory_space<vmem>>
        %dma_start3A_439 = arith.constant 0 : i32
        %dma_start3A_440 = arith.constant 0 : i32
        %dma_start3A_441 = tpu.memref_slice %arg2[%dma_start3A_439, %dma_start3A_440] : memref<10000x128xf32, #tpu.memory_space<hbm>> -> memref<10000x128xf32, #tpu.memory_space<hbm>>
        tpu.enqueue_indirect_dma source(%dma_start3A_441 : memref<10000x128xf32, #tpu.memory_space<hbm>>) target(%dma_start3A_435 : memref<80x128xf32, #tpu.memory_space<vmem>>) offsets(%dma_start3A_438 : memref<80xi32, #tpu.memory_space<vmem>>) semaphore(%arg10 : memref<!tpu.dma_semaphore, #tpu.memory_space<semaphore_mem>>)
      } else {
      }
      %mul3A_248 = arith.constant 6 : i32
      %mul3A_249 = arith.muli %scan3A_165, %mul3A_248 : i32
      %add3A_250 = arith.constant 2 : i32
      %add3A_251 = arith.addi %mul3A_249, %add3A_250 : i32
      %dma_wait3A_252 = arith.constant 0 : i32
      %dma_wait3A_253 = arith.constant 2 : i32
      %dma_wait3A_254 = arith.constant 0 : i32
      %dma_wait3A_255 = arith.constant 0 : i32
      %dma_wait3A_256 = tpu.memref_slice %arg9[%dma_wait3A_253, %dma_wait3A_254, %dma_wait3A_255] : memref<3x80x128xf32, #tpu.memory_space<vmem>> -> memref<1x80x128xf32, #tpu.memory_space<vmem>>
      %dma_wait3A_257 = tpu.memref_squeeze %dma_wait3A_256 : memref<1x80x128xf32, #tpu.memory_space<vmem>> -> memref<80x128xf32, #tpu.memory_space<vmem>>
      %dma_wait3A_258 = arith.constant 0 : i32
      %dma_wait3A_259 = tpu.memref_slice %arg7[%dma_wait3A_252, %dma_wait3A_258] : memref<8x80xi32, #tpu.memory_space<vmem>> -> memref<1x80xi32, #tpu.memory_space<vmem>>
      %dma_wait3A_260 = tpu.memref_squeeze %dma_wait3A_259 : memref<1x80xi32, #tpu.memory_space<vmem>> -> memref<80xi32, #tpu.memory_space<vmem>>
      %dma_wait3A_261 = arith.constant 0 : i32
      %dma_wait3A_262 = arith.constant 0 : i32
      %dma_wait3A_263 = tpu.memref_slice %arg2[%dma_wait3A_261, %dma_wait3A_262] : memref<10000x128xf32, #tpu.memory_space<hbm>> -> memref<10000x128xf32, #tpu.memory_space<hbm>>
      tpu.wait_indirect_dma semaphore(%arg12 : memref<!tpu.dma_semaphore, #tpu.memory_space<semaphore_mem>>) src(%dma_wait3A_263 : memref<10000x128xf32, #tpu.memory_space<hbm>>) dst(%dma_wait3A_257 : memref<80x128xf32, #tpu.memory_space<vmem>>)
      %scan3A_264 = arith.constant 0 : i32
      %scan3A_265 = arith.constant 0 : i32
      %scan3A_266 = arith.constant 5 : i32
      %scan3A_267 = arith.addi %scan3A_265, %scan3A_266 : i32
      %scan3A_268 = arith.constant 1 : i32
      %scan3A_269 = scf.for %scan3A_417 = %scan3A_265 to %scan3A_267 step %scan3A_268 iter_args(%scan3A_418 = %scan3A_264) -> (i32)  : i32 {
        %mul3A_419 = arith.constant 16 : i32
        %mul3A_420 = arith.muli %scan3A_417, %mul3A_419 : i32
        %get3A = arith.index_cast %add3A_251 : i32 to index
        %get3A_421 = arith.index_cast %mul3A_420 : i32 to index
        %get3A_422 = tpu.vector_load %arg6[%get3A, %get3A_421] {strides = array<i32>} : memref<128x80xi32, #tpu.memory_space<vmem>>, vector<1x16xi32>,
        %get3A_423 = vector.shape_cast %get3A_422 : vector<1x16xi32> to vector<16xi32>
        %shift_right_logical3A = arith.constant 16 : i32
        %shift_right_logical3A_424 = vector.broadcast %shift_right_logical3A : i32 to vector<16xi32>
        %shift_right_logical3A_425 = arith.shrui %get3A_423, %shift_right_logical3A_424 : vector<16xi32>
        %mul3A_426 = arith.constant 16 : i32
        %mul3A_427 = arith.muli %scan3A_417, %mul3A_426 : i32
        %swap3A = arith.constant 2 : i32
        %swap3A_428 = arith.index_cast %swap3A : i32 to index
        %swap3A_429 = arith.index_cast %mul3A_427 : i32 to index
        %swap3A_430 = tpu.vector_load %arg7[%swap3A_428, %swap3A_429] {strides = array<i32>} : memref<8x80xi32, #tpu.memory_space<vmem>>, vector<1x16xi32>,
        %swap3A_431 = vector.shape_cast %swap3A_430 : vector<1x16xi32> to vector<16xi32>
        %swap3A_432 = vector.shape_cast %shift_right_logical3A_425 : vector<16xi32> to vector<1x16xi32>
        tpu.vector_store %arg7[%swap3A_428, %swap3A_429], %swap3A_432 {strides = array<i32>} : memref<8x80xi32, #tpu.memory_space<vmem>>, vector<1x16xi32>,
        %scan3A_433 = arith.constant 0 : i32
        scf.yield %scan3A_433 : i32
      }
      %scan3A_270 = arith.constant 5 : i32
      %dma_start3A_271 = arith.constant 2 : i32
      %dma_start3A_272 = arith.constant 2 : i32
      %dma_start3A_273 = arith.constant 0 : i32
      %dma_start3A_274 = arith.constant 0 : i32
      %dma_start3A_275 = tpu.memref_slice %arg9[%dma_start3A_271, %dma_start3A_273, %dma_start3A_274] : memref<3x80x128xf32, #tpu.memory_space<vmem>> -> memref<1x80x128xf32, #tpu.memory_space<vmem>>
      %dma_start3A_276 = tpu.memref_squeeze %dma_start3A_275 : memref<1x80x128xf32, #tpu.memory_space<vmem>> -> memref<80x128xf32, #tpu.memory_space<vmem>>
      %dma_start3A_277 = arith.constant 0 : i32
      %dma_start3A_278 = tpu.memref_slice %arg7[%dma_start3A_272, %dma_start3A_277] : memref<8x80xi32, #tpu.memory_space<vmem>> -> memref<1x80xi32, #tpu.memory_space<vmem>>
      %dma_start3A_279 = tpu.memref_squeeze %dma_start3A_278 : memref<1x80xi32, #tpu.memory_space<vmem>> -> memref<80xi32, #tpu.memory_space<vmem>>
      %dma_start3A_280 = arith.constant 0 : i32
      %dma_start3A_281 = arith.constant 0 : i32
      %dma_start3A_282 = tpu.memref_slice %arg5[%dma_start3A_280, %dma_start3A_281] : memref<10112x128xf32, #tpu.memory_space<vmem_shared>> -> memref<10112x128xf32, #tpu.memory_space<vmem_shared>>
      tpu.enqueue_indirect_dma source(%dma_start3A_276 : memref<80x128xf32, #tpu.memory_space<vmem>>) target(%dma_start3A_282 : memref<10112x128xf32, #tpu.memory_space<vmem_shared>>) offsets(%dma_start3A_279 : memref<80xi32, #tpu.memory_space<vmem>>) semaphore(%arg13 : memref<!tpu.dma_semaphore, #tpu.memory_space<semaphore_mem>>) {add = true}
      %add3A_283 = arith.constant 2 : i32
      %add3A_284 = arith.addi %add3A_251, %add3A_283 : i32
      %lt3A_285 = arith.constant 128 : i32
      %lt3A_286 = arith.cmpi slt, %add3A_284, %lt3A_285 : i32
      %convert_element_type3A_287 = arith.extui %lt3A_286 : i1 to i32
      %cond3A_288 = arith.constant 0 : i32
      %cond3A_289 = arith.cmpi ne, %convert_element_type3A_287, %cond3A_288 : i32
      scf.if %cond3A_289 {
        %ge3A = arith.constant 1 : i32
        %ge3A_417 = arith.cmpi sge, %add3A_251, %ge3A : i32
        %convert_element_type3A_418 = arith.extui %ge3A_417 : i1 to i32
        %cond3A_419 = arith.constant 0 : i32
        %cond3A_420 = arith.cmpi ne, %convert_element_type3A_418, %cond3A_419 : i32
        scf.if %cond3A_420 {
          %dma_wait3A_442 = arith.constant 0 : i32
          %dma_wait3A_443 = arith.constant 3 : i32
          %dma_wait3A_444 = arith.constant 0 : i32
          %dma_wait3A_445 = arith.constant 0 : i32
          %dma_wait3A_446 = tpu.memref_slice %arg9[%dma_wait3A_442, %dma_wait3A_444, %dma_wait3A_445] : memref<3x80x128xf32, #tpu.memory_space<vmem>> -> memref<1x80x128xf32, #tpu.memory_space<vmem>>
          %dma_wait3A_447 = tpu.memref_squeeze %dma_wait3A_446 : memref<1x80x128xf32, #tpu.memory_space<vmem>> -> memref<80x128xf32, #tpu.memory_space<vmem>>
          %dma_wait3A_448 = arith.constant 0 : i32
          %dma_wait3A_449 = tpu.memref_slice %arg7[%dma_wait3A_443, %dma_wait3A_448] : memref<8x80xi32, #tpu.memory_space<vmem>> -> memref<1x80xi32, #tpu.memory_space<vmem>>
          %dma_wait3A_450 = tpu.memref_squeeze %dma_wait3A_449 : memref<1x80xi32, #tpu.memory_space<vmem>> -> memref<80xi32, #tpu.memory_space<vmem>>
          %dma_wait3A_451 = arith.constant 0 : i32
          %dma_wait3A_452 = arith.constant 0 : i32
          %dma_wait3A_453 = tpu.memref_slice %arg5[%dma_wait3A_451, %dma_wait3A_452] : memref<10112x128xf32, #tpu.memory_space<vmem_shared>> -> memref<10112x128xf32, #tpu.memory_space<vmem_shared>>
          tpu.wait_indirect_dma semaphore(%arg14 : memref<!tpu.dma_semaphore, #tpu.memory_space<semaphore_mem>>) src(%dma_wait3A_447 : memref<80x128xf32, #tpu.memory_space<vmem>>) dst(%dma_wait3A_453 : memref<10112x128xf32, #tpu.memory_space<vmem_shared>>)
        } else {
        }
        %add3A_421 = arith.constant 2 : i32
        %add3A_422 = arith.addi %add3A_251, %add3A_421 : i32
        %scan3A_423 = arith.constant 0 : i32
        %scan3A_424 = arith.constant 0 : i32
        %scan3A_425 = arith.constant 5 : i32
        %scan3A_426 = arith.addi %scan3A_424, %scan3A_425 : i32
        %scan3A_427 = arith.constant 1 : i32
        %scan3A_428 = scf.for %scan3A_442 = %scan3A_424 to %scan3A_426 step %scan3A_427 iter_args(%scan3A_443 = %scan3A_423) -> (i32)  : i32 {
          %mul3A_444 = arith.constant 16 : i32
          %mul3A_445 = arith.muli %scan3A_442, %mul3A_444 : i32
          %get3A = arith.index_cast %add3A_422 : i32 to index
          %get3A_446 = arith.index_cast %mul3A_445 : i32 to index
          %get3A_447 = tpu.vector_load %arg6[%get3A, %get3A_446] {strides = array<i32>} : memref<128x80xi32, #tpu.memory_space<vmem>>, vector<1x16xi32>,
          %get3A_448 = vector.shape_cast %get3A_447 : vector<1x16xi32> to vector<16xi32>
          %and3A = arith.andi %get3A_448, %broadcast_in_dim3A_3 : vector<16xi32>
          %mul3A_449 = arith.constant 16 : i32
          %mul3A_450 = arith.muli %scan3A_442, %mul3A_449 : i32
          %swap3A = arith.constant 0 : i32
          %swap3A_451 = arith.index_cast %swap3A : i32 to index
          %swap3A_452 = arith.index_cast %mul3A_450 : i32 to index
          %swap3A_453 = tpu.vector_load %arg7[%swap3A_451, %swap3A_452] {strides = array<i32>} : memref<8x80xi32, #tpu.memory_space<vmem>>, vector<1x16xi32>,
          %swap3A_454 = vector.shape_cast %swap3A_453 : vector<1x16xi32> to vector<16xi32>
          %swap3A_455 = vector.shape_cast %and3A : vector<16xi32> to vector<1x16xi32>
          tpu.vector_store %arg7[%swap3A_451, %swap3A_452], %swap3A_455 {strides = array<i32>} : memref<8x80xi32, #tpu.memory_space<vmem>>, vector<1x16xi32>,
          %scan3A_456 = arith.constant 0 : i32
          scf.yield %scan3A_456 : i32
        }
        %scan3A_429 = arith.constant 5 : i32
        %dma_start3A_430 = arith.constant 0 : i32
        %dma_start3A_431 = arith.constant 1 : i32
        %dma_start3A_432 = arith.constant 0 : i32
        %dma_start3A_433 = arith.constant 0 : i32
        %dma_start3A_434 = tpu.memref_slice %arg9[%dma_start3A_431, %dma_start3A_432, %dma_start3A_433] : memref<3x80x128xf32, #tpu.memory_space<vmem>> -> memref<1x80x128xf32, #tpu.memory_space<vmem>>
        %dma_start3A_435 = tpu.memref_squeeze %dma_start3A_434 : memref<1x80x128xf32, #tpu.memory_space<vmem>> -> memref<80x128xf32, #tpu.memory_space<vmem>>
        %dma_start3A_436 = arith.constant 0 : i32
        %dma_start3A_437 = tpu.memref_slice %arg7[%dma_start3A_430, %dma_start3A_436] : memref<8x80xi32, #tpu.memory_space<vmem>> -> memref<1x80xi32, #tpu.memory_space<vmem>>
        %dma_start3A_438 = tpu.memref_squeeze %dma_start3A_437 : memref<1x80xi32, #tpu.memory_space<vmem>> -> memref<80xi32, #tpu.memory_space<vmem>>
        %dma_start3A_439 = arith.constant 0 : i32
        %dma_start3A_440 = arith.constant 0 : i32
        %dma_start3A_441 = tpu.memref_slice %arg2[%dma_start3A_439, %dma_start3A_440] : memref<10000x128xf32, #tpu.memory_space<hbm>> -> memref<10000x128xf32, #tpu.memory_space<hbm>>
        tpu.enqueue_indirect_dma source(%dma_start3A_441 : memref<10000x128xf32, #tpu.memory_space<hbm>>) target(%dma_start3A_435 : memref<80x128xf32, #tpu.memory_space<vmem>>) offsets(%dma_start3A_438 : memref<80xi32, #tpu.memory_space<vmem>>) semaphore(%arg11 : memref<!tpu.dma_semaphore, #tpu.memory_space<semaphore_mem>>)
      } else {
      }
      %mul3A_290 = arith.constant 6 : i32
      %mul3A_291 = arith.muli %scan3A_165, %mul3A_290 : i32
      %add3A_292 = arith.constant 3 : i32
      %add3A_293 = arith.addi %mul3A_291, %add3A_292 : i32
      %dma_wait3A_294 = arith.constant 1 : i32
      %dma_wait3A_295 = arith.constant 0 : i32
      %dma_wait3A_296 = arith.constant 0 : i32
      %dma_wait3A_297 = arith.constant 0 : i32
      %dma_wait3A_298 = tpu.memref_slice %arg9[%dma_wait3A_295, %dma_wait3A_296, %dma_wait3A_297] : memref<3x80x128xf32, #tpu.memory_space<vmem>> -> memref<1x80x128xf32, #tpu.memory_space<vmem>>
      %dma_wait3A_299 = tpu.memref_squeeze %dma_wait3A_298 : memref<1x80x128xf32, #tpu.memory_space<vmem>> -> memref<80x128xf32, #tpu.memory_space<vmem>>
      %dma_wait3A_300 = arith.constant 0 : i32
      %dma_wait3A_301 = tpu.memref_slice %arg7[%dma_wait3A_294, %dma_wait3A_300] : memref<8x80xi32, #tpu.memory_space<vmem>> -> memref<1x80xi32, #tpu.memory_space<vmem>>
      %dma_wait3A_302 = tpu.memref_squeeze %dma_wait3A_301 : memref<1x80xi32, #tpu.memory_space<vmem>> -> memref<80xi32, #tpu.memory_space<vmem>>
      %dma_wait3A_303 = arith.constant 0 : i32
      %dma_wait3A_304 = arith.constant 0 : i32
      %dma_wait3A_305 = tpu.memref_slice %arg2[%dma_wait3A_303, %dma_wait3A_304] : memref<10000x128xf32, #tpu.memory_space<hbm>> -> memref<10000x128xf32, #tpu.memory_space<hbm>>
      tpu.wait_indirect_dma semaphore(%arg10 : memref<!tpu.dma_semaphore, #tpu.memory_space<semaphore_mem>>) src(%dma_wait3A_305 : memref<10000x128xf32, #tpu.memory_space<hbm>>) dst(%dma_wait3A_299 : memref<80x128xf32, #tpu.memory_space<vmem>>)
      %scan3A_306 = arith.constant 0 : i32
      %scan3A_307 = arith.constant 0 : i32
      %scan3A_308 = arith.constant 5 : i32
      %scan3A_309 = arith.addi %scan3A_307, %scan3A_308 : i32
      %scan3A_310 = arith.constant 1 : i32
      %scan3A_311 = scf.for %scan3A_417 = %scan3A_307 to %scan3A_309 step %scan3A_310 iter_args(%scan3A_418 = %scan3A_306) -> (i32)  : i32 {
        %mul3A_419 = arith.constant 16 : i32
        %mul3A_420 = arith.muli %scan3A_417, %mul3A_419 : i32
        %get3A = arith.index_cast %add3A_293 : i32 to index
        %get3A_421 = arith.index_cast %mul3A_420 : i32 to index
        %get3A_422 = tpu.vector_load %arg6[%get3A, %get3A_421] {strides = array<i32>} : memref<128x80xi32, #tpu.memory_space<vmem>>, vector<1x16xi32>,
        %get3A_423 = vector.shape_cast %get3A_422 : vector<1x16xi32> to vector<16xi32>
        %shift_right_logical3A = arith.constant 16 : i32
        %shift_right_logical3A_424 = vector.broadcast %shift_right_logical3A : i32 to vector<16xi32>
        %shift_right_logical3A_425 = arith.shrui %get3A_423, %shift_right_logical3A_424 : vector<16xi32>
        %mul3A_426 = arith.constant 16 : i32
        %mul3A_427 = arith.muli %scan3A_417, %mul3A_426 : i32
        %swap3A = arith.constant 3 : i32
        %swap3A_428 = arith.index_cast %swap3A : i32 to index
        %swap3A_429 = arith.index_cast %mul3A_427 : i32 to index
        %swap3A_430 = tpu.vector_load %arg7[%swap3A_428, %swap3A_429] {strides = array<i32>} : memref<8x80xi32, #tpu.memory_space<vmem>>, vector<1x16xi32>,
        %swap3A_431 = vector.shape_cast %swap3A_430 : vector<1x16xi32> to vector<16xi32>
        %swap3A_432 = vector.shape_cast %shift_right_logical3A_425 : vector<16xi32> to vector<1x16xi32>
        tpu.vector_store %arg7[%swap3A_428, %swap3A_429], %swap3A_432 {strides = array<i32>} : memref<8x80xi32, #tpu.memory_space<vmem>>, vector<1x16xi32>,
        %scan3A_433 = arith.constant 0 : i32
        scf.yield %scan3A_433 : i32
      }
      %scan3A_312 = arith.constant 5 : i32
      %dma_start3A_313 = arith.constant 0 : i32
      %dma_start3A_314 = arith.constant 3 : i32
      %dma_start3A_315 = arith.constant 0 : i32
      %dma_start3A_316 = arith.constant 0 : i32
      %dma_start3A_317 = tpu.memref_slice %arg9[%dma_start3A_313, %dma_start3A_315, %dma_start3A_316] : memref<3x80x128xf32, #tpu.memory_space<vmem>> -> memref<1x80x128xf32, #tpu.memory_space<vmem>>
      %dma_start3A_318 = tpu.memref_squeeze %dma_start3A_317 : memref<1x80x128xf32, #tpu.memory_space<vmem>> -> memref<80x128xf32, #tpu.memory_space<vmem>>
      %dma_start3A_319 = arith.constant 0 : i32
      %dma_start3A_320 = tpu.memref_slice %arg7[%dma_start3A_314, %dma_start3A_319] : memref<8x80xi32, #tpu.memory_space<vmem>> -> memref<1x80xi32, #tpu.memory_space<vmem>>
      %dma_start3A_321 = tpu.memref_squeeze %dma_start3A_320 : memref<1x80xi32, #tpu.memory_space<vmem>> -> memref<80xi32, #tpu.memory_space<vmem>>
      %dma_start3A_322 = arith.constant 0 : i32
      %dma_start3A_323 = arith.constant 0 : i32
      %dma_start3A_324 = tpu.memref_slice %arg5[%dma_start3A_322, %dma_start3A_323] : memref<10112x128xf32, #tpu.memory_space<vmem_shared>> -> memref<10112x128xf32, #tpu.memory_space<vmem_shared>>
      tpu.enqueue_indirect_dma source(%dma_start3A_318 : memref<80x128xf32, #tpu.memory_space<vmem>>) target(%dma_start3A_324 : memref<10112x128xf32, #tpu.memory_space<vmem_shared>>) offsets(%dma_start3A_321 : memref<80xi32, #tpu.memory_space<vmem>>) semaphore(%arg14 : memref<!tpu.dma_semaphore, #tpu.memory_space<semaphore_mem>>) {add = true}
      %add3A_325 = arith.constant 2 : i32
      %add3A_326 = arith.addi %add3A_293, %add3A_325 : i32
      %lt3A_327 = arith.constant 128 : i32
      %lt3A_328 = arith.cmpi slt, %add3A_326, %lt3A_327 : i32
      %convert_element_type3A_329 = arith.extui %lt3A_328 : i1 to i32
      %cond3A_330 = arith.constant 0 : i32
      %cond3A_331 = arith.cmpi ne, %convert_element_type3A_329, %cond3A_330 : i32
      scf.if %cond3A_331 {
        %ge3A = arith.constant 1 : i32
        %ge3A_417 = arith.cmpi sge, %add3A_293, %ge3A : i32
        %convert_element_type3A_418 = arith.extui %ge3A_417 : i1 to i32
        %cond3A_419 = arith.constant 0 : i32
        %cond3A_420 = arith.cmpi ne, %convert_element_type3A_418, %cond3A_419 : i32
        scf.if %cond3A_420 {
          %dma_wait3A_442 = arith.constant 0 : i32
          %dma_wait3A_443 = arith.constant 2 : i32
          %dma_wait3A_444 = arith.constant 0 : i32
          %dma_wait3A_445 = arith.constant 0 : i32
          %dma_wait3A_446 = tpu.memref_slice %arg9[%dma_wait3A_442, %dma_wait3A_444, %dma_wait3A_445] : memref<3x80x128xf32, #tpu.memory_space<vmem>> -> memref<1x80x128xf32, #tpu.memory_space<vmem>>
          %dma_wait3A_447 = tpu.memref_squeeze %dma_wait3A_446 : memref<1x80x128xf32, #tpu.memory_space<vmem>> -> memref<80x128xf32, #tpu.memory_space<vmem>>
          %dma_wait3A_448 = arith.constant 0 : i32
          %dma_wait3A_449 = tpu.memref_slice %arg7[%dma_wait3A_443, %dma_wait3A_448] : memref<8x80xi32, #tpu.memory_space<vmem>> -> memref<1x80xi32, #tpu.memory_space<vmem>>
          %dma_wait3A_450 = tpu.memref_squeeze %dma_wait3A_449 : memref<1x80xi32, #tpu.memory_space<vmem>> -> memref<80xi32, #tpu.memory_space<vmem>>
          %dma_wait3A_451 = arith.constant 0 : i32
          %dma_wait3A_452 = arith.constant 0 : i32
          %dma_wait3A_453 = tpu.memref_slice %arg5[%dma_wait3A_451, %dma_wait3A_452] : memref<10112x128xf32, #tpu.memory_space<vmem_shared>> -> memref<10112x128xf32, #tpu.memory_space<vmem_shared>>
          tpu.wait_indirect_dma semaphore(%arg13 : memref<!tpu.dma_semaphore, #tpu.memory_space<semaphore_mem>>) src(%dma_wait3A_447 : memref<80x128xf32, #tpu.memory_space<vmem>>) dst(%dma_wait3A_453 : memref<10112x128xf32, #tpu.memory_space<vmem_shared>>)
        } else {
        }
        %add3A_421 = arith.constant 2 : i32
        %add3A_422 = arith.addi %add3A_293, %add3A_421 : i32
        %scan3A_423 = arith.constant 0 : i32
        %scan3A_424 = arith.constant 0 : i32
        %scan3A_425 = arith.constant 5 : i32
        %scan3A_426 = arith.addi %scan3A_424, %scan3A_425 : i32
        %scan3A_427 = arith.constant 1 : i32
        %scan3A_428 = scf.for %scan3A_442 = %scan3A_424 to %scan3A_426 step %scan3A_427 iter_args(%scan3A_443 = %scan3A_423) -> (i32)  : i32 {
          %mul3A_444 = arith.constant 16 : i32
          %mul3A_445 = arith.muli %scan3A_442, %mul3A_444 : i32
          %get3A = arith.index_cast %add3A_422 : i32 to index
          %get3A_446 = arith.index_cast %mul3A_445 : i32 to index
          %get3A_447 = tpu.vector_load %arg6[%get3A, %get3A_446] {strides = array<i32>} : memref<128x80xi32, #tpu.memory_space<vmem>>, vector<1x16xi32>,
          %get3A_448 = vector.shape_cast %get3A_447 : vector<1x16xi32> to vector<16xi32>
          %and3A = arith.andi %get3A_448, %broadcast_in_dim3A_3 : vector<16xi32>
          %mul3A_449 = arith.constant 16 : i32
          %mul3A_450 = arith.muli %scan3A_442, %mul3A_449 : i32
          %swap3A = arith.constant 1 : i32
          %swap3A_451 = arith.index_cast %swap3A : i32 to index
          %swap3A_452 = arith.index_cast %mul3A_450 : i32 to index
          %swap3A_453 = tpu.vector_load %arg7[%swap3A_451, %swap3A_452] {strides = array<i32>} : memref<8x80xi32, #tpu.memory_space<vmem>>, vector<1x16xi32>,
          %swap3A_454 = vector.shape_cast %swap3A_453 : vector<1x16xi32> to vector<16xi32>
          %swap3A_455 = vector.shape_cast %and3A : vector<16xi32> to vector<1x16xi32>
          tpu.vector_store %arg7[%swap3A_451, %swap3A_452], %swap3A_455 {strides = array<i32>} : memref<8x80xi32, #tpu.memory_space<vmem>>, vector<1x16xi32>,
          %scan3A_456 = arith.constant 0 : i32
          scf.yield %scan3A_456 : i32
        }
        %scan3A_429 = arith.constant 5 : i32
        %dma_start3A_430 = arith.constant 1 : i32
        %dma_start3A_431 = arith.constant 2 : i32
        %dma_start3A_432 = arith.constant 0 : i32
        %dma_start3A_433 = arith.constant 0 : i32
        %dma_start3A_434 = tpu.memref_slice %arg9[%dma_start3A_431, %dma_start3A_432, %dma_start3A_433] : memref<3x80x128xf32, #tpu.memory_space<vmem>> -> memref<1x80x128xf32, #tpu.memory_space<vmem>>
        %dma_start3A_435 = tpu.memref_squeeze %dma_start3A_434 : memref<1x80x128xf32, #tpu.memory_space<vmem>> -> memref<80x128xf32, #tpu.memory_space<vmem>>
        %dma_start3A_436 = arith.constant 0 : i32
        %dma_start3A_437 = tpu.memref_slice %arg7[%dma_start3A_430, %dma_start3A_436] : memref<8x80xi32, #tpu.memory_space<vmem>> -> memref<1x80xi32, #tpu.memory_space<vmem>>
        %dma_start3A_438 = tpu.memref_squeeze %dma_start3A_437 : memref<1x80xi32, #tpu.memory_space<vmem>> -> memref<80xi32, #tpu.memory_space<vmem>>
        %dma_start3A_439 = arith.constant 0 : i32
        %dma_start3A_440 = arith.constant 0 : i32
        %dma_start3A_441 = tpu.memref_slice %arg2[%dma_start3A_439, %dma_start3A_440] : memref<10000x128xf32, #tpu.memory_space<hbm>> -> memref<10000x128xf32, #tpu.memory_space<hbm>>
        tpu.enqueue_indirect_dma source(%dma_start3A_441 : memref<10000x128xf32, #tpu.memory_space<hbm>>) target(%dma_start3A_435 : memref<80x128xf32, #tpu.memory_space<vmem>>) offsets(%dma_start3A_438 : memref<80xi32, #tpu.memory_space<vmem>>) semaphore(%arg12 : memref<!tpu.dma_semaphore, #tpu.memory_space<semaphore_mem>>)
      } else {
      }
      %mul3A_332 = arith.constant 6 : i32
      %mul3A_333 = arith.muli %scan3A_165, %mul3A_332 : i32
      %add3A_334 = arith.constant 4 : i32
      %add3A_335 = arith.addi %mul3A_333, %add3A_334 : i32
      %dma_wait3A_336 = arith.constant 0 : i32
      %dma_wait3A_337 = arith.constant 1 : i32
      %dma_wait3A_338 = arith.constant 0 : i32
      %dma_wait3A_339 = arith.constant 0 : i32
      %dma_wait3A_340 = tpu.memref_slice %arg9[%dma_wait3A_337, %dma_wait3A_338, %dma_wait3A_339] : memref<3x80x128xf32, #tpu.memory_space<vmem>> -> memref<1x80x128xf32, #tpu.memory_space<vmem>>
      %dma_wait3A_341 = tpu.memref_squeeze %dma_wait3A_340 : memref<1x80x128xf32, #tpu.memory_space<vmem>> -> memref<80x128xf32, #tpu.memory_space<vmem>>
      %dma_wait3A_342 = arith.constant 0 : i32
      %dma_wait3A_343 = tpu.memref_slice %arg7[%dma_wait3A_336, %dma_wait3A_342] : memref<8x80xi32, #tpu.memory_space<vmem>> -> memref<1x80xi32, #tpu.memory_space<vmem>>
      %dma_wait3A_344 = tpu.memref_squeeze %dma_wait3A_343 : memref<1x80xi32, #tpu.memory_space<vmem>> -> memref<80xi32, #tpu.memory_space<vmem>>
      %dma_wait3A_345 = arith.constant 0 : i32
      %dma_wait3A_346 = arith.constant 0 : i32
      %dma_wait3A_347 = tpu.memref_slice %arg2[%dma_wait3A_345, %dma_wait3A_346] : memref<10000x128xf32, #tpu.memory_space<hbm>> -> memref<10000x128xf32, #tpu.memory_space<hbm>>
      tpu.wait_indirect_dma semaphore(%arg11 : memref<!tpu.dma_semaphore, #tpu.memory_space<semaphore_mem>>) src(%dma_wait3A_347 : memref<10000x128xf32, #tpu.memory_space<hbm>>) dst(%dma_wait3A_341 : memref<80x128xf32, #tpu.memory_space<vmem>>)
      %scan3A_348 = arith.constant 0 : i32
      %scan3A_349 = arith.constant 0 : i32
      %scan3A_350 = arith.constant 5 : i32
      %scan3A_351 = arith.addi %scan3A_349, %scan3A_350 : i32
      %scan3A_352 = arith.constant 1 : i32
      %scan3A_353 = scf.for %scan3A_417 = %scan3A_349 to %scan3A_351 step %scan3A_352 iter_args(%scan3A_418 = %scan3A_348) -> (i32)  : i32 {
        %mul3A_419 = arith.constant 16 : i32
        %mul3A_420 = arith.muli %scan3A_417, %mul3A_419 : i32
        %get3A = arith.index_cast %add3A_335 : i32 to index
        %get3A_421 = arith.index_cast %mul3A_420 : i32 to index
        %get3A_422 = tpu.vector_load %arg6[%get3A, %get3A_421] {strides = array<i32>} : memref<128x80xi32, #tpu.memory_space<vmem>>, vector<1x16xi32>,
        %get3A_423 = vector.shape_cast %get3A_422 : vector<1x16xi32> to vector<16xi32>
        %shift_right_logical3A = arith.constant 16 : i32
        %shift_right_logical3A_424 = vector.broadcast %shift_right_logical3A : i32 to vector<16xi32>
        %shift_right_logical3A_425 = arith.shrui %get3A_423, %shift_right_logical3A_424 : vector<16xi32>
        %mul3A_426 = arith.constant 16 : i32
        %mul3A_427 = arith.muli %scan3A_417, %mul3A_426 : i32
        %swap3A = arith.constant 2 : i32
        %swap3A_428 = arith.index_cast %swap3A : i32 to index
        %swap3A_429 = arith.index_cast %mul3A_427 : i32 to index
        %swap3A_430 = tpu.vector_load %arg7[%swap3A_428, %swap3A_429] {strides = array<i32>} : memref<8x80xi32, #tpu.memory_space<vmem>>, vector<1x16xi32>,
        %swap3A_431 = vector.shape_cast %swap3A_430 : vector<1x16xi32> to vector<16xi32>
        %swap3A_432 = vector.shape_cast %shift_right_logical3A_425 : vector<16xi32> to vector<1x16xi32>
        tpu.vector_store %arg7[%swap3A_428, %swap3A_429], %swap3A_432 {strides = array<i32>} : memref<8x80xi32, #tpu.memory_space<vmem>>, vector<1x16xi32>,
        %scan3A_433 = arith.constant 0 : i32
        scf.yield %scan3A_433 : i32
      }
      %scan3A_354 = arith.constant 5 : i32
      %dma_start3A_355 = arith.constant 1 : i32
      %dma_start3A_356 = arith.constant 2 : i32
      %dma_start3A_357 = arith.constant 0 : i32
      %dma_start3A_358 = arith.constant 0 : i32
      %dma_start3A_359 = tpu.memref_slice %arg9[%dma_start3A_355, %dma_start3A_357, %dma_start3A_358] : memref<3x80x128xf32, #tpu.memory_space<vmem>> -> memref<1x80x128xf32, #tpu.memory_space<vmem>>
      %dma_start3A_360 = tpu.memref_squeeze %dma_start3A_359 : memref<1x80x128xf32, #tpu.memory_space<vmem>> -> memref<80x128xf32, #tpu.memory_space<vmem>>
      %dma_start3A_361 = arith.constant 0 : i32
      %dma_start3A_362 = tpu.memref_slice %arg7[%dma_start3A_356, %dma_start3A_361] : memref<8x80xi32, #tpu.memory_space<vmem>> -> memref<1x80xi32, #tpu.memory_space<vmem>>
      %dma_start3A_363 = tpu.memref_squeeze %dma_start3A_362 : memref<1x80xi32, #tpu.memory_space<vmem>> -> memref<80xi32, #tpu.memory_space<vmem>>
      %dma_start3A_364 = arith.constant 0 : i32
      %dma_start3A_365 = arith.constant 0 : i32
      %dma_start3A_366 = tpu.memref_slice %arg5[%dma_start3A_364, %dma_start3A_365] : memref<10112x128xf32, #tpu.memory_space<vmem_shared>> -> memref<10112x128xf32, #tpu.memory_space<vmem_shared>>
      tpu.enqueue_indirect_dma source(%dma_start3A_360 : memref<80x128xf32, #tpu.memory_space<vmem>>) target(%dma_start3A_366 : memref<10112x128xf32, #tpu.memory_space<vmem_shared>>) offsets(%dma_start3A_363 : memref<80xi32, #tpu.memory_space<vmem>>) semaphore(%arg13 : memref<!tpu.dma_semaphore, #tpu.memory_space<semaphore_mem>>) {add = true}
      %add3A_367 = arith.constant 2 : i32
      %add3A_368 = arith.addi %add3A_335, %add3A_367 : i32
      %lt3A_369 = arith.constant 128 : i32
      %lt3A_370 = arith.cmpi slt, %add3A_368, %lt3A_369 : i32
      %convert_element_type3A_371 = arith.extui %lt3A_370 : i1 to i32
      %cond3A_372 = arith.constant 0 : i32
      %cond3A_373 = arith.cmpi ne, %convert_element_type3A_371, %cond3A_372 : i32
      scf.if %cond3A_373 {
        %ge3A = arith.constant 1 : i32
        %ge3A_417 = arith.cmpi sge, %add3A_335, %ge3A : i32
        %convert_element_type3A_418 = arith.extui %ge3A_417 : i1 to i32
        %cond3A_419 = arith.constant 0 : i32
        %cond3A_420 = arith.cmpi ne, %convert_element_type3A_418, %cond3A_419 : i32
        scf.if %cond3A_420 {
          %dma_wait3A_442 = arith.constant 0 : i32
          %dma_wait3A_443 = arith.constant 3 : i32
          %dma_wait3A_444 = arith.constant 0 : i32
          %dma_wait3A_445 = arith.constant 0 : i32
          %dma_wait3A_446 = tpu.memref_slice %arg9[%dma_wait3A_442, %dma_wait3A_444, %dma_wait3A_445] : memref<3x80x128xf32, #tpu.memory_space<vmem>> -> memref<1x80x128xf32, #tpu.memory_space<vmem>>
          %dma_wait3A_447 = tpu.memref_squeeze %dma_wait3A_446 : memref<1x80x128xf32, #tpu.memory_space<vmem>> -> memref<80x128xf32, #tpu.memory_space<vmem>>
          %dma_wait3A_448 = arith.constant 0 : i32
          %dma_wait3A_449 = tpu.memref_slice %arg7[%dma_wait3A_443, %dma_wait3A_448] : memref<8x80xi32, #tpu.memory_space<vmem>> -> memref<1x80xi32, #tpu.memory_space<vmem>>
          %dma_wait3A_450 = tpu.memref_squeeze %dma_wait3A_449 : memref<1x80xi32, #tpu.memory_space<vmem>> -> memref<80xi32, #tpu.memory_space<vmem>>
          %dma_wait3A_451 = arith.constant 0 : i32
          %dma_wait3A_452 = arith.constant 0 : i32
          %dma_wait3A_453 = tpu.memref_slice %arg5[%dma_wait3A_451, %dma_wait3A_452] : memref<10112x128xf32, #tpu.memory_space<vmem_shared>> -> memref<10112x128xf32, #tpu.memory_space<vmem_shared>>
          tpu.wait_indirect_dma semaphore(%arg14 : memref<!tpu.dma_semaphore, #tpu.memory_space<semaphore_mem>>) src(%dma_wait3A_447 : memref<80x128xf32, #tpu.memory_space<vmem>>) dst(%dma_wait3A_453 : memref<10112x128xf32, #tpu.memory_space<vmem_shared>>)
        } else {
        }
        %add3A_421 = arith.constant 2 : i32
        %add3A_422 = arith.addi %add3A_335, %add3A_421 : i32
        %scan3A_423 = arith.constant 0 : i32
        %scan3A_424 = arith.constant 0 : i32
        %scan3A_425 = arith.constant 5 : i32
        %scan3A_426 = arith.addi %scan3A_424, %scan3A_425 : i32
        %scan3A_427 = arith.constant 1 : i32
        %scan3A_428 = scf.for %scan3A_442 = %scan3A_424 to %scan3A_426 step %scan3A_427 iter_args(%scan3A_443 = %scan3A_423) -> (i32)  : i32 {
          %mul3A_444 = arith.constant 16 : i32
          %mul3A_445 = arith.muli %scan3A_442, %mul3A_444 : i32
          %get3A = arith.index_cast %add3A_422 : i32 to index
          %get3A_446 = arith.index_cast %mul3A_445 : i32 to index
          %get3A_447 = tpu.vector_load %arg6[%get3A, %get3A_446] {strides = array<i32>} : memref<128x80xi32, #tpu.memory_space<vmem>>, vector<1x16xi32>,
          %get3A_448 = vector.shape_cast %get3A_447 : vector<1x16xi32> to vector<16xi32>
          %and3A = arith.andi %get3A_448, %broadcast_in_dim3A_3 : vector<16xi32>
          %mul3A_449 = arith.constant 16 : i32
          %mul3A_450 = arith.muli %scan3A_442, %mul3A_449 : i32
          %swap3A = arith.constant 0 : i32
          %swap3A_451 = arith.index_cast %swap3A : i32 to index
          %swap3A_452 = arith.index_cast %mul3A_450 : i32 to index
          %swap3A_453 = tpu.vector_load %arg7[%swap3A_451, %swap3A_452] {strides = array<i32>} : memref<8x80xi32, #tpu.memory_space<vmem>>, vector<1x16xi32>,
          %swap3A_454 = vector.shape_cast %swap3A_453 : vector<1x16xi32> to vector<16xi32>
          %swap3A_455 = vector.shape_cast %and3A : vector<16xi32> to vector<1x16xi32>
          tpu.vector_store %arg7[%swap3A_451, %swap3A_452], %swap3A_455 {strides = array<i32>} : memref<8x80xi32, #tpu.memory_space<vmem>>, vector<1x16xi32>,
          %scan3A_456 = arith.constant 0 : i32
          scf.yield %scan3A_456 : i32
        }
        %scan3A_429 = arith.constant 5 : i32
        %dma_start3A_430 = arith.constant 0 : i32
        %dma_start3A_431 = arith.constant 0 : i32
        %dma_start3A_432 = arith.constant 0 : i32
        %dma_start3A_433 = arith.constant 0 : i32
        %dma_start3A_434 = tpu.memref_slice %arg9[%dma_start3A_431, %dma_start3A_432, %dma_start3A_433] : memref<3x80x128xf32, #tpu.memory_space<vmem>> -> memref<1x80x128xf32, #tpu.memory_space<vmem>>
        %dma_start3A_435 = tpu.memref_squeeze %dma_start3A_434 : memref<1x80x128xf32, #tpu.memory_space<vmem>> -> memref<80x128xf32, #tpu.memory_space<vmem>>
        %dma_start3A_436 = arith.constant 0 : i32
        %dma_start3A_437 = tpu.memref_slice %arg7[%dma_start3A_430, %dma_start3A_436] : memref<8x80xi32, #tpu.memory_space<vmem>> -> memref<1x80xi32, #tpu.memory_space<vmem>>
        %dma_start3A_438 = tpu.memref_squeeze %dma_start3A_437 : memref<1x80xi32, #tpu.memory_space<vmem>> -> memref<80xi32, #tpu.memory_space<vmem>>
        %dma_start3A_439 = arith.constant 0 : i32
        %dma_start3A_440 = arith.constant 0 : i32
        %dma_start3A_441 = tpu.memref_slice %arg2[%dma_start3A_439, %dma_start3A_440] : memref<10000x128xf32, #tpu.memory_space<hbm>> -> memref<10000x128xf32, #tpu.memory_space<hbm>>
        tpu.enqueue_indirect_dma source(%dma_start3A_441 : memref<10000x128xf32, #tpu.memory_space<hbm>>) target(%dma_start3A_435 : memref<80x128xf32, #tpu.memory_space<vmem>>) offsets(%dma_start3A_438 : memref<80xi32, #tpu.memory_space<vmem>>) semaphore(%arg10 : memref<!tpu.dma_semaphore, #tpu.memory_space<semaphore_mem>>)
      } else {
      }
      %mul3A_374 = arith.constant 6 : i32
      %mul3A_375 = arith.muli %scan3A_165, %mul3A_374 : i32
      %add3A_376 = arith.constant 5 : i32
      %add3A_377 = arith.addi %mul3A_375, %add3A_376 : i32
      %dma_wait3A_378 = arith.constant 1 : i32
      %dma_wait3A_379 = arith.constant 2 : i32
      %dma_wait3A_380 = arith.constant 0 : i32
      %dma_wait3A_381 = arith.constant 0 : i32
      %dma_wait3A_382 = tpu.memref_slice %arg9[%dma_wait3A_379, %dma_wait3A_380, %dma_wait3A_381] : memref<3x80x128xf32, #tpu.memory_space<vmem>> -> memref<1x80x128xf32, #tpu.memory_space<vmem>>
      %dma_wait3A_383 = tpu.memref_squeeze %dma_wait3A_382 : memref<1x80x128xf32, #tpu.memory_space<vmem>> -> memref<80x128xf32, #tpu.memory_space<vmem>>
      %dma_wait3A_384 = arith.constant 0 : i32
      %dma_wait3A_385 = tpu.memref_slice %arg7[%dma_wait3A_378, %dma_wait3A_384] : memref<8x80xi32, #tpu.memory_space<vmem>> -> memref<1x80xi32, #tpu.memory_space<vmem>>
      %dma_wait3A_386 = tpu.memref_squeeze %dma_wait3A_385 : memref<1x80xi32, #tpu.memory_space<vmem>> -> memref<80xi32, #tpu.memory_space<vmem>>
      %dma_wait3A_387 = arith.constant 0 : i32
      %dma_wait3A_388 = arith.constant 0 : i32
      %dma_wait3A_389 = tpu.memref_slice %arg2[%dma_wait3A_387, %dma_wait3A_388] : memref<10000x128xf32, #tpu.memory_space<hbm>> -> memref<10000x128xf32, #tpu.memory_space<hbm>>
      tpu.wait_indirect_dma semaphore(%arg12 : memref<!tpu.dma_semaphore, #tpu.memory_space<semaphore_mem>>) src(%dma_wait3A_389 : memref<10000x128xf32, #tpu.memory_space<hbm>>) dst(%dma_wait3A_383 : memref<80x128xf32, #tpu.memory_space<vmem>>)
      %scan3A_390 = arith.constant 0 : i32
      %scan3A_391 = arith.constant 0 : i32
      %scan3A_392 = arith.constant 5 : i32
      %scan3A_393 = arith.addi %scan3A_391, %scan3A_392 : i32
      %scan3A_394 = arith.constant 1 : i32
      %scan3A_395 = scf.for %scan3A_417 = %scan3A_391 to %scan3A_393 step %scan3A_394 iter_args(%scan3A_418 = %scan3A_390) -> (i32)  : i32 {
        %mul3A_419 = arith.constant 16 : i32
        %mul3A_420 = arith.muli %scan3A_417, %mul3A_419 : i32
        %get3A = arith.index_cast %add3A_377 : i32 to index
        %get3A_421 = arith.index_cast %mul3A_420 : i32 to index
        %get3A_422 = tpu.vector_load %arg6[%get3A, %get3A_421] {strides = array<i32>} : memref<128x80xi32, #tpu.memory_space<vmem>>, vector<1x16xi32>,
        %get3A_423 = vector.shape_cast %get3A_422 : vector<1x16xi32> to vector<16xi32>
        %shift_right_logical3A = arith.constant 16 : i32
        %shift_right_logical3A_424 = vector.broadcast %shift_right_logical3A : i32 to vector<16xi32>
        %shift_right_logical3A_425 = arith.shrui %get3A_423, %shift_right_logical3A_424 : vector<16xi32>
        %mul3A_426 = arith.constant 16 : i32
        %mul3A_427 = arith.muli %scan3A_417, %mul3A_426 : i32
        %swap3A = arith.constant 3 : i32
        %swap3A_428 = arith.index_cast %swap3A : i32 to index
        %swap3A_429 = arith.index_cast %mul3A_427 : i32 to index
        %swap3A_430 = tpu.vector_load %arg7[%swap3A_428, %swap3A_429] {strides = array<i32>} : memref<8x80xi32, #tpu.memory_space<vmem>>, vector<1x16xi32>,
        %swap3A_431 = vector.shape_cast %swap3A_430 : vector<1x16xi32> to vector<16xi32>
        %swap3A_432 = vector.shape_cast %shift_right_logical3A_425 : vector<16xi32> to vector<1x16xi32>
        tpu.vector_store %arg7[%swap3A_428, %swap3A_429], %swap3A_432 {strides = array<i32>} : memref<8x80xi32, #tpu.memory_space<vmem>>, vector<1x16xi32>,
        %scan3A_433 = arith.constant 0 : i32
        scf.yield %scan3A_433 : i32
      }
      %scan3A_396 = arith.constant 5 : i32
      %dma_start3A_397 = arith.constant 2 : i32
      %dma_start3A_398 = arith.constant 3 : i32
      %dma_start3A_399 = arith.constant 0 : i32
      %dma_start3A_400 = arith.constant 0 : i32
      %dma_start3A_401 = tpu.memref_slice %arg9[%dma_start3A_397, %dma_start3A_399, %dma_start3A_400] : memref<3x80x128xf32, #tpu.memory_space<vmem>> -> memref<1x80x128xf32, #tpu.memory_space<vmem>>
      %dma_start3A_402 = tpu.memref_squeeze %dma_start3A_401 : memref<1x80x128xf32, #tpu.memory_space<vmem>> -> memref<80x128xf32, #tpu.memory_space<vmem>>
      %dma_start3A_403 = arith.constant 0 : i32
      %dma_start3A_404 = tpu.memref_slice %arg7[%dma_start3A_398, %dma_start3A_403] : memref<8x80xi32, #tpu.memory_space<vmem>> -> memref<1x80xi32, #tpu.memory_space<vmem>>
      %dma_start3A_405 = tpu.memref_squeeze %dma_start3A_404 : memref<1x80xi32, #tpu.memory_space<vmem>> -> memref<80xi32, #tpu.memory_space<vmem>>
      %dma_start3A_406 = arith.constant 0 : i32
      %dma_start3A_407 = arith.constant 0 : i32
      %dma_start3A_408 = tpu.memref_slice %arg5[%dma_start3A_406, %dma_start3A_407] : memref<10112x128xf32, #tpu.memory_space<vmem_shared>> -> memref<10112x128xf32, #tpu.memory_space<vmem_shared>>
      tpu.enqueue_indirect_dma source(%dma_start3A_402 : memref<80x128xf32, #tpu.memory_space<vmem>>) target(%dma_start3A_408 : memref<10112x128xf32, #tpu.memory_space<vmem_shared>>) offsets(%dma_start3A_405 : memref<80xi32, #tpu.memory_space<vmem>>) semaphore(%arg14 : memref<!tpu.dma_semaphore, #tpu.memory_space<semaphore_mem>>) {add = true}
      %add3A_409 = arith.constant 2 : i32
      %add3A_410 = arith.addi %add3A_377, %add3A_409 : i32
      %lt3A_411 = arith.constant 128 : i32
      %lt3A_412 = arith.cmpi slt, %add3A_410, %lt3A_411 : i32
      %convert_element_type3A_413 = arith.extui %lt3A_412 : i1 to i32
      %cond3A_414 = arith.constant 0 : i32
      %cond3A_415 = arith.cmpi ne, %convert_element_type3A_413, %cond3A_414 : i32
      scf.if %cond3A_415 {
        %ge3A = arith.constant 1 : i32
        %ge3A_417 = arith.cmpi sge, %add3A_377, %ge3A : i32
        %convert_element_type3A_418 = arith.extui %ge3A_417 : i1 to i32
        %cond3A_419 = arith.constant 0 : i32
        %cond3A_420 = arith.cmpi ne, %convert_element_type3A_418, %cond3A_419 : i32
        scf.if %cond3A_420 {
          %dma_wait3A_442 = arith.constant 0 : i32
          %dma_wait3A_443 = arith.constant 2 : i32
          %dma_wait3A_444 = arith.constant 0 : i32
          %dma_wait3A_445 = arith.constant 0 : i32
          %dma_wait3A_446 = tpu.memref_slice %arg9[%dma_wait3A_442, %dma_wait3A_444, %dma_wait3A_445] : memref<3x80x128xf32, #tpu.memory_space<vmem>> -> memref<1x80x128xf32, #tpu.memory_space<vmem>>
          %dma_wait3A_447 = tpu.memref_squeeze %dma_wait3A_446 : memref<1x80x128xf32, #tpu.memory_space<vmem>> -> memref<80x128xf32, #tpu.memory_space<vmem>>
          %dma_wait3A_448 = arith.constant 0 : i32
          %dma_wait3A_449 = tpu.memref_slice %arg7[%dma_wait3A_443, %dma_wait3A_448] : memref<8x80xi32, #tpu.memory_space<vmem>> -> memref<1x80xi32, #tpu.memory_space<vmem>>
          %dma_wait3A_450 = tpu.memref_squeeze %dma_wait3A_449 : memref<1x80xi32, #tpu.memory_space<vmem>> -> memref<80xi32, #tpu.memory_space<vmem>>
          %dma_wait3A_451 = arith.constant 0 : i32
          %dma_wait3A_452 = arith.constant 0 : i32
          %dma_wait3A_453 = tpu.memref_slice %arg5[%dma_wait3A_451, %dma_wait3A_452] : memref<10112x128xf32, #tpu.memory_space<vmem_shared>> -> memref<10112x128xf32, #tpu.memory_space<vmem_shared>>
          tpu.wait_indirect_dma semaphore(%arg13 : memref<!tpu.dma_semaphore, #tpu.memory_space<semaphore_mem>>) src(%dma_wait3A_447 : memref<80x128xf32, #tpu.memory_space<vmem>>) dst(%dma_wait3A_453 : memref<10112x128xf32, #tpu.memory_space<vmem_shared>>)
        } else {
        }
        %add3A_421 = arith.constant 2 : i32
        %add3A_422 = arith.addi %add3A_377, %add3A_421 : i32
        %scan3A_423 = arith.constant 0 : i32
        %scan3A_424 = arith.constant 0 : i32
        %scan3A_425 = arith.constant 5 : i32
        %scan3A_426 = arith.addi %scan3A_424, %scan3A_425 : i32
        %scan3A_427 = arith.constant 1 : i32
        %scan3A_428 = scf.for %scan3A_442 = %scan3A_424 to %scan3A_426 step %scan3A_427 iter_args(%scan3A_443 = %scan3A_423) -> (i32)  : i32 {
          %mul3A_444 = arith.constant 16 : i32
          %mul3A_445 = arith.muli %scan3A_442, %mul3A_444 : i32
          %get3A = arith.index_cast %add3A_422 : i32 to index
          %get3A_446 = arith.index_cast %mul3A_445 : i32 to index
          %get3A_447 = tpu.vector_load %arg6[%get3A, %get3A_446] {strides = array<i32>} : memref<128x80xi32, #tpu.memory_space<vmem>>, vector<1x16xi32>,
          %get3A_448 = vector.shape_cast %get3A_447 : vector<1x16xi32> to vector<16xi32>
          %and3A = arith.andi %get3A_448, %broadcast_in_dim3A_3 : vector<16xi32>
          %mul3A_449 = arith.constant 16 : i32
          %mul3A_450 = arith.muli %scan3A_442, %mul3A_449 : i32
          %swap3A = arith.constant 1 : i32
          %swap3A_451 = arith.index_cast %swap3A : i32 to index
          %swap3A_452 = arith.index_cast %mul3A_450 : i32 to index
          %swap3A_453 = tpu.vector_load %arg7[%swap3A_451, %swap3A_452] {strides = array<i32>} : memref<8x80xi32, #tpu.memory_space<vmem>>, vector<1x16xi32>,
          %swap3A_454 = vector.shape_cast %swap3A_453 : vector<1x16xi32> to vector<16xi32>
          %swap3A_455 = vector.shape_cast %and3A : vector<16xi32> to vector<1x16xi32>
          tpu.vector_store %arg7[%swap3A_451, %swap3A_452], %swap3A_455 {strides = array<i32>} : memref<8x80xi32, #tpu.memory_space<vmem>>, vector<1x16xi32>,
          %scan3A_456 = arith.constant 0 : i32
          scf.yield %scan3A_456 : i32
        }
        %scan3A_429 = arith.constant 5 : i32
        %dma_start3A_430 = arith.constant 1 : i32
        %dma_start3A_431 = arith.constant 1 : i32
        %dma_start3A_432 = arith.constant 0 : i32
        %dma_start3A_433 = arith.constant 0 : i32
        %dma_start3A_434 = tpu.memref_slice %arg9[%dma_start3A_431, %dma_start3A_432, %dma_start3A_433] : memref<3x80x128xf32, #tpu.memory_space<vmem>> -> memref<1x80x128xf32, #tpu.memory_space<vmem>>
        %dma_start3A_435 = tpu.memref_squeeze %dma_start3A_434 : memref<1x80x128xf32, #tpu.memory_space<vmem>> -> memref<80x128xf32, #tpu.memory_space<vmem>>
        %dma_start3A_436 = arith.constant 0 : i32
        %dma_start3A_437 = tpu.memref_slice %arg7[%dma_start3A_430, %dma_start3A_436] : memref<8x80xi32, #tpu.memory_space<vmem>> -> memref<1x80xi32, #tpu.memory_space<vmem>>
        %dma_start3A_438 = tpu.memref_squeeze %dma_start3A_437 : memref<1x80xi32, #tpu.memory_space<vmem>> -> memref<80xi32, #tpu.memory_space<vmem>>
        %dma_start3A_439 = arith.constant 0 : i32
        %dma_start3A_440 = arith.constant 0 : i32
        %dma_start3A_441 = tpu.memref_slice %arg2[%dma_start3A_439, %dma_start3A_440] : memref<10000x128xf32, #tpu.memory_space<hbm>> -> memref<10000x128xf32, #tpu.memory_space<hbm>>
        tpu.enqueue_indirect_dma source(%dma_start3A_441 : memref<10000x128xf32, #tpu.memory_space<hbm>>) target(%dma_start3A_435 : memref<80x128xf32, #tpu.memory_space<vmem>>) offsets(%dma_start3A_438 : memref<80xi32, #tpu.memory_space<vmem>>) semaphore(%arg11 : memref<!tpu.dma_semaphore, #tpu.memory_space<semaphore_mem>>)
      } else {
      }
      %scan3A_416 = arith.constant 0 : i32
      scf.yield %scan3A_416 : i32
    }
    %scan3A_62 = arith.constant 21 : i32
    %dma_wait3A = arith.constant 0 : i32
    %dma_wait3A_63 = arith.constant 0 : i32
    %dma_wait3A_64 = arith.constant 0 : i32
    %dma_wait3A_65 = arith.constant 0 : i32
    %dma_wait3A_66 = tpu.memref_slice %arg9[%dma_wait3A_63, %dma_wait3A_64, %dma_wait3A_65] : memref<3x80x128xf32, #tpu.memory_space<vmem>> -> memref<1x80x128xf32, #tpu.memory_space<vmem>>
    %dma_wait3A_67 = tpu.memref_squeeze %dma_wait3A_66 : memref<1x80x128xf32, #tpu.memory_space<vmem>> -> memref<80x128xf32, #tpu.memory_space<vmem>>
    %dma_wait3A_68 = arith.constant 0 : i32
    %dma_wait3A_69 = tpu.memref_slice %arg7[%dma_wait3A, %dma_wait3A_68] : memref<8x80xi32, #tpu.memory_space<vmem>> -> memref<1x80xi32, #tpu.memory_space<vmem>>
    %dma_wait3A_70 = tpu.memref_squeeze %dma_wait3A_69 : memref<1x80xi32, #tpu.memory_space<vmem>> -> memref<80xi32, #tpu.memory_space<vmem>>
    %dma_wait3A_71 = arith.constant 0 : i32
    %dma_wait3A_72 = arith.constant 0 : i32
    %dma_wait3A_73 = tpu.memref_slice %arg2[%dma_wait3A_71, %dma_wait3A_72] : memref<10000x128xf32, #tpu.memory_space<hbm>> -> memref<10000x128xf32, #tpu.memory_space<hbm>>
    tpu.wait_indirect_dma semaphore(%arg10 : memref<!tpu.dma_semaphore, #tpu.memory_space<semaphore_mem>>) src(%dma_wait3A_73 : memref<10000x128xf32, #tpu.memory_space<hbm>>) dst(%dma_wait3A_67 : memref<80x128xf32, #tpu.memory_space<vmem>>)
    %scan3A_74 = arith.constant 0 : i32
    %scan3A_75 = arith.constant 0 : i32
    %scan3A_76 = arith.constant 5 : i32
    %scan3A_77 = arith.addi %scan3A_75, %scan3A_76 : i32
    %scan3A_78 = arith.constant 1 : i32
    %scan3A_79 = scf.for %scan3A_165 = %scan3A_75 to %scan3A_77 step %scan3A_78 iter_args(%scan3A_166 = %scan3A_74) -> (i32)  : i32 {
      %mul3A_167 = arith.constant 16 : i32
      %mul3A_168 = arith.muli %scan3A_165, %mul3A_167 : i32
      %get3A = arith.constant 126 : i32
      %get3A_169 = arith.index_cast %get3A : i32 to index
      %get3A_170 = arith.index_cast %mul3A_168 : i32 to index
      %get3A_171 = tpu.vector_load %arg6[%get3A_169, %get3A_170] {strides = array<i32>} : memref<128x80xi32, #tpu.memory_space<vmem>>, vector<1x16xi32>,
      %get3A_172 = vector.shape_cast %get3A_171 : vector<1x16xi32> to vector<16xi32>
      %shift_right_logical3A = arith.constant 16 : i32
      %shift_right_logical3A_173 = vector.broadcast %shift_right_logical3A : i32 to vector<16xi32>
      %shift_right_logical3A_174 = arith.shrui %get3A_172, %shift_right_logical3A_173 : vector<16xi32>
      %mul3A_175 = arith.constant 16 : i32
      %mul3A_176 = arith.muli %scan3A_165, %mul3A_175 : i32
      %swap3A = arith.constant 2 : i32
      %swap3A_177 = arith.index_cast %swap3A : i32 to index
      %swap3A_178 = arith.index_cast %mul3A_176 : i32 to index
      %swap3A_179 = tpu.vector_load %arg7[%swap3A_177, %swap3A_178] {strides = array<i32>} : memref<8x80xi32, #tpu.memory_space<vmem>>, vector<1x16xi32>,
      %swap3A_180 = vector.shape_cast %swap3A_179 : vector<1x16xi32> to vector<16xi32>
      %swap3A_181 = vector.shape_cast %shift_right_logical3A_174 : vector<16xi32> to vector<1x16xi32>
      tpu.vector_store %arg7[%swap3A_177, %swap3A_178], %swap3A_181 {strides = array<i32>} : memref<8x80xi32, #tpu.memory_space<vmem>>, vector<1x16xi32>,
      %scan3A_182 = arith.constant 0 : i32
      scf.yield %scan3A_182 : i32
    }
    %scan3A_80 = arith.constant 5 : i32
    %dma_start3A_81 = arith.constant 0 : i32
    %dma_start3A_82 = arith.constant 2 : i32
    %dma_start3A_83 = arith.constant 0 : i32
    %dma_start3A_84 = arith.constant 0 : i32
    %dma_start3A_85 = tpu.memref_slice %arg9[%dma_start3A_81, %dma_start3A_83, %dma_start3A_84] : memref<3x80x128xf32, #tpu.memory_space<vmem>> -> memref<1x80x128xf32, #tpu.memory_space<vmem>>
    %dma_start3A_86 = tpu.memref_squeeze %dma_start3A_85 : memref<1x80x128xf32, #tpu.memory_space<vmem>> -> memref<80x128xf32, #tpu.memory_space<vmem>>
    %dma_start3A_87 = arith.constant 0 : i32
    %dma_start3A_88 = tpu.memref_slice %arg7[%dma_start3A_82, %dma_start3A_87] : memref<8x80xi32, #tpu.memory_space<vmem>> -> memref<1x80xi32, #tpu.memory_space<vmem>>
    %dma_start3A_89 = tpu.memref_squeeze %dma_start3A_88 : memref<1x80xi32, #tpu.memory_space<vmem>> -> memref<80xi32, #tpu.memory_space<vmem>>
    %dma_start3A_90 = arith.constant 0 : i32
    %dma_start3A_91 = arith.constant 0 : i32
    %dma_start3A_92 = tpu.memref_slice %arg5[%dma_start3A_90, %dma_start3A_91] : memref<10112x128xf32, #tpu.memory_space<vmem_shared>> -> memref<10112x128xf32, #tpu.memory_space<vmem_shared>>
    tpu.enqueue_indirect_dma source(%dma_start3A_86 : memref<80x128xf32, #tpu.memory_space<vmem>>) target(%dma_start3A_92 : memref<10112x128xf32, #tpu.memory_space<vmem_shared>>) offsets(%dma_start3A_89 : memref<80xi32, #tpu.memory_space<vmem>>) semaphore(%arg13 : memref<!tpu.dma_semaphore, #tpu.memory_space<semaphore_mem>>) {add = true}
    %dma_wait3A_93 = arith.constant 1 : i32
    %dma_wait3A_94 = arith.constant 1 : i32
    %dma_wait3A_95 = arith.constant 0 : i32
    %dma_wait3A_96 = arith.constant 0 : i32
    %dma_wait3A_97 = tpu.memref_slice %arg9[%dma_wait3A_94, %dma_wait3A_95, %dma_wait3A_96] : memref<3x80x128xf32, #tpu.memory_space<vmem>> -> memref<1x80x128xf32, #tpu.memory_space<vmem>>
    %dma_wait3A_98 = tpu.memref_squeeze %dma_wait3A_97 : memref<1x80x128xf32, #tpu.memory_space<vmem>> -> memref<80x128xf32, #tpu.memory_space<vmem>>
    %dma_wait3A_99 = arith.constant 0 : i32
    %dma_wait3A_100 = tpu.memref_slice %arg7[%dma_wait3A_93, %dma_wait3A_99] : memref<8x80xi32, #tpu.memory_space<vmem>> -> memref<1x80xi32, #tpu.memory_space<vmem>>
    %dma_wait3A_101 = tpu.memref_squeeze %dma_wait3A_100 : memref<1x80xi32, #tpu.memory_space<vmem>> -> memref<80xi32, #tpu.memory_space<vmem>>
    %dma_wait3A_102 = arith.constant 0 : i32
    %dma_wait3A_103 = arith.constant 0 : i32
    %dma_wait3A_104 = tpu.memref_slice %arg2[%dma_wait3A_102, %dma_wait3A_103] : memref<10000x128xf32, #tpu.memory_space<hbm>> -> memref<10000x128xf32, #tpu.memory_space<hbm>>
    tpu.wait_indirect_dma semaphore(%arg11 : memref<!tpu.dma_semaphore, #tpu.memory_space<semaphore_mem>>) src(%dma_wait3A_104 : memref<10000x128xf32, #tpu.memory_space<hbm>>) dst(%dma_wait3A_98 : memref<80x128xf32, #tpu.memory_space<vmem>>)
    %scan3A_105 = arith.constant 0 : i32
    %scan3A_106 = arith.constant 0 : i32
    %scan3A_107 = arith.constant 5 : i32
    %scan3A_108 = arith.addi %scan3A_106, %scan3A_107 : i32
    %scan3A_109 = arith.constant 1 : i32
    %scan3A_110 = scf.for %scan3A_165 = %scan3A_106 to %scan3A_108 step %scan3A_109 iter_args(%scan3A_166 = %scan3A_105) -> (i32)  : i32 {
      %mul3A_167 = arith.constant 16 : i32
      %mul3A_168 = arith.muli %scan3A_165, %mul3A_167 : i32
      %get3A = arith.constant 127 : i32
      %get3A_169 = arith.index_cast %get3A : i32 to index
      %get3A_170 = arith.index_cast %mul3A_168 : i32 to index
      %get3A_171 = tpu.vector_load %arg6[%get3A_169, %get3A_170] {strides = array<i32>} : memref<128x80xi32, #tpu.memory_space<vmem>>, vector<1x16xi32>,
      %get3A_172 = vector.shape_cast %get3A_171 : vector<1x16xi32> to vector<16xi32>
      %shift_right_logical3A = arith.constant 16 : i32
      %shift_right_logical3A_173 = vector.broadcast %shift_right_logical3A : i32 to vector<16xi32>
      %shift_right_logical3A_174 = arith.shrui %get3A_172, %shift_right_logical3A_173 : vector<16xi32>
      %mul3A_175 = arith.constant 16 : i32
      %mul3A_176 = arith.muli %scan3A_165, %mul3A_175 : i32
      %swap3A = arith.constant 3 : i32
      %swap3A_177 = arith.index_cast %swap3A : i32 to index
      %swap3A_178 = arith.index_cast %mul3A_176 : i32 to index
      %swap3A_179 = tpu.vector_load %arg7[%swap3A_177, %swap3A_178] {strides = array<i32>} : memref<8x80xi32, #tpu.memory_space<vmem>>, vector<1x16xi32>,
      %swap3A_180 = vector.shape_cast %swap3A_179 : vector<1x16xi32> to vector<16xi32>
      %swap3A_181 = vector.shape_cast %shift_right_logical3A_174 : vector<16xi32> to vector<1x16xi32>
      tpu.vector_store %arg7[%swap3A_177, %swap3A_178], %swap3A_181 {strides = array<i32>} : memref<8x80xi32, #tpu.memory_space<vmem>>, vector<1x16xi32>,
      %scan3A_182 = arith.constant 0 : i32
      scf.yield %scan3A_182 : i32
    }
    %scan3A_111 = arith.constant 5 : i32
    %dma_start3A_112 = arith.constant 1 : i32
    %dma_start3A_113 = arith.constant 3 : i32
    %dma_start3A_114 = arith.constant 0 : i32
    %dma_start3A_115 = arith.constant 0 : i32
    %dma_start3A_116 = tpu.memref_slice %arg9[%dma_start3A_112, %dma_start3A_114, %dma_start3A_115] : memref<3x80x128xf32, #tpu.memory_space<vmem>> -> memref<1x80x128xf32, #tpu.memory_space<vmem>>
    %dma_start3A_117 = tpu.memref_squeeze %dma_start3A_116 : memref<1x80x128xf32, #tpu.memory_space<vmem>> -> memref<80x128xf32, #tpu.memory_space<vmem>>
    %dma_start3A_118 = arith.constant 0 : i32
    %dma_start3A_119 = tpu.memref_slice %arg7[%dma_start3A_113, %dma_start3A_118] : memref<8x80xi32, #tpu.memory_space<vmem>> -> memref<1x80xi32, #tpu.memory_space<vmem>>
    %dma_start3A_120 = tpu.memref_squeeze %dma_start3A_119 : memref<1x80xi32, #tpu.memory_space<vmem>> -> memref<80xi32, #tpu.memory_space<vmem>>
    %dma_start3A_121 = arith.constant 0 : i32
    %dma_start3A_122 = arith.constant 0 : i32
    %dma_start3A_123 = tpu.memref_slice %arg5[%dma_start3A_121, %dma_start3A_122] : memref<10112x128xf32, #tpu.memory_space<vmem_shared>> -> memref<10112x128xf32, #tpu.memory_space<vmem_shared>>
    tpu.enqueue_indirect_dma source(%dma_start3A_117 : memref<80x128xf32, #tpu.memory_space<vmem>>) target(%dma_start3A_123 : memref<10112x128xf32, #tpu.memory_space<vmem_shared>>) offsets(%dma_start3A_120 : memref<80xi32, #tpu.memory_space<vmem>>) semaphore(%arg14 : memref<!tpu.dma_semaphore, #tpu.memory_space<semaphore_mem>>) {add = true}
    %dma_wait3A_124 = arith.constant 0 : i32
    %dma_wait3A_125 = arith.constant 3 : i32
    %dma_wait3A_126 = arith.constant 0 : i32
    %dma_wait3A_127 = arith.constant 0 : i32
    %dma_wait3A_128 = tpu.memref_slice %arg9[%dma_wait3A_124, %dma_wait3A_126, %dma_wait3A_127] : memref<3x80x128xf32, #tpu.memory_space<vmem>> -> memref<1x80x128xf32, #tpu.memory_space<vmem>>
    %dma_wait3A_129 = tpu.memref_squeeze %dma_wait3A_128 : memref<1x80x128xf32, #tpu.memory_space<vmem>> -> memref<80x128xf32, #tpu.memory_space<vmem>>
    %dma_wait3A_130 = arith.constant 0 : i32
    %dma_wait3A_131 = tpu.memref_slice %arg7[%dma_wait3A_125, %dma_wait3A_130] : memref<8x80xi32, #tpu.memory_space<vmem>> -> memref<1x80xi32, #tpu.memory_space<vmem>>
    %dma_wait3A_132 = tpu.memref_squeeze %dma_wait3A_131 : memref<1x80xi32, #tpu.memory_space<vmem>> -> memref<80xi32, #tpu.memory_space<vmem>>
    %dma_wait3A_133 = arith.constant 0 : i32
    %dma_wait3A_134 = arith.constant 0 : i32
    %dma_wait3A_135 = tpu.memref_slice %arg5[%dma_wait3A_133, %dma_wait3A_134] : memref<10112x128xf32, #tpu.memory_space<vmem_shared>> -> memref<10112x128xf32, #tpu.memory_space<vmem_shared>>
    tpu.wait_indirect_dma semaphore(%arg14 : memref<!tpu.dma_semaphore, #tpu.memory_space<semaphore_mem>>) src(%dma_wait3A_129 : memref<80x128xf32, #tpu.memory_space<vmem>>) dst(%dma_wait3A_135 : memref<10112x128xf32, #tpu.memory_space<vmem_shared>>)
    %dma_wait3A_136 = arith.constant 0 : i32
    %dma_wait3A_137 = arith.constant 2 : i32
    %dma_wait3A_138 = arith.constant 0 : i32
    %dma_wait3A_139 = arith.constant 0 : i32
    %dma_wait3A_140 = tpu.memref_slice %arg9[%dma_wait3A_136, %dma_wait3A_138, %dma_wait3A_139] : memref<3x80x128xf32, #tpu.memory_space<vmem>> -> memref<1x80x128xf32, #tpu.memory_space<vmem>>
    %dma_wait3A_141 = tpu.memref_squeeze %dma_wait3A_140 : memref<1x80x128xf32, #tpu.memory_space<vmem>> -> memref<80x128xf32, #tpu.memory_space<vmem>>
    %dma_wait3A_142 = arith.constant 0 : i32
    %dma_wait3A_143 = tpu.memref_slice %arg7[%dma_wait3A_137, %dma_wait3A_142] : memref<8x80xi32, #tpu.memory_space<vmem>> -> memref<1x80xi32, #tpu.memory_space<vmem>>
    %dma_wait3A_144 = tpu.memref_squeeze %dma_wait3A_143 : memref<1x80xi32, #tpu.memory_space<vmem>> -> memref<80xi32, #tpu.memory_space<vmem>>
    %dma_wait3A_145 = arith.constant 0 : i32
    %dma_wait3A_146 = arith.constant 0 : i32
    %dma_wait3A_147 = tpu.memref_slice %arg5[%dma_wait3A_145, %dma_wait3A_146] : memref<10112x128xf32, #tpu.memory_space<vmem_shared>> -> memref<10112x128xf32, #tpu.memory_space<vmem_shared>>
    tpu.wait_indirect_dma semaphore(%arg13 : memref<!tpu.dma_semaphore, #tpu.memory_space<semaphore_mem>>) src(%dma_wait3A_141 : memref<80x128xf32, #tpu.memory_space<vmem>>) dst(%dma_wait3A_147 : memref<10112x128xf32, #tpu.memory_space<vmem_shared>>)
    %dma_wait3A_148 = arith.constant 0 : i32
    %dma_wait3A_149 = arith.constant 3 : i32
    %dma_wait3A_150 = arith.constant 0 : i32
    %dma_wait3A_151 = arith.constant 0 : i32
    %dma_wait3A_152 = tpu.memref_slice %arg9[%dma_wait3A_148, %dma_wait3A_150, %dma_wait3A_151] : memref<3x80x128xf32, #tpu.memory_space<vmem>> -> memref<1x80x128xf32, #tpu.memory_space<vmem>>
    %dma_wait3A_153 = tpu.memref_squeeze %dma_wait3A_152 : memref<1x80x128xf32, #tpu.memory_space<vmem>> -> memref<80x128xf32, #tpu.memory_space<vmem>>
    %dma_wait3A_154 = arith.constant 0 : i32
    %dma_wait3A_155 = tpu.memref_slice %arg7[%dma_wait3A_149, %dma_wait3A_154] : memref<8x80xi32, #tpu.memory_space<vmem>> -> memref<1x80xi32, #tpu.memory_space<vmem>>
    %dma_wait3A_156 = tpu.memref_squeeze %dma_wait3A_155 : memref<1x80xi32, #tpu.memory_space<vmem>> -> memref<80xi32, #tpu.memory_space<vmem>>
    %dma_wait3A_157 = arith.constant 0 : i32
    %dma_wait3A_158 = arith.constant 0 : i32
    %dma_wait3A_159 = tpu.memref_slice %arg5[%dma_wait3A_157, %dma_wait3A_158] : memref<10112x128xf32, #tpu.memory_space<vmem_shared>> -> memref<10112x128xf32, #tpu.memory_space<vmem_shared>>
    tpu.wait_indirect_dma semaphore(%arg14 : memref<!tpu.dma_semaphore, #tpu.memory_space<semaphore_mem>>) src(%dma_wait3A_153 : memref<80x128xf32, #tpu.memory_space<vmem>>) dst(%dma_wait3A_159 : memref<10112x128xf32, #tpu.memory_space<vmem_shared>>)
    %barrier3A_160 = arith.constant 0 : index
    tpu.barrier barrier_id(%barrier3A_160)
    %mul3A_161 = arith.constant 632 : i32
    %mul3A_162 = arith.muli %arg1, %mul3A_161 : i32
    %mul3A_163 = arith.constant 632 : i32
    %mul3A_164 = arith.muli %arg1, %mul3A_163 : i32
    "tpu.region"() ({
      %run_scoped3A = tpu.sem_alloc : memref<!tpu.dma_semaphore, #tpu.memory_space<semaphore_mem>>
      %dma_start3A_165 = arith.constant 0 : i32
      %dma_start3A_166 = tpu.memref_slice %arg4[%arg0, %mul3A_164, %dma_start3A_165] : memref<2x10112x128xf32, #tpu.memory_space<hbm>> -> memref<1x632x128xf32, #tpu.memory_space<hbm>>
      %dma_start3A_167 = tpu.memref_squeeze %dma_start3A_166 : memref<1x632x128xf32, #tpu.memory_space<hbm>> -> memref<632x128xf32, #tpu.memory_space<hbm>>
      %dma_start3A_168 = arith.constant 0 : i32
      %dma_start3A_169 = tpu.memref_slice %arg5[%mul3A_162, %dma_start3A_168] : memref<10112x128xf32, #tpu.memory_space<vmem_shared>> -> memref<632x128xf32, #tpu.memory_space<vmem_shared>>
      tpu.enqueue_dma source(%dma_start3A_169 : memref<632x128xf32, #tpu.memory_space<vmem_shared>>) target(%dma_start3A_167 : memref<632x128xf32, #tpu.memory_space<hbm>>) target_semaphore(%run_scoped3A : memref<!tpu.dma_semaphore, #tpu.memory_space<semaphore_mem>>)
      %dma_wait3A_170 = arith.constant 0 : i32
      %dma_wait3A_171 = tpu.memref_slice %arg4[%arg0, %mul3A_164, %dma_wait3A_170] : memref<2x10112x128xf32, #tpu.memory_space<hbm>> -> memref<1x632x128xf32, #tpu.memory_space<hbm>>
      %dma_wait3A_172 = tpu.memref_squeeze %dma_wait3A_171 : memref<1x632x128xf32, #tpu.memory_space<hbm>> -> memref<632x128xf32, #tpu.memory_space<hbm>>
      %dma_wait3A_173 = arith.constant 0 : i32
      %dma_wait3A_174 = tpu.memref_slice %arg5[%mul3A_162, %dma_wait3A_173] : memref<10112x128xf32, #tpu.memory_space<vmem_shared>> -> memref<632x128xf32, #tpu.memory_space<vmem_shared>>
      tpu.wait_dma2 semaphore(%run_scoped3A : memref<!tpu.dma_semaphore, #tpu.memory_space<semaphore_mem>>) src(%dma_wait3A_174 : memref<632x128xf32, #tpu.memory_space<vmem_shared>>) dst(%dma_wait3A_172 : memref<632x128xf32, #tpu.memory_space<hbm>>)
      tpu.yield
    }) : () -> ()
    return
  }
}

module attributes {stable_mosaic.version = 14 : i64} {
  func.func @_k1a_body(%arg0: memref<10000x128xf32, #tpu.memory_space<vmem>>, %arg1: memref<10000x2xf32, #tpu.memory_space<vmem>>, %arg2: memref<128x128xf32, #tpu.memory_space<vmem>>, %arg3: memref<1x128xf32, #tpu.memory_space<vmem>>, %arg4: memref<128x256xf32, #tpu.memory_space<vmem>>, %arg5: memref<1x256xf32, #tpu.memory_space<vmem>>, %arg6: memref<256x128xf32, #tpu.memory_space<vmem>>, %arg7: memref<1x128xf32, #tpu.memory_space<vmem>>, %arg8: memref<2x256xf32, #tpu.memory_space<vmem>>, %arg9: memref<1x256xf32, #tpu.memory_space<vmem>>, %arg10: memref<256x1xf32, #tpu.memory_space<vmem>>, %arg11: memref<1x1xf32, #tpu.memory_space<vmem>>, %arg12: memref<10000x128xf32, #tpu.memory_space<vmem>>, %arg13: memref<10000x128xf32, #tpu.memory_space<vmem>>, %arg14: memref<10000x1xf32, #tpu.memory_space<vmem>>) attributes {dimension_semantics = [], scalar_prefetch = 0 : i64, scratch_operands = 0 : i64, tpu.core_type = #tpu.core_type<tc>} {
    %get3A = arith.constant 0 : index
    %get3A_0 = arith.constant 0 : index
    %get3A_1 = vector.load %arg0[%get3A, %get3A_0] : memref<10000x128xf32, #tpu.memory_space<vmem>>, vector<10000x128xf32>
    %get3A_2 = arith.constant 0 : index
    %get3A_3 = arith.constant 0 : index
    %get3A_4 = vector.load %arg2[%get3A_2, %get3A_3] : memref<128x128xf32, #tpu.memory_space<vmem>>, vector<128x128xf32>
    %dot_general3A = arith.constant dense<0.000000e+00> : vector<10000x128xf32>
    %dot_general3A_5 = tpu.matmul %get3A_1, %get3A_4, %dot_general3A {dimension_numbers = #tpu.dot_dimension_numbers<[1], [0], [0], [1], [0, 0, 1, 1], [], []>, transpose_lhs_hint = false} : vector<10000x128xf32>, vector<128x128xf32>, vector<10000x128xf32> -> vector<10000x128xf32>
    %get3A_6 = arith.constant 0 : index
    %get3A_7 = arith.constant 0 : index
    %get3A_8 = vector.load %arg3[%get3A_6, %get3A_7] : memref<1x128xf32, #tpu.memory_space<vmem>>, vector<1x128xf32>
    %add3A = vector.broadcast %get3A_8 : vector<1x128xf32> to vector<10000x128xf32>
    %add3A_9 = arith.addf %dot_general3A_5, %add3A : vector<10000x128xf32>
    %swap3A = arith.constant 0 : index
    %swap3A_10 = arith.constant 0 : index
    %swap3A_11 = vector.load %arg12[%swap3A, %swap3A_10] : memref<10000x128xf32, #tpu.memory_space<vmem>>, vector<10000x128xf32>
    tpu.vector_store %arg12[%swap3A, %swap3A_10], %add3A_9 {strides = array<i32>} : memref<10000x128xf32, #tpu.memory_space<vmem>>, vector<10000x128xf32>,
    %get3A_12 = arith.constant 0 : index
    %get3A_13 = arith.constant 0 : index
    %get3A_14 = vector.load %arg4[%get3A_12, %get3A_13] : memref<128x256xf32, #tpu.memory_space<vmem>>, vector<128x256xf32>
    %dot_general3A_15 = arith.constant dense<0.000000e+00> : vector<10000x256xf32>
    %dot_general3A_16 = tpu.matmul %get3A_1, %get3A_14, %dot_general3A_15 {dimension_numbers = #tpu.dot_dimension_numbers<[1], [0], [0], [1], [0, 0, 1, 1], [], []>, transpose_lhs_hint = false} : vector<10000x128xf32>, vector<128x256xf32>, vector<10000x256xf32> -> vector<10000x256xf32>
    %get3A_17 = arith.constant 0 : index
    %get3A_18 = arith.constant 0 : index
    %get3A_19 = vector.load %arg5[%get3A_17, %get3A_18] : memref<1x256xf32, #tpu.memory_space<vmem>>, vector<1x256xf32>
    %add3A_20 = vector.broadcast %get3A_19 : vector<1x256xf32> to vector<10000x256xf32>
    %add3A_21 = arith.addf %dot_general3A_16, %add3A_20 : vector<10000x256xf32>
    %gt3A = arith.constant 0.000000e+00 : f32
    %gt3A_22 = vector.broadcast %gt3A : f32 to vector<10000x256xf32>
    %gt3A_23 = arith.cmpf ogt, %add3A_21, %gt3A_22 : vector<10000x256xf32>
    %min3A = arith.constant 0.000000e+00 : f32
    %min3A_24 = vector.broadcast %min3A : f32 to vector<10000x256xf32>
    %min3A_25 = arith.minimumf %add3A_21, %min3A_24 : vector<10000x256xf32>
    %exp3A = math.exp %min3A_25 : vector<10000x256xf32>
    %sub3A = arith.constant 1.000000e+00 : f32
    %sub3A_26 = vector.broadcast %sub3A : f32 to vector<10000x256xf32>
    %sub3A_27 = arith.subf %exp3A, %sub3A_26 : vector<10000x256xf32>
    %select_n3A = arith.select %gt3A_23, %add3A_21, %sub3A_27 : vector<10000x256xi1>, vector<10000x256xf32>
    %get3A_28 = arith.constant 0 : index
    %get3A_29 = arith.constant 0 : index
    %get3A_30 = vector.load %arg6[%get3A_28, %get3A_29] : memref<256x128xf32, #tpu.memory_space<vmem>>, vector<256x128xf32>
    %dot_general3A_31 = arith.constant dense<0.000000e+00> : vector<10000x128xf32>
    %dot_general3A_32 = tpu.matmul %select_n3A, %get3A_30, %dot_general3A_31 {dimension_numbers = #tpu.dot_dimension_numbers<[1], [0], [0], [1], [0, 0, 1, 1], [], []>, transpose_lhs_hint = false} : vector<10000x256xf32>, vector<256x128xf32>, vector<10000x128xf32> -> vector<10000x128xf32>
    %get3A_33 = arith.constant 0 : index
    %get3A_34 = arith.constant 0 : index
    %get3A_35 = vector.load %arg7[%get3A_33, %get3A_34] : memref<1x128xf32, #tpu.memory_space<vmem>>, vector<1x128xf32>
    %add3A_36 = vector.broadcast %get3A_35 : vector<1x128xf32> to vector<10000x128xf32>
    %add3A_37 = arith.addf %dot_general3A_32, %add3A_36 : vector<10000x128xf32>
    %swap3A_38 = arith.constant 0 : index
    %swap3A_39 = arith.constant 0 : index
    %swap3A_40 = vector.load %arg13[%swap3A_38, %swap3A_39] : memref<10000x128xf32, #tpu.memory_space<vmem>>, vector<10000x128xf32>
    tpu.vector_store %arg13[%swap3A_38, %swap3A_39], %add3A_37 {strides = array<i32>} : memref<10000x128xf32, #tpu.memory_space<vmem>>, vector<10000x128xf32>,
    %get3A_41 = arith.constant 0 : index
    %get3A_42 = arith.constant 0 : index
    %get3A_43 = vector.load %arg1[%get3A_41, %get3A_42] : memref<10000x2xf32, #tpu.memory_space<vmem>>, vector<10000x2xf32>
    %get3A_44 = arith.constant 0 : index
    %get3A_45 = arith.constant 0 : index
    %get3A_46 = vector.load %arg8[%get3A_44, %get3A_45] : memref<2x256xf32, #tpu.memory_space<vmem>>, vector<2x256xf32>
    %dot_general3A_47 = arith.constant dense<0.000000e+00> : vector<10000x256xf32>
    %dot_general3A_48 = tpu.matmul %get3A_43, %get3A_46, %dot_general3A_47 {dimension_numbers = #tpu.dot_dimension_numbers<[1], [0], [0], [1], [0, 0, 1, 1], [], []>, transpose_lhs_hint = false} : vector<10000x2xf32>, vector<2x256xf32>, vector<10000x256xf32> -> vector<10000x256xf32>
    %get3A_49 = arith.constant 0 : index
    %get3A_50 = arith.constant 0 : index
    %get3A_51 = vector.load %arg9[%get3A_49, %get3A_50] : memref<1x256xf32, #tpu.memory_space<vmem>>, vector<1x256xf32>
    %add3A_52 = vector.broadcast %get3A_51 : vector<1x256xf32> to vector<10000x256xf32>
    %add3A_53 = arith.addf %dot_general3A_48, %add3A_52 : vector<10000x256xf32>
    %max3A = arith.constant 0.000000e+00 : f32
    %max3A_54 = vector.broadcast %max3A : f32 to vector<10000x256xf32>
    %max3A_55 = arith.maximumf %add3A_53, %max3A_54 : vector<10000x256xf32>
    %get3A_56 = arith.constant 0 : index
    %get3A_57 = arith.constant 0 : index
    %get3A_58 = vector.load %arg10[%get3A_56, %get3A_57] : memref<256x1xf32, #tpu.memory_space<vmem>>, vector<256x1xf32>
    %dot_general3A_59 = arith.constant dense<0.000000e+00> : vector<10000x1xf32>
    %dot_general3A_60 = tpu.matmul %max3A_55, %get3A_58, %dot_general3A_59 {dimension_numbers = #tpu.dot_dimension_numbers<[1], [0], [0], [1], [0, 0, 1, 1], [], []>, transpose_lhs_hint = false} : vector<10000x256xf32>, vector<256x1xf32>, vector<10000x1xf32> -> vector<10000x1xf32>
    %get3A_61 = arith.constant 0 : index
    %get3A_62 = arith.constant 0 : index
    %get3A_63 = vector.load %arg11[%get3A_61, %get3A_62] : memref<1x1xf32, #tpu.memory_space<vmem>>, vector<1x1xf32>
    %add3A_64 = vector.broadcast %get3A_63 : vector<1x1xf32> to vector<10000x1xf32>
    %add3A_65 = arith.addf %dot_general3A_60, %add3A_64 : vector<10000x1xf32>
    %swap3A_66 = arith.constant 0 : index
    %swap3A_67 = arith.constant 0 : index
    %swap3A_68 = vector.load %arg14[%swap3A_66, %swap3A_67] : memref<10000x1xf32, #tpu.memory_space<vmem>>, vector<10000x1xf32>
    tpu.vector_store %arg14[%swap3A_66, %swap3A_67], %add3A_65 {strides = array<i32>} : memref<10000x1xf32, #tpu.memory_space<vmem>>, vector<10000x1xf32>,
    return
  }
}

module attributes {stable_mosaic.version = 14 : i64} {
  func.func @_k1b_body(%arg0: memref<2x10000x1xf32, #tpu.memory_space<vmem>>, %arg1: memref<10000x128xf32, #tpu.memory_space<vmem>>, %arg2: memref<10000x128xf32, #tpu.memory_space<vmem>>, %arg3: memref<10000x1xf32, #tpu.memory_space<vmem>>) attributes {dimension_semantics = [], scalar_prefetch = 0 : i64, scratch_operands = 0 : i64, tpu.core_type = #tpu.core_type<tc>} {
    %get3A = arith.constant 0 : index
    %get3A_0 = arith.constant 0 : index
    %get3A_1 = arith.constant 0 : index
    %get3A_2 = vector.load %arg0[%get3A, %get3A_0, %get3A_1] : memref<2x10000x1xf32, #tpu.memory_space<vmem>>, vector<1x10000x1xf32>
    %get3A_3 = vector.shape_cast %get3A_2 : vector<1x10000x1xf32> to vector<10000x1xf32>
    %get3A_4 = arith.constant 1 : index
    %get3A_5 = arith.constant 0 : index
    %get3A_6 = arith.constant 0 : index
    %get3A_7 = vector.load %arg0[%get3A_4, %get3A_5, %get3A_6] : memref<2x10000x1xf32, #tpu.memory_space<vmem>>, vector<1x10000x1xf32>
    %get3A_8 = vector.shape_cast %get3A_7 : vector<1x10000x1xf32> to vector<10000x1xf32>
    %add3A = arith.addf %get3A_3, %get3A_8 : vector<10000x1xf32>
    %add3A_9 = arith.constant 1.000000e+00 : f32
    %add3A_10 = vector.broadcast %add3A_9 : f32 to vector<10000x1xf32>
    %add3A_11 = arith.addf %add3A, %add3A_10 : vector<10000x1xf32>
    %rsqrt3A = math.rsqrt %add3A_11 : vector<10000x1xf32>
    %swap3A = arith.constant 0 : index
    %swap3A_12 = arith.constant 0 : index
    %swap3A_13 = vector.load %arg3[%swap3A, %swap3A_12] : memref<10000x1xf32, #tpu.memory_space<vmem>>, vector<10000x1xf32>
    tpu.vector_store %arg3[%swap3A, %swap3A_12], %rsqrt3A {strides = array<i32>} : memref<10000x1xf32, #tpu.memory_space<vmem>>, vector<10000x1xf32>,
    %get3A_14 = arith.constant 0 : index
    %get3A_15 = arith.constant 0 : index
    %get3A_16 = vector.load %arg1[%get3A_14, %get3A_15] : memref<10000x128xf32, #tpu.memory_space<vmem>>, vector<10000x128xf32>
    %mul3A = vector.broadcast %rsqrt3A : vector<10000x1xf32> to vector<10000x128xf32>
    %mul3A_17 = arith.mulf %get3A_16, %mul3A : vector<10000x128xf32>
    %swap3A_18 = arith.constant 0 : index
    %swap3A_19 = arith.constant 0 : index
    %swap3A_20 = vector.load %arg2[%swap3A_18, %swap3A_19] : memref<10000x128xf32, #tpu.memory_space<vmem>>, vector<10000x128xf32>
    tpu.vector_store %arg2[%swap3A_18, %swap3A_19], %mul3A_17 {strides = array<i32>} : memref<10000x128xf32, #tpu.memory_space<vmem>>, vector<10000x128xf32>,
    return
  }
}

module attributes {stable_mosaic.version = 14 : i64} {
  func.func @_k3_body(%arg0: memref<2x10112x128xf32, #tpu.memory_space<vmem>>, %arg1: memref<10000x128xf32, #tpu.memory_space<vmem>>, %arg2: memref<10000x1xf32, #tpu.memory_space<vmem>>, %arg3: memref<128x128xf32, #tpu.memory_space<vmem>>, %arg4: memref<1x128xf32, #tpu.memory_space<vmem>>, %arg5: memref<10000x128xf32, #tpu.memory_space<vmem>>) attributes {dimension_semantics = [], scalar_prefetch = 0 : i64, scratch_operands = 0 : i64, tpu.core_type = #tpu.core_type<tc>} {
    %get3A = arith.constant 0 : index
    %get3A_0 = arith.constant 0 : index
    %get3A_1 = vector.load %arg2[%get3A, %get3A_0] : memref<10000x1xf32, #tpu.memory_space<vmem>>, vector<10000x1xf32>
    %get3A_2 = arith.constant 0 : index
    %get3A_3 = arith.constant 0 : index
    %get3A_4 = arith.constant 0 : index
    %get3A_5 = vector.load %arg0[%get3A_2, %get3A_3, %get3A_4] : memref<2x10112x128xf32, #tpu.memory_space<vmem>>, vector<1x10000x128xf32>
    %get3A_6 = vector.shape_cast %get3A_5 : vector<1x10000x128xf32> to vector<10000x128xf32>
    %get3A_7 = arith.constant 1 : index
    %get3A_8 = arith.constant 0 : index
    %get3A_9 = arith.constant 0 : index
    %get3A_10 = vector.load %arg0[%get3A_7, %get3A_8, %get3A_9] : memref<2x10112x128xf32, #tpu.memory_space<vmem>>, vector<1x10000x128xf32>
    %get3A_11 = vector.shape_cast %get3A_10 : vector<1x10000x128xf32> to vector<10000x128xf32>
    %add3A = arith.addf %get3A_6, %get3A_11 : vector<10000x128xf32>
    %get3A_12 = arith.constant 0 : index
    %get3A_13 = arith.constant 0 : index
    %get3A_14 = vector.load %arg1[%get3A_12, %get3A_13] : memref<10000x128xf32, #tpu.memory_space<vmem>>, vector<10000x128xf32>
    %add3A_15 = arith.addf %add3A, %get3A_14 : vector<10000x128xf32>
    %mul3A = vector.broadcast %get3A_1 : vector<10000x1xf32> to vector<10000x128xf32>
    %mul3A_16 = arith.mulf %add3A_15, %mul3A : vector<10000x128xf32>
    %max3A = arith.constant 0.000000e+00 : f32
    %max3A_17 = vector.broadcast %max3A : f32 to vector<10000x128xf32>
    %max3A_18 = arith.maximumf %mul3A_16, %max3A_17 : vector<10000x128xf32>
    %get3A_19 = arith.constant 0 : index
    %get3A_20 = arith.constant 0 : index
    %get3A_21 = vector.load %arg3[%get3A_19, %get3A_20] : memref<128x128xf32, #tpu.memory_space<vmem>>, vector<128x128xf32>
    %dot_general3A = arith.constant dense<0.000000e+00> : vector<10000x128xf32>
    %dot_general3A_22 = tpu.matmul %max3A_18, %get3A_21, %dot_general3A {dimension_numbers = #tpu.dot_dimension_numbers<[1], [0], [0], [1], [0, 0, 1, 1], [], []>, transpose_lhs_hint = false} : vector<10000x128xf32>, vector<128x128xf32>, vector<10000x128xf32> -> vector<10000x128xf32>
    %get3A_23 = arith.constant 0 : index
    %get3A_24 = arith.constant 0 : index
    %get3A_25 = vector.load %arg4[%get3A_23, %get3A_24] : memref<1x128xf32, #tpu.memory_space<vmem>>, vector<1x128xf32>
    %add3A_26 = vector.broadcast %get3A_25 : vector<1x128xf32> to vector<10000x128xf32>
    %add3A_27 = arith.addf %dot_general3A_22, %add3A_26 : vector<10000x128xf32>
    %mul3A_28 = vector.broadcast %get3A_1 : vector<10000x1xf32> to vector<10000x128xf32>
    %mul3A_29 = arith.mulf %add3A_27, %mul3A_28 : vector<10000x128xf32>
    %swap3A = arith.constant 0 : index
    %swap3A_30 = arith.constant 0 : index
    %swap3A_31 = vector.load %arg5[%swap3A, %swap3A_30] : memref<10000x128xf32, #tpu.memory_space<vmem>>, vector<10000x128xf32>
    tpu.vector_store %arg5[%swap3A, %swap3A_30], %mul3A_29 {strides = array<i32>} : memref<10000x128xf32, #tpu.memory_space<vmem>>, vector<10000x128xf32>,
    return
  }
}

module attributes {stable_mosaic.version = 14 : i64} {
  func.func @_k1c_body(%arg0: memref<10000x128xf32, #tpu.memory_space<vmem>>, %arg1: memref<10000x1xf32, #tpu.memory_space<vmem>>, %arg2: memref<1x1xf32, #tpu.memory_space<vmem>>, %arg3: memref<1x1xf32, #tpu.memory_space<vmem>>, %arg4: memref<10000x128xf32, #tpu.memory_space<vmem>>) attributes {dimension_semantics = [], scalar_prefetch = 0 : i64, scratch_operands = 0 : i64, tpu.core_type = #tpu.core_type<tc>} {
    %get3A = arith.constant 0 : index
    %get3A_0 = arith.constant 0 : index
    %get3A_1 = vector.load %arg1[%get3A, %get3A_0] : memref<10000x1xf32, #tpu.memory_space<vmem>>, vector<10000x1xf32>
    %reduce_sum3A = vector.shape_cast %get3A_1 : vector<10000x1xf32> to vector<1x10000x1xf32>
    %reduce_sum3A_2 = arith.constant dense<0.000000e+00> : vector<1xf32>
    %reduce_sum3A_3 = vector.multi_reduction <add>, %reduce_sum3A, %reduce_sum3A_2 [1, 2] : vector<1x10000x1xf32> to vector<1xf32>
    %reduce_sum3A_4 = vector.shape_cast %reduce_sum3A_3 : vector<1xf32> to vector<1x1x1xf32>
    %reduce_sum3A_5 = vector.extract %reduce_sum3A_4[0, 0, 0] : f32 from vector<1x1x1xf32>
    %div3A = arith.constant 1.000000e+04 : f32
    %div3A_6 = arith.divf %reduce_sum3A_5, %div3A : f32
    %sub3A = vector.broadcast %div3A_6 : f32 to vector<10000x1xf32>
    %sub3A_7 = arith.subf %get3A_1, %sub3A : vector<10000x1xf32>
    %integer_pow3A = arith.mulf %sub3A_7, %sub3A_7 : vector<10000x1xf32>
    %reduce_sum3A_8 = vector.shape_cast %integer_pow3A : vector<10000x1xf32> to vector<1x10000x1xf32>
    %reduce_sum3A_9 = arith.constant dense<0.000000e+00> : vector<1xf32>
    %reduce_sum3A_10 = vector.multi_reduction <add>, %reduce_sum3A_8, %reduce_sum3A_9 [1, 2] : vector<1x10000x1xf32> to vector<1xf32>
    %reduce_sum3A_11 = vector.shape_cast %reduce_sum3A_10 : vector<1xf32> to vector<1x1x1xf32>
    %reduce_sum3A_12 = vector.extract %reduce_sum3A_11[0, 0, 0] : f32 from vector<1x1x1xf32>
    %div3A_13 = arith.constant 1.000000e+04 : f32
    %div3A_14 = arith.divf %reduce_sum3A_12, %div3A_13 : f32
    %sub3A_15 = vector.broadcast %div3A_6 : f32 to vector<10000x1xf32>
    %sub3A_16 = arith.subf %get3A_1, %sub3A_15 : vector<10000x1xf32>
    %add3A = arith.constant 9.99999974E-6 : f32
    %add3A_17 = arith.addf %div3A_14, %add3A : f32
    %rsqrt3A = math.rsqrt %add3A_17 : f32
    %mul3A = vector.broadcast %rsqrt3A : f32 to vector<10000x1xf32>
    %mul3A_18 = arith.mulf %sub3A_16, %mul3A : vector<10000x1xf32>
    %get3A_19 = arith.constant 0 : index
    %get3A_20 = arith.constant 0 : index
    %get3A_21 = vector.load %arg2[%get3A_19, %get3A_20] : memref<1x1xf32, #tpu.memory_space<vmem>>, vector<1x1xf32>
    %get3A_22 = vector.extract %get3A_21[0, 0] : f32 from vector<1x1xf32>
    %mul3A_23 = vector.broadcast %get3A_22 : f32 to vector<10000x1xf32>
    %mul3A_24 = arith.mulf %mul3A_18, %mul3A_23 : vector<10000x1xf32>
    %get3A_25 = arith.constant 0 : index
    %get3A_26 = arith.constant 0 : index
    %get3A_27 = vector.load %arg3[%get3A_25, %get3A_26] : memref<1x1xf32, #tpu.memory_space<vmem>>, vector<1x1xf32>
    %get3A_28 = vector.extract %get3A_27[0, 0] : f32 from vector<1x1xf32>
    %add3A_29 = vector.broadcast %get3A_28 : f32 to vector<10000x1xf32>
    %add3A_30 = arith.addf %mul3A_24, %add3A_29 : vector<10000x1xf32>
    %get3A_31 = arith.constant 0 : index
    %get3A_32 = arith.constant 0 : index
    %get3A_33 = vector.load %arg0[%get3A_31, %get3A_32] : memref<10000x128xf32, #tpu.memory_space<vmem>>, vector<10000x128xf32>
    %neg3A = arith.constant 0.000000e+00 : f32
    %neg3A_34 = vector.broadcast %neg3A : f32 to vector<10000x1xf32>
    %neg3A_35 = arith.subf %neg3A_34, %add3A_30 : vector<10000x1xf32>
    %exp3A = math.exp %neg3A_35 : vector<10000x1xf32>
    %add3A_36 = arith.constant 1.000000e+00 : f32
    %add3A_37 = vector.broadcast %add3A_36 : f32 to vector<10000x1xf32>
    %add3A_38 = arith.addf %add3A_37, %exp3A : vector<10000x1xf32>
    %div3A_39 = arith.constant 1.000000e+00 : f32
    %div3A_40 = vector.broadcast %div3A_39 : f32 to vector<10000x1xf32>
    %div3A_41 = arith.divf %div3A_40, %add3A_38 : vector<10000x1xf32>
    %mul3A_42 = vector.broadcast %div3A_41 : vector<10000x1xf32> to vector<10000x128xf32>
    %mul3A_43 = arith.mulf %get3A_33, %mul3A_42 : vector<10000x128xf32>
    %swap3A = arith.constant 0 : index
    %swap3A_44 = arith.constant 0 : index
    %swap3A_45 = vector.load %arg4[%swap3A, %swap3A_44] : memref<10000x128xf32, #tpu.memory_space<vmem>>, vector<10000x128xf32>
    tpu.vector_store %arg4[%swap3A, %swap3A_44], %mul3A_43 {strides = array<i32>} : memref<10000x128xf32, #tpu.memory_space<vmem>>, vector<10000x128xf32>,
    return
  }
}

module attributes {stable_mosaic.version = 14 : i64} {
  func.func @_k5_body(%arg0: memref<2x10112x128xf32, #tpu.memory_space<vmem>>, %arg1: memref<10000x128xf32, #tpu.memory_space<vmem>>, %arg2: memref<10000x1xf32, #tpu.memory_space<vmem>>, %arg3: memref<10000x128xf32, #tpu.memory_space<vmem>>) attributes {dimension_semantics = [], scalar_prefetch = 0 : i64, scratch_operands = 0 : i64, tpu.core_type = #tpu.core_type<tc>} {
    %get3A = arith.constant 0 : index
    %get3A_0 = arith.constant 0 : index
    %get3A_1 = arith.constant 0 : index
    %get3A_2 = vector.load %arg0[%get3A, %get3A_0, %get3A_1] : memref<2x10112x128xf32, #tpu.memory_space<vmem>>, vector<1x10000x128xf32>
    %get3A_3 = vector.shape_cast %get3A_2 : vector<1x10000x128xf32> to vector<10000x128xf32>
    %get3A_4 = arith.constant 1 : index
    %get3A_5 = arith.constant 0 : index
    %get3A_6 = arith.constant 0 : index
    %get3A_7 = vector.load %arg0[%get3A_4, %get3A_5, %get3A_6] : memref<2x10112x128xf32, #tpu.memory_space<vmem>>, vector<1x10000x128xf32>
    %get3A_8 = vector.shape_cast %get3A_7 : vector<1x10000x128xf32> to vector<10000x128xf32>
    %add3A = arith.addf %get3A_3, %get3A_8 : vector<10000x128xf32>
    %get3A_9 = arith.constant 0 : index
    %get3A_10 = arith.constant 0 : index
    %get3A_11 = vector.load %arg1[%get3A_9, %get3A_10] : memref<10000x128xf32, #tpu.memory_space<vmem>>, vector<10000x128xf32>
    %add3A_12 = arith.addf %add3A, %get3A_11 : vector<10000x128xf32>
    %get3A_13 = arith.constant 0 : index
    %get3A_14 = arith.constant 0 : index
    %get3A_15 = vector.load %arg2[%get3A_13, %get3A_14] : memref<10000x1xf32, #tpu.memory_space<vmem>>, vector<10000x1xf32>
    %mul3A = vector.broadcast %get3A_15 : vector<10000x1xf32> to vector<10000x128xf32>
    %mul3A_16 = arith.mulf %add3A_12, %mul3A : vector<10000x128xf32>
    %swap3A = arith.constant 0 : index
    %swap3A_17 = arith.constant 0 : index
    %swap3A_18 = vector.load %arg3[%swap3A, %swap3A_17] : memref<10000x128xf32, #tpu.memory_space<vmem>>, vector<10000x128xf32>
    tpu.vector_store %arg3[%swap3A, %swap3A_17], %mul3A_16 {strides = array<i32>} : memref<10000x128xf32, #tpu.memory_space<vmem>>, vector<10000x128xf32>,
    return
  }
}

</mosaic_0001>

<sc_bundles>
// kernel: kernel.10.cloned.1.call-start
scs
__scs_entry_jumppad:
0x0: {  	(pc) =	sbr.rel $0x88, $3  }
0x1: {  	(tag) =	ssettag $0x0;
	lr =	simm.s32 $0x1  }
0x2: {  	[smem:$0x3F8F] =	sst lr;
	_ =	strace $0xD0000000  }
0x3: {  	_ = 	snop  }
0x4: {  	_ = 	snop  }
0x5: {  	_ = 	snop  }
0x6: {  	_ = 	snop  }
0x7: {  	_ = 	snop  }
__scs_overlays_trampoline_lowered:
0x8: {  	[smem:$0x3F9E] =	sst s0  }
0x9: {  	[smem:$0x3F9F] =	sst s1  }
0xa: {  	[smem:$0x3FA0] =	sst s2  }
0xb: {  	[smem:$0x3FA1] =	sst s3  }
0xc: {  	[smem:$0x3FA2] =	sst s4  }
0xd: {  	[smem:$0x3FA3] =	sst s5  }
0xe: {  	[smem:$0x3FA4] =	sst s6  }
0xf: {  	[smem:$0x3FA5] =	sst s7  }
0x10: {  	[smem:$0x3FA6] =	sst s8  }
0x11: {  	[smem:$0x3FA7] =	sst s9;
	s0 =	simm.s32 @!p0 $0x0  }
0x12: {  	s1 =	sld [smem:$0x3F8D];
	s0 =	simm.s32 @p0 $0x1  }
0x13: {  	[smem:$0x3FA8] =	sst s0;
	s0 =	simm.s32 @!p1 $0x0  }
0x14: {  	s2 =	sld [smem:$0x3F8C];
	s0 =	simm.s32 @p1 $0x1  }
0x15: {  	[smem:$0x3FA9] =	sst s0;
	s0 =	simm.s32 @!p2 $0x0  }
0x16: {  	s3 =	sld [smem:$0x3FDB];
	s0 =	simm.s32 @p2 $0x1  }
0x17: {  	s4 =	simm.s32 $0x1BF5;
	[smem:$0x3FAB] =	sst s0  }
0x18: {  	s0 =	sld [smem:$0x3F8E];
	_ =	swait.ge [sflag:s4], $0x0  }
0x19: {  	s7 =	sld [smem:$0x3F8F]  }
0x1a: {  	s8 =	sadd.s32 $0xFFFFE003, lr  }
0x1b: {  	s9 =	sadd.s32 $0xFFFFFEF7, lr;
	s5 =	simm.s32 $0xFFFFFFFF;
	p2 =	slt.u32 s8, $0xFFFFF086  }
0x1c: {  	p1 =	slt.u32 s9, $0xF7A;
	s5 =	simm.s32 @!p2 $0x0  }
0x1d: {  	s5 =	simm.s32 @p1 $0x1;
	p0 =	seq.s32 s7, s2  }
0x1e: {  	s7 =	smul.u32 @!p0 $0xF7A, s2;
	p2 =	seq.s32 @!p0 s5, $0x0  }
0x1f: {  	s9 =	smul.u32 $0xF7A, s1;
	s8 =	simm.s32 @!p0 $0x1BF5;
	p2 =	por !p2, p0  }
0x20: {  	[sflag:s8] =	ssyncset.s32 @!p0 $0xFFFFF086;
	s6 =	sadd.s32 @!p0 s3, s7;
	s7 =	simm.s32 @!p0 $0x108  }
0x21: {  	s3 =	sadd.s32 s3, s9;
	s6 =	sadd.s32 @!p0 $0x88, s6;
	s7 =	simm.s32 @p2 $0x1082  }
0x22: {  	[simem:s7], [sflag:s8] =	dma.local @!p0 [hbm:s6], $0xF7A  }
0x23: {  	s9 =	sor.u32 $0xD0000000, s2;
	s6 =	simm.s32 $0x108;
	_ =	swait.ge @!p0 [sflag:s8], $0x0  }
0x24: {  	s3 =	sadd.s32 $0x88, s3;
	s6 =	simm.s32 @!p1 $0x1082;
	[sflag:s4] =	ssyncset.s32 $0xFFFFF086  }
0x25: {  	[simem:s6], [sflag:s4] =	dma.local [hbm:s3], $0xF7A  }
0x26: {  	[smem:$0x3F8F] =	sst s1;
	(tag) =	ssettag s2;
	_ =	strace s9  }
0x27: {  	s1 =	sld [smem:$0x3F9F]  }
0x28: {  	s2 =	sld [smem:$0x3FA0]  }
0x29: {  	s4 =	sld [smem:$0x3FA2]  }
0x2a: {  	p0 =	seq.s32 s5, $0x0;
	s5 =	sld [smem:$0x3FA3]  }
0x2b: {  	s6 =	sld [smem:$0x3FA4]  }
0x2c: {  	s7 =	sld [smem:$0x3FA5]  }
0x2d: {  	s3 =	simm.s32 $0x108;
	s8 =	sld [smem:$0x3FA6]  }
0x2e: {  	s3 =	simm.s32 @!p0 $0x1082;
	s9 =	sld [smem:$0x3FA7]  }
0x2f: {  	lr =	sadd.s32 s0, s3;
	s0 =	sld [smem:$0x3F9E]  }
0x30: {  	s3 =	sld [smem:$0x3FA1]  }
0x31: {  	[smem:$0x3FAA] =	sst s10  }
0x32: {  	s10 =	sld [smem:$0x3FA8];
	_ =	sdelay $0x3  }
0x33: {  	p0 =	seq.s32 s10, $0x1;
	s10 =	sld [smem:$0x3FAA];
	_ =	sdelay $0x3  }
0x34: {  	[smem:$0x3FAA] =	sst s10  }
0x35: {  	s10 =	sld [smem:$0x3FA9];
	_ =	sdelay $0x3  }
0x36: {  	p1 =	seq.s32 s10, $0x1;
	s10 =	sld [smem:$0x3FAA];
	_ =	sdelay $0x3  }
0x37: {  	[smem:$0x3FAA] =	sst s10  }
0x38: {  	s10 =	sld [smem:$0x3FAB]  }
0x39: {  	_ = 	snop;
	(pc) =	sbr.ind lr, $3  }
0x3a: {  	_ = 	snop  }
0x3b: {  	_ = 	snop  }
0x3c: {  	p2 =	seq.s32 s10, $0x1;
	s10 =	sld [smem:$0x3FAA]  }
0x3d: {  	_ =	shalt  }
0x3e: {  	_ =	shalt  }
0x3f: {  	_ =	shalt  }
0x40: {  	_ =	shalt  }
0x41: {  	_ =	shalt  }
0x42: {  	_ =	shalt  }
0x43: {  	_ =	shalt  }
0x44: {  	_ =	shalt  }
0x45: {  	_ =	shalt  }
0x46: {  	_ =	shalt  }
0x47: {  	_ =	shalt  }
0x48: {  	_ =	shalt  }
0x49: {  	_ =	shalt  }
0x4a: {  	_ =	shalt  }
0x4b: {  	_ =	shalt  }
0x4c: {  	_ =	shalt  }
0x4d: {  	_ =	shalt  }
0x4e: {  	_ =	shalt  }
0x4f: {  	_ =	shalt  }
0x50: {  	_ =	shalt  }
0x51: {  	_ =	shalt  }
0x52: {  	_ =	shalt  }
0x53: {  	_ =	shalt  }
0x54: {  	_ =	shalt  }
0x55: {  	_ =	shalt  }
0x56: {  	_ =	shalt  }
0x57: {  	_ =	shalt  }
0x58: {  	_ =	shalt  }
0x59: {  	_ =	shalt  }
0x5a: {  	_ =	shalt  }
0x5b: {  	_ =	shalt  }
0x5c: {  	_ =	shalt  }
0x5d: {  	_ =	shalt  }
0x5e: {  	_ =	shalt  }
0x5f: {  	_ =	shalt  }
0x60: {  	_ =	shalt  }
0x61: {  	_ =	shalt  }
0x62: {  	_ =	shalt  }
0x63: {  	_ =	shalt  }
0x64: {  	_ =	shalt  }
0x65: {  	_ =	shalt  }
0x66: {  	_ =	shalt  }
0x67: {  	_ =	shalt  }
0x68: {  	_ =	shalt  }
0x69: {  	_ =	shalt  }
0x6a: {  	_ =	shalt  }
0x6b: {  	_ =	shalt  }
0x6c: {  	_ =	shalt  }
0x6d: {  	_ =	shalt  }
0x6e: {  	_ =	shalt  }
0x6f: {  	_ =	shalt  }
0x70: {  	_ =	shalt  }
0x71: {  	_ =	shalt  }
0x72: {  	_ =	shalt  }
0x73: {  	_ =	shalt  }
0x74: {  	_ =	shalt  }
0x75: {  	_ =	shalt  }
0x76: {  	_ =	shalt  }
0x77: {  	_ =	shalt  }
0x78: {  	_ =	shalt  }
0x79: {  	_ =	shalt  }
0x7a: {  	_ =	shalt  }
0x7b: {  	_ =	shalt  }
0x7c: {  	_ =	shalt  }
0x7d: {  	_ =	shalt  }
0x7e: {  	_ =	shalt  }
0x7f: {  	_ =	shalt  }
0x80: {  	_ =	shalt  }
0x81: {  	_ =	shalt  }
0x82: {  	_ =	shalt  }
0x83: {  	_ =	shalt  }
0x84: {  	_ =	shalt  }
0x85: {  	_ =	shalt  }
0x86: {  	_ =	shalt  }
0x87: {  	_ =	shalt  }
.Lfunc_end0:
.L_simem_size_0:
called_computation_lowered:
.L_overlay_start_0:
0x88: {  	s2 =	sld [smem:$0x3FD9]  }
0x89: {  	s3 =	sld [smem:$0x3FFE];
	_ =	sdelay $0x1  }
0x8a: {  	s1 =	srdreg.scid  }
0x8b: {  	s0 =	sand.u32 $0x1, s1  }
0x8c: {  	s14 =	sshll.u32 s0, $0xA;
	s2 =	sadd.s32 s3, s2  }
0x8d: {  	s2 =	sadd.s32 s2, s14  }
0x8e: {  	[smem:$0x3FB6] =	sst s2  }
0x8f: {  	_ = 	snop  }
0x90: {  	s2 =	sld [smem:$0x3FD0];
	_ =	sdelay $0x2  }
0x91: {  	s15 =	simm.s32 $0xA;
	s4 =	simm.s32 $0x10  }
0x92: {  	[smem:s4], [sflag:s15] =	dma.local [hbm:s2], $0x1  }
0x93: {  	_ =	swait.eq [sflag:s15], $0x1  }
0x94: {  	[sflag:s15] =	ssyncset.done $0x0  }
0x95: {  	[sflag:s15] =	ssyncadd.s32 $0xFFFFFFFF  }
0x96: {  	s16 =	sld [smem:$0x10];
	(tm) =	ssettm $0x1  }
0x97: {  	s17 =	sld [smem:$0x3FFB];
	_ =	sdelay $0x3  }
0x98: {  	_ =	strace s17  }
0x99: {  	s3 =	sld [smem:$0x3FFC];
	_ =	sdelay $0x3  }
0x9a: {  	_ =	strace s3  }
0x9b: {  	s3 =	sld [smem:$0x3FFD];
	_ =	sdelay $0x3  }
0x9c: {  	_ =	strace s3  }
0x9d: {  	_ =	strace $0x8FFFFFFF  }
0x9e: {  	s18 =	sld [smem:$0x3FDB];
	_ =	sdelay $0x1  }
0x9f: {  	s19 =	simm.s32 $_scs_section_size  }
0xa0: {  	s5 =	simm.s32 $_size__tile_overlayer_lowered;
	s6 =	simm.s32 $_tile_overlayer_lowered  }
0xa1: {  	s22 =	simm.s32 $0x1BFF;
	s21 =	sshll.u32 s6, $0x1;
	s3 =	sadd.s32 s19, s18  }
0xa2: {  	s7 =	simm.s32 $0x0;
	s20 =	sshll.u32 s5, $0x1;
	s5 =	sadd.s32 s21, s3  }
0xa3: {  	[timem:s7], [sflag:s22] =	dma.local [hbm:s5], s20  }
0xa4: {  	_ =	swait.ge [sflag:s22], s20  }
0xa5: {  	s4 =	ssub.s32 $0x0, s20;
	[sflag:s22] =	ssyncset.done $0x0  }
0xa6: {  	[sflag:s22] =	ssyncadd.s32 s4;
	_ =	sdelay $0x1  }
0xa7: {  	s23 =	simm.s32 $0x1B8B  }
0xa8: {  	_ =	swait.ge [sflag:s23], $0x1  }
0xa9: {  	[sflag:s23] =	ssyncset.done $0x0  }
0xaa: {  	s25 =	simm.s32 $0x1B8E;
	s24 =	sld [smem:$0x3FFE];
	[sflag:s23] =	ssyncadd.s32 $0xFFFFFFFF  }
0xab: {  	s26 =	simm.s32 $execute0_lowered;
	[smem:$0x3FD2] =	sst s25  }
0xac: {  	s5 =	sshll.u32 s26, $0x1;
	_ =	strace $0x80000046;
	[dreg:$0x1] =	wrdreg $0xFFFFFFFF  }
0xad: {  	s28 =	simm.s32 $_size_execute0_lowered;
	s3 =	sadd.s32 s3, s5;
	[dreg:$0x0] =	wrdreg $0x0  }
0xae: {  	s5 =	sshll.u32 s28, $0x1;
	[dreg:$0x2] =	wrdreg s3  }
0xaf: {  	[dreg:$0x3] =	wrdreg s5  }
0xb0: {  	[dreg:$0x4] =	wrdreg $0xC0  }
0xb1: {  	_ =	task [dreg:s7], $0x5FFFF  }
0xb2: {  	[dreg:$0x1] =	wrdreg $0xFFFFFFFF  }
0xb3: {  	[dreg:$0x0] =	wrdreg $0x60  }
0xb4: {  	[dreg:$0x2] =	wrdreg s16  }
0xb5: {  	[dreg:$0x3] =	wrdreg s24  }
0xb6: {  	[dreg:$0x4] =	wrdreg $0x0  }
0xb7: {  	[dreg:$0x5] =	wrdreg $0x9  }
0xb8: {  	_ =	task.clear_ibuf [dreg:s7], $0x6FFFF;
	_ =	strace $0x90000046  }
0xb9: {  	s29 =	simm.s32 $0x9;
	_ =	strace $0x80000048  }
0xba: {  	_ =	swait.ge [sflag:s29], $0x1  }
0xbb: {  	[sflag:s29] =	ssyncadd.s32 $0xFFFFFFFF  }
0xbc: {  	_ =	strace $0x90000048  }
0xbd: {  	_ =	sfence  }
0xbe: {  	s30 =	sld [smem:$0x0];
	_ =	sdelay $0x2  }
0xbf: {  	s31 =	sshll.u32 s1, $0xD;
	s1 =	sshrl.u32 s1, $0x2  }
0xc0: {  	s3 =	sand.u32 $0x4000, s31;
	s1 =	sadd.s32 s1, s30  }
0xc1: {  	s0 =	sor.u32 s3, s0;
	s1 =	sshll.u32 s1, $0x11  }
0xc2: {  	s0 =	sor.u32 s1, s0  }
0xc3: {  	s0 =	sadd.s32 $0x8F2B, s0  }
0xc4: {  	[sflag:s0] =	ssyncadd.remote.s32 $0x1  }
0xc5: {  	_ =	sfence.sel $0xFFFF  }
0xc6: {  	[dreg:$0x0] =	wrdreg $0xFFFFFFFF;
	(pc) =	sbr.abs _section_cstart, $3  }
0xc7: {  	[dreg:$0x1] =	wrdreg $0xFFFFFFFF  }
0xc8: {  	_ =	task.clear_ibuf [dreg:s7], $0x2FFFF;
	_ =	strace $0x9FFFFFFF  }
0xc9: {  	(tm) =	ssettm $0x7FFFFFFF  }
tec
execute0_lowered:
.L_overlay_start_1:
0x0: {  	(tag) =	ssettag $0x1  }
0x1: {  	s5 =	rddreg [dreg:$0x0]  }
0x2: {  	s4 =	rddreg [dreg:$0x1];
	s0 =	srdreg.scid  }
0x3: {  	s2 =	rddreg [dreg:$0x2];
	s1 =	stileid.u32;
	s3 =	simm.s32 $0x0  }
0x4: {  	s13 =	simm.s32 $0x2D00;
	s14 =	simm.s32 $0x5500;
	s15 =	simm.s32 $0x80  }
0x5: {  	s16 =	simm.s32 $0x9500;
	s19 =	simm.s32 $0x20;
	s20 =	simm.s32 $0x10  }
0x6: {  	s6 =	sand.u32 $0x1, s0;
	s0 =	rddreg [dreg:$0x3];
	s8 =	smul.u32 $0x500, s1  }
0x7: {  	s21 =	simm.s32 $0x0;
	[smem:$0x7FF] =	sst s3;
	s31 =	smul.u32 $0xA00, s1  }
0x8: {  	s17 =	sshll.u32 s1, $0x6;
	s7 =	sshll.u32 s6, $0x4;
	s9 =	sshll.u32 s6, $0x7  }
0x9: {  	_ =	strace $0x80000047;
	s6 =	ssub.s32 $0x2, s6;
	s17 =	sor.u32 $0x1C01, s17  }
0xa: {  	s7 =	sor.u32 s1, s7;
	s8 =	sor.u32 s9, s8;
	s12 =	sshrl.u32 s6, $0x1  }
0xb: {  	s9 =	sshrl.u32 s31, $0x2;
	s10 =	smul.u32 $0x500, s7;
	s8 =	sshrl.u32 s8, $0x3  }
0xc: {  	s7 =	sshll.u32 s7, $0xB;
	s12 =	ssub.s32 s6, s12;
	s8 =	sadd.s32 s8, s4  }
0xd: {  	s7 =	sadd.s32 s7, s4;
	s11 =	sadd.s32 s10, s4;
	s4 =	sadd.s32 s9, s2  }
0xe: {  	s5 =	sadd.s32 s5, s10;
	s7 =	sadd.s32 $0xFE00, s7;
	s8 =	sadd.s32 $0xF400, s8  }
0xf: {  	s9 =	smax.u32 s12, $0x1;
	s10 =	simm.s32 $0x280;
	s12 =	simm.s32 $0x500  }
0x10: {  	v0 =	vimm.f32 $0.0e+00;
	v1 =	vimm.f32 $1.000000000e+00;
	s6 =	sadd.s32 $0x5400, s11;
	s11 =	simm.s32 $0x1;
	s18 =	sshrl.u32 s4, $0x3  }
.LBB2_1:
0x11: {  	[tilespmem:$0x280] =	vst v0  }
0x12: {  	[tilespmem:$0x290] =	vst v0  }
0x13: {  	[tilespmem:$0x2A0] =	vst v0  }
0x14: {  	[tilespmem:$0x2B0] =	vst v0  }
0x15: {  	[tilespmem:$0x2C0] =	vst v0  }
0x16: {  	[tilespmem:$0x2D0] =	vst v0  }
0x17: {  	[tilespmem:$0x2E0] =	vst v0  }
0x18: {  	[tilespmem:$0x2F0] =	vst v0  }
0x19: {  	[tilespmem:$0x300] =	vst v0  }
0x1a: {  	[tilespmem:$0x310] =	vst v0  }
0x1b: {  	[tilespmem:$0x320] =	vst v0  }
0x1c: {  	[tilespmem:$0x330] =	vst v0  }
0x1d: {  	[tilespmem:$0x340] =	vst v0  }
0x1e: {  	[tilespmem:$0x350] =	vst v0  }
0x1f: {  	[tilespmem:$0x360] =	vst v0  }
0x20: {  	[tilespmem:$0x370] =	vst v0  }
0x21: {  	[tilespmem:$0x380] =	vst v0  }
0x22: {  	[tilespmem:$0x390] =	vst v0  }
0x23: {  	[tilespmem:$0x3A0] =	vst v0  }
0x24: {  	[tilespmem:$0x3B0] =	vst v0  }
0x25: {  	[tilespmem:$0x3C0] =	vst v0  }
0x26: {  	[tilespmem:$0x3D0] =	vst v0  }
0x27: {  	[tilespmem:$0x3E0] =	vst v0  }
0x28: {  	[tilespmem:$0x3F0] =	vst v0  }
0x29: {  	[tilespmem:$0x400] =	vst v0  }
0x2a: {  	[tilespmem:$0x410] =	vst v0  }
0x2b: {  	[tilespmem:$0x420] =	vst v0  }
0x2c: {  	[tilespmem:$0x430] =	vst v0  }
0x2d: {  	[tilespmem:$0x440] =	vst v0  }
0x2e: {  	[tilespmem:$0x450] =	vst v0  }
0x2f: {  	[tilespmem:$0x460] =	vst v0  }
0x30: {  	[tilespmem:$0x470] =	vst v0  }
0x31: {  	[tilespmem:$0x480] =	vst v0  }
0x32: {  	[tilespmem:$0x490] =	vst v0  }
0x33: {  	[tilespmem:$0x4A0] =	vst v0  }
0x34: {  	[tilespmem:$0x4B0] =	vst v0  }
0x35: {  	[tilespmem:$0x4C0] =	vst v0  }
0x36: {  	[tilespmem:$0x4D0] =	vst v0  }
0x37: {  	[tilespmem:$0x4E0] =	vst v0  }
0x38: {  	[tilespmem:$0x4F0] =	vst v0  }
0x39: {  	[tilespmem:$0x9500] =	vst v1  }
0x3a: {  	[tilespmem:$0x9510] =	vst v1  }
0x3b: {  	[tilespmem:$0x9520] =	vst v1  }
0x3c: {  	[tilespmem:$0x9530] =	vst v1  }
0x3d: {  	[tilespmem:$0x9540] =	vst v1  }
0x3e: {  	[tilespmem:$0x9550] =	vst v1  }
0x3f: {  	[tilespmem:$0x9560] =	vst v1  }
0x40: {  	[tilespmem:$0x9570] =	vst v1  }
0x41: {  	[spmem:s4] =	stream.linear.scatter [tilespmem:s10], [sflag:$0x1], $0x280, $0x38;
	[tilespmem:$0x9580] =	vst v63  }
0x42: {  	_ =	swait.ge [sflag:s11], $0x280  }
0x43: {  	[sflag:s11] =	ssyncset.done $0x0  }
0x44: {  	[sflag:s11] =	ssyncadd.s32 $0xFFFFFD80  }
0x45: {  	[tilespmem:s12], [sflag:$0x1] =	stream.linear.gather [hbm4b:s5+s3], $0x2800, $0x38;
	[tilespmem:$0x9580] =	vst v63  }
0x46: {  	_ =	swait.ge [sflag:s11], $0x2800  }
0x47: {  	[sflag:s11] =	ssyncset.done $0x0  }
0x48: {  	[sflag:s11] =	ssyncadd.s32 $0xFFFFD800  }
0x49: {  	[tilespmem:s13], [sflag:$0x1] =	stream.linear.gather [hbm4b:s6+s3], $0x2800, $0x38;
	[tilespmem:$0x9580] =	vst v63  }
0x4a: {  	_ =	swait.ge [sflag:s11], $0x2800  }
0x4b: {  	[sflag:s11] =	ssyncset.done $0x0  }
0x4c: {  	s23 =	simm.s32 $0x270;
	[sflag:s11] =	ssyncadd.s32 $0xFFFFD800  }
0x4d: {  	v2 =	vld [tilespmem:s23+$0x2A90]  }
0x4e: {  	v3 =	vld [tilespmem:s23+$0x290];
	_ =	sdelay $0x3  }
0x4f: {  	v2 =	vshll.u32 v2, $0x10  }
0x50: {  	s22 =	simm.s32 $0x5700;
	v2 =	vor.u32 v3, v2  }
0x51: {  	[tilespmem:s22+$0xFFFFFE00] =	vst v2  }
0x52: {  	v2 =	vld [tilespmem:s23+$0x2AA0]  }
0x53: {  	v3 =	vld [tilespmem:s23+$0x2A0];
	_ =	sdelay $0x3  }
0x54: {  	v2 =	vshll.u32 v2, $0x10  }
0x55: {  	v2 =	vor.u32 v3, v2  }
0x56: {  	[tilespmem:s22+$0xFFFFFE10] =	vst v2  }
0x57: {  	v2 =	vld [tilespmem:s23+$0x2AB0]  }
0x58: {  	v3 =	vld [tilespmem:s23+$0x2B0];
	_ =	sdelay $0x3  }
0x59: {  	v2 =	vshll.u32 v2, $0x10  }
0x5a: {  	v2 =	vor.u32 v3, v2  }
0x5b: {  	[tilespmem:s22+$0xFFFFFE20] =	vst v2  }
0x5c: {  	v2 =	vld [tilespmem:s23+$0x2AC0]  }
0x5d: {  	v3 =	vld [tilespmem:s23+$0x2C0];
	_ =	sdelay $0x3  }
0x5e: {  	v2 =	vshll.u32 v2, $0x10  }
0x5f: {  	v2 =	vor.u32 v3, v2  }
0x60: {  	[tilespmem:s22+$0xFFFFFE30] =	vst v2  }
0x61: {  	v2 =	vld [tilespmem:s23+$0x2AD0]  }
0x62: {  	v3 =	vld [tilespmem:s23+$0x2D0];
	_ =	sdelay $0x3  }
0x63: {  	v2 =	vshll.u32 v2, $0x10  }
0x64: {  	v2 =	vor.u32 v3, v2  }
0x65: {  	[tilespmem:s22+$0xFFFFFE40] =	vst v2  }
0x66: {  	v2 =	vld [tilespmem:s23+$0x2AE0]  }
0x67: {  	v3 =	vld [tilespmem:s23+$0x2E0];
	_ =	sdelay $0x3  }
0x68: {  	v2 =	vshll.u32 v2, $0x10  }
0x69: {  	v2 =	vor.u32 v3, v2  }
0x6a: {  	[tilespmem:s22+$0xFFFFFE80] =	vst v2  }
0x6b: {  	v2 =	vld [tilespmem:s23+$0x2AF0]  }
0x6c: {  	v3 =	vld [tilespmem:s23+$0x2F0];
	_ =	sdelay $0x3  }
0x6d: {  	v2 =	vshll.u32 v2, $0x10  }
0x6e: {  	v2 =	vor.u32 v3, v2  }
0x6f: {  	[tilespmem:s22+$0xFFFFFE90] =	vst v2  }
0x70: {  	v2 =	vld [tilespmem:s23+$0x2B00]  }
0x71: {  	v3 =	vld [tilespmem:s23+$0x300];
	_ =	sdelay $0x3  }
0x72: {  	v2 =	vshll.u32 v2, $0x10  }
0x73: {  	v2 =	vor.u32 v3, v2  }
0x74: {  	[tilespmem:s22+$0xFFFFFEA0] =	vst v2  }
0x75: {  	v2 =	vld [tilespmem:s23+$0x2B10]  }
0x76: {  	v3 =	vld [tilespmem:s23+$0x310];
	_ =	sdelay $0x3  }
0x77: {  	v2 =	vshll.u32 v2, $0x10  }
0x78: {  	v2 =	vor.u32 v3, v2  }
0x79: {  	[tilespmem:s22+$0xFFFFFEB0] =	vst v2  }
0x7a: {  	v2 =	vld [tilespmem:s23+$0x2B20]  }
0x7b: {  	v3 =	vld [tilespmem:s23+$0x320];
	_ =	sdelay $0x3  }
0x7c: {  	v2 =	vshll.u32 v2, $0x10  }
0x7d: {  	v2 =	vor.u32 v3, v2  }
0x7e: {  	[tilespmem:s22+$0xFFFFFEC0] =	vst v2  }
0x7f: {  	v2 =	vld [tilespmem:s23+$0x2B30]  }
0x80: {  	v3 =	vld [tilespmem:s23+$0x330];
	_ =	sdelay $0x3  }
0x81: {  	v2 =	vshll.u32 v2, $0x10  }
0x82: {  	v2 =	vor.u32 v3, v2  }
0x83: {  	[tilespmem:s22+$0xFFFFFF00] =	vst v2  }
0x84: {  	v2 =	vld [tilespmem:s23+$0x2B40]  }
0x85: {  	v3 =	vld [tilespmem:s23+$0x340];
	_ =	sdelay $0x3  }
0x86: {  	v2 =	vshll.u32 v2, $0x10  }
0x87: {  	v2 =	vor.u32 v3, v2  }
0x88: {  	[tilespmem:s22+$0xFFFFFF10] =	vst v2  }
0x89: {  	v2 =	vld [tilespmem:s23+$0x2B50]  }
0x8a: {  	v3 =	vld [tilespmem:s23+$0x350];
	_ =	sdelay $0x3  }
0x8b: {  	v2 =	vshll.u32 v2, $0x10  }
0x8c: {  	v2 =	vor.u32 v3, v2  }
0x8d: {  	[tilespmem:s22+$0xFFFFFF20] =	vst v2  }
0x8e: {  	v2 =	vld [tilespmem:s23+$0x2B60]  }
0x8f: {  	v3 =	vld [tilespmem:s23+$0x360];
	_ =	sdelay $0x3  }
0x90: {  	v2 =	vshll.u32 v2, $0x10  }
0x91: {  	v2 =	vor.u32 v3, v2  }
0x92: {  	[tilespmem:s22+$0xFFFFFF30] =	vst v2  }
0x93: {  	v2 =	vld [tilespmem:s23+$0x2B70]  }
0x94: {  	v3 =	vld [tilespmem:s23+$0x370];
	_ =	sdelay $0x3  }
0x95: {  	v2 =	vshll.u32 v2, $0x10  }
0x96: {  	v2 =	vor.u32 v3, v2  }
0x97: {  	[tilespmem:s22+$0xFFFFFF40] =	vst v2  }
0x98: {  	v2 =	vld [tilespmem:s23+$0x2B80]  }
0x99: {  	v3 =	vld [tilespmem:s23+$0x380];
	_ =	sdelay $0x3  }
0x9a: {  	v2 =	vshll.u32 v2, $0x10  }
0x9b: {  	v2 =	vor.u32 v3, v2  }
0x9c: {  	[tilespmem:s22+$0xFFFFFF80] =	vst v2  }
0x9d: {  	v2 =	vld [tilespmem:s23+$0x2B90]  }
0x9e: {  	v3 =	vld [tilespmem:s23+$0x390];
	_ =	sdelay $0x3  }
0x9f: {  	v2 =	vshll.u32 v2, $0x10  }
0xa0: {  	v2 =	vor.u32 v3, v2  }
0xa1: {  	[tilespmem:s22+$0xFFFFFF90] =	vst v2  }
0xa2: {  	v2 =	vld [tilespmem:s23+$0x2BA0]  }
0xa3: {  	v3 =	vld [tilespmem:s23+$0x3A0];
	_ =	sdelay $0x3  }
0xa4: {  	v2 =	vshll.u32 v2, $0x10  }
0xa5: {  	v2 =	vor.u32 v3, v2  }
0xa6: {  	[tilespmem:s22+$0xFFFFFFA0] =	vst v2  }
0xa7: {  	v2 =	vld [tilespmem:s23+$0x2BB0]  }
0xa8: {  	v3 =	vld [tilespmem:s23+$0x3B0];
	_ =	sdelay $0x3  }
0xa9: {  	v2 =	vshll.u32 v2, $0x10  }
0xaa: {  	v2 =	vor.u32 v3, v2  }
0xab: {  	[tilespmem:s22+$0xFFFFFFB0] =	vst v2  }
0xac: {  	v2 =	vld [tilespmem:s23+$0x2BC0]  }
0xad: {  	v3 =	vld [tilespmem:s23+$0x3C0];
	_ =	sdelay $0x3  }
0xae: {  	v2 =	vshll.u32 v2, $0x10  }
0xaf: {  	v2 =	vor.u32 v3, v2  }
0xb0: {  	[tilespmem:s22+$0xFFFFFFC0] =	vst v2  }
0xb1: {  	v2 =	vld [tilespmem:s23+$0x2BD0]  }
0xb2: {  	v3 =	vld [tilespmem:s23+$0x3D0];
	_ =	sdelay $0x3  }
0xb3: {  	v2 =	vshll.u32 v2, $0x10  }
0xb4: {  	v2 =	vor.u32 v3, v2  }
0xb5: {  	[tilespmem:s22+$0x0] =	vst v2  }
0xb6: {  	v2 =	vld [tilespmem:s23+$0x2BE0]  }
0xb7: {  	v3 =	vld [tilespmem:s23+$0x3E0];
	_ =	sdelay $0x3  }
0xb8: {  	v2 =	vshll.u32 v2, $0x10  }
0xb9: {  	v2 =	vor.u32 v3, v2  }
0xba: {  	[tilespmem:s22+$0x10] =	vst v2  }
0xbb: {  	v2 =	vld [tilespmem:s23+$0x2BF0]  }
0xbc: {  	v3 =	vld [tilespmem:s23+$0x3F0];
	_ =	sdelay $0x3  }
0xbd: {  	v2 =	vshll.u32 v2, $0x10  }
0xbe: {  	v2 =	vor.u32 v3, v2  }
0xbf: {  	[tilespmem:s22+$0x20] =	vst v2  }
0xc0: {  	v2 =	vld [tilespmem:s23+$0x2C00]  }
0xc1: {  	v3 =	vld [tilespmem:s23+$0x400];
	_ =	sdelay $0x3  }
0xc2: {  	v2 =	vshll.u32 v2, $0x10  }
0xc3: {  	v2 =	vor.u32 v3, v2  }
0xc4: {  	[tilespmem:s22+$0x30] =	vst v2  }
0xc5: {  	v2 =	vld [tilespmem:s23+$0x2C10]  }
0xc6: {  	v3 =	vld [tilespmem:s23+$0x410];
	_ =	sdelay $0x3  }
0xc7: {  	v2 =	vshll.u32 v2, $0x10  }
0xc8: {  	v2 =	vor.u32 v3, v2  }
0xc9: {  	[tilespmem:s22+$0x40] =	vst v2  }
0xca: {  	v2 =	vld [tilespmem:s23+$0x2C20]  }
0xcb: {  	v3 =	vld [tilespmem:s23+$0x420];
	_ =	sdelay $0x3  }
0xcc: {  	v2 =	vshll.u32 v2, $0x10  }
0xcd: {  	v2 =	vor.u32 v3, v2  }
0xce: {  	[tilespmem:s22+$0x80] =	vst v2  }
0xcf: {  	v2 =	vld [tilespmem:s23+$0x2C30]  }
0xd0: {  	v3 =	vld [tilespmem:s23+$0x430];
	_ =	sdelay $0x3  }
0xd1: {  	v2 =	vshll.u32 v2, $0x10  }
0xd2: {  	v2 =	vor.u32 v3, v2  }
0xd3: {  	[tilespmem:s22+$0x90] =	vst v2  }
0xd4: {  	v2 =	vld [tilespmem:s23+$0x2C40]  }
0xd5: {  	v3 =	vld [tilespmem:s23+$0x440];
	_ =	sdelay $0x3  }
0xd6: {  	v2 =	vshll.u32 v2, $0x10  }
0xd7: {  	v2 =	vor.u32 v3, v2  }
0xd8: {  	[tilespmem:s22+$0xA0] =	vst v2  }
0xd9: {  	v2 =	vld [tilespmem:s23+$0x2C50]  }
0xda: {  	v3 =	vld [tilespmem:s23+$0x450];
	_ =	sdelay $0x3  }
0xdb: {  	v2 =	vshll.u32 v2, $0x10  }
0xdc: {  	v2 =	vor.u32 v3, v2  }
0xdd: {  	[tilespmem:s22+$0xB0] =	vst v2  }
0xde: {  	v2 =	vld [tilespmem:s23+$0x2C60]  }
0xdf: {  	v3 =	vld [tilespmem:s23+$0x460];
	_ =	sdelay $0x3  }
0xe0: {  	v2 =	vshll.u32 v2, $0x10  }
0xe1: {  	v2 =	vor.u32 v3, v2  }
0xe2: {  	[tilespmem:s22+$0xC0] =	vst v2  }
0xe3: {  	v2 =	vld [tilespmem:s23+$0x2C70]  }
0xe4: {  	v3 =	vld [tilespmem:s23+$0x470];
	_ =	sdelay $0x3  }
0xe5: {  	v2 =	vshll.u32 v2, $0x10  }
0xe6: {  	v2 =	vor.u32 v3, v2  }
0xe7: {  	[tilespmem:s22+$0x100] =	vst v2  }
0xe8: {  	v2 =	vld [tilespmem:s23+$0x2C80]  }
0xe9: {  	v3 =	vld [tilespmem:s23+$0x480];
	_ =	sdelay $0x3  }
0xea: {  	v2 =	vshll.u32 v2, $0x10  }
0xeb: {  	v2 =	vor.u32 v3, v2  }
0xec: {  	[tilespmem:s22+$0x110] =	vst v2  }
0xed: {  	v2 =	vld [tilespmem:s23+$0x2C90]  }
0xee: {  	v3 =	vld [tilespmem:s23+$0x490];
	_ =	sdelay $0x3  }
0xef: {  	v2 =	vshll.u32 v2, $0x10  }
0xf0: {  	v2 =	vor.u32 v3, v2  }
0xf1: {  	[tilespmem:s22+$0x120] =	vst v2  }
0xf2: {  	v2 =	vld [tilespmem:s23+$0x2CA0]  }
0xf3: {  	v3 =	vld [tilespmem:s23+$0x4A0];
	_ =	sdelay $0x3  }
0xf4: {  	v2 =	vshll.u32 v2, $0x10  }
0xf5: {  	v2 =	vor.u32 v3, v2  }
0xf6: {  	[tilespmem:s22+$0x130] =	vst v2  }
0xf7: {  	v2 =	vld [tilespmem:s23+$0x2CB0]  }
0xf8: {  	v3 =	vld [tilespmem:s23+$0x4B0];
	_ =	sdelay $0x3  }
0xf9: {  	v2 =	vshll.u32 v2, $0x10  }
0xfa: {  	v2 =	vor.u32 v3, v2  }
0xfb: {  	[tilespmem:s22+$0x140] =	vst v2  }
0xfc: {  	v2 =	vld [tilespmem:s23+$0x2CC0]  }
0xfd: {  	v3 =	vld [tilespmem:s23+$0x4C0];
	_ =	sdelay $0x3  }
0xfe: {  	v2 =	vshll.u32 v2, $0x10  }
0xff: {  	v2 =	vor.u32 v3, v2  }
0x100: {  	[tilespmem:s22+$0x180] =	vst v2  }
0x101: {  	v2 =	vld [tilespmem:s23+$0x2CD0]  }
0x102: {  	v3 =	vld [tilespmem:s23+$0x4D0];
	_ =	sdelay $0x3  }
0x103: {  	v2 =	vshll.u32 v2, $0x10  }
0x104: {  	v2 =	vor.u32 v3, v2  }
0x105: {  	[tilespmem:s22+$0x190] =	vst v2  }
0x106: {  	v2 =	vld [tilespmem:s23+$0x2CE0]  }
0x107: {  	v3 =	vld [tilespmem:s23+$0x4E0];
	_ =	sdelay $0x3  }
0x108: {  	v2 =	vshll.u32 v2, $0x10  }
0x109: {  	v2 =	vor.u32 v3, v2  }
0x10a: {  	[tilespmem:s22+$0x1A0] =	vst v2  }
0x10b: {  	v2 =	vld [tilespmem:s23+$0x2CF0]  }
0x10c: {  	v3 =	vld [tilespmem:s23+$0x4F0];
	_ =	sdelay $0x3  }
0x10d: {  	v2 =	vshll.u32 v2, $0x10  }
0x10e: {  	v2 =	vor.u32 v3, v2  }
0x10f: {  	[tilespmem:s22+$0x1B0] =	vst v2  }
0x110: {  	v2 =	vld [tilespmem:s23+$0x2D00]  }
0x111: {  	v3 =	vld [tilespmem:s23+$0x500];
	_ =	sdelay $0x3  }
0x112: {  	v2 =	vshll.u32 v2, $0x10  }
0x113: {  	s26 =	simm.s32 $0x1DC0;
	s23 =	simm.s32 $0x13C0;
	v2 =	vor.u32 v3, v2  }
.LBB2_2:
0x114: {  	s25 =	sshra.s32 s23, $0x2  }
0x115: {  	[tilespmem:s22+$0x1C0] =	vst v2;
	s22 =	sadd.s32 $0x400, s22;
	s23 =	smov.u32 s26;
	s24 =	sadd.s32 $0xA00, s26  }
0x116: {  	p0 =	sne.s32 s26, $0x9FC0;
	v2 =	vld [tilespmem:s25+$0x2A90]  }
0x117: {  	v3 =	vld [tilespmem:s25+$0x290];
	_ =	sdelay $0x3  }
0x118: {  	v2 =	vshll.u32 v2, $0x10  }
0x119: {  	v2 =	vor.u32 v3, v2  }
0x11a: {  	[tilespmem:s22+$0xFFFFFE00] =	vst v2  }
0x11b: {  	v2 =	vld [tilespmem:s25+$0x2AA0]  }
0x11c: {  	v3 =	vld [tilespmem:s25+$0x2A0];
	_ =	sdelay $0x3  }
0x11d: {  	v2 =	vshll.u32 v2, $0x10  }
0x11e: {  	v2 =	vor.u32 v3, v2  }
0x11f: {  	[tilespmem:s22+$0xFFFFFE10] =	vst v2  }
0x120: {  	v2 =	vld [tilespmem:s25+$0x2AB0]  }
0x121: {  	v3 =	vld [tilespmem:s25+$0x2B0];
	_ =	sdelay $0x3  }
0x122: {  	v2 =	vshll.u32 v2, $0x10  }
0x123: {  	v2 =	vor.u32 v3, v2  }
0x124: {  	[tilespmem:s22+$0xFFFFFE20] =	vst v2  }
0x125: {  	v2 =	vld [tilespmem:s25+$0x2AC0]  }
0x126: {  	v3 =	vld [tilespmem:s25+$0x2C0];
	_ =	sdelay $0x3  }
0x127: {  	v2 =	vshll.u32 v2, $0x10  }
0x128: {  	v2 =	vor.u32 v3, v2  }
0x129: {  	[tilespmem:s22+$0xFFFFFE30] =	vst v2  }
0x12a: {  	v2 =	vld [tilespmem:s25+$0x2AD0]  }
0x12b: {  	v3 =	vld [tilespmem:s25+$0x2D0];
	_ =	sdelay $0x3  }
0x12c: {  	v2 =	vshll.u32 v2, $0x10  }
0x12d: {  	v2 =	vor.u32 v3, v2  }
0x12e: {  	[tilespmem:s22+$0xFFFFFE40] =	vst v2  }
0x12f: {  	v2 =	vld [tilespmem:s25+$0x2AE0]  }
0x130: {  	v3 =	vld [tilespmem:s25+$0x2E0];
	_ =	sdelay $0x3  }
0x131: {  	v2 =	vshll.u32 v2, $0x10  }
0x132: {  	v2 =	vor.u32 v3, v2  }
0x133: {  	[tilespmem:s22+$0xFFFFFE80] =	vst v2  }
0x134: {  	v2 =	vld [tilespmem:s25+$0x2AF0]  }
0x135: {  	v3 =	vld [tilespmem:s25+$0x2F0];
	_ =	sdelay $0x3  }
0x136: {  	v2 =	vshll.u32 v2, $0x10  }
0x137: {  	v2 =	vor.u32 v3, v2  }
0x138: {  	[tilespmem:s22+$0xFFFFFE90] =	vst v2  }
0x139: {  	v2 =	vld [tilespmem:s25+$0x2B00]  }
0x13a: {  	v3 =	vld [tilespmem:s25+$0x300];
	_ =	sdelay $0x3  }
0x13b: {  	v2 =	vshll.u32 v2, $0x10  }
0x13c: {  	v2 =	vor.u32 v3, v2  }
0x13d: {  	[tilespmem:s22+$0xFFFFFEA0] =	vst v2  }
0x13e: {  	v2 =	vld [tilespmem:s25+$0x2B10]  }
0x13f: {  	v3 =	vld [tilespmem:s25+$0x310];
	_ =	sdelay $0x3  }
0x140: {  	v2 =	vshll.u32 v2, $0x10  }
0x141: {  	v2 =	vor.u32 v3, v2  }
0x142: {  	[tilespmem:s22+$0xFFFFFEB0] =	vst v2  }
0x143: {  	v2 =	vld [tilespmem:s25+$0x2B20]  }
0x144: {  	v3 =	vld [tilespmem:s25+$0x320];
	_ =	sdelay $0x3  }
0x145: {  	v2 =	vshll.u32 v2, $0x10  }
0x146: {  	v2 =	vor.u32 v3, v2  }
0x147: {  	[tilespmem:s22+$0xFFFFFEC0] =	vst v2  }
0x148: {  	v2 =	vld [tilespmem:s25+$0x2B30]  }
0x149: {  	v3 =	vld [tilespmem:s25+$0x330];
	_ =	sdelay $0x3  }
0x14a: {  	v2 =	vshll.u32 v2, $0x10  }
0x14b: {  	v2 =	vor.u32 v3, v2  }
0x14c: {  	[tilespmem:s22+$0xFFFFFF00] =	vst v2  }
0x14d: {  	v2 =	vld [tilespmem:s25+$0x2B40]  }
0x14e: {  	v3 =	vld [tilespmem:s25+$0x340];
	_ =	sdelay $0x3  }
0x14f: {  	v2 =	vshll.u32 v2, $0x10  }
0x150: {  	v2 =	vor.u32 v3, v2  }
0x151: {  	[tilespmem:s22+$0xFFFFFF10] =	vst v2  }
0x152: {  	v2 =	vld [tilespmem:s25+$0x2B50]  }
0x153: {  	v3 =	vld [tilespmem:s25+$0x350];
	_ =	sdelay $0x3  }
0x154: {  	v2 =	vshll.u32 v2, $0x10  }
0x155: {  	v2 =	vor.u32 v3, v2  }
0x156: {  	[tilespmem:s22+$0xFFFFFF20] =	vst v2  }
0x157: {  	v2 =	vld [tilespmem:s25+$0x2B60]  }
0x158: {  	v3 =	vld [tilespmem:s25+$0x360];
	_ =	sdelay $0x3  }
0x159: {  	v2 =	vshll.u32 v2, $0x10  }
0x15a: {  	v2 =	vor.u32 v3, v2  }
0x15b: {  	[tilespmem:s22+$0xFFFFFF30] =	vst v2  }
0x15c: {  	v2 =	vld [tilespmem:s25+$0x2B70]  }
0x15d: {  	v3 =	vld [tilespmem:s25+$0x370];
	_ =	sdelay $0x3  }
0x15e: {  	v2 =	vshll.u32 v2, $0x10  }
0x15f: {  	v2 =	vor.u32 v3, v2  }
0x160: {  	[tilespmem:s22+$0xFFFFFF40] =	vst v2  }
0x161: {  	v2 =	vld [tilespmem:s25+$0x2B80]  }
0x162: {  	v3 =	vld [tilespmem:s25+$0x380];
	_ =	sdelay $0x3  }
0x163: {  	v2 =	vshll.u32 v2, $0x10  }
0x164: {  	v2 =	vor.u32 v3, v2  }
0x165: {  	[tilespmem:s22+$0xFFFFFF80] =	vst v2  }
0x166: {  	v2 =	vld [tilespmem:s25+$0x2B90]  }
0x167: {  	v3 =	vld [tilespmem:s25+$0x390];
	_ =	sdelay $0x3  }
0x168: {  	v2 =	vshll.u32 v2, $0x10  }
0x169: {  	v2 =	vor.u32 v3, v2  }
0x16a: {  	[tilespmem:s22+$0xFFFFFF90] =	vst v2  }
0x16b: {  	v2 =	vld [tilespmem:s25+$0x2BA0]  }
0x16c: {  	v3 =	vld [tilespmem:s25+$0x3A0];
	_ =	sdelay $0x3  }
0x16d: {  	v2 =	vshll.u32 v2, $0x10  }
0x16e: {  	v2 =	vor.u32 v3, v2  }
0x16f: {  	[tilespmem:s22+$0xFFFFFFA0] =	vst v2  }
0x170: {  	v2 =	vld [tilespmem:s25+$0x2BB0]  }
0x171: {  	v3 =	vld [tilespmem:s25+$0x3B0];
	_ =	sdelay $0x3  }
0x172: {  	v2 =	vshll.u32 v2, $0x10  }
0x173: {  	v2 =	vor.u32 v3, v2  }
0x174: {  	[tilespmem:s22+$0xFFFFFFB0] =	vst v2  }
0x175: {  	v2 =	vld [tilespmem:s25+$0x2BC0]  }
0x176: {  	v3 =	vld [tilespmem:s25+$0x3C0];
	_ =	sdelay $0x3  }
0x177: {  	v2 =	vshll.u32 v2, $0x10  }
0x178: {  	v2 =	vor.u32 v3, v2  }
0x179: {  	[tilespmem:s22+$0xFFFFFFC0] =	vst v2  }
0x17a: {  	v2 =	vld [tilespmem:s25+$0x2BD0]  }
0x17b: {  	v3 =	vld [tilespmem:s25+$0x3D0];
	_ =	sdelay $0x3  }
0x17c: {  	v2 =	vshll.u32 v2, $0x10  }
0x17d: {  	v2 =	vor.u32 v3, v2  }
0x17e: {  	[tilespmem:s22+$0x0] =	vst v2  }
0x17f: {  	v2 =	vld [tilespmem:s25+$0x2BE0]  }
0x180: {  	v3 =	vld [tilespmem:s25+$0x3E0];
	_ =	sdelay $0x3  }
0x181: {  	v2 =	vshll.u32 v2, $0x10  }
0x182: {  	v2 =	vor.u32 v3, v2  }
0x183: {  	[tilespmem:s22+$0x10] =	vst v2  }
0x184: {  	v2 =	vld [tilespmem:s25+$0x2BF0]  }
0x185: {  	v3 =	vld [tilespmem:s25+$0x3F0];
	_ =	sdelay $0x3  }
0x186: {  	v2 =	vshll.u32 v2, $0x10  }
0x187: {  	v2 =	vor.u32 v3, v2  }
0x188: {  	[tilespmem:s22+$0x20] =	vst v2  }
0x189: {  	v2 =	vld [tilespmem:s25+$0x2C00]  }
0x18a: {  	v3 =	vld [tilespmem:s25+$0x400];
	_ =	sdelay $0x3  }
0x18b: {  	v2 =	vshll.u32 v2, $0x10  }
0x18c: {  	v2 =	vor.u32 v3, v2  }
0x18d: {  	[tilespmem:s22+$0x30] =	vst v2  }
0x18e: {  	v2 =	vld [tilespmem:s25+$0x2C10]  }
0x18f: {  	v3 =	vld [tilespmem:s25+$0x410];
	_ =	sdelay $0x3  }
0x190: {  	v2 =	vshll.u32 v2, $0x10  }
0x191: {  	v2 =	vor.u32 v3, v2  }
0x192: {  	[tilespmem:s22+$0x40] =	vst v2  }
0x193: {  	v2 =	vld [tilespmem:s25+$0x2C20]  }
0x194: {  	v3 =	vld [tilespmem:s25+$0x420];
	_ =	sdelay $0x3  }
0x195: {  	v2 =	vshll.u32 v2, $0x10  }
0x196: {  	v2 =	vor.u32 v3, v2  }
0x197: {  	[tilespmem:s22+$0x80] =	vst v2  }
0x198: {  	v2 =	vld [tilespmem:s25+$0x2C30]  }
0x199: {  	v3 =	vld [tilespmem:s25+$0x430];
	_ =	sdelay $0x3  }
0x19a: {  	v2 =	vshll.u32 v2, $0x10  }
0x19b: {  	v2 =	vor.u32 v3, v2  }
0x19c: {  	[tilespmem:s22+$0x90] =	vst v2  }
0x19d: {  	v2 =	vld [tilespmem:s25+$0x2C40]  }
0x19e: {  	v3 =	vld [tilespmem:s25+$0x440];
	_ =	sdelay $0x3  }
0x19f: {  	v2 =	vshll.u32 v2, $0x10  }
0x1a0: {  	v2 =	vor.u32 v3, v2  }
0x1a1: {  	[tilespmem:s22+$0xA0] =	vst v2  }
0x1a2: {  	v2 =	vld [tilespmem:s25+$0x2C50]  }
0x1a3: {  	v3 =	vld [tilespmem:s25+$0x450];
	_ =	sdelay $0x3  }
0x1a4: {  	v2 =	vshll.u32 v2, $0x10  }
0x1a5: {  	v2 =	vor.u32 v3, v2  }
0x1a6: {  	[tilespmem:s22+$0xB0] =	vst v2  }
0x1a7: {  	v2 =	vld [tilespmem:s25+$0x2C60]  }
0x1a8: {  	v3 =	vld [tilespmem:s25+$0x460];
	_ =	sdelay $0x3  }
0x1a9: {  	v2 =	vshll.u32 v2, $0x10  }
0x1aa: {  	v2 =	vor.u32 v3, v2  }
0x1ab: {  	[tilespmem:s22+$0xC0] =	vst v2  }
0x1ac: {  	v2 =	vld [tilespmem:s25+$0x2C70]  }
0x1ad: {  	v3 =	vld [tilespmem:s25+$0x470];
	_ =	sdelay $0x3  }
0x1ae: {  	v2 =	vshll.u32 v2, $0x10  }
0x1af: {  	v2 =	vor.u32 v3, v2  }
0x1b0: {  	[tilespmem:s22+$0x100] =	vst v2  }
0x1b1: {  	v2 =	vld [tilespmem:s25+$0x2C80]  }
0x1b2: {  	v3 =	vld [tilespmem:s25+$0x480];
	_ =	sdelay $0x3  }
0x1b3: {  	v2 =	vshll.u32 v2, $0x10  }
0x1b4: {  	v2 =	vor.u32 v3, v2  }
0x1b5: {  	[tilespmem:s22+$0x110] =	vst v2  }
0x1b6: {  	v2 =	vld [tilespmem:s25+$0x2C90]  }
0x1b7: {  	v3 =	vld [tilespmem:s25+$0x490];
	_ =	sdelay $0x3  }
0x1b8: {  	v2 =	vshll.u32 v2, $0x10  }
0x1b9: {  	v2 =	vor.u32 v3, v2  }
0x1ba: {  	[tilespmem:s22+$0x120] =	vst v2  }
0x1bb: {  	v2 =	vld [tilespmem:s25+$0x2CA0]  }
0x1bc: {  	v3 =	vld [tilespmem:s25+$0x4A0];
	_ =	sdelay $0x3  }
0x1bd: {  	v2 =	vshll.u32 v2, $0x10  }
0x1be: {  	v2 =	vor.u32 v3, v2  }
0x1bf: {  	[tilespmem:s22+$0x130] =	vst v2  }
0x1c0: {  	v2 =	vld [tilespmem:s25+$0x2CB0]  }
0x1c1: {  	v3 =	vld [tilespmem:s25+$0x4B0];
	_ =	sdelay $0x3  }
0x1c2: {  	v2 =	vshll.u32 v2, $0x10  }
0x1c3: {  	v2 =	vor.u32 v3, v2  }
0x1c4: {  	[tilespmem:s22+$0x140] =	vst v2  }
0x1c5: {  	v2 =	vld [tilespmem:s25+$0x2CC0]  }
0x1c6: {  	v3 =	vld [tilespmem:s25+$0x4C0];
	_ =	sdelay $0x3  }
0x1c7: {  	v2 =	vshll.u32 v2, $0x10  }
0x1c8: {  	v2 =	vor.u32 v3, v2  }
0x1c9: {  	[tilespmem:s22+$0x180] =	vst v2  }
0x1ca: {  	v2 =	vld [tilespmem:s25+$0x2CD0]  }
0x1cb: {  	v3 =	vld [tilespmem:s25+$0x4D0];
	_ =	sdelay $0x3  }
0x1cc: {  	v2 =	vshll.u32 v2, $0x10  }
0x1cd: {  	v2 =	vor.u32 v3, v2  }
0x1ce: {  	[tilespmem:s22+$0x190] =	vst v2  }
0x1cf: {  	v2 =	vld [tilespmem:s25+$0x2CE0]  }
0x1d0: {  	v3 =	vld [tilespmem:s25+$0x4E0];
	_ =	sdelay $0x3  }
0x1d1: {  	v2 =	vshll.u32 v2, $0x10  }
0x1d2: {  	v2 =	vor.u32 v3, v2  }
0x1d3: {  	[tilespmem:s22+$0x1A0] =	vst v2  }
0x1d4: {  	v2 =	vld [tilespmem:s25+$0x2CF0]  }
0x1d5: {  	v3 =	vld [tilespmem:s25+$0x4F0];
	_ =	sdelay $0x3  }
0x1d6: {  	v2 =	vshll.u32 v2, $0x10  }
0x1d7: {  	v2 =	vor.u32 v3, v2  }
0x1d8: {  	[tilespmem:s22+$0x1B0] =	vst v2  }
0x1d9: {  	v2 =	vld [tilespmem:s25+$0x2D00]  }
0x1da: {  	v3 =	vld [tilespmem:s25+$0x500]  }
.Ltmp0:
0x1db: {  	(pc) =	sbr.rel @p0 .LBB2_2-.Ltmp0, $3  }
0x1dc: {  	_ =	sdelay $0x1  }
0x1dd: {  	v2 =	vshll.u32 v2, $0x10  }
0x1de: {  	s26 =	smov.u32 s24;
	v2 =	vor.u32 v3, v2  }
0x1df: {  	s23 =	sshra.s32 s23, $0x2;
	[tilespmem:s22+$0x1C0] =	vst v2  }
0x1e0: {  	v2 =	vld [tilespmem:s23+$0x2A90]  }
0x1e1: {  	v3 =	vld [tilespmem:s23+$0x290];
	_ =	sdelay $0x3  }
0x1e2: {  	v2 =	vshll.u32 v2, $0x10  }
0x1e3: {  	s29 =	sadd.s32 $0x400, s22;
	v2 =	vor.u32 v3, v2  }
0x1e4: {  	[tilespmem:s29+$0xFFFFFE00] =	vst v2  }
0x1e5: {  	v2 =	vld [tilespmem:s23+$0x2AA0]  }
0x1e6: {  	v3 =	vld [tilespmem:s23+$0x2A0];
	_ =	sdelay $0x3  }
0x1e7: {  	v2 =	vshll.u32 v2, $0x10  }
0x1e8: {  	v2 =	vor.u32 v3, v2  }
0x1e9: {  	[tilespmem:s29+$0xFFFFFE10] =	vst v2  }
0x1ea: {  	v2 =	vld [tilespmem:s23+$0x2AB0]  }
0x1eb: {  	v3 =	vld [tilespmem:s23+$0x2B0];
	_ =	sdelay $0x3  }
0x1ec: {  	v2 =	vshll.u32 v2, $0x10  }
0x1ed: {  	v2 =	vor.u32 v3, v2  }
0x1ee: {  	[tilespmem:s29+$0xFFFFFE20] =	vst v2  }
0x1ef: {  	v2 =	vld [tilespmem:s23+$0x2AC0]  }
0x1f0: {  	v3 =	vld [tilespmem:s23+$0x2C0];
	_ =	sdelay $0x3  }
0x1f1: {  	v2 =	vshll.u32 v2, $0x10  }
0x1f2: {  	v2 =	vor.u32 v3, v2  }
0x1f3: {  	[tilespmem:s29+$0xFFFFFE30] =	vst v2  }
0x1f4: {  	v2 =	vld [tilespmem:s23+$0x2AD0]  }
0x1f5: {  	v3 =	vld [tilespmem:s23+$0x2D0];
	_ =	sdelay $0x3  }
0x1f6: {  	v2 =	vshll.u32 v2, $0x10  }
0x1f7: {  	v2 =	vor.u32 v3, v2  }
0x1f8: {  	[tilespmem:s29+$0xFFFFFE40] =	vst v2  }
0x1f9: {  	v2 =	vld [tilespmem:s23+$0x2AE0]  }
0x1fa: {  	v3 =	vld [tilespmem:s23+$0x2E0];
	_ =	sdelay $0x3  }
0x1fb: {  	v2 =	vshll.u32 v2, $0x10  }
0x1fc: {  	v2 =	vor.u32 v3, v2  }
0x1fd: {  	[tilespmem:s29+$0xFFFFFE80] =	vst v2  }
0x1fe: {  	v2 =	vld [tilespmem:s23+$0x2AF0]  }
0x1ff: {  	v3 =	vld [tilespmem:s23+$0x2F0];
	_ =	sdelay $0x3  }
0x200: {  	v2 =	vshll.u32 v2, $0x10  }
0x201: {  	v2 =	vor.u32 v3, v2  }
0x202: {  	[tilespmem:s29+$0xFFFFFE90] =	vst v2  }
0x203: {  	v2 =	vld [tilespmem:s23+$0x2B00]  }
0x204: {  	v3 =	vld [tilespmem:s23+$0x300];
	_ =	sdelay $0x3  }
0x205: {  	v2 =	vshll.u32 v2, $0x10  }
0x206: {  	v2 =	vor.u32 v3, v2  }
0x207: {  	[tilespmem:s29+$0xFFFFFEA0] =	vst v2  }
0x208: {  	v2 =	vld [tilespmem:s23+$0x2B10]  }
0x209: {  	v3 =	vld [tilespmem:s23+$0x310];
	_ =	sdelay $0x3  }
0x20a: {  	v2 =	vshll.u32 v2, $0x10  }
0x20b: {  	v2 =	vor.u32 v3, v2  }
0x20c: {  	[tilespmem:s29+$0xFFFFFEB0] =	vst v2  }
0x20d: {  	v2 =	vld [tilespmem:s23+$0x2B20]  }
0x20e: {  	v3 =	vld [tilespmem:s23+$0x320];
	_ =	sdelay $0x3  }
0x20f: {  	v2 =	vshll.u32 v2, $0x10  }
0x210: {  	v2 =	vor.u32 v3, v2  }
0x211: {  	[tilespmem:s29+$0xFFFFFEC0] =	vst v2  }
0x212: {  	v2 =	vld [tilespmem:s23+$0x2B30]  }
0x213: {  	v3 =	vld [tilespmem:s23+$0x330];
	_ =	sdelay $0x3  }
0x214: {  	v2 =	vshll.u32 v2, $0x10  }
0x215: {  	v2 =	vor.u32 v3, v2  }
0x216: {  	[tilespmem:s29+$0xFFFFFF00] =	vst v2  }
0x217: {  	v2 =	vld [tilespmem:s23+$0x2B40]  }
0x218: {  	v3 =	vld [tilespmem:s23+$0x340];
	_ =	sdelay $0x3  }
0x219: {  	v2 =	vshll.u32 v2, $0x10  }
0x21a: {  	v2 =	vor.u32 v3, v2  }
0x21b: {  	[tilespmem:s29+$0xFFFFFF10] =	vst v2  }
0x21c: {  	v2 =	vld [tilespmem:s23+$0x2B50]  }
0x21d: {  	v3 =	vld [tilespmem:s23+$0x350];
	_ =	sdelay $0x3  }
0x21e: {  	v2 =	vshll.u32 v2, $0x10  }
0x21f: {  	v2 =	vor.u32 v3, v2  }
0x220: {  	[tilespmem:s29+$0xFFFFFF20] =	vst v2  }
0x221: {  	v2 =	vld [tilespmem:s23+$0x2B60]  }
0x222: {  	v3 =	vld [tilespmem:s23+$0x360];
	_ =	sdelay $0x3  }
0x223: {  	v2 =	vshll.u32 v2, $0x10  }
0x224: {  	v2 =	vor.u32 v3, v2  }
0x225: {  	[tilespmem:s29+$0xFFFFFF30] =	vst v2  }
0x226: {  	v2 =	vld [tilespmem:s23+$0x2B70]  }
0x227: {  	v3 =	vld [tilespmem:s23+$0x370];
	_ =	sdelay $0x3  }
0x228: {  	v2 =	vshll.u32 v2, $0x10  }
0x229: {  	v2 =	vor.u32 v3, v2  }
0x22a: {  	[tilespmem:s29+$0xFFFFFF40] =	vst v2  }
0x22b: {  	v2 =	vld [tilespmem:s23+$0x2B80]  }
0x22c: {  	v3 =	vld [tilespmem:s23+$0x380];
	_ =	sdelay $0x3  }
0x22d: {  	v2 =	vshll.u32 v2, $0x10  }
0x22e: {  	v2 =	vor.u32 v3, v2  }
0x22f: {  	[tilespmem:s29+$0xFFFFFF80] =	vst v2  }
0x230: {  	v2 =	vld [tilespmem:s23+$0x2B90]  }
0x231: {  	v3 =	vld [tilespmem:s23+$0x390];
	_ =	sdelay $0x3  }
0x232: {  	v2 =	vshll.u32 v2, $0x10  }
0x233: {  	v2 =	vor.u32 v3, v2  }
0x234: {  	[tilespmem:s29+$0xFFFFFF90] =	vst v2  }
0x235: {  	v2 =	vld [tilespmem:s23+$0x2BA0]  }
0x236: {  	v3 =	vld [tilespmem:s23+$0x3A0];
	_ =	sdelay $0x3  }
0x237: {  	v2 =	vshll.u32 v2, $0x10  }
0x238: {  	v2 =	vor.u32 v3, v2  }
0x239: {  	[tilespmem:s29+$0xFFFFFFA0] =	vst v2  }
0x23a: {  	v2 =	vld [tilespmem:s23+$0x2BB0]  }
0x23b: {  	v3 =	vld [tilespmem:s23+$0x3B0];
	_ =	sdelay $0x3  }
0x23c: {  	v2 =	vshll.u32 v2, $0x10  }
0x23d: {  	v2 =	vor.u32 v3, v2  }
0x23e: {  	[tilespmem:s29+$0xFFFFFFB0] =	vst v2  }
0x23f: {  	v2 =	vld [tilespmem:s23+$0x2BC0]  }
0x240: {  	v3 =	vld [tilespmem:s23+$0x3C0];
	_ =	sdelay $0x3  }
0x241: {  	v2 =	vshll.u32 v2, $0x10  }
0x242: {  	v2 =	vor.u32 v3, v2  }
0x243: {  	[tilespmem:s29+$0xFFFFFFC0] =	vst v2  }
0x244: {  	v2 =	vld [tilespmem:s23+$0x2BD0]  }
0x245: {  	v3 =	vld [tilespmem:s23+$0x3D0];
	_ =	sdelay $0x3  }
0x246: {  	v2 =	vshll.u32 v2, $0x10  }
0x247: {  	v2 =	vor.u32 v3, v2  }
0x248: {  	[tilespmem:s29+$0x0] =	vst v2  }
0x249: {  	v2 =	vld [tilespmem:s23+$0x2BE0]  }
0x24a: {  	v3 =	vld [tilespmem:s23+$0x3E0];
	_ =	sdelay $0x3  }
0x24b: {  	v2 =	vshll.u32 v2, $0x10  }
0x24c: {  	v2 =	vor.u32 v3, v2  }
0x24d: {  	[tilespmem:s29+$0x10] =	vst v2  }
0x24e: {  	v2 =	vld [tilespmem:s23+$0x2BF0]  }
0x24f: {  	v3 =	vld [tilespmem:s23+$0x3F0];
	_ =	sdelay $0x3  }
0x250: {  	v2 =	vshll.u32 v2, $0x10  }
0x251: {  	v2 =	vor.u32 v3, v2  }
0x252: {  	[tilespmem:s29+$0x20] =	vst v2  }
0x253: {  	v2 =	vld [tilespmem:s23+$0x2C00]  }
0x254: {  	v3 =	vld [tilespmem:s23+$0x400];
	_ =	sdelay $0x3  }
0x255: {  	v2 =	vshll.u32 v2, $0x10  }
0x256: {  	v2 =	vor.u32 v3, v2  }
0x257: {  	[tilespmem:s29+$0x30] =	vst v2  }
0x258: {  	v2 =	vld [tilespmem:s23+$0x2C10]  }
0x259: {  	v3 =	vld [tilespmem:s23+$0x410];
	_ =	sdelay $0x3  }
0x25a: {  	v2 =	vshll.u32 v2, $0x10  }
0x25b: {  	v2 =	vor.u32 v3, v2  }
0x25c: {  	[tilespmem:s29+$0x40] =	vst v2  }
0x25d: {  	v2 =	vld [tilespmem:s23+$0x2C20]  }
0x25e: {  	v3 =	vld [tilespmem:s23+$0x420];
	_ =	sdelay $0x3  }
0x25f: {  	v2 =	vshll.u32 v2, $0x10  }
0x260: {  	v2 =	vor.u32 v3, v2  }
0x261: {  	[tilespmem:s29+$0x80] =	vst v2  }
0x262: {  	v2 =	vld [tilespmem:s23+$0x2C30]  }
0x263: {  	v3 =	vld [tilespmem:s23+$0x430];
	_ =	sdelay $0x3  }
0x264: {  	v2 =	vshll.u32 v2, $0x10  }
0x265: {  	v2 =	vor.u32 v3, v2  }
0x266: {  	[tilespmem:s29+$0x90] =	vst v2  }
0x267: {  	v2 =	vld [tilespmem:s23+$0x2C40]  }
0x268: {  	v3 =	vld [tilespmem:s23+$0x440];
	_ =	sdelay $0x3  }
0x269: {  	v2 =	vshll.u32 v2, $0x10  }
0x26a: {  	v2 =	vor.u32 v3, v2  }
0x26b: {  	[tilespmem:s29+$0xA0] =	vst v2  }
0x26c: {  	v2 =	vld [tilespmem:s23+$0x2C50]  }
0x26d: {  	v3 =	vld [tilespmem:s23+$0x450];
	_ =	sdelay $0x3  }
0x26e: {  	v2 =	vshll.u32 v2, $0x10  }
0x26f: {  	v2 =	vor.u32 v3, v2  }
0x270: {  	[tilespmem:s29+$0xB0] =	vst v2  }
0x271: {  	v2 =	vld [tilespmem:s23+$0x2C60]  }
0x272: {  	v3 =	vld [tilespmem:s23+$0x460];
	_ =	sdelay $0x3  }
0x273: {  	v2 =	vshll.u32 v2, $0x10  }
0x274: {  	v2 =	vor.u32 v3, v2  }
0x275: {  	[tilespmem:s29+$0xC0] =	vst v2  }
0x276: {  	v2 =	vld [tilespmem:s23+$0x2C70]  }
0x277: {  	v3 =	vld [tilespmem:s23+$0x470];
	_ =	sdelay $0x3  }
0x278: {  	v2 =	vshll.u32 v2, $0x10  }
0x279: {  	v2 =	vor.u32 v3, v2  }
0x27a: {  	[tilespmem:s29+$0x100] =	vst v2  }
0x27b: {  	v2 =	vld [tilespmem:s23+$0x2C80]  }
0x27c: {  	v3 =	vld [tilespmem:s23+$0x480];
	_ =	sdelay $0x3  }
0x27d: {  	v2 =	vshll.u32 v2, $0x10  }
0x27e: {  	v2 =	vor.u32 v3, v2  }
0x27f: {  	[tilespmem:s29+$0x110] =	vst v2  }
0x280: {  	v2 =	vld [tilespmem:s23+$0x2C90]  }
0x281: {  	v3 =	vld [tilespmem:s23+$0x490];
	_ =	sdelay $0x3  }
0x282: {  	v2 =	vshll.u32 v2, $0x10  }
0x283: {  	v2 =	vor.u32 v3, v2  }
0x284: {  	[tilespmem:s29+$0x120] =	vst v2  }
0x285: {  	v2 =	vld [tilespmem:s23+$0x2CA0]  }
0x286: {  	v3 =	vld [tilespmem:s23+$0x4A0];
	_ =	sdelay $0x3  }
0x287: {  	v2 =	vshll.u32 v2, $0x10  }
0x288: {  	v2 =	vor.u32 v3, v2  }
0x289: {  	[tilespmem:s29+$0x130] =	vst v2  }
0x28a: {  	v2 =	vld [tilespmem:s23+$0x2CB0]  }
0x28b: {  	v3 =	vld [tilespmem:s23+$0x4B0];
	_ =	sdelay $0x3  }
0x28c: {  	v2 =	vshll.u32 v2, $0x10  }
0x28d: {  	v2 =	vor.u32 v3, v2  }
0x28e: {  	[tilespmem:s29+$0x140] =	vst v2  }
0x28f: {  	v2 =	vld [tilespmem:s23+$0x2CC0]  }
0x290: {  	v3 =	vld [tilespmem:s23+$0x4C0];
	_ =	sdelay $0x3  }
0x291: {  	v2 =	vshll.u32 v2, $0x10  }
0x292: {  	v2 =	vor.u32 v3, v2  }
0x293: {  	[tilespmem:s29+$0x180] =	vst v2  }
0x294: {  	v2 =	vld [tilespmem:s23+$0x2CD0]  }
0x295: {  	v3 =	vld [tilespmem:s23+$0x4D0];
	_ =	sdelay $0x3  }
0x296: {  	v2 =	vshll.u32 v2, $0x10  }
0x297: {  	v2 =	vor.u32 v3, v2  }
0x298: {  	[tilespmem:s29+$0x190] =	vst v2  }
0x299: {  	v2 =	vld [tilespmem:s23+$0x2CE0]  }
0x29a: {  	v3 =	vld [tilespmem:s23+$0x4E0];
	_ =	sdelay $0x3  }
0x29b: {  	v2 =	vshll.u32 v2, $0x10  }
0x29c: {  	v2 =	vor.u32 v3, v2  }
0x29d: {  	[tilespmem:s29+$0x1A0] =	vst v2  }
0x29e: {  	v2 =	vld [tilespmem:s23+$0x2CF0]  }
0x29f: {  	v3 =	vld [tilespmem:s23+$0x4F0];
	_ =	sdelay $0x3  }
0x2a0: {  	v2 =	vshll.u32 v2, $0x10  }
0x2a1: {  	v2 =	vor.u32 v3, v2  }
0x2a2: {  	[tilespmem:s29+$0x1B0] =	vst v2  }
0x2a3: {  	v2 =	vld [tilespmem:s23+$0x2D00]  }
0x2a4: {  	v3 =	vld [tilespmem:s23+$0x500];
	_ =	sdelay $0x3  }
0x2a5: {  	v2 =	vshll.u32 v2, $0x10  }
0x2a6: {  	v2 =	vor.u32 v3, v2  }
0x2a7: {  	s30 =	simm.s32 $0x0;
	[tilespmem:s29+$0x1C0] =	vst v2  }
0x2a8: {  	[hbm4b:s7+s30] =	stream.linear.scatter [tilespmem:s14], [sflag:$0x1], $0x4000, $0x38;
	[tilespmem:$0x9580] =	vst v63  }
0x2a9: {  	_ =	swait.ge [sflag:s11], $0x4000  }
0x2aa: {  	[sflag:s11] =	ssyncset.done $0x0  }
0x2ab: {  	[sflag:s11] =	ssyncadd.s32 $0xFFFFC000  }
0x2ac: {  	s31 =	simm.s32 $0x2D00;
	[bflag:$0x0] =	sbarrier.arrive $0xFFFF  }
0x2ad: {  	[spmem:s2] =	stream.indirect.scatter.add.f32 [tilespmem:s16], [sflag:$0x1], $0x1, s31, s15, $0xb8;
	[tilespmem:$0x9580] =	vst v63  }
0x2ae: {  	s22 =	simm.s32 $0x200;
	_ =	swait.ge [sflag:s11], $0x80  }
.LBB2_4:
0x2af: {  	s23 =	sshra.s32 s22, $0x2;
	[sflag:s11] =	ssyncset.done $0x0;
	p0 =	sne.s32 s22, $0x9E00  }
.Ltmp1:
0x2b0: {  	s23 =	sadd.s32 $0x2D00, s23;
	[sflag:s11] =	ssyncadd.s32 $0xFFFFFF80;
	(pc) =	sbr.rel @p0 .LBB2_4-.Ltmp1, $3  }
0x2b1: {  	[spmem:s2] =	stream.indirect.scatter.add.f32 [tilespmem:s16], [sflag:$0x1], $0x1, s23, s15, $0xb8;
	[tilespmem:$0x9580] =	vst v63  }
0x2b2: {  	s22 =	sadd.s32 $0x200, s22;
	_ =	sdelay $0x1  }
0x2b3: {  	_ =	swait.ge [sflag:s11], $0x80  }
0x2b4: {  	[sflag:s11] =	ssyncset.done $0x0;
	s21 =	sadd.s32 $0x1, s21  }
0x2b5: {  	[sflag:s11] =	ssyncadd.s32 $0xFFFFFF80;
	p0 =	sne.s32 s21, s9  }
.Ltmp2:
0x2b6: {  	[bflag:$0x0] =	sbarrier.arrive $0xFFFF;
	(pc) =	sbr.rel @p0 .LBB2_1-.Ltmp2, $4  }
0x2b7: {  	[hbm:s8@s19], [sflag:s17] =	dma.strided [spmem:s18@s20], $0x50, s11, $0x10   }
0x2b8: {  	_ =	swait.ge [sflag:s11], $0x50  }
0x2b9: {  	[sflag:s11] =	ssyncset.done $0x0  }
0x2ba: {  	[sflag:s11] =	ssyncadd.s32 $0xFFFFFFB0  }
0x2bb: {  	_ =	sfence.sel $0x180000  }
0x2bc: {  	[bflag:$0x0] =	sbarrier.arrive $0xFFFF  }
0x2bd: {  	p0 =	sne.s32 s1, $0x0;
	_ =	strace $0x90000047  }
0x2be: {  	s0 =	sadd.s32 @!p0 $0x100000, s0;
	[bflag:$0x2] =	sbarrier.arrive $0xFFFF  }
0x2bf: {  	[sflag:s0] =	ssyncadd.tile.s32 @!p0 $0x1;
	_ =	shalt  }
.Lfunc_end2:
_tile_overlayer_lowered:
.L_overlay_start_2:
0x2c0: {  	(tag) =	ssettag $0x2  }
0x2c1: {  	s0 =	rddreg [dreg:$0x0];
	s2 =	stileid.u32  }
0x2c2: {  	s1 =	rddreg [dreg:$0x1];
	p0 =	sne.s32 s2, $0x0  }
0x2c3: {  	s3 =	rddreg [dreg:$0x2];
	[bflag:$0x3] =	sbarrier.arrive $0xFFFF;
	s2 =	simm.s32 @!p0 $0x1C01  }
0x2c4: {  	[timem:s3], [sflag:s2] =	dma.local @!p0 [hbm:s0], s1  }
0x2c5: {  	s0 =	simm.s32 @!p0 $0x1  }
0x2c6: {  	_ =	swait.ge @!p0 [sflag:s0], s1  }
0x2c7: {  	s1 =	ssub.s32 @!p0 $0x0, s1;
	[sflag:s0] =	ssyncset.done @!p0 $0x0  }
0x2c8: {  	[sflag:s0] =	ssyncadd.s32 @!p0 s1  }
0x2c9: {  	[bflag:$0x3] =	sbarrier.arrive $0xFFFF  }
0x2ca: {  	_ =	shalt  }

// kernel: kernel.13.cloned.1.call-start
scs
__scs_entry_jumppad:
0x0: {  	(pc) =	sbr.rel $0x88, $3  }
0x1: {  	(tag) =	ssettag $0x0;
	lr =	simm.s32 $0x1  }
0x2: {  	[smem:$0x3F8F] =	sst lr;
	_ =	strace $0xD0000000  }
0x3: {  	_ = 	snop  }
0x4: {  	_ = 	snop  }
0x5: {  	_ = 	snop  }
0x6: {  	_ = 	snop  }
0x7: {  	_ = 	snop  }
__scs_overlays_trampoline_lowered:
0x8: {  	[smem:$0x3F9E] =	sst s0  }
0x9: {  	[smem:$0x3F9F] =	sst s1  }
0xa: {  	[smem:$0x3FA0] =	sst s2  }
0xb: {  	[smem:$0x3FA1] =	sst s3  }
0xc: {  	[smem:$0x3FA2] =	sst s4  }
0xd: {  	[smem:$0x3FA3] =	sst s5  }
0xe: {  	[smem:$0x3FA4] =	sst s6  }
0xf: {  	[smem:$0x3FA5] =	sst s7  }
0x10: {  	[smem:$0x3FA6] =	sst s8  }
0x11: {  	[smem:$0x3FA7] =	sst s9;
	s0 =	simm.s32 @!p0 $0x0  }
0x12: {  	s1 =	sld [smem:$0x3F8D];
	s0 =	simm.s32 @p0 $0x1  }
0x13: {  	[smem:$0x3FA8] =	sst s0;
	s0 =	simm.s32 @!p1 $0x0  }
0x14: {  	s2 =	sld [smem:$0x3F8C];
	s0 =	simm.s32 @p1 $0x1  }
0x15: {  	[smem:$0x3FA9] =	sst s0;
	s0 =	simm.s32 @!p2 $0x0  }
0x16: {  	s3 =	sld [smem:$0x3FDB];
	s0 =	simm.s32 @p2 $0x1  }
0x17: {  	s4 =	simm.s32 $0x1BF5;
	[smem:$0x3FAB] =	sst s0  }
0x18: {  	s0 =	sld [smem:$0x3F8E];
	_ =	swait.ge [sflag:s4], $0x0  }
0x19: {  	s7 =	sld [smem:$0x3F8F]  }
0x1a: {  	s8 =	sadd.s32 $0xFFFFE003, lr  }
0x1b: {  	s9 =	sadd.s32 $0xFFFFFEF7, lr;
	s5 =	simm.s32 $0xFFFFFFFF;
	p2 =	slt.u32 s8, $0xFFFFF086  }
0x1c: {  	p1 =	slt.u32 s9, $0xF7A;
	s5 =	simm.s32 @!p2 $0x0  }
0x1d: {  	s5 =	simm.s32 @p1 $0x1;
	p0 =	seq.s32 s7, s2  }
0x1e: {  	s7 =	smul.u32 @!p0 $0xF7A, s2;
	p2 =	seq.s32 @!p0 s5, $0x0  }
0x1f: {  	s9 =	smul.u32 $0xF7A, s1;
	s8 =	simm.s32 @!p0 $0x1BF5;
	p2 =	por !p2, p0  }
0x20: {  	[sflag:s8] =	ssyncset.s32 @!p0 $0xFFFFF086;
	s6 =	sadd.s32 @!p0 s3, s7;
	s7 =	simm.s32 @!p0 $0x108  }
0x21: {  	s3 =	sadd.s32 s3, s9;
	s6 =	sadd.s32 @!p0 $0x88, s6;
	s7 =	simm.s32 @p2 $0x1082  }
0x22: {  	[simem:s7], [sflag:s8] =	dma.local @!p0 [hbm:s6], $0xF7A  }
0x23: {  	s9 =	sor.u32 $0xD0000000, s2;
	s6 =	simm.s32 $0x108;
	_ =	swait.ge @!p0 [sflag:s8], $0x0  }
0x24: {  	s3 =	sadd.s32 $0x88, s3;
	s6 =	simm.s32 @!p1 $0x1082;
	[sflag:s4] =	ssyncset.s32 $0xFFFFF086  }
0x25: {  	[simem:s6], [sflag:s4] =	dma.local [hbm:s3], $0xF7A  }
0x26: {  	[smem:$0x3F8F] =	sst s1;
	(tag) =	ssettag s2;
	_ =	strace s9  }
0x27: {  	s1 =	sld [smem:$0x3F9F]  }
0x28: {  	s2 =	sld [smem:$0x3FA0]  }
0x29: {  	s4 =	sld [smem:$0x3FA2]  }
0x2a: {  	p0 =	seq.s32 s5, $0x0;
	s5 =	sld [smem:$0x3FA3]  }
0x2b: {  	s6 =	sld [smem:$0x3FA4]  }
0x2c: {  	s7 =	sld [smem:$0x3FA5]  }
0x2d: {  	s3 =	simm.s32 $0x108;
	s8 =	sld [smem:$0x3FA6]  }
0x2e: {  	s3 =	simm.s32 @!p0 $0x1082;
	s9 =	sld [smem:$0x3FA7]  }
0x2f: {  	lr =	sadd.s32 s0, s3;
	s0 =	sld [smem:$0x3F9E]  }
0x30: {  	s3 =	sld [smem:$0x3FA1]  }
0x31: {  	[smem:$0x3FAA] =	sst s10  }
0x32: {  	s10 =	sld [smem:$0x3FA8];
	_ =	sdelay $0x3  }
0x33: {  	p0 =	seq.s32 s10, $0x1;
	s10 =	sld [smem:$0x3FAA];
	_ =	sdelay $0x3  }
0x34: {  	[smem:$0x3FAA] =	sst s10  }
0x35: {  	s10 =	sld [smem:$0x3FA9];
	_ =	sdelay $0x3  }
0x36: {  	p1 =	seq.s32 s10, $0x1;
	s10 =	sld [smem:$0x3FAA];
	_ =	sdelay $0x3  }
0x37: {  	[smem:$0x3FAA] =	sst s10  }
0x38: {  	s10 =	sld [smem:$0x3FAB]  }
0x39: {  	_ = 	snop;
	(pc) =	sbr.ind lr, $3  }
0x3a: {  	_ = 	snop  }
0x3b: {  	_ = 	snop  }
0x3c: {  	p2 =	seq.s32 s10, $0x1;
	s10 =	sld [smem:$0x3FAA]  }
0x3d: {  	_ =	shalt  }
0x3e: {  	_ =	shalt  }
0x3f: {  	_ =	shalt  }
0x40: {  	_ =	shalt  }
0x41: {  	_ =	shalt  }
0x42: {  	_ =	shalt  }
0x43: {  	_ =	shalt  }
0x44: {  	_ =	shalt  }
0x45: {  	_ =	shalt  }
0x46: {  	_ =	shalt  }
0x47: {  	_ =	shalt  }
0x48: {  	_ =	shalt  }
0x49: {  	_ =	shalt  }
0x4a: {  	_ =	shalt  }
0x4b: {  	_ =	shalt  }
0x4c: {  	_ =	shalt  }
0x4d: {  	_ =	shalt  }
0x4e: {  	_ =	shalt  }
0x4f: {  	_ =	shalt  }
0x50: {  	_ =	shalt  }
0x51: {  	_ =	shalt  }
0x52: {  	_ =	shalt  }
0x53: {  	_ =	shalt  }
0x54: {  	_ =	shalt  }
0x55: {  	_ =	shalt  }
0x56: {  	_ =	shalt  }
0x57: {  	_ =	shalt  }
0x58: {  	_ =	shalt  }
0x59: {  	_ =	shalt  }
0x5a: {  	_ =	shalt  }
0x5b: {  	_ =	shalt  }
0x5c: {  	_ =	shalt  }
0x5d: {  	_ =	shalt  }
0x5e: {  	_ =	shalt  }
0x5f: {  	_ =	shalt  }
0x60: {  	_ =	shalt  }
0x61: {  	_ =	shalt  }
0x62: {  	_ =	shalt  }
0x63: {  	_ =	shalt  }
0x64: {  	_ =	shalt  }
0x65: {  	_ =	shalt  }
0x66: {  	_ =	shalt  }
0x67: {  	_ =	shalt  }
0x68: {  	_ =	shalt  }
0x69: {  	_ =	shalt  }
0x6a: {  	_ =	shalt  }
0x6b: {  	_ =	shalt  }
0x6c: {  	_ =	shalt  }
0x6d: {  	_ =	shalt  }
0x6e: {  	_ =	shalt  }
0x6f: {  	_ =	shalt  }
0x70: {  	_ =	shalt  }
0x71: {  	_ =	shalt  }
0x72: {  	_ =	shalt  }
0x73: {  	_ =	shalt  }
0x74: {  	_ =	shalt  }
0x75: {  	_ =	shalt  }
0x76: {  	_ =	shalt  }
0x77: {  	_ =	shalt  }
0x78: {  	_ =	shalt  }
0x79: {  	_ =	shalt  }
0x7a: {  	_ =	shalt  }
0x7b: {  	_ =	shalt  }
0x7c: {  	_ =	shalt  }
0x7d: {  	_ =	shalt  }
0x7e: {  	_ =	shalt  }
0x7f: {  	_ =	shalt  }
0x80: {  	_ =	shalt  }
0x81: {  	_ =	shalt  }
0x82: {  	_ =	shalt  }
0x83: {  	_ =	shalt  }
0x84: {  	_ =	shalt  }
0x85: {  	_ =	shalt  }
0x86: {  	_ =	shalt  }
0x87: {  	_ =	shalt  }
.Lfunc_end0:
.L_simem_size_0:
called_computation.1_lowered:
.L_overlay_start_0:
0x88: {  	s2 =	sld [smem:$0x3FD9]  }
0x89: {  	s3 =	sld [smem:$0x3FFE];
	_ =	sdelay $0x1  }
0x8a: {  	s1 =	srdreg.scid  }
0x8b: {  	s0 =	sand.u32 $0x1, s1  }
0x8c: {  	s14 =	sshll.u32 s0, $0xA;
	s2 =	sadd.s32 s3, s2  }
0x8d: {  	s2 =	sadd.s32 s2, s14  }
0x8e: {  	[smem:$0x3FB6] =	sst s2  }
0x8f: {  	_ = 	snop  }
0x90: {  	s2 =	sld [smem:$0x3FD0];
	_ =	sdelay $0x2  }
0x91: {  	s15 =	simm.s32 $0xA;
	s4 =	simm.s32 $0x10  }
0x92: {  	[smem:s4], [sflag:s15] =	dma.local [hbm:s2], $0x1  }
0x93: {  	_ =	swait.eq [sflag:s15], $0x1  }
0x94: {  	[sflag:s15] =	ssyncset.done $0x0  }
0x95: {  	[sflag:s15] =	ssyncadd.s32 $0xFFFFFFFF  }
0x96: {  	s16 =	sld [smem:$0x11];
	(tm) =	ssettm $0x1  }
0x97: {  	s17 =	sld [smem:$0x3FFB];
	_ =	sdelay $0x3  }
0x98: {  	_ =	strace s17  }
0x99: {  	s3 =	sld [smem:$0x3FFC];
	_ =	sdelay $0x3  }
0x9a: {  	_ =	strace s3  }
0x9b: {  	s3 =	sld [smem:$0x3FFD];
	_ =	sdelay $0x3  }
0x9c: {  	_ =	strace s3  }
0x9d: {  	_ =	strace $0x8FFFFFFF  }
0x9e: {  	s18 =	sld [smem:$0x3FDB];
	_ =	sdelay $0x1  }
0x9f: {  	s19 =	simm.s32 $_scs_section_size  }
0xa0: {  	s5 =	simm.s32 $_size__tile_overlayer_lowered;
	s6 =	simm.s32 $_tile_overlayer_lowered  }
0xa1: {  	s22 =	simm.s32 $0x1BFF;
	s21 =	sshll.u32 s6, $0x1;
	s3 =	sadd.s32 s19, s18  }
0xa2: {  	s7 =	simm.s32 $0x0;
	s20 =	sshll.u32 s5, $0x1;
	s5 =	sadd.s32 s21, s3  }
0xa3: {  	[timem:s7], [sflag:s22] =	dma.local [hbm:s5], s20  }
0xa4: {  	_ =	swait.ge [sflag:s22], s20  }
0xa5: {  	s4 =	ssub.s32 $0x0, s20;
	[sflag:s22] =	ssyncset.done $0x0  }
0xa6: {  	[sflag:s22] =	ssyncadd.s32 s4;
	_ =	sdelay $0x1  }
0xa7: {  	s23 =	simm.s32 $0x1B8B  }
0xa8: {  	_ =	swait.ge [sflag:s23], $0x1  }
0xa9: {  	[sflag:s23] =	ssyncset.done $0x0  }
0xaa: {  	s25 =	simm.s32 $0x1B8E;
	s24 =	sld [smem:$0x3FFE];
	[sflag:s23] =	ssyncadd.s32 $0xFFFFFFFF  }
0xab: {  	s26 =	simm.s32 $execute0_lowered;
	[smem:$0x3FD2] =	sst s25  }
0xac: {  	s5 =	sshll.u32 s26, $0x1;
	_ =	strace $0x80000049;
	[dreg:$0x1] =	wrdreg $0xFFFFFFFF  }
0xad: {  	s28 =	simm.s32 $_size_execute0_lowered;
	s3 =	sadd.s32 s3, s5;
	[dreg:$0x0] =	wrdreg $0x0  }
0xae: {  	s5 =	sshll.u32 s28, $0x1;
	[dreg:$0x2] =	wrdreg s3  }
0xaf: {  	[dreg:$0x3] =	wrdreg s5  }
0xb0: {  	[dreg:$0x4] =	wrdreg $0xC0  }
0xb1: {  	_ =	task [dreg:s7], $0x5FFFF  }
0xb2: {  	[dreg:$0x1] =	wrdreg $0xFFFFFFFF  }
0xb3: {  	[dreg:$0x0] =	wrdreg $0x60  }
0xb4: {  	[dreg:$0x2] =	wrdreg s16  }
0xb5: {  	[dreg:$0x3] =	wrdreg s24  }
0xb6: {  	[dreg:$0x4] =	wrdreg $0x0  }
0xb7: {  	[dreg:$0x5] =	wrdreg $0x9  }
0xb8: {  	_ =	task.clear_ibuf [dreg:s7], $0x6FFFF;
	_ =	strace $0x90000049  }
0xb9: {  	s29 =	simm.s32 $0x9;
	_ =	strace $0x8000004B  }
0xba: {  	_ =	swait.ge [sflag:s29], $0x1  }
0xbb: {  	[sflag:s29] =	ssyncadd.s32 $0xFFFFFFFF  }
0xbc: {  	_ =	strace $0x9000004B  }
0xbd: {  	_ =	sfence  }
0xbe: {  	s30 =	sld [smem:$0x0];
	_ =	sdelay $0x2  }
0xbf: {  	s31 =	sshll.u32 s1, $0xD;
	s1 =	sshrl.u32 s1, $0x2  }
0xc0: {  	s3 =	sand.u32 $0x4000, s31;
	s1 =	sadd.s32 s1, s30  }
0xc1: {  	s0 =	sor.u32 s3, s0;
	s1 =	sshll.u32 s1, $0x11  }
0xc2: {  	s0 =	sor.u32 s1, s0  }
0xc3: {  	s0 =	sadd.s32 $0x8F2B, s0  }
0xc4: {  	[sflag:s0] =	ssyncadd.remote.s32 $0x1  }
0xc5: {  	_ =	sfence.sel $0xFFFF  }
0xc6: {  	[dreg:$0x0] =	wrdreg $0xFFFFFFFF;
	(pc) =	sbr.abs _section_cstart, $3  }
0xc7: {  	[dreg:$0x1] =	wrdreg $0xFFFFFFFF  }
0xc8: {  	_ =	task.clear_ibuf [dreg:s7], $0x2FFFF;
	_ =	strace $0x9FFFFFFF  }
0xc9: {  	(tm) =	ssettm $0x7FFFFFFF  }
tec
execute0_lowered:
.L_overlay_start_1:
0x0: {  	(tag) =	ssettag $0x1  }
0x1: {  	s0 =	rddreg [dreg:$0x0]  }
0x2: {  	s5 =	rddreg [dreg:$0x1];
	s1 =	srdreg.scid  }
0x3: {  	s3 =	rddreg [dreg:$0x2];
	s2 =	stileid.u32  }
0x4: {  	s4 =	simm.s32 $0x0;
	s11 =	simm.s32 $0x13C00;
	s12 =	simm.s32 $0x50  }
0x5: {  	s13 =	simm.s32 $0x17C00;
	s14 =	simm.s32 $0x18400;
	s15 =	simm.s32 $0x17C80  }
0x6: {  	s16 =	simm.s32 $0x1AC00;
	s17 =	simm.s32 $0x1;
	s18 =	simm.s32 $0x17D00  }
0x7: {  	s19 =	simm.s32 $0x1D400;
	s20 =	simm.s32 $0x2;
	s21 =	simm.s32 $0x17D80  }
0x8: {  	s22 =	simm.s32 $0x4;
	s23 =	simm.s32 $0x3;
	s24 =	simm.s32 $0x5  }
0x9: {  	s6 =	sand.u32 $0x1, s1;
	s1 =	rddreg [dreg:$0x3];
	s8 =	smul.u32 $0x13C00, s2  }
0xa: {  	[smem:$0x7FF] =	sst s4;
	s9 =	sshll.u32 s2, $0xB;
	s29 =	smul.u32 $0x4F000, s2  }
0xb: {  	s7 =	smul.u32 $0x13C000, s6;
	_ =	strace $0x8000004A;
	s30 =	ssub.s32 $0x2, s6  }
0xc: {  	s28 =	sadd.s32 s9, s5;
	s6 =	sshll.u32 s6, $0xF;
	s10 =	sshrl.u32 s30, $0x1  }
0xd: {  	s9 =	sshrl.u32 s29, $0x2;
	s6 =	sadd.s32 s6, s28;
	s7 =	sadd.s32 s8, s7  }
0xe: {  	s31 =	ssub.s32 s30, s10;
	s6 =	sadd.s32 $0xFE00, s6;
	s7 =	sshrl.u32 s7, $0x3  }
0xf: {  	s10 =	simm.s32 $0x6;
	s8 =	smax.u32 s31, $0x1;
	s7 =	sadd.s32 s7, s5  }
0x10: {  	v0 =	vimm.f32 $0.0e+00;
	s5 =	sadd.s32 s9, s3;
	s9 =	simm.s32 $0x18000;
	s7 =	sadd.s32 $0x6E200, s7  }
.LBB2_1:
0x11: {  	[tilespmem:$0x18000] =	vst v0  }
0x12: {  	[tilespmem:$0x18010] =	vst v0  }
0x13: {  	[tilespmem:$0x18020] =	vst v0  }
0x14: {  	[tilespmem:$0x18030] =	vst v0  }
0x15: {  	[tilespmem:$0x18040] =	vst v0  }
0x16: {  	[tilespmem:$0x18050] =	vst v0  }
0x17: {  	[tilespmem:$0x18060] =	vst v0  }
0x18: {  	[tilespmem:$0x18070] =	vst v0  }
0x19: {  	[tilespmem:$0x18080] =	vst v0  }
0x1a: {  	[tilespmem:$0x18090] =	vst v0  }
0x1b: {  	[tilespmem:$0x180A0] =	vst v0  }
0x1c: {  	[tilespmem:$0x180B0] =	vst v0  }
0x1d: {  	[tilespmem:$0x180C0] =	vst v0  }
0x1e: {  	[tilespmem:$0x180D0] =	vst v0  }
0x1f: {  	[tilespmem:$0x180E0] =	vst v0  }
0x20: {  	[tilespmem:$0x180F0] =	vst v0  }
0x21: {  	[tilespmem:$0x18100] =	vst v0  }
0x22: {  	[tilespmem:$0x18110] =	vst v0  }
0x23: {  	[tilespmem:$0x18120] =	vst v0  }
0x24: {  	[tilespmem:$0x18130] =	vst v0  }
0x25: {  	[tilespmem:$0x18140] =	vst v0  }
0x26: {  	[tilespmem:$0x18150] =	vst v0  }
0x27: {  	[tilespmem:$0x18160] =	vst v0  }
0x28: {  	[tilespmem:$0x18170] =	vst v0  }
0x29: {  	[tilespmem:$0x18180] =	vst v0  }
0x2a: {  	[tilespmem:$0x18190] =	vst v0  }
0x2b: {  	[tilespmem:$0x181A0] =	vst v0  }
0x2c: {  	[tilespmem:$0x181B0] =	vst v0  }
0x2d: {  	[tilespmem:$0x181C0] =	vst v0  }
0x2e: {  	[tilespmem:$0x181D0] =	vst v0  }
0x2f: {  	[tilespmem:$0x181E0] =	vst v0  }
0x30: {  	[tilespmem:$0x181F0] =	vst v0  }
0x31: {  	[tilespmem:$0x18200] =	vst v0  }
0x32: {  	[tilespmem:$0x18210] =	vst v0  }
0x33: {  	[tilespmem:$0x18220] =	vst v0  }
0x34: {  	[tilespmem:$0x18230] =	vst v0  }
0x35: {  	[tilespmem:$0x18240] =	vst v0  }
0x36: {  	[tilespmem:$0x18250] =	vst v0  }
0x37: {  	[tilespmem:$0x18260] =	vst v0  }
0x38: {  	[tilespmem:$0x18270] =	vst v0  }
0x39: {  	[tilespmem:$0x18280] =	vst v0  }
0x3a: {  	[tilespmem:$0x18290] =	vst v0  }
0x3b: {  	[tilespmem:$0x182A0] =	vst v0  }
0x3c: {  	[tilespmem:$0x182B0] =	vst v0  }
0x3d: {  	[tilespmem:$0x182C0] =	vst v0  }
0x3e: {  	[tilespmem:$0x182D0] =	vst v0  }
0x3f: {  	[tilespmem:$0x182E0] =	vst v0  }
0x40: {  	[tilespmem:$0x182F0] =	vst v0  }
0x41: {  	[tilespmem:$0x18300] =	vst v0  }
0x42: {  	[tilespmem:$0x18310] =	vst v0  }
0x43: {  	[tilespmem:$0x18320] =	vst v0  }
0x44: {  	[tilespmem:$0x18330] =	vst v0  }
0x45: {  	[tilespmem:$0x18340] =	vst v0  }
0x46: {  	[tilespmem:$0x18350] =	vst v0  }
0x47: {  	[tilespmem:$0x18360] =	vst v0  }
0x48: {  	[tilespmem:$0x18370] =	vst v0  }
0x49: {  	[tilespmem:$0x18380] =	vst v0  }
0x4a: {  	[tilespmem:$0x18390] =	vst v0  }
0x4b: {  	[tilespmem:$0x183A0] =	vst v0  }
0x4c: {  	[tilespmem:$0x183B0] =	vst v0  }
0x4d: {  	[tilespmem:$0x183C0] =	vst v0  }
0x4e: {  	[tilespmem:$0x183D0] =	vst v0  }
0x4f: {  	[tilespmem:$0x183E0] =	vst v0  }
0x50: {  	[tilespmem:$0x183F0] =	vst v0;
	s25 =	sadd.s32 $0x0, s5  }
0x51: {  	[spmem:s25] =	stream.linear.scatter [tilespmem:s9], [sflag:$0x6], $0x400, $0x38;
	[tilespmem:$0x1FC00] =	vst v63  }
0x52: {  	s25 =	simm.s32 $0x1000;
	_ =	swait.ge [sflag:s10], $0x400  }
.LBB2_2:
0x53: {  	s26 =	sshra.s32 s25, $0x2;
	[sflag:s10] =	ssyncset.done $0x0;
	p0 =	sne.s32 s25, $0x4E000  }
.Ltmp0:
0x54: {  	s26 =	sadd.s32 s26, s5;
	[sflag:s10] =	ssyncadd.s32 $0xFFFFFC00;
	(pc) =	sbr.rel @p0 .LBB2_2-.Ltmp0, $3  }
0x55: {  	[spmem:s26] =	stream.linear.scatter [tilespmem:s9], [sflag:$0x6], $0x400, $0x38;
	[tilespmem:$0x1FC00] =	vst v63  }
0x56: {  	s25 =	sadd.s32 $0x1000, s25;
	_ =	sdelay $0x1  }
0x57: {  	_ =	swait.ge [sflag:s10], $0x400  }
0x58: {  	[sflag:s10] =	ssyncset.done $0x0  }
0x59: {  	s25 =	simm.s32 $0x0;
	[sflag:s10] =	ssyncadd.s32 $0xFFFFFC00  }
0x5a: {  	[tilespmem:s11], [sflag:$0x6] =	stream.linear.gather [hbm4b:s6+s25], $0x4000, $0x38;
	[tilespmem:$0x1FC00] =	vst v63  }
0x5b: {  	_ =	swait.ge [sflag:s10], $0x4000  }
0x5c: {  	[sflag:s10] =	ssyncset.done $0x0  }
0x5d: {  	[sflag:s10] =	ssyncadd.s32 $0xFFFFC000  }
0x5e: {  	[bflag:$0x0] =	sbarrier.arrive $0xFFFF  }
0x5f: {  	v1 =	vld [tilespmem:$0x13C00]  }
0x60: {  	v2 =	vld [tilespmem:$0x13C10]  }
0x61: {  	v3 =	vld [tilespmem:$0x13C20]  }
0x62: {  	v4 =	vld [tilespmem:$0x13C30]  }
0x63: {  	v5 =	vld [tilespmem:$0x13C40]  }
0x64: {  	v1 =	vand.u32 $0xFFFF, v1  }
0x65: {  	[tilespmem:$0x17C00] =	vst v1;
	v1 =	vand.u32 $0xFFFF, v2  }
0x66: {  	[tilespmem:$0x17C10] =	vst v1;
	v1 =	vand.u32 $0xFFFF, v3  }
0x67: {  	[tilespmem:$0x17C20] =	vst v1;
	v1 =	vand.u32 $0xFFFF, v4  }
0x68: {  	[tilespmem:$0x17C30] =	vst v1;
	v1 =	vand.u32 $0xFFFF, v5  }
0x69: {  	[tilespmem:$0x17C40] =	vst v1  }
0x6a: {  	[tilespmem:s14], [sflag:$0x1] =	stream.indirect.gather [hbm4b:s0+s12], $0x80, s13, s12, $0xb8;
	[tilespmem:$0x1FC00] =	vst v63  }
0x6b: {  	v1 =	vld [tilespmem:$0x13C80]  }
0x6c: {  	v2 =	vld [tilespmem:$0x13C90]  }
0x6d: {  	v3 =	vld [tilespmem:$0x13CA0]  }
0x6e: {  	v62 =	vld [tilespmem:$0x13CB0]  }
0x6f: {  	v63 =	vld [tilespmem:$0x13CC0]  }
0x70: {  	v1 =	vand.u32 $0xFFFF, v1  }
0x71: {  	[tilespmem:$0x17C80] =	vst v1;
	v1 =	vand.u32 $0xFFFF, v2  }
0x72: {  	[tilespmem:$0x17C90] =	vst v1;
	v1 =	vand.u32 $0xFFFF, v3  }
0x73: {  	[tilespmem:$0x17CA0] =	vst v1;
	v1 =	vand.u32 $0xFFFF, v62  }
0x74: {  	[tilespmem:$0x17CB0] =	vst v1;
	v1 =	vand.u32 $0xFFFF, v63  }
0x75: {  	[tilespmem:$0x17CC0] =	vst v1  }
0x76: {  	[tilespmem:s16], [sflag:$0x2] =	stream.indirect.gather [hbm4b:s0+s12], $0x80, s15, s12, $0xb8;
	[tilespmem:$0x1FC00] =	vst v63  }
.LBB2_4:
0x77: {  	_ =	swait.ge [sflag:s17], $0x2800  }
0x78: {  	[sflag:s17] =	ssyncset.done $0x0  }
0x79: {  	s26 =	sshra.s32 s25, $0x2;
	[sflag:s17] =	ssyncadd.s32 $0xFFFFD800  }
0x7a: {  	v1 =	vld [tilespmem:s26+$0x13C00];
	_ =	sdelay $0x4  }
0x7b: {  	v1 =	vshrl.u32 v1, $0x10  }
0x7c: {  	[tilespmem:$0x17D00] =	vst v1  }
0x7d: {  	v1 =	vld [tilespmem:s26+$0x13C10];
	_ =	sdelay $0x4  }
0x7e: {  	v1 =	vshrl.u32 v1, $0x10  }
0x7f: {  	[tilespmem:$0x17D10] =	vst v1  }
0x80: {  	v1 =	vld [tilespmem:s26+$0x13C20];
	_ =	sdelay $0x4  }
0x81: {  	v1 =	vshrl.u32 v1, $0x10  }
0x82: {  	[tilespmem:$0x17D20] =	vst v1  }
0x83: {  	v1 =	vld [tilespmem:s26+$0x13C30];
	_ =	sdelay $0x4  }
0x84: {  	v1 =	vshrl.u32 v1, $0x10  }
0x85: {  	[tilespmem:$0x17D30] =	vst v1  }
0x86: {  	v1 =	vld [tilespmem:s26+$0x13C40];
	_ =	sdelay $0x4  }
0x87: {  	p0 =	seq.s32 s25, $0x0;
	v1 =	vshrl.u32 v1, $0x10  }
0x88: {  	s28 =	simm.s32 @!p0 $0x5;
	[tilespmem:$0x17D40] =	vst v1  }
0x89: {  	[spmem:s3] =	stream.indirect.scatter.add.f32 [tilespmem:s14], [sflag:$0x4], $0x80, s18, s12, $0xb8;
	[tilespmem:$0x1FC00] =	vst v63  }
0x8a: {  	_ =	swait.ge @!p0 [sflag:s28], $0x2800  }
0x8b: {  	[sflag:s28] =	ssyncset.done @!p0 $0x0  }
0x8c: {  	[sflag:s28] =	ssyncadd.s32 @!p0 $0xFFFFD800  }
0x8d: {  	v1 =	vld [tilespmem:s26+$0x13D00];
	_ =	sdelay $0x4  }
0x8e: {  	v1 =	vand.u32 $0xFFFF, v1  }
0x8f: {  	[tilespmem:$0x17C00] =	vst v1  }
0x90: {  	v1 =	vld [tilespmem:s26+$0x13D10];
	_ =	sdelay $0x4  }
0x91: {  	v1 =	vand.u32 $0xFFFF, v1  }
0x92: {  	[tilespmem:$0x17C10] =	vst v1  }
0x93: {  	v1 =	vld [tilespmem:s26+$0x13D20];
	_ =	sdelay $0x4  }
0x94: {  	v1 =	vand.u32 $0xFFFF, v1  }
0x95: {  	[tilespmem:$0x17C20] =	vst v1  }
0x96: {  	v1 =	vld [tilespmem:s26+$0x13D30];
	_ =	sdelay $0x4  }
0x97: {  	v1 =	vand.u32 $0xFFFF, v1  }
0x98: {  	[tilespmem:$0x17C30] =	vst v1  }
0x99: {  	v1 =	vld [tilespmem:s26+$0x13D40];
	_ =	sdelay $0x4  }
0x9a: {  	v1 =	vand.u32 $0xFFFF, v1  }
0x9b: {  	[tilespmem:$0x17C40] =	vst v1  }
0x9c: {  	[tilespmem:s19], [sflag:$0x3] =	stream.indirect.gather [hbm4b:s0+s12], $0x80, s13, s12, $0xb8;
	[tilespmem:$0x1FC00] =	vst v63  }
0x9d: {  	_ =	swait.ge [sflag:s20], $0x2800  }
0x9e: {  	[sflag:s20] =	ssyncset.done $0x0  }
0x9f: {  	[sflag:s20] =	ssyncadd.s32 $0xFFFFD800  }
0xa0: {  	v1 =	vld [tilespmem:s26+$0x13C80];
	_ =	sdelay $0x4  }
0xa1: {  	v1 =	vshrl.u32 v1, $0x10  }
0xa2: {  	[tilespmem:$0x17D80] =	vst v1  }
0xa3: {  	v1 =	vld [tilespmem:s26+$0x13C90];
	_ =	sdelay $0x4  }
0xa4: {  	v1 =	vshrl.u32 v1, $0x10  }
0xa5: {  	[tilespmem:$0x17D90] =	vst v1  }
0xa6: {  	v1 =	vld [tilespmem:s26+$0x13CA0];
	_ =	sdelay $0x4  }
0xa7: {  	v1 =	vshrl.u32 v1, $0x10  }
0xa8: {  	[tilespmem:$0x17DA0] =	vst v1  }
0xa9: {  	v1 =	vld [tilespmem:s26+$0x13CB0];
	_ =	sdelay $0x4  }
0xaa: {  	v1 =	vshrl.u32 v1, $0x10  }
0xab: {  	[tilespmem:$0x17DB0] =	vst v1  }
0xac: {  	v1 =	vld [tilespmem:s26+$0x13CC0];
	_ =	sdelay $0x4  }
0xad: {  	v1 =	vshrl.u32 v1, $0x10  }
0xae: {  	[tilespmem:$0x17DC0] =	vst v1  }
0xaf: {  	[spmem:s3] =	stream.indirect.scatter.add.f32 [tilespmem:s16], [sflag:$0x5], $0x80, s21, s12, $0xb8;
	[tilespmem:$0x1FC00] =	vst v63  }
0xb0: {  	_ =	swait.ge [sflag:s22], $0x2800  }
0xb1: {  	[sflag:s22] =	ssyncset.done $0x0  }
0xb2: {  	[sflag:s22] =	ssyncadd.s32 $0xFFFFD800  }
0xb3: {  	v1 =	vld [tilespmem:s26+$0x13D80];
	_ =	sdelay $0x4  }
0xb4: {  	v1 =	vand.u32 $0xFFFF, v1  }
0xb5: {  	[tilespmem:$0x17C80] =	vst v1  }
0xb6: {  	v1 =	vld [tilespmem:s26+$0x13D90];
	_ =	sdelay $0x4  }
0xb7: {  	v1 =	vand.u32 $0xFFFF, v1  }
0xb8: {  	[tilespmem:$0x17C90] =	vst v1  }
0xb9: {  	v1 =	vld [tilespmem:s26+$0x13DA0];
	_ =	sdelay $0x4  }
0xba: {  	v1 =	vand.u32 $0xFFFF, v1  }
0xbb: {  	[tilespmem:$0x17CA0] =	vst v1  }
0xbc: {  	v1 =	vld [tilespmem:s26+$0x13DB0];
	_ =	sdelay $0x4  }
0xbd: {  	v1 =	vand.u32 $0xFFFF, v1  }
0xbe: {  	[tilespmem:$0x17CB0] =	vst v1  }
0xbf: {  	v1 =	vld [tilespmem:s26+$0x13DC0];
	_ =	sdelay $0x4  }
0xc0: {  	v1 =	vand.u32 $0xFFFF, v1  }
0xc1: {  	[tilespmem:$0x17CC0] =	vst v1  }
0xc2: {  	[tilespmem:s14], [sflag:$0x1] =	stream.indirect.gather [hbm4b:s0+s12], $0x80, s15, s12, $0xb8;
	[tilespmem:$0x1FC00] =	vst v63  }
0xc3: {  	_ =	swait.ge [sflag:s23], $0x2800  }
0xc4: {  	[sflag:s23] =	ssyncset.done $0x0  }
0xc5: {  	[sflag:s23] =	ssyncadd.s32 $0xFFFFD800  }
0xc6: {  	v1 =	vld [tilespmem:s26+$0x13D00];
	_ =	sdelay $0x4  }
0xc7: {  	v1 =	vshrl.u32 v1, $0x10  }
0xc8: {  	[tilespmem:$0x17D00] =	vst v1  }
0xc9: {  	v1 =	vld [tilespmem:s26+$0x13D10];
	_ =	sdelay $0x4  }
0xca: {  	v1 =	vshrl.u32 v1, $0x10  }
0xcb: {  	[tilespmem:$0x17D10] =	vst v1  }
0xcc: {  	v1 =	vld [tilespmem:s26+$0x13D20];
	_ =	sdelay $0x4  }
0xcd: {  	v1 =	vshrl.u32 v1, $0x10  }
0xce: {  	[tilespmem:$0x17D20] =	vst v1  }
0xcf: {  	v1 =	vld [tilespmem:s26+$0x13D30];
	_ =	sdelay $0x4  }
0xd0: {  	v1 =	vshrl.u32 v1, $0x10  }
0xd1: {  	[tilespmem:$0x17D30] =	vst v1  }
0xd2: {  	v1 =	vld [tilespmem:s26+$0x13D40];
	_ =	sdelay $0x4  }
0xd3: {  	v1 =	vshrl.u32 v1, $0x10  }
0xd4: {  	[tilespmem:$0x17D40] =	vst v1  }
0xd5: {  	[spmem:s3] =	stream.indirect.scatter.add.f32 [tilespmem:s19], [sflag:$0x4], $0x80, s18, s12, $0xb8;
	[tilespmem:$0x1FC00] =	vst v63  }
0xd6: {  	_ =	swait.ge [sflag:s24], $0x2800  }
0xd7: {  	[sflag:s24] =	ssyncset.done $0x0  }
0xd8: {  	[sflag:s24] =	ssyncadd.s32 $0xFFFFD800  }
0xd9: {  	v1 =	vld [tilespmem:s26+$0x13E00];
	_ =	sdelay $0x4  }
0xda: {  	v1 =	vand.u32 $0xFFFF, v1  }
0xdb: {  	[tilespmem:$0x17C00] =	vst v1  }
0xdc: {  	v1 =	vld [tilespmem:s26+$0x13E10];
	_ =	sdelay $0x4  }
0xdd: {  	v1 =	vand.u32 $0xFFFF, v1  }
0xde: {  	[tilespmem:$0x17C10] =	vst v1  }
0xdf: {  	v1 =	vld [tilespmem:s26+$0x13E20];
	_ =	sdelay $0x4  }
0xe0: {  	v1 =	vand.u32 $0xFFFF, v1  }
0xe1: {  	[tilespmem:$0x17C20] =	vst v1  }
0xe2: {  	v1 =	vld [tilespmem:s26+$0x13E30];
	_ =	sdelay $0x4  }
0xe3: {  	v1 =	vand.u32 $0xFFFF, v1  }
0xe4: {  	[tilespmem:$0x17C30] =	vst v1  }
0xe5: {  	v1 =	vld [tilespmem:s26+$0x13E40];
	_ =	sdelay $0x4  }
0xe6: {  	v1 =	vand.u32 $0xFFFF, v1  }
0xe7: {  	[tilespmem:$0x17C40] =	vst v1  }
0xe8: {  	[tilespmem:s16], [sflag:$0x2] =	stream.indirect.gather [hbm4b:s0+s12], $0x80, s13, s12, $0xb8;
	[tilespmem:$0x1FC00] =	vst v63  }
0xe9: {  	_ =	swait.ge [sflag:s17], $0x2800  }
0xea: {  	[sflag:s17] =	ssyncset.done $0x0  }
0xeb: {  	[sflag:s17] =	ssyncadd.s32 $0xFFFFD800  }
0xec: {  	v1 =	vld [tilespmem:s26+$0x13D80];
	_ =	sdelay $0x4  }
0xed: {  	v1 =	vshrl.u32 v1, $0x10  }
0xee: {  	[tilespmem:$0x17D80] =	vst v1  }
0xef: {  	v1 =	vld [tilespmem:s26+$0x13D90];
	_ =	sdelay $0x4  }
0xf0: {  	v1 =	vshrl.u32 v1, $0x10  }
0xf1: {  	[tilespmem:$0x17D90] =	vst v1  }
0xf2: {  	v1 =	vld [tilespmem:s26+$0x13DA0];
	_ =	sdelay $0x4  }
0xf3: {  	v1 =	vshrl.u32 v1, $0x10  }
0xf4: {  	[tilespmem:$0x17DA0] =	vst v1  }
0xf5: {  	v1 =	vld [tilespmem:s26+$0x13DB0];
	_ =	sdelay $0x4  }
0xf6: {  	v1 =	vshrl.u32 v1, $0x10  }
0xf7: {  	[tilespmem:$0x17DB0] =	vst v1  }
0xf8: {  	v1 =	vld [tilespmem:s26+$0x13DC0];
	_ =	sdelay $0x4  }
0xf9: {  	v1 =	vshrl.u32 v1, $0x10  }
0xfa: {  	[tilespmem:$0x17DC0] =	vst v1  }
0xfb: {  	[spmem:s3] =	stream.indirect.scatter.add.f32 [tilespmem:s14], [sflag:$0x5], $0x80, s21, s12, $0xb8;
	[tilespmem:$0x1FC00] =	vst v63  }
0xfc: {  	_ =	swait.ge [sflag:s22], $0x2800  }
0xfd: {  	[sflag:s22] =	ssyncset.done $0x0  }
0xfe: {  	[sflag:s22] =	ssyncadd.s32 $0xFFFFD800  }
0xff: {  	v1 =	vld [tilespmem:s26+$0x13E80];
	_ =	sdelay $0x4  }
0x100: {  	v1 =	vand.u32 $0xFFFF, v1  }
0x101: {  	[tilespmem:$0x17C80] =	vst v1  }
0x102: {  	v1 =	vld [tilespmem:s26+$0x13E90];
	_ =	sdelay $0x4  }
0x103: {  	v1 =	vand.u32 $0xFFFF, v1  }
0x104: {  	[tilespmem:$0x17C90] =	vst v1  }
0x105: {  	v1 =	vld [tilespmem:s26+$0x13EA0];
	_ =	sdelay $0x4  }
0x106: {  	v1 =	vand.u32 $0xFFFF, v1  }
0x107: {  	[tilespmem:$0x17CA0] =	vst v1  }
0x108: {  	v1 =	vld [tilespmem:s26+$0x13EB0];
	_ =	sdelay $0x4  }
0x109: {  	v1 =	vand.u32 $0xFFFF, v1  }
0x10a: {  	[tilespmem:$0x17CB0] =	vst v1  }
0x10b: {  	v1 =	vld [tilespmem:s26+$0x13EC0];
	_ =	sdelay $0x4  }
0x10c: {  	v1 =	vand.u32 $0xFFFF, v1  }
0x10d: {  	[tilespmem:$0x17CC0] =	vst v1  }
0x10e: {  	[tilespmem:s19], [sflag:$0x3] =	stream.indirect.gather [hbm4b:s0+s12], $0x80, s15, s12, $0xb8;
	[tilespmem:$0x1FC00] =	vst v63  }
0x10f: {  	_ =	swait.ge [sflag:s20], $0x2800  }
0x110: {  	[sflag:s20] =	ssyncset.done $0x0  }
0x111: {  	[sflag:s20] =	ssyncadd.s32 $0xFFFFD800  }
0x112: {  	v1 =	vld [tilespmem:s26+$0x13E00];
	_ =	sdelay $0x4  }
0x113: {  	v1 =	vshrl.u32 v1, $0x10  }
0x114: {  	[tilespmem:$0x17D00] =	vst v1  }
0x115: {  	v1 =	vld [tilespmem:s26+$0x13E10];
	_ =	sdelay $0x4  }
0x116: {  	v1 =	vshrl.u32 v1, $0x10  }
0x117: {  	[tilespmem:$0x17D10] =	vst v1  }
0x118: {  	v1 =	vld [tilespmem:s26+$0x13E20];
	_ =	sdelay $0x4  }
0x119: {  	v1 =	vshrl.u32 v1, $0x10  }
0x11a: {  	[tilespmem:$0x17D20] =	vst v1  }
0x11b: {  	v1 =	vld [tilespmem:s26+$0x13E30];
	_ =	sdelay $0x4  }
0x11c: {  	v1 =	vshrl.u32 v1, $0x10  }
0x11d: {  	[tilespmem:$0x17D30] =	vst v1  }
0x11e: {  	v1 =	vld [tilespmem:s26+$0x13E40];
	_ =	sdelay $0x4  }
0x11f: {  	v1 =	vshrl.u32 v1, $0x10  }
0x120: {  	[tilespmem:$0x17D40] =	vst v1  }
0x121: {  	[spmem:s3] =	stream.indirect.scatter.add.f32 [tilespmem:s16], [sflag:$0x4], $0x80, s18, s12, $0xb8;
	[tilespmem:$0x1FC00] =	vst v63  }
0x122: {  	_ =	swait.ge [sflag:s24], $0x2800  }
0x123: {  	[sflag:s24] =	ssyncset.done $0x0  }
0x124: {  	[sflag:s24] =	ssyncadd.s32 $0xFFFFD800  }
0x125: {  	v1 =	vld [tilespmem:s26+$0x13F00];
	_ =	sdelay $0x4  }
0x126: {  	v1 =	vand.u32 $0xFFFF, v1  }
0x127: {  	[tilespmem:$0x17C00] =	vst v1  }
0x128: {  	v1 =	vld [tilespmem:s26+$0x13F10];
	_ =	sdelay $0x4  }
0x129: {  	v1 =	vand.u32 $0xFFFF, v1  }
0x12a: {  	[tilespmem:$0x17C10] =	vst v1  }
0x12b: {  	v1 =	vld [tilespmem:s26+$0x13F20];
	_ =	sdelay $0x4  }
0x12c: {  	v1 =	vand.u32 $0xFFFF, v1  }
0x12d: {  	[tilespmem:$0x17C20] =	vst v1  }
0x12e: {  	v1 =	vld [tilespmem:s26+$0x13F30];
	_ =	sdelay $0x4  }
0x12f: {  	v1 =	vand.u32 $0xFFFF, v1  }
0x130: {  	[tilespmem:$0x17C30] =	vst v1  }
0x131: {  	v1 =	vld [tilespmem:s26+$0x13F40];
	_ =	sdelay $0x4  }
0x132: {  	v1 =	vand.u32 $0xFFFF, v1  }
0x133: {  	[tilespmem:$0x17C40] =	vst v1  }
0x134: {  	[tilespmem:s14], [sflag:$0x1] =	stream.indirect.gather [hbm4b:s0+s12], $0x80, s13, s12, $0xb8;
	[tilespmem:$0x1FC00] =	vst v63  }
0x135: {  	_ =	swait.ge [sflag:s23], $0x2800  }
0x136: {  	[sflag:s23] =	ssyncset.done $0x0  }
0x137: {  	[sflag:s23] =	ssyncadd.s32 $0xFFFFD800  }
0x138: {  	v1 =	vld [tilespmem:s26+$0x13E80];
	_ =	sdelay $0x4  }
0x139: {  	v1 =	vshrl.u32 v1, $0x10  }
0x13a: {  	[tilespmem:$0x17D80] =	vst v1  }
0x13b: {  	v1 =	vld [tilespmem:s26+$0x13E90];
	_ =	sdelay $0x4  }
0x13c: {  	v1 =	vshrl.u32 v1, $0x10  }
0x13d: {  	[tilespmem:$0x17D90] =	vst v1  }
0x13e: {  	v1 =	vld [tilespmem:s26+$0x13EA0];
	_ =	sdelay $0x4  }
0x13f: {  	v1 =	vshrl.u32 v1, $0x10  }
0x140: {  	[tilespmem:$0x17DA0] =	vst v1  }
0x141: {  	v1 =	vld [tilespmem:s26+$0x13EB0];
	_ =	sdelay $0x4  }
0x142: {  	v1 =	vshrl.u32 v1, $0x10  }
0x143: {  	[tilespmem:$0x17DB0] =	vst v1  }
0x144: {  	v1 =	vld [tilespmem:s26+$0x13EC0];
	_ =	sdelay $0x4  }
0x145: {  	v1 =	vshrl.u32 v1, $0x10  }
0x146: {  	[tilespmem:$0x17DC0] =	vst v1  }
0x147: {  	[spmem:s3] =	stream.indirect.scatter.add.f32 [tilespmem:s19], [sflag:$0x5], $0x80, s21, s12, $0xb8;
	[tilespmem:$0x1FC00] =	vst v63  }
0x148: {  	_ =	swait.ge [sflag:s22], $0x2800  }
0x149: {  	[sflag:s22] =	ssyncset.done $0x0  }
0x14a: {  	[sflag:s22] =	ssyncadd.s32 $0xFFFFD800  }
0x14b: {  	v1 =	vld [tilespmem:s26+$0x13F80];
	_ =	sdelay $0x4  }
0x14c: {  	v1 =	vand.u32 $0xFFFF, v1  }
0x14d: {  	[tilespmem:$0x17C80] =	vst v1  }
0x14e: {  	v1 =	vld [tilespmem:s26+$0x13F90];
	_ =	sdelay $0x4  }
0x14f: {  	v1 =	vand.u32 $0xFFFF, v1  }
0x150: {  	[tilespmem:$0x17C90] =	vst v1  }
0x151: {  	v1 =	vld [tilespmem:s26+$0x13FA0];
	_ =	sdelay $0x4  }
0x152: {  	v1 =	vand.u32 $0xFFFF, v1  }
0x153: {  	[tilespmem:$0x17CA0] =	vst v1  }
0x154: {  	v1 =	vld [tilespmem:s26+$0x13FB0];
	_ =	sdelay $0x4  }
0x155: {  	v1 =	vand.u32 $0xFFFF, v1  }
0x156: {  	[tilespmem:$0x17CB0] =	vst v1  }
0x157: {  	v1 =	vld [tilespmem:s26+$0x13FC0]  }
0x158: {  	s25 =	sadd.s32 $0xC00, s25  }
0x159: {  	p0 =	sne.s32 s25, $0xFC00  }
.Ltmp1:
0x15a: {  	_ = 	snop;
	(pc) =	sbr.rel @p0 .LBB2_4-.Ltmp1, $4  }
0x15b: {  	_ = 	snop  }
0x15c: {  	v1 =	vand.u32 $0xFFFF, v1  }
0x15d: {  	[tilespmem:$0x17CC0] =	vst v1  }
0x15e: {  	[tilespmem:s16], [sflag:$0x2] =	stream.indirect.gather [hbm4b:s0+s12], $0x80, s15, s12, $0xb8;
	[tilespmem:$0x1FC00] =	vst v63  }
0x15f: {  	_ =	swait.ge [sflag:s17], $0x2800  }
0x160: {  	[sflag:s17] =	ssyncset.done $0x0  }
0x161: {  	[sflag:s17] =	ssyncadd.s32 $0xFFFFD800  }
0x162: {  	v1 =	vld [tilespmem:$0x17B00]  }
0x163: {  	v2 =	vld [tilespmem:$0x17B10]  }
0x164: {  	v3 =	vld [tilespmem:$0x17B20]  }
0x165: {  	v4 =	vld [tilespmem:$0x17B30]  }
0x166: {  	v5 =	vld [tilespmem:$0x17B40]  }
0x167: {  	v1 =	vshrl.u32 v1, $0x10  }
0x168: {  	[tilespmem:$0x17D00] =	vst v1;
	v1 =	vshrl.u32 v2, $0x10  }
0x169: {  	[tilespmem:$0x17D10] =	vst v1;
	v1 =	vshrl.u32 v3, $0x10  }
0x16a: {  	[tilespmem:$0x17D20] =	vst v1;
	v1 =	vshrl.u32 v4, $0x10  }
0x16b: {  	[tilespmem:$0x17D30] =	vst v1;
	v1 =	vshrl.u32 v5, $0x10  }
0x16c: {  	[tilespmem:$0x17D40] =	vst v1  }
0x16d: {  	[spmem:s3] =	stream.indirect.scatter.add.f32 [tilespmem:s14], [sflag:$0x4], $0x80, s18, s12, $0xb8;
	[tilespmem:$0x1FC00] =	vst v63  }
0x16e: {  	_ =	swait.ge [sflag:s20], $0x2800  }
0x16f: {  	[sflag:s20] =	ssyncset.done $0x0  }
0x170: {  	[sflag:s20] =	ssyncadd.s32 $0xFFFFD800  }
0x171: {  	v1 =	vld [tilespmem:$0x17B80]  }
0x172: {  	v2 =	vld [tilespmem:$0x17B90]  }
0x173: {  	v3 =	vld [tilespmem:$0x17BA0]  }
0x174: {  	v62 =	vld [tilespmem:$0x17BB0]  }
0x175: {  	v63 =	vld [tilespmem:$0x17BC0]  }
0x176: {  	v1 =	vshrl.u32 v1, $0x10  }
0x177: {  	[tilespmem:$0x17D80] =	vst v1;
	v1 =	vshrl.u32 v2, $0x10  }
0x178: {  	[tilespmem:$0x17D90] =	vst v1;
	v1 =	vshrl.u32 v3, $0x10  }
0x179: {  	[tilespmem:$0x17DA0] =	vst v1;
	v1 =	vshrl.u32 v62, $0x10  }
0x17a: {  	[tilespmem:$0x17DB0] =	vst v1;
	v1 =	vshrl.u32 v63, $0x10  }
0x17b: {  	[tilespmem:$0x17DC0] =	vst v1  }
0x17c: {  	[spmem:s3] =	stream.indirect.scatter.add.f32 [tilespmem:s16], [sflag:$0x5], $0x80, s21, s12, $0xb8;
	[tilespmem:$0x1FC00] =	vst v63  }
0x17d: {  	_ =	swait.ge [sflag:s24], $0x2800  }
0x17e: {  	[sflag:s24] =	ssyncset.done $0x0  }
0x17f: {  	[sflag:s24] =	ssyncadd.s32 $0xFFFFD800  }
0x180: {  	_ =	swait.ge [sflag:s22], $0x2800  }
0x181: {  	[sflag:s22] =	ssyncset.done $0x0  }
0x182: {  	[sflag:s22] =	ssyncadd.s32 $0xFFFFD800  }
0x183: {  	_ =	swait.ge [sflag:s24], $0x2800  }
0x184: {  	s25 =	sshll.u32 s2, $0x6;
	s4 =	sadd.s32 $0x1, s4;
	[sflag:s24] =	ssyncset.done $0x0  }
0x185: {  	s26 =	sshrl.u32 s5, $0x3;
	p0 =	sne.s32 s4, s8;
	[sflag:s24] =	ssyncadd.s32 $0xFFFFD800  }
.Ltmp2:
0x186: {  	s25 =	sor.u32 $0x1C06, s25;
	[bflag:$0x0] =	sbarrier.arrive $0xFFFF;
	(pc) =	sbr.rel @p0 .LBB2_1-.Ltmp2, $4  }
0x187: {  	[hbm:s7], [sflag:s25] =	dma.local [spmem:s26], $0x2780  }
0x188: {  	_ =	swait.ge [sflag:s10], $0x2780  }
0x189: {  	[sflag:s10] =	ssyncset.done $0x0  }
0x18a: {  	[sflag:s10] =	ssyncadd.s32 $0xFFFFD880  }
0x18b: {  	_ =	sfence.sel $0x180000  }
0x18c: {  	[bflag:$0x0] =	sbarrier.arrive $0xFFFF  }
0x18d: {  	p0 =	sne.s32 s2, $0x0;
	_ =	strace $0x9000004A  }
0x18e: {  	s0 =	sadd.s32 @!p0 $0x100000, s1;
	[bflag:$0x2] =	sbarrier.arrive $0xFFFF  }
0x18f: {  	[sflag:s0] =	ssyncadd.tile.s32 @!p0 $0x1;
	_ =	shalt  }
.Lfunc_end2:
_tile_overlayer_lowered:
.L_overlay_start_2:
0x190: {  	(tag) =	ssettag $0x2  }
0x191: {  	s0 =	rddreg [dreg:$0x0];
	s2 =	stileid.u32  }
0x192: {  	s1 =	rddreg [dreg:$0x1];
	p0 =	sne.s32 s2, $0x0  }
0x193: {  	s3 =	rddreg [dreg:$0x2];
	[bflag:$0x3] =	sbarrier.arrive $0xFFFF;
	s2 =	simm.s32 @!p0 $0x1C06  }
0x194: {  	[timem:s3], [sflag:s2] =	dma.local @!p0 [hbm:s0], s1  }
0x195: {  	s0 =	simm.s32 @!p0 $0x6  }
0x196: {  	_ =	swait.ge @!p0 [sflag:s0], s1  }
0x197: {  	s1 =	ssub.s32 @!p0 $0x0, s1;
	[sflag:s0] =	ssyncset.done @!p0 $0x0  }
0x198: {  	[sflag:s0] =	ssyncadd.s32 @!p0 s1  }
0x199: {  	[bflag:$0x3] =	sbarrier.arrive $0xFFFF  }
0x19a: {  	_ =	shalt  }

// kernel: kernel.16.cloned.1.call-start
scs
__scs_entry_jumppad:
0x0: {  	(pc) =	sbr.rel $0x88, $3  }
0x1: {  	(tag) =	ssettag $0x0;
	lr =	simm.s32 $0x1  }
0x2: {  	[smem:$0x3F8F] =	sst lr;
	_ =	strace $0xD0000000  }
0x3: {  	_ = 	snop  }
0x4: {  	_ = 	snop  }
0x5: {  	_ = 	snop  }
0x6: {  	_ = 	snop  }
0x7: {  	_ = 	snop  }
__scs_overlays_trampoline_lowered:
0x8: {  	[smem:$0x3F9E] =	sst s0  }
0x9: {  	[smem:$0x3F9F] =	sst s1  }
0xa: {  	[smem:$0x3FA0] =	sst s2  }
0xb: {  	[smem:$0x3FA1] =	sst s3  }
0xc: {  	[smem:$0x3FA2] =	sst s4  }
0xd: {  	[smem:$0x3FA3] =	sst s5  }
0xe: {  	[smem:$0x3FA4] =	sst s6  }
0xf: {  	[smem:$0x3FA5] =	sst s7  }
0x10: {  	[smem:$0x3FA6] =	sst s8  }
0x11: {  	[smem:$0x3FA7] =	sst s9;
	s0 =	simm.s32 @!p0 $0x0  }
0x12: {  	s1 =	sld [smem:$0x3F8D];
	s0 =	simm.s32 @p0 $0x1  }
0x13: {  	[smem:$0x3FA8] =	sst s0;
	s0 =	simm.s32 @!p1 $0x0  }
0x14: {  	s2 =	sld [smem:$0x3F8C];
	s0 =	simm.s32 @p1 $0x1  }
0x15: {  	[smem:$0x3FA9] =	sst s0;
	s0 =	simm.s32 @!p2 $0x0  }
0x16: {  	s3 =	sld [smem:$0x3FDB];
	s0 =	simm.s32 @p2 $0x1  }
0x17: {  	s4 =	simm.s32 $0x1BF5;
	[smem:$0x3FAB] =	sst s0  }
0x18: {  	s0 =	sld [smem:$0x3F8E];
	_ =	swait.ge [sflag:s4], $0x0  }
0x19: {  	s7 =	sld [smem:$0x3F8F]  }
0x1a: {  	s8 =	sadd.s32 $0xFFFFE003, lr  }
0x1b: {  	s9 =	sadd.s32 $0xFFFFFEF7, lr;
	s5 =	simm.s32 $0xFFFFFFFF;
	p2 =	slt.u32 s8, $0xFFFFF086  }
0x1c: {  	p1 =	slt.u32 s9, $0xF7A;
	s5 =	simm.s32 @!p2 $0x0  }
0x1d: {  	s5 =	simm.s32 @p1 $0x1;
	p0 =	seq.s32 s7, s2  }
0x1e: {  	s7 =	smul.u32 @!p0 $0xF7A, s2;
	p2 =	seq.s32 @!p0 s5, $0x0  }
0x1f: {  	s9 =	smul.u32 $0xF7A, s1;
	s8 =	simm.s32 @!p0 $0x1BF5;
	p2 =	por !p2, p0  }
0x20: {  	[sflag:s8] =	ssyncset.s32 @!p0 $0xFFFFF086;
	s6 =	sadd.s32 @!p0 s3, s7;
	s7 =	simm.s32 @!p0 $0x108  }
0x21: {  	s3 =	sadd.s32 s3, s9;
	s6 =	sadd.s32 @!p0 $0x88, s6;
	s7 =	simm.s32 @p2 $0x1082  }
0x22: {  	[simem:s7], [sflag:s8] =	dma.local @!p0 [hbm:s6], $0xF7A  }
0x23: {  	s9 =	sor.u32 $0xD0000000, s2;
	s6 =	simm.s32 $0x108;
	_ =	swait.ge @!p0 [sflag:s8], $0x0  }
0x24: {  	s3 =	sadd.s32 $0x88, s3;
	s6 =	simm.s32 @!p1 $0x1082;
	[sflag:s4] =	ssyncset.s32 $0xFFFFF086  }
0x25: {  	[simem:s6], [sflag:s4] =	dma.local [hbm:s3], $0xF7A  }
0x26: {  	[smem:$0x3F8F] =	sst s1;
	(tag) =	ssettag s2;
	_ =	strace s9  }
0x27: {  	s1 =	sld [smem:$0x3F9F]  }
0x28: {  	s2 =	sld [smem:$0x3FA0]  }
0x29: {  	s4 =	sld [smem:$0x3FA2]  }
0x2a: {  	p0 =	seq.s32 s5, $0x0;
	s5 =	sld [smem:$0x3FA3]  }
0x2b: {  	s6 =	sld [smem:$0x3FA4]  }
0x2c: {  	s7 =	sld [smem:$0x3FA5]  }
0x2d: {  	s3 =	simm.s32 $0x108;
	s8 =	sld [smem:$0x3FA6]  }
0x2e: {  	s3 =	simm.s32 @!p0 $0x1082;
	s9 =	sld [smem:$0x3FA7]  }
0x2f: {  	lr =	sadd.s32 s0, s3;
	s0 =	sld [smem:$0x3F9E]  }
0x30: {  	s3 =	sld [smem:$0x3FA1]  }
0x31: {  	[smem:$0x3FAA] =	sst s10  }
0x32: {  	s10 =	sld [smem:$0x3FA8];
	_ =	sdelay $0x3  }
0x33: {  	p0 =	seq.s32 s10, $0x1;
	s10 =	sld [smem:$0x3FAA];
	_ =	sdelay $0x3  }
0x34: {  	[smem:$0x3FAA] =	sst s10  }
0x35: {  	s10 =	sld [smem:$0x3FA9];
	_ =	sdelay $0x3  }
0x36: {  	p1 =	seq.s32 s10, $0x1;
	s10 =	sld [smem:$0x3FAA];
	_ =	sdelay $0x3  }
0x37: {  	[smem:$0x3FAA] =	sst s10  }
0x38: {  	s10 =	sld [smem:$0x3FAB]  }
0x39: {  	_ = 	snop;
	(pc) =	sbr.ind lr, $3  }
0x3a: {  	_ = 	snop  }
0x3b: {  	_ = 	snop  }
0x3c: {  	p2 =	seq.s32 s10, $0x1;
	s10 =	sld [smem:$0x3FAA]  }
0x3d: {  	_ =	shalt  }
0x3e: {  	_ =	shalt  }
0x3f: {  	_ =	shalt  }
0x40: {  	_ =	shalt  }
0x41: {  	_ =	shalt  }
0x42: {  	_ =	shalt  }
0x43: {  	_ =	shalt  }
0x44: {  	_ =	shalt  }
0x45: {  	_ =	shalt  }
0x46: {  	_ =	shalt  }
0x47: {  	_ =	shalt  }
0x48: {  	_ =	shalt  }
0x49: {  	_ =	shalt  }
0x4a: {  	_ =	shalt  }
0x4b: {  	_ =	shalt  }
0x4c: {  	_ =	shalt  }
0x4d: {  	_ =	shalt  }
0x4e: {  	_ =	shalt  }
0x4f: {  	_ =	shalt  }
0x50: {  	_ =	shalt  }
0x51: {  	_ =	shalt  }
0x52: {  	_ =	shalt  }
0x53: {  	_ =	shalt  }
0x54: {  	_ =	shalt  }
0x55: {  	_ =	shalt  }
0x56: {  	_ =	shalt  }
0x57: {  	_ =	shalt  }
0x58: {  	_ =	shalt  }
0x59: {  	_ =	shalt  }
0x5a: {  	_ =	shalt  }
0x5b: {  	_ =	shalt  }
0x5c: {  	_ =	shalt  }
0x5d: {  	_ =	shalt  }
0x5e: {  	_ =	shalt  }
0x5f: {  	_ =	shalt  }
0x60: {  	_ =	shalt  }
0x61: {  	_ =	shalt  }
0x62: {  	_ =	shalt  }
0x63: {  	_ =	shalt  }
0x64: {  	_ =	shalt  }
0x65: {  	_ =	shalt  }
0x66: {  	_ =	shalt  }
0x67: {  	_ =	shalt  }
0x68: {  	_ =	shalt  }
0x69: {  	_ =	shalt  }
0x6a: {  	_ =	shalt  }
0x6b: {  	_ =	shalt  }
0x6c: {  	_ =	shalt  }
0x6d: {  	_ =	shalt  }
0x6e: {  	_ =	shalt  }
0x6f: {  	_ =	shalt  }
0x70: {  	_ =	shalt  }
0x71: {  	_ =	shalt  }
0x72: {  	_ =	shalt  }
0x73: {  	_ =	shalt  }
0x74: {  	_ =	shalt  }
0x75: {  	_ =	shalt  }
0x76: {  	_ =	shalt  }
0x77: {  	_ =	shalt  }
0x78: {  	_ =	shalt  }
0x79: {  	_ =	shalt  }
0x7a: {  	_ =	shalt  }
0x7b: {  	_ =	shalt  }
0x7c: {  	_ =	shalt  }
0x7d: {  	_ =	shalt  }
0x7e: {  	_ =	shalt  }
0x7f: {  	_ =	shalt  }
0x80: {  	_ =	shalt  }
0x81: {  	_ =	shalt  }
0x82: {  	_ =	shalt  }
0x83: {  	_ =	shalt  }
0x84: {  	_ =	shalt  }
0x85: {  	_ =	shalt  }
0x86: {  	_ =	shalt  }
0x87: {  	_ =	shalt  }
.Lfunc_end0:
.L_simem_size_0:
called_computation.2_lowered:
.L_overlay_start_0:
0x88: {  	s2 =	sld [smem:$0x3FD9]  }
0x89: {  	s3 =	sld [smem:$0x3FFE];
	_ =	sdelay $0x1  }
0x8a: {  	s1 =	srdreg.scid  }
0x8b: {  	s0 =	sand.u32 $0x1, s1  }
0x8c: {  	s14 =	sshll.u32 s0, $0xA;
	s2 =	sadd.s32 s3, s2  }
0x8d: {  	s2 =	sadd.s32 s2, s14  }
0x8e: {  	[smem:$0x3FB6] =	sst s2  }
0x8f: {  	_ = 	snop  }
0x90: {  	s2 =	sld [smem:$0x3FD0];
	_ =	sdelay $0x2  }
0x91: {  	s15 =	simm.s32 $0xA;
	s4 =	simm.s32 $0x10  }
0x92: {  	[smem:s4], [sflag:s15] =	dma.local [hbm:s2], $0x1  }
0x93: {  	_ =	swait.eq [sflag:s15], $0x1  }
0x94: {  	[sflag:s15] =	ssyncset.done $0x0  }
0x95: {  	[sflag:s15] =	ssyncadd.s32 $0xFFFFFFFF  }
0x96: {  	s16 =	sld [smem:$0x10];
	(tm) =	ssettm $0x1  }
0x97: {  	s17 =	sld [smem:$0x3FFB];
	_ =	sdelay $0x3  }
0x98: {  	_ =	strace s17  }
0x99: {  	s3 =	sld [smem:$0x3FFC];
	_ =	sdelay $0x3  }
0x9a: {  	_ =	strace s3  }
0x9b: {  	s3 =	sld [smem:$0x3FFD];
	_ =	sdelay $0x3  }
0x9c: {  	_ =	strace s3  }
0x9d: {  	_ =	strace $0x8FFFFFFF  }
0x9e: {  	s18 =	sld [smem:$0x3FDB];
	_ =	sdelay $0x1  }
0x9f: {  	s19 =	simm.s32 $_scs_section_size  }
0xa0: {  	s5 =	simm.s32 $_size__tile_overlayer_lowered;
	s6 =	simm.s32 $_tile_overlayer_lowered  }
0xa1: {  	s22 =	simm.s32 $0x1BFF;
	s21 =	sshll.u32 s6, $0x1;
	s3 =	sadd.s32 s19, s18  }
0xa2: {  	s7 =	simm.s32 $0x0;
	s20 =	sshll.u32 s5, $0x1;
	s5 =	sadd.s32 s21, s3  }
0xa3: {  	[timem:s7], [sflag:s22] =	dma.local [hbm:s5], s20  }
0xa4: {  	_ =	swait.ge [sflag:s22], s20  }
0xa5: {  	s4 =	ssub.s32 $0x0, s20;
	[sflag:s22] =	ssyncset.done $0x0  }
0xa6: {  	[sflag:s22] =	ssyncadd.s32 s4;
	_ =	sdelay $0x1  }
0xa7: {  	s23 =	simm.s32 $0x1B8B  }
0xa8: {  	_ =	swait.ge [sflag:s23], $0x1  }
0xa9: {  	[sflag:s23] =	ssyncset.done $0x0  }
0xaa: {  	s25 =	simm.s32 $0x1B8E;
	s24 =	sld [smem:$0x3FFE];
	[sflag:s23] =	ssyncadd.s32 $0xFFFFFFFF  }
0xab: {  	s26 =	simm.s32 $execute0_lowered;
	[smem:$0x3FD2] =	sst s25  }
0xac: {  	s5 =	sshll.u32 s26, $0x1;
	_ =	strace $0x8000004C;
	[dreg:$0x1] =	wrdreg $0xFFFFFFFF  }
0xad: {  	s28 =	simm.s32 $_size_execute0_lowered;
	s3 =	sadd.s32 s3, s5;
	[dreg:$0x0] =	wrdreg $0x0  }
0xae: {  	s5 =	sshll.u32 s28, $0x1;
	[dreg:$0x2] =	wrdreg s3  }
0xaf: {  	[dreg:$0x3] =	wrdreg s5  }
0xb0: {  	[dreg:$0x4] =	wrdreg $0xC0  }
0xb1: {  	_ =	task [dreg:s7], $0x5FFFF  }
0xb2: {  	[dreg:$0x1] =	wrdreg $0xFFFFFFFF  }
0xb3: {  	[dreg:$0x0] =	wrdreg $0x60  }
0xb4: {  	[dreg:$0x2] =	wrdreg s16  }
0xb5: {  	[dreg:$0x3] =	wrdreg s24  }
0xb6: {  	[dreg:$0x4] =	wrdreg $0x0  }
0xb7: {  	[dreg:$0x5] =	wrdreg $0x9  }
0xb8: {  	_ =	task.clear_ibuf [dreg:s7], $0x6FFFF;
	_ =	strace $0x9000004C  }
0xb9: {  	s29 =	simm.s32 $0x9;
	_ =	strace $0x8000004E  }
0xba: {  	_ =	swait.ge [sflag:s29], $0x1  }
0xbb: {  	[sflag:s29] =	ssyncadd.s32 $0xFFFFFFFF  }
0xbc: {  	_ =	strace $0x9000004E  }
0xbd: {  	_ =	sfence  }
0xbe: {  	s30 =	sld [smem:$0x0];
	_ =	sdelay $0x2  }
0xbf: {  	s31 =	sshll.u32 s1, $0xD;
	s1 =	sshrl.u32 s1, $0x2  }
0xc0: {  	s3 =	sand.u32 $0x4000, s31;
	s1 =	sadd.s32 s1, s30  }
0xc1: {  	s0 =	sor.u32 s3, s0;
	s1 =	sshll.u32 s1, $0x11  }
0xc2: {  	s0 =	sor.u32 s1, s0  }
0xc3: {  	s0 =	sadd.s32 $0x8F2B, s0  }
0xc4: {  	[sflag:s0] =	ssyncadd.remote.s32 $0x1  }
0xc5: {  	_ =	sfence.sel $0xFFFF  }
0xc6: {  	[dreg:$0x0] =	wrdreg $0xFFFFFFFF;
	(pc) =	sbr.abs _section_cstart, $3  }
0xc7: {  	[dreg:$0x1] =	wrdreg $0xFFFFFFFF  }
0xc8: {  	_ =	task.clear_ibuf [dreg:s7], $0x2FFFF;
	_ =	strace $0x9FFFFFFF  }
0xc9: {  	(tm) =	ssettm $0x7FFFFFFF  }
tec
execute0_lowered:
.L_overlay_start_1:
0x0: {  	(tag) =	ssettag $0x1  }
0x1: {  	s0 =	rddreg [dreg:$0x0]  }
0x2: {  	s5 =	rddreg [dreg:$0x1];
	s1 =	srdreg.scid  }
0x3: {  	s3 =	rddreg [dreg:$0x2];
	s2 =	stileid.u32  }
0x4: {  	s4 =	simm.s32 $0x0;
	s11 =	simm.s32 $0x13C00;
	s12 =	simm.s32 $0x50  }
0x5: {  	s13 =	simm.s32 $0x17C00;
	s14 =	simm.s32 $0x18400;
	s15 =	simm.s32 $0x17C80  }
0x6: {  	s16 =	simm.s32 $0x1AC00;
	s17 =	simm.s32 $0x1;
	s18 =	simm.s32 $0x17D00  }
0x7: {  	s19 =	simm.s32 $0x1D400;
	s20 =	simm.s32 $0x2;
	s21 =	simm.s32 $0x17D80  }
0x8: {  	s22 =	simm.s32 $0x4;
	s23 =	simm.s32 $0x3;
	s24 =	simm.s32 $0x5  }
0x9: {  	s6 =	sand.u32 $0x1, s1;
	s1 =	rddreg [dreg:$0x3];
	s8 =	smul.u32 $0x13C00, s2  }
0xa: {  	[smem:$0x7FF] =	sst s4;
	s9 =	sshll.u32 s2, $0xB;
	s29 =	smul.u32 $0x4F000, s2  }
0xb: {  	s7 =	smul.u32 $0x13C000, s6;
	_ =	strace $0x8000004D;
	s30 =	ssub.s32 $0x2, s6  }
0xc: {  	s28 =	sadd.s32 s9, s5;
	s6 =	sshll.u32 s6, $0xF;
	s10 =	sshrl.u32 s30, $0x1  }
0xd: {  	s9 =	sshrl.u32 s29, $0x2;
	s6 =	sadd.s32 s6, s28;
	s7 =	sadd.s32 s8, s7  }
0xe: {  	s31 =	ssub.s32 s30, s10;
	s6 =	sadd.s32 $0xFE00, s6;
	s7 =	sshrl.u32 s7, $0x3  }
0xf: {  	s10 =	simm.s32 $0x6;
	s8 =	smax.u32 s31, $0x1;
	s7 =	sadd.s32 s7, s5  }
0x10: {  	v0 =	vimm.f32 $0.0e+00;
	s5 =	sadd.s32 s9, s3;
	s9 =	simm.s32 $0x18000;
	s7 =	sadd.s32 $0x6E200, s7  }
.LBB2_1:
0x11: {  	[tilespmem:$0x18000] =	vst v0  }
0x12: {  	[tilespmem:$0x18010] =	vst v0  }
0x13: {  	[tilespmem:$0x18020] =	vst v0  }
0x14: {  	[tilespmem:$0x18030] =	vst v0  }
0x15: {  	[tilespmem:$0x18040] =	vst v0  }
0x16: {  	[tilespmem:$0x18050] =	vst v0  }
0x17: {  	[tilespmem:$0x18060] =	vst v0  }
0x18: {  	[tilespmem:$0x18070] =	vst v0  }
0x19: {  	[tilespmem:$0x18080] =	vst v0  }
0x1a: {  	[tilespmem:$0x18090] =	vst v0  }
0x1b: {  	[tilespmem:$0x180A0] =	vst v0  }
0x1c: {  	[tilespmem:$0x180B0] =	vst v0  }
0x1d: {  	[tilespmem:$0x180C0] =	vst v0  }
0x1e: {  	[tilespmem:$0x180D0] =	vst v0  }
0x1f: {  	[tilespmem:$0x180E0] =	vst v0  }
0x20: {  	[tilespmem:$0x180F0] =	vst v0  }
0x21: {  	[tilespmem:$0x18100] =	vst v0  }
0x22: {  	[tilespmem:$0x18110] =	vst v0  }
0x23: {  	[tilespmem:$0x18120] =	vst v0  }
0x24: {  	[tilespmem:$0x18130] =	vst v0  }
0x25: {  	[tilespmem:$0x18140] =	vst v0  }
0x26: {  	[tilespmem:$0x18150] =	vst v0  }
0x27: {  	[tilespmem:$0x18160] =	vst v0  }
0x28: {  	[tilespmem:$0x18170] =	vst v0  }
0x29: {  	[tilespmem:$0x18180] =	vst v0  }
0x2a: {  	[tilespmem:$0x18190] =	vst v0  }
0x2b: {  	[tilespmem:$0x181A0] =	vst v0  }
0x2c: {  	[tilespmem:$0x181B0] =	vst v0  }
0x2d: {  	[tilespmem:$0x181C0] =	vst v0  }
0x2e: {  	[tilespmem:$0x181D0] =	vst v0  }
0x2f: {  	[tilespmem:$0x181E0] =	vst v0  }
0x30: {  	[tilespmem:$0x181F0] =	vst v0  }
0x31: {  	[tilespmem:$0x18200] =	vst v0  }
0x32: {  	[tilespmem:$0x18210] =	vst v0  }
0x33: {  	[tilespmem:$0x18220] =	vst v0  }
0x34: {  	[tilespmem:$0x18230] =	vst v0  }
0x35: {  	[tilespmem:$0x18240] =	vst v0  }
0x36: {  	[tilespmem:$0x18250] =	vst v0  }
0x37: {  	[tilespmem:$0x18260] =	vst v0  }
0x38: {  	[tilespmem:$0x18270] =	vst v0  }
0x39: {  	[tilespmem:$0x18280] =	vst v0  }
0x3a: {  	[tilespmem:$0x18290] =	vst v0  }
0x3b: {  	[tilespmem:$0x182A0] =	vst v0  }
0x3c: {  	[tilespmem:$0x182B0] =	vst v0  }
0x3d: {  	[tilespmem:$0x182C0] =	vst v0  }
0x3e: {  	[tilespmem:$0x182D0] =	vst v0  }
0x3f: {  	[tilespmem:$0x182E0] =	vst v0  }
0x40: {  	[tilespmem:$0x182F0] =	vst v0  }
0x41: {  	[tilespmem:$0x18300] =	vst v0  }
0x42: {  	[tilespmem:$0x18310] =	vst v0  }
0x43: {  	[tilespmem:$0x18320] =	vst v0  }
0x44: {  	[tilespmem:$0x18330] =	vst v0  }
0x45: {  	[tilespmem:$0x18340] =	vst v0  }
0x46: {  	[tilespmem:$0x18350] =	vst v0  }
0x47: {  	[tilespmem:$0x18360] =	vst v0  }
0x48: {  	[tilespmem:$0x18370] =	vst v0  }
0x49: {  	[tilespmem:$0x18380] =	vst v0  }
0x4a: {  	[tilespmem:$0x18390] =	vst v0  }
0x4b: {  	[tilespmem:$0x183A0] =	vst v0  }
0x4c: {  	[tilespmem:$0x183B0] =	vst v0  }
0x4d: {  	[tilespmem:$0x183C0] =	vst v0  }
0x4e: {  	[tilespmem:$0x183D0] =	vst v0  }
0x4f: {  	[tilespmem:$0x183E0] =	vst v0  }
0x50: {  	[tilespmem:$0x183F0] =	vst v0;
	s25 =	sadd.s32 $0x0, s5  }
0x51: {  	[spmem:s25] =	stream.linear.scatter [tilespmem:s9], [sflag:$0x6], $0x400, $0x38;
	[tilespmem:$0x1FC00] =	vst v63  }
0x52: {  	s25 =	simm.s32 $0x1000;
	_ =	swait.ge [sflag:s10], $0x400  }
.LBB2_2:
0x53: {  	s26 =	sshra.s32 s25, $0x2;
	[sflag:s10] =	ssyncset.done $0x0;
	p0 =	sne.s32 s25, $0x4E000  }
.Ltmp0:
0x54: {  	s26 =	sadd.s32 s26, s5;
	[sflag:s10] =	ssyncadd.s32 $0xFFFFFC00;
	(pc) =	sbr.rel @p0 .LBB2_2-.Ltmp0, $3  }
0x55: {  	[spmem:s26] =	stream.linear.scatter [tilespmem:s9], [sflag:$0x6], $0x400, $0x38;
	[tilespmem:$0x1FC00] =	vst v63  }
0x56: {  	s25 =	sadd.s32 $0x1000, s25;
	_ =	sdelay $0x1  }
0x57: {  	_ =	swait.ge [sflag:s10], $0x400  }
0x58: {  	[sflag:s10] =	ssyncset.done $0x0  }
0x59: {  	s25 =	simm.s32 $0x0;
	[sflag:s10] =	ssyncadd.s32 $0xFFFFFC00  }
0x5a: {  	[tilespmem:s11], [sflag:$0x6] =	stream.linear.gather [hbm4b:s6+s25], $0x4000, $0x38;
	[tilespmem:$0x1FC00] =	vst v63  }
0x5b: {  	_ =	swait.ge [sflag:s10], $0x4000  }
0x5c: {  	[sflag:s10] =	ssyncset.done $0x0  }
0x5d: {  	[sflag:s10] =	ssyncadd.s32 $0xFFFFC000  }
0x5e: {  	[bflag:$0x0] =	sbarrier.arrive $0xFFFF  }
0x5f: {  	v1 =	vld [tilespmem:$0x13C00]  }
0x60: {  	v2 =	vld [tilespmem:$0x13C10]  }
0x61: {  	v3 =	vld [tilespmem:$0x13C20]  }
0x62: {  	v4 =	vld [tilespmem:$0x13C30]  }
0x63: {  	v5 =	vld [tilespmem:$0x13C40]  }
0x64: {  	v1 =	vand.u32 $0xFFFF, v1  }
0x65: {  	[tilespmem:$0x17C00] =	vst v1;
	v1 =	vand.u32 $0xFFFF, v2  }
0x66: {  	[tilespmem:$0x17C10] =	vst v1;
	v1 =	vand.u32 $0xFFFF, v3  }
0x67: {  	[tilespmem:$0x17C20] =	vst v1;
	v1 =	vand.u32 $0xFFFF, v4  }
0x68: {  	[tilespmem:$0x17C30] =	vst v1;
	v1 =	vand.u32 $0xFFFF, v5  }
0x69: {  	[tilespmem:$0x17C40] =	vst v1  }
0x6a: {  	[tilespmem:s14], [sflag:$0x1] =	stream.indirect.gather [hbm4b:s0+s12], $0x80, s13, s12, $0xb8;
	[tilespmem:$0x1FC00] =	vst v63  }
0x6b: {  	v1 =	vld [tilespmem:$0x13C80]  }
0x6c: {  	v2 =	vld [tilespmem:$0x13C90]  }
0x6d: {  	v3 =	vld [tilespmem:$0x13CA0]  }
0x6e: {  	v62 =	vld [tilespmem:$0x13CB0]  }
0x6f: {  	v63 =	vld [tilespmem:$0x13CC0]  }
0x70: {  	v1 =	vand.u32 $0xFFFF, v1  }
0x71: {  	[tilespmem:$0x17C80] =	vst v1;
	v1 =	vand.u32 $0xFFFF, v2  }
0x72: {  	[tilespmem:$0x17C90] =	vst v1;
	v1 =	vand.u32 $0xFFFF, v3  }
0x73: {  	[tilespmem:$0x17CA0] =	vst v1;
	v1 =	vand.u32 $0xFFFF, v62  }
0x74: {  	[tilespmem:$0x17CB0] =	vst v1;
	v1 =	vand.u32 $0xFFFF, v63  }
0x75: {  	[tilespmem:$0x17CC0] =	vst v1  }
0x76: {  	[tilespmem:s16], [sflag:$0x2] =	stream.indirect.gather [hbm4b:s0+s12], $0x80, s15, s12, $0xb8;
	[tilespmem:$0x1FC00] =	vst v63  }
.LBB2_4:
0x77: {  	_ =	swait.ge [sflag:s17], $0x2800  }
0x78: {  	[sflag:s17] =	ssyncset.done $0x0  }
0x79: {  	s26 =	sshra.s32 s25, $0x2;
	[sflag:s17] =	ssyncadd.s32 $0xFFFFD800  }
0x7a: {  	v1 =	vld [tilespmem:s26+$0x13C00];
	_ =	sdelay $0x4  }
0x7b: {  	v1 =	vshrl.u32 v1, $0x10  }
0x7c: {  	[tilespmem:$0x17D00] =	vst v1  }
0x7d: {  	v1 =	vld [tilespmem:s26+$0x13C10];
	_ =	sdelay $0x4  }
0x7e: {  	v1 =	vshrl.u32 v1, $0x10  }
0x7f: {  	[tilespmem:$0x17D10] =	vst v1  }
0x80: {  	v1 =	vld [tilespmem:s26+$0x13C20];
	_ =	sdelay $0x4  }
0x81: {  	v1 =	vshrl.u32 v1, $0x10  }
0x82: {  	[tilespmem:$0x17D20] =	vst v1  }
0x83: {  	v1 =	vld [tilespmem:s26+$0x13C30];
	_ =	sdelay $0x4  }
0x84: {  	v1 =	vshrl.u32 v1, $0x10  }
0x85: {  	[tilespmem:$0x17D30] =	vst v1  }
0x86: {  	v1 =	vld [tilespmem:s26+$0x13C40];
	_ =	sdelay $0x4  }
0x87: {  	p0 =	seq.s32 s25, $0x0;
	v1 =	vshrl.u32 v1, $0x10  }
0x88: {  	s28 =	simm.s32 @!p0 $0x5;
	[tilespmem:$0x17D40] =	vst v1  }
0x89: {  	[spmem:s3] =	stream.indirect.scatter.add.f32 [tilespmem:s14], [sflag:$0x4], $0x80, s18, s12, $0xb8;
	[tilespmem:$0x1FC00] =	vst v63  }
0x8a: {  	_ =	swait.ge @!p0 [sflag:s28], $0x2800  }
0x8b: {  	[sflag:s28] =	ssyncset.done @!p0 $0x0  }
0x8c: {  	[sflag:s28] =	ssyncadd.s32 @!p0 $0xFFFFD800  }
0x8d: {  	v1 =	vld [tilespmem:s26+$0x13D00];
	_ =	sdelay $0x4  }
0x8e: {  	v1 =	vand.u32 $0xFFFF, v1  }
0x8f: {  	[tilespmem:$0x17C00] =	vst v1  }
0x90: {  	v1 =	vld [tilespmem:s26+$0x13D10];
	_ =	sdelay $0x4  }
0x91: {  	v1 =	vand.u32 $0xFFFF, v1  }
0x92: {  	[tilespmem:$0x17C10] =	vst v1  }
0x93: {  	v1 =	vld [tilespmem:s26+$0x13D20];
	_ =	sdelay $0x4  }
0x94: {  	v1 =	vand.u32 $0xFFFF, v1  }
0x95: {  	[tilespmem:$0x17C20] =	vst v1  }
0x96: {  	v1 =	vld [tilespmem:s26+$0x13D30];
	_ =	sdelay $0x4  }
0x97: {  	v1 =	vand.u32 $0xFFFF, v1  }
0x98: {  	[tilespmem:$0x17C30] =	vst v1  }
0x99: {  	v1 =	vld [tilespmem:s26+$0x13D40];
	_ =	sdelay $0x4  }
0x9a: {  	v1 =	vand.u32 $0xFFFF, v1  }
0x9b: {  	[tilespmem:$0x17C40] =	vst v1  }
0x9c: {  	[tilespmem:s19], [sflag:$0x3] =	stream.indirect.gather [hbm4b:s0+s12], $0x80, s13, s12, $0xb8;
	[tilespmem:$0x1FC00] =	vst v63  }
0x9d: {  	_ =	swait.ge [sflag:s20], $0x2800  }
0x9e: {  	[sflag:s20] =	ssyncset.done $0x0  }
0x9f: {  	[sflag:s20] =	ssyncadd.s32 $0xFFFFD800  }
0xa0: {  	v1 =	vld [tilespmem:s26+$0x13C80];
	_ =	sdelay $0x4  }
0xa1: {  	v1 =	vshrl.u32 v1, $0x10  }
0xa2: {  	[tilespmem:$0x17D80] =	vst v1  }
0xa3: {  	v1 =	vld [tilespmem:s26+$0x13C90];
	_ =	sdelay $0x4  }
0xa4: {  	v1 =	vshrl.u32 v1, $0x10  }
0xa5: {  	[tilespmem:$0x17D90] =	vst v1  }
0xa6: {  	v1 =	vld [tilespmem:s26+$0x13CA0];
	_ =	sdelay $0x4  }
0xa7: {  	v1 =	vshrl.u32 v1, $0x10  }
0xa8: {  	[tilespmem:$0x17DA0] =	vst v1  }
0xa9: {  	v1 =	vld [tilespmem:s26+$0x13CB0];
	_ =	sdelay $0x4  }
0xaa: {  	v1 =	vshrl.u32 v1, $0x10  }
0xab: {  	[tilespmem:$0x17DB0] =	vst v1  }
0xac: {  	v1 =	vld [tilespmem:s26+$0x13CC0];
	_ =	sdelay $0x4  }
0xad: {  	v1 =	vshrl.u32 v1, $0x10  }
0xae: {  	[tilespmem:$0x17DC0] =	vst v1  }
0xaf: {  	[spmem:s3] =	stream.indirect.scatter.add.f32 [tilespmem:s16], [sflag:$0x5], $0x80, s21, s12, $0xb8;
	[tilespmem:$0x1FC00] =	vst v63  }
0xb0: {  	_ =	swait.ge [sflag:s22], $0x2800  }
0xb1: {  	[sflag:s22] =	ssyncset.done $0x0  }
0xb2: {  	[sflag:s22] =	ssyncadd.s32 $0xFFFFD800  }
0xb3: {  	v1 =	vld [tilespmem:s26+$0x13D80];
	_ =	sdelay $0x4  }
0xb4: {  	v1 =	vand.u32 $0xFFFF, v1  }
0xb5: {  	[tilespmem:$0x17C80] =	vst v1  }
0xb6: {  	v1 =	vld [tilespmem:s26+$0x13D90];
	_ =	sdelay $0x4  }
0xb7: {  	v1 =	vand.u32 $0xFFFF, v1  }
0xb8: {  	[tilespmem:$0x17C90] =	vst v1  }
0xb9: {  	v1 =	vld [tilespmem:s26+$0x13DA0];
	_ =	sdelay $0x4  }
0xba: {  	v1 =	vand.u32 $0xFFFF, v1  }
0xbb: {  	[tilespmem:$0x17CA0] =	vst v1  }
0xbc: {  	v1 =	vld [tilespmem:s26+$0x13DB0];
	_ =	sdelay $0x4  }
0xbd: {  	v1 =	vand.u32 $0xFFFF, v1  }
0xbe: {  	[tilespmem:$0x17CB0] =	vst v1  }
0xbf: {  	v1 =	vld [tilespmem:s26+$0x13DC0];
	_ =	sdelay $0x4  }
0xc0: {  	v1 =	vand.u32 $0xFFFF, v1  }
0xc1: {  	[tilespmem:$0x17CC0] =	vst v1  }
0xc2: {  	[tilespmem:s14], [sflag:$0x1] =	stream.indirect.gather [hbm4b:s0+s12], $0x80, s15, s12, $0xb8;
	[tilespmem:$0x1FC00] =	vst v63  }
0xc3: {  	_ =	swait.ge [sflag:s23], $0x2800  }
0xc4: {  	[sflag:s23] =	ssyncset.done $0x0  }
0xc5: {  	[sflag:s23] =	ssyncadd.s32 $0xFFFFD800  }
0xc6: {  	v1 =	vld [tilespmem:s26+$0x13D00];
	_ =	sdelay $0x4  }
0xc7: {  	v1 =	vshrl.u32 v1, $0x10  }
0xc8: {  	[tilespmem:$0x17D00] =	vst v1  }
0xc9: {  	v1 =	vld [tilespmem:s26+$0x13D10];
	_ =	sdelay $0x4  }
0xca: {  	v1 =	vshrl.u32 v1, $0x10  }
0xcb: {  	[tilespmem:$0x17D10] =	vst v1  }
0xcc: {  	v1 =	vld [tilespmem:s26+$0x13D20];
	_ =	sdelay $0x4  }
0xcd: {  	v1 =	vshrl.u32 v1, $0x10  }
0xce: {  	[tilespmem:$0x17D20] =	vst v1  }
0xcf: {  	v1 =	vld [tilespmem:s26+$0x13D30];
	_ =	sdelay $0x4  }
0xd0: {  	v1 =	vshrl.u32 v1, $0x10  }
0xd1: {  	[tilespmem:$0x17D30] =	vst v1  }
0xd2: {  	v1 =	vld [tilespmem:s26+$0x13D40];
	_ =	sdelay $0x4  }
0xd3: {  	v1 =	vshrl.u32 v1, $0x10  }
0xd4: {  	[tilespmem:$0x17D40] =	vst v1  }
0xd5: {  	[spmem:s3] =	stream.indirect.scatter.add.f32 [tilespmem:s19], [sflag:$0x4], $0x80, s18, s12, $0xb8;
	[tilespmem:$0x1FC00] =	vst v63  }
0xd6: {  	_ =	swait.ge [sflag:s24], $0x2800  }
0xd7: {  	[sflag:s24] =	ssyncset.done $0x0  }
0xd8: {  	[sflag:s24] =	ssyncadd.s32 $0xFFFFD800  }
0xd9: {  	v1 =	vld [tilespmem:s26+$0x13E00];
	_ =	sdelay $0x4  }
0xda: {  	v1 =	vand.u32 $0xFFFF, v1  }
0xdb: {  	[tilespmem:$0x17C00] =	vst v1  }
0xdc: {  	v1 =	vld [tilespmem:s26+$0x13E10];
	_ =	sdelay $0x4  }
0xdd: {  	v1 =	vand.u32 $0xFFFF, v1  }
0xde: {  	[tilespmem:$0x17C10] =	vst v1  }
0xdf: {  	v1 =	vld [tilespmem:s26+$0x13E20];
	_ =	sdelay $0x4  }
0xe0: {  	v1 =	vand.u32 $0xFFFF, v1  }
0xe1: {  	[tilespmem:$0x17C20] =	vst v1  }
0xe2: {  	v1 =	vld [tilespmem:s26+$0x13E30];
	_ =	sdelay $0x4  }
0xe3: {  	v1 =	vand.u32 $0xFFFF, v1  }
0xe4: {  	[tilespmem:$0x17C30] =	vst v1  }
0xe5: {  	v1 =	vld [tilespmem:s26+$0x13E40];
	_ =	sdelay $0x4  }
0xe6: {  	v1 =	vand.u32 $0xFFFF, v1  }
0xe7: {  	[tilespmem:$0x17C40] =	vst v1  }
0xe8: {  	[tilespmem:s16], [sflag:$0x2] =	stream.indirect.gather [hbm4b:s0+s12], $0x80, s13, s12, $0xb8;
	[tilespmem:$0x1FC00] =	vst v63  }
0xe9: {  	_ =	swait.ge [sflag:s17], $0x2800  }
0xea: {  	[sflag:s17] =	ssyncset.done $0x0  }
0xeb: {  	[sflag:s17] =	ssyncadd.s32 $0xFFFFD800  }
0xec: {  	v1 =	vld [tilespmem:s26+$0x13D80];
	_ =	sdelay $0x4  }
0xed: {  	v1 =	vshrl.u32 v1, $0x10  }
0xee: {  	[tilespmem:$0x17D80] =	vst v1  }
0xef: {  	v1 =	vld [tilespmem:s26+$0x13D90];
	_ =	sdelay $0x4  }
0xf0: {  	v1 =	vshrl.u32 v1, $0x10  }
0xf1: {  	[tilespmem:$0x17D90] =	vst v1  }
0xf2: {  	v1 =	vld [tilespmem:s26+$0x13DA0];
	_ =	sdelay $0x4  }
0xf3: {  	v1 =	vshrl.u32 v1, $0x10  }
0xf4: {  	[tilespmem:$0x17DA0] =	vst v1  }
0xf5: {  	v1 =	vld [tilespmem:s26+$0x13DB0];
	_ =	sdelay $0x4  }
0xf6: {  	v1 =	vshrl.u32 v1, $0x10  }
0xf7: {  	[tilespmem:$0x17DB0] =	vst v1  }
0xf8: {  	v1 =	vld [tilespmem:s26+$0x13DC0];
	_ =	sdelay $0x4  }
0xf9: {  	v1 =	vshrl.u32 v1, $0x10  }
0xfa: {  	[tilespmem:$0x17DC0] =	vst v1  }
0xfb: {  	[spmem:s3] =	stream.indirect.scatter.add.f32 [tilespmem:s14], [sflag:$0x5], $0x80, s21, s12, $0xb8;
	[tilespmem:$0x1FC00] =	vst v63  }
0xfc: {  	_ =	swait.ge [sflag:s22], $0x2800  }
0xfd: {  	[sflag:s22] =	ssyncset.done $0x0  }
0xfe: {  	[sflag:s22] =	ssyncadd.s32 $0xFFFFD800  }
0xff: {  	v1 =	vld [tilespmem:s26+$0x13E80];
	_ =	sdelay $0x4  }
0x100: {  	v1 =	vand.u32 $0xFFFF, v1  }
0x101: {  	[tilespmem:$0x17C80] =	vst v1  }
0x102: {  	v1 =	vld [tilespmem:s26+$0x13E90];
	_ =	sdelay $0x4  }
0x103: {  	v1 =	vand.u32 $0xFFFF, v1  }
0x104: {  	[tilespmem:$0x17C90] =	vst v1  }
0x105: {  	v1 =	vld [tilespmem:s26+$0x13EA0];
	_ =	sdelay $0x4  }
0x106: {  	v1 =	vand.u32 $0xFFFF, v1  }
0x107: {  	[tilespmem:$0x17CA0] =	vst v1  }
0x108: {  	v1 =	vld [tilespmem:s26+$0x13EB0];
	_ =	sdelay $0x4  }
0x109: {  	v1 =	vand.u32 $0xFFFF, v1  }
0x10a: {  	[tilespmem:$0x17CB0] =	vst v1  }
0x10b: {  	v1 =	vld [tilespmem:s26+$0x13EC0];
	_ =	sdelay $0x4  }
0x10c: {  	v1 =	vand.u32 $0xFFFF, v1  }
0x10d: {  	[tilespmem:$0x17CC0] =	vst v1  }
0x10e: {  	[tilespmem:s19], [sflag:$0x3] =	stream.indirect.gather [hbm4b:s0+s12], $0x80, s15, s12, $0xb8;
	[tilespmem:$0x1FC00] =	vst v63  }
0x10f: {  	_ =	swait.ge [sflag:s20], $0x2800  }
0x110: {  	[sflag:s20] =	ssyncset.done $0x0  }
0x111: {  	[sflag:s20] =	ssyncadd.s32 $0xFFFFD800  }
0x112: {  	v1 =	vld [tilespmem:s26+$0x13E00];
	_ =	sdelay $0x4  }
0x113: {  	v1 =	vshrl.u32 v1, $0x10  }
0x114: {  	[tilespmem:$0x17D00] =	vst v1  }
0x115: {  	v1 =	vld [tilespmem:s26+$0x13E10];
	_ =	sdelay $0x4  }
0x116: {  	v1 =	vshrl.u32 v1, $0x10  }
0x117: {  	[tilespmem:$0x17D10] =	vst v1  }
0x118: {  	v1 =	vld [tilespmem:s26+$0x13E20];
	_ =	sdelay $0x4  }
0x119: {  	v1 =	vshrl.u32 v1, $0x10  }
0x11a: {  	[tilespmem:$0x17D20] =	vst v1  }
0x11b: {  	v1 =	vld [tilespmem:s26+$0x13E30];
	_ =	sdelay $0x4  }
0x11c: {  	v1 =	vshrl.u32 v1, $0x10  }
0x11d: {  	[tilespmem:$0x17D30] =	vst v1  }
0x11e: {  	v1 =	vld [tilespmem:s26+$0x13E40];
	_ =	sdelay $0x4  }
0x11f: {  	v1 =	vshrl.u32 v1, $0x10  }
0x120: {  	[tilespmem:$0x17D40] =	vst v1  }
0x121: {  	[spmem:s3] =	stream.indirect.scatter.add.f32 [tilespmem:s16], [sflag:$0x4], $0x80, s18, s12, $0xb8;
	[tilespmem:$0x1FC00] =	vst v63  }
0x122: {  	_ =	swait.ge [sflag:s24], $0x2800  }
0x123: {  	[sflag:s24] =	ssyncset.done $0x0  }
0x124: {  	[sflag:s24] =	ssyncadd.s32 $0xFFFFD800  }
0x125: {  	v1 =	vld [tilespmem:s26+$0x13F00];
	_ =	sdelay $0x4  }
0x126: {  	v1 =	vand.u32 $0xFFFF, v1  }
0x127: {  	[tilespmem:$0x17C00] =	vst v1  }
0x128: {  	v1 =	vld [tilespmem:s26+$0x13F10];
	_ =	sdelay $0x4  }
0x129: {  	v1 =	vand.u32 $0xFFFF, v1  }
0x12a: {  	[tilespmem:$0x17C10] =	vst v1  }
0x12b: {  	v1 =	vld [tilespmem:s26+$0x13F20];
	_ =	sdelay $0x4  }
0x12c: {  	v1 =	vand.u32 $0xFFFF, v1  }
0x12d: {  	[tilespmem:$0x17C20] =	vst v1  }
0x12e: {  	v1 =	vld [tilespmem:s26+$0x13F30];
	_ =	sdelay $0x4  }
0x12f: {  	v1 =	vand.u32 $0xFFFF, v1  }
0x130: {  	[tilespmem:$0x17C30] =	vst v1  }
0x131: {  	v1 =	vld [tilespmem:s26+$0x13F40];
	_ =	sdelay $0x4  }
0x132: {  	v1 =	vand.u32 $0xFFFF, v1  }
0x133: {  	[tilespmem:$0x17C40] =	vst v1  }
0x134: {  	[tilespmem:s14], [sflag:$0x1] =	stream.indirect.gather [hbm4b:s0+s12], $0x80, s13, s12, $0xb8;
	[tilespmem:$0x1FC00] =	vst v63  }
0x135: {  	_ =	swait.ge [sflag:s23], $0x2800  }
0x136: {  	[sflag:s23] =	ssyncset.done $0x0  }
0x137: {  	[sflag:s23] =	ssyncadd.s32 $0xFFFFD800  }
0x138: {  	v1 =	vld [tilespmem:s26+$0x13E80];
	_ =	sdelay $0x4  }
0x139: {  	v1 =	vshrl.u32 v1, $0x10  }
0x13a: {  	[tilespmem:$0x17D80] =	vst v1  }
0x13b: {  	v1 =	vld [tilespmem:s26+$0x13E90];
	_ =	sdelay $0x4  }
0x13c: {  	v1 =	vshrl.u32 v1, $0x10  }
0x13d: {  	[tilespmem:$0x17D90] =	vst v1  }
0x13e: {  	v1 =	vld [tilespmem:s26+$0x13EA0];
	_ =	sdelay $0x4  }
0x13f: {  	v1 =	vshrl.u32 v1, $0x10  }
0x140: {  	[tilespmem:$0x17DA0] =	vst v1  }
0x141: {  	v1 =	vld [tilespmem:s26+$0x13EB0];
	_ =	sdelay $0x4  }
0x142: {  	v1 =	vshrl.u32 v1, $0x10  }
0x143: {  	[tilespmem:$0x17DB0] =	vst v1  }
0x144: {  	v1 =	vld [tilespmem:s26+$0x13EC0];
	_ =	sdelay $0x4  }
0x145: {  	v1 =	vshrl.u32 v1, $0x10  }
0x146: {  	[tilespmem:$0x17DC0] =	vst v1  }
0x147: {  	[spmem:s3] =	stream.indirect.scatter.add.f32 [tilespmem:s19], [sflag:$0x5], $0x80, s21, s12, $0xb8;
	[tilespmem:$0x1FC00] =	vst v63  }
0x148: {  	_ =	swait.ge [sflag:s22], $0x2800  }
0x149: {  	[sflag:s22] =	ssyncset.done $0x0  }
0x14a: {  	[sflag:s22] =	ssyncadd.s32 $0xFFFFD800  }
0x14b: {  	v1 =	vld [tilespmem:s26+$0x13F80];
	_ =	sdelay $0x4  }
0x14c: {  	v1 =	vand.u32 $0xFFFF, v1  }
0x14d: {  	[tilespmem:$0x17C80] =	vst v1  }
0x14e: {  	v1 =	vld [tilespmem:s26+$0x13F90];
	_ =	sdelay $0x4  }
0x14f: {  	v1 =	vand.u32 $0xFFFF, v1  }
0x150: {  	[tilespmem:$0x17C90] =	vst v1  }
0x151: {  	v1 =	vld [tilespmem:s26+$0x13FA0];
	_ =	sdelay $0x4  }
0x152: {  	v1 =	vand.u32 $0xFFFF, v1  }
0x153: {  	[tilespmem:$0x17CA0] =	vst v1  }
0x154: {  	v1 =	vld [tilespmem:s26+$0x13FB0];
	_ =	sdelay $0x4  }
0x155: {  	v1 =	vand.u32 $0xFFFF, v1  }
0x156: {  	[tilespmem:$0x17CB0] =	vst v1  }
0x157: {  	v1 =	vld [tilespmem:s26+$0x13FC0]  }
0x158: {  	s25 =	sadd.s32 $0xC00, s25  }
0x159: {  	p0 =	sne.s32 s25, $0xFC00  }
.Ltmp1:
0x15a: {  	_ = 	snop;
	(pc) =	sbr.rel @p0 .LBB2_4-.Ltmp1, $4  }
0x15b: {  	_ = 	snop  }
0x15c: {  	v1 =	vand.u32 $0xFFFF, v1  }
0x15d: {  	[tilespmem:$0x17CC0] =	vst v1  }
0x15e: {  	[tilespmem:s16], [sflag:$0x2] =	stream.indirect.gather [hbm4b:s0+s12], $0x80, s15, s12, $0xb8;
	[tilespmem:$0x1FC00] =	vst v63  }
0x15f: {  	_ =	swait.ge [sflag:s17], $0x2800  }
0x160: {  	[sflag:s17] =	ssyncset.done $0x0  }
0x161: {  	[sflag:s17] =	ssyncadd.s32 $0xFFFFD800  }
0x162: {  	v1 =	vld [tilespmem:$0x17B00]  }
0x163: {  	v2 =	vld [tilespmem:$0x17B10]  }
0x164: {  	v3 =	vld [tilespmem:$0x17B20]  }
0x165: {  	v4 =	vld [tilespmem:$0x17B30]  }
0x166: {  	v5 =	vld [tilespmem:$0x17B40]  }
0x167: {  	v1 =	vshrl.u32 v1, $0x10  }
0x168: {  	[tilespmem:$0x17D00] =	vst v1;
	v1 =	vshrl.u32 v2, $0x10  }
0x169: {  	[tilespmem:$0x17D10] =	vst v1;
	v1 =	vshrl.u32 v3, $0x10  }
0x16a: {  	[tilespmem:$0x17D20] =	vst v1;
	v1 =	vshrl.u32 v4, $0x10  }
0x16b: {  	[tilespmem:$0x17D30] =	vst v1;
	v1 =	vshrl.u32 v5, $0x10  }
0x16c: {  	[tilespmem:$0x17D40] =	vst v1  }
0x16d: {  	[spmem:s3] =	stream.indirect.scatter.add.f32 [tilespmem:s14], [sflag:$0x4], $0x80, s18, s12, $0xb8;
	[tilespmem:$0x1FC00] =	vst v63  }
0x16e: {  	_ =	swait.ge [sflag:s20], $0x2800  }
0x16f: {  	[sflag:s20] =	ssyncset.done $0x0  }
0x170: {  	[sflag:s20] =	ssyncadd.s32 $0xFFFFD800  }
0x171: {  	v1 =	vld [tilespmem:$0x17B80]  }
0x172: {  	v2 =	vld [tilespmem:$0x17B90]  }
0x173: {  	v3 =	vld [tilespmem:$0x17BA0]  }
0x174: {  	v62 =	vld [tilespmem:$0x17BB0]  }
0x175: {  	v63 =	vld [tilespmem:$0x17BC0]  }
0x176: {  	v1 =	vshrl.u32 v1, $0x10  }
0x177: {  	[tilespmem:$0x17D80] =	vst v1;
	v1 =	vshrl.u32 v2, $0x10  }
0x178: {  	[tilespmem:$0x17D90] =	vst v1;
	v1 =	vshrl.u32 v3, $0x10  }
0x179: {  	[tilespmem:$0x17DA0] =	vst v1;
	v1 =	vshrl.u32 v62, $0x10  }
0x17a: {  	[tilespmem:$0x17DB0] =	vst v1;
	v1 =	vshrl.u32 v63, $0x10  }
0x17b: {  	[tilespmem:$0x17DC0] =	vst v1  }
0x17c: {  	[spmem:s3] =	stream.indirect.scatter.add.f32 [tilespmem:s16], [sflag:$0x5], $0x80, s21, s12, $0xb8;
	[tilespmem:$0x1FC00] =	vst v63  }
0x17d: {  	_ =	swait.ge [sflag:s24], $0x2800  }
0x17e: {  	[sflag:s24] =	ssyncset.done $0x0  }
0x17f: {  	[sflag:s24] =	ssyncadd.s32 $0xFFFFD800  }
0x180: {  	_ =	swait.ge [sflag:s22], $0x2800  }
0x181: {  	[sflag:s22] =	ssyncset.done $0x0  }
0x182: {  	[sflag:s22] =	ssyncadd.s32 $0xFFFFD800  }
0x183: {  	_ =	swait.ge [sflag:s24], $0x2800  }
0x184: {  	s25 =	sshll.u32 s2, $0x6;
	s4 =	sadd.s32 $0x1, s4;
	[sflag:s24] =	ssyncset.done $0x0  }
0x185: {  	s26 =	sshrl.u32 s5, $0x3;
	p0 =	sne.s32 s4, s8;
	[sflag:s24] =	ssyncadd.s32 $0xFFFFD800  }
.Ltmp2:
0x186: {  	s25 =	sor.u32 $0x1C06, s25;
	[bflag:$0x0] =	sbarrier.arrive $0xFFFF;
	(pc) =	sbr.rel @p0 .LBB2_1-.Ltmp2, $4  }
0x187: {  	[hbm:s7], [sflag:s25] =	dma.local [spmem:s26], $0x2780  }
0x188: {  	_ =	swait.ge [sflag:s10], $0x2780  }
0x189: {  	[sflag:s10] =	ssyncset.done $0x0  }
0x18a: {  	[sflag:s10] =	ssyncadd.s32 $0xFFFFD880  }
0x18b: {  	_ =	sfence.sel $0x180000  }
0x18c: {  	[bflag:$0x0] =	sbarrier.arrive $0xFFFF  }
0x18d: {  	p0 =	sne.s32 s2, $0x0;
	_ =	strace $0x9000004D  }
0x18e: {  	s0 =	sadd.s32 @!p0 $0x100000, s1;
	[bflag:$0x2] =	sbarrier.arrive $0xFFFF  }
0x18f: {  	[sflag:s0] =	ssyncadd.tile.s32 @!p0 $0x1;
	_ =	shalt  }
.Lfunc_end2:
_tile_overlayer_lowered:
.L_overlay_start_2:
0x190: {  	(tag) =	ssettag $0x2  }
0x191: {  	s0 =	rddreg [dreg:$0x0];
	s2 =	stileid.u32  }
0x192: {  	s1 =	rddreg [dreg:$0x1];
	p0 =	sne.s32 s2, $0x0  }
0x193: {  	s3 =	rddreg [dreg:$0x2];
	[bflag:$0x3] =	sbarrier.arrive $0xFFFF;
	s2 =	simm.s32 @!p0 $0x1C06  }
0x194: {  	[timem:s3], [sflag:s2] =	dma.local @!p0 [hbm:s0], s1  }
0x195: {  	s0 =	simm.s32 @!p0 $0x6  }
0x196: {  	_ =	swait.ge @!p0 [sflag:s0], s1  }
0x197: {  	s1 =	ssub.s32 @!p0 $0x0, s1;
	[sflag:s0] =	ssyncset.done @!p0 $0x0  }
0x198: {  	[sflag:s0] =	ssyncadd.s32 @!p0 s1  }
0x199: {  	[bflag:$0x3] =	sbarrier.arrive $0xFFFF  }
0x19a: {  	_ =	shalt  }

</sc_bundles>
